<compile_context>
chip_gen: v7x
topology: tpu7x:2x2x1
jax: 0.10.2.dev20260603
libtpu: 0.0.44.dev20260713+nightly
codegen_flags: <defaults>
</compile_context>

<pallas_src>
import functools

import numpy as np
import jax
import jax.numpy as jnp
from jax import lax
from jax.experimental import pallas as pl
from jax.experimental.pallas import tpu as pltpu
from jax.experimental.pallas import tpu_sc as plsc

NUM_EXPERTS = 8
INPUT_DIM = 768
HIDDEN_DIM = 768
NUM_TOKENS = 32768
HALF_K = INPUT_DIM // 2

RB = 1024
NB = NUM_TOKENS // RB
BT = 1024
NBLK = NUM_TOKENS // BT + NUM_EXPERTS
PAD_N = NBLK * BT



def _wcomb_kernel(ws_ref, we_ref, bs_ref, be_ref, wc_ref, bc_ref):
    comb = ws_ref[...] + we_ref[0]
    wc_ref[0, 0] = comb[:HALF_K, :].astype(jnp.bfloat16)
    wc_ref[0, 1] = comb[HALF_K:, :].astype(jnp.bfloat16)
    bc_ref[0] = bs_ref[...] + be_ref[0]


def _combine_weights(W_shared, b_shared, W_experts, b_experts):
    return pl.pallas_call(
        _wcomb_kernel,
        grid=(NUM_EXPERTS,),
        in_specs=[
            pl.BlockSpec((INPUT_DIM, HIDDEN_DIM), lambda i: (0, 0)),
            pl.BlockSpec((1, INPUT_DIM, HIDDEN_DIM), lambda i: (i, 0, 0)),
            pl.BlockSpec((1, HIDDEN_DIM), lambda i: (0, 0)),
            pl.BlockSpec((1, 1, HIDDEN_DIM), lambda i: (i, 0, 0)),
        ],
        out_specs=[
            pl.BlockSpec((1, 2, HALF_K, HIDDEN_DIM), lambda i: (i, 0, 0, 0)),
            pl.BlockSpec((1, 1, HIDDEN_DIM), lambda i: (i, 0, 0)),
        ],
        out_shape=[
            jax.ShapeDtypeStruct((NUM_EXPERTS, 2, HALF_K, HIDDEN_DIM),
                                 jnp.bfloat16),
            jax.ShapeDtypeStruct((NUM_EXPERTS, 1, HIDDEN_DIM), jnp.float32),
        ],
    )(W_shared, W_experts, b_shared.reshape(1, -1),
      b_experts.reshape(NUM_EXPERTS, 1, HIDDEN_DIM))


def _router_kernel(x_ref, wr_ref, br_ref, tril_ref, e_ref, cnt_ref, loc_ref,
                   xb_ref):
    x = x_ref[...]
    u_lo = lax.bitcast_convert_type(x[:, :HALF_K], jnp.uint32)
    u_hi = lax.bitcast_convert_type(x[:, HALF_K:], jnp.uint32)
    rnd = lambda u: u + jnp.uint32(0x8000)
    packed = (rnd(u_hi) & jnp.uint32(0xFFFF0000)) | (rnd(u_lo) >> 16)
    xb_ref[...] = lax.bitcast_convert_type(packed, jnp.int32)
    logits = jnp.dot(x, wr_ref[...], preferred_element_type=jnp.float32)
    logits = logits + br_ref[...]
    e = jnp.argmax(logits, axis=-1).astype(jnp.int32)
    e2 = e[:, None]
    e_ref[0] = e2
    oh = (e2 == lax.broadcasted_iota(jnp.int32, (RB, NUM_EXPERTS), 1))
    ohf = oh.astype(jnp.float32)
    cnt_ref[0] = ohf.sum(axis=0, keepdims=True).astype(jnp.int32)
    excl = jnp.dot(tril_ref[...], ohf,
                   preferred_element_type=jnp.float32)
    loc = (excl * ohf).sum(axis=1)
    loc_ref[0] = loc.astype(jnp.int32)[:, None]


def _route(x, W_router, b_router):
    tril = jnp.asarray(np.tril(np.ones((RB, RB), np.float32), -1))
    return pl.pallas_call(
        _router_kernel,
        grid=(NB,),
        in_specs=[
            pl.BlockSpec((RB, INPUT_DIM), lambda j: (j, 0)),
            pl.BlockSpec((INPUT_DIM, NUM_EXPERTS), lambda j: (0, 0)),
            pl.BlockSpec((1, NUM_EXPERTS), lambda j: (0, 0)),
            pl.BlockSpec((RB, RB), lambda j: (0, 0)),
        ],
        out_specs=[
            pl.BlockSpec((1, RB, 1), lambda j: (j, 0, 0)),
            pl.BlockSpec((1, 1, NUM_EXPERTS), lambda j: (j, 0, 0)),
            pl.BlockSpec((1, RB, 1), lambda j: (j, 0, 0)),
            pl.BlockSpec((RB, HALF_K), lambda j: (j, 0)),
        ],
        out_shape=[
            jax.ShapeDtypeStruct((NB, RB, 1), jnp.int32),
            jax.ShapeDtypeStruct((NB, 1, NUM_EXPERTS), jnp.int32),
            jax.ShapeDtypeStruct((NB, RB, 1), jnp.int32),
            jax.ShapeDtypeStruct((NUM_TOKENS, HALF_K), jnp.int32),
        ],
    )(x, W_router, b_router.reshape(1, -1), tril)


PB = 4
PR = NB // PB


def _pos_kernel(e_ref, cnt_ref, loc_ref, pos_ref, g_ref):
    j = pl.program_id(0)
    c = cnt_ref[:, 0, :]
    totals = c.sum(axis=0)
    padded = ((totals + BT - 1) // BT) * BT
    em = lax.broadcasted_iota(jnp.int32, (NUM_EXPERTS, NUM_EXPERTS), 1)
    en = lax.broadcasted_iota(jnp.int32, (NUM_EXPERTS, NUM_EXPERTS), 0)
    start = jnp.where(em < en, padded[None, :], 0).sum(axis=1)

    biota = lax.broadcasted_iota(jnp.int32, (NB, NUM_EXPERTS), 0)
    bases = []
    for k in range(PR):
        blk = j * PR + k
        rank_base = jnp.where(biota < blk, c, 0).sum(axis=0)
        bases.append(jnp.broadcast_to((start + rank_base)[None, :],
                                      (RB, NUM_EXPERTS)))
    base = jnp.concatenate(bases, axis=0)

    e2 = e_ref[0]
    oh = (e2 == lax.broadcasted_iota(jnp.int32,
                                     (PR * RB, NUM_EXPERTS), 1))
    pos = jnp.where(oh, base, 0).sum(axis=1) + loc_ref[0, :, 0]
    pos_ref[0] = pos[:, None]

    bvec = lax.broadcasted_iota(jnp.int32, (NBLK, NUM_EXPERTS), 0) * BT
    g = (start[None, :] <= bvec).astype(jnp.int32).sum(axis=1) - 1
    g_ref[...] = g[None, :]


def _positions(e, counts, local):
    e4 = e.reshape(PB, PR * RB, 1)
    loc4 = local.reshape(PB, PR * RB, 1)
    return pl.pallas_call(
        _pos_kernel,
        grid=(PB,),
        in_specs=[
            pl.BlockSpec((1, PR * RB, 1), lambda j: (j, 0, 0)),
            pl.BlockSpec((NB, 1, NUM_EXPERTS), lambda j: (0, 0, 0)),
            pl.BlockSpec((1, PR * RB, 1), lambda j: (j, 0, 0)),
        ],
        out_specs=[
            pl.BlockSpec((1, PR * RB, 1), lambda j: (j, 0, 0)),
            pl.BlockSpec((1, NBLK), lambda j: (0, 0)),
        ],
        out_shape=[
            jax.ShapeDtypeStruct((PB, PR * RB, 1), jnp.int32),
            jax.ShapeDtypeStruct((1, NBLK), jnp.int32),
        ],
    )(e4, counts, loc4)


def _sc_worker_id():
    info = plsc.get_sparse_core_info()
    return (lax.axis_index("s") * info.num_cores + lax.axis_index("c"),
            info.num_cores * info.num_subcores)


_SCAT_CHUNK = 128
_GATH_CHUNK = 64


def _scatter_rows(x, pos, out_rows):
    n, dim = x.shape
    nchunk_total = n // _SCAT_CHUNK
    pos2d = pos.reshape(nchunk_total, _SCAT_CHUNK)
    mesh = plsc.VectorSubcoreMesh(core_axis_name="c", subcore_axis_name="s")

    @functools.partial(
        pl.kernel, mesh=mesh,
        out_type=jax.ShapeDtypeStruct((out_rows, dim), x.dtype),
        scratch_types=[
            pltpu.VMEM((nchunk_total // 32, _SCAT_CHUNK), jnp.int32),
            pltpu.VMEM((_SCAT_CHUNK, dim), x.dtype),
            pltpu.VMEM((_SCAT_CHUNK, dim), x.dtype),
            pltpu.SemaphoreType.DMA,
        ],
    )
    def k(x_hbm, pos_hbm, out_hbm, idx_v, rows0, rows1, sem):
        wid, nw = _sc_worker_id()
        nchunks = nchunk_total // nw
        crow = wid * nchunks
        pltpu.sync_copy(pos_hbm.at[pl.ds(crow, nchunks)], idx_v)
        bufs = (rows0, rows1)
        pltpu.sync_copy(x_hbm.at[pl.ds(crow * _SCAT_CHUNK, _SCAT_CHUNK)],
                        rows0)
        for it in range(nchunks):
            h = pltpu.async_copy(bufs[it % 2], out_hbm.at[idx_v.at[it]], sem)
            if it + 1 < nchunks:
                nxt = (crow + it + 1) * _SCAT_CHUNK
                pltpu.sync_copy(x_hbm.at[pl.ds(nxt, _SCAT_CHUNK)],
                                bufs[(it + 1) % 2])
            h.wait()

    return k(x, pos2d)


def _gather_rows(ys, pos, n):
    dim = ys.shape[1]
    nchunk_total = n // _GATH_CHUNK
    pos2d = pos.reshape(nchunk_total, _GATH_CHUNK)
    mesh = plsc.VectorSubcoreMesh(core_axis_name="c", subcore_axis_name="s")

    @functools.partial(
        pl.kernel, mesh=mesh,
        out_type=jax.ShapeDtypeStruct((n, dim), ys.dtype),
        scratch_types=[
            pltpu.VMEM((nchunk_total // 32, _GATH_CHUNK), jnp.int32),
            pltpu.VMEM((_GATH_CHUNK, dim), ys.dtype),
            pltpu.VMEM((_GATH_CHUNK, dim), ys.dtype),
            pltpu.SemaphoreType.DMA,
        ],
    )
    def k(ys_hbm, pos_hbm, out_hbm, idx_v, rows0, rows1, sem):
        wid, nw = _sc_worker_id()
        nchunks = nchunk_total // nw
        crow = wid * nchunks
        pltpu.sync_copy(pos_hbm.at[pl.ds(crow, nchunks)], idx_v)
        bufs = (rows0, rows1)
        h = pltpu.async_copy(ys_hbm.at[idx_v.at[0]], rows0, sem)
        for it in range(nchunks):
            h.wait()
            if it + 1 < nchunks:
                h = pltpu.async_copy(ys_hbm.at[idx_v.at[it + 1]],
                                     bufs[(it + 1) % 2], sem)
            out_base = (crow + it) * _GATH_CHUNK
            pltpu.sync_copy(bufs[it % 2],
                            out_hbm.at[pl.ds(out_base, _GATH_CHUNK)])

    return k(ys, pos2d)


def _mm_kernel(g_ref, xs_ref, wc_ref, bc_ref, ys_ref):
    v = lax.bitcast_convert_type(xs_ref[...], jnp.uint32)
    xlo = lax.bitcast_convert_type(v << 16, jnp.float32).astype(jnp.bfloat16)
    xhi = lax.bitcast_convert_type(v & jnp.uint32(0xFFFF0000),
                                   jnp.float32).astype(jnp.bfloat16)
    acc = jnp.dot(xlo, wc_ref[0, 0], preferred_element_type=jnp.float32)
    acc += jnp.dot(xhi, wc_ref[0, 1], preferred_element_type=jnp.float32)
    ys_ref[...] = acc + bc_ref[0]


def _grouped_matmul(xs, g, W_comb, b_comb):
    grid_spec = pltpu.PrefetchScalarGridSpec(
        num_scalar_prefetch=1,
        grid=(NBLK,),
        in_specs=[
            pl.BlockSpec((BT, HALF_K), lambda b, g: (b, 0)),
            pl.BlockSpec((1, 2, HALF_K, HIDDEN_DIM),
                         lambda b, g: (g[b], 0, 0, 0)),
            pl.BlockSpec((1, 1, HIDDEN_DIM), lambda b, g: (g[b], 0, 0)),
        ],
        out_specs=pl.BlockSpec((BT, HIDDEN_DIM), lambda b, g: (b, 0)),
    )
    return pl.pallas_call(
        _mm_kernel,
        grid_spec=grid_spec,
        out_shape=jax.ShapeDtypeStruct((PAD_N, HIDDEN_DIM), jnp.float32),
    )(g, xs, W_comb, b_comb)


def kernel(x, W_shared, b_shared, W_experts, b_experts, W_router, b_router):
    W_comb, b_comb = _combine_weights(W_shared, b_shared, W_experts,
                                      b_experts)
    e, counts, local, xb = _route(x, W_router, b_router)
    pos3, g2 = _positions(e, counts, local)
    pos = pos3.reshape(NUM_TOKENS)
    g = g2.reshape(NBLK)
    xs = _scatter_rows(xb, pos, PAD_N)
    ys = _grouped_matmul(xs, g, W_comb, b_comb)
    out = _gather_rows(ys, pos, NUM_TOKENS)
    return out

# --- scband reference (transcript-rebuilt; emitter-appended) ---
"""Pipeline reference for scband-mo-e-40269613367776 (READ-ONLY COPY).

The authoritative reference and input builder live on the scoring server;
editing this copy changes nothing except your own understanding.
"""

import jax, jax.numpy as jnp
import numpy as np

NUM_EXPERTS = 8
INPUT_DIM = 768
HIDDEN_DIM = 768
NUM_TOKENS = 32768


def setup_inputs(seed: int = 0) -> dict:
    key = jax.random.key(seed)
    ks = jax.random.split(key, 8)
    x = jax.random.normal(ks[0], (NUM_TOKENS, INPUT_DIM), dtype=jnp.float32)
    s = 1.0 / np.sqrt(INPUT_DIM)
    W_shared = jax.random.uniform(ks[1], (INPUT_DIM, HIDDEN_DIM), dtype=jnp.float32, minval=-s, maxval=s)
    b_shared = jax.random.uniform(ks[2], (HIDDEN_DIM,), dtype=jnp.float32, minval=-s, maxval=s)
    W_experts = jax.random.uniform(ks[3], (NUM_EXPERTS, INPUT_DIM, HIDDEN_DIM), dtype=jnp.float32, minval=-s, maxval=s)
    b_experts = jax.random.uniform(ks[4], (NUM_EXPERTS, HIDDEN_DIM), dtype=jnp.float32, minval=-s, maxval=s)
    W_router = jax.random.uniform(ks[5], (INPUT_DIM, NUM_EXPERTS), dtype=jnp.float32, minval=-s, maxval=s)
    b_router = jax.random.uniform(ks[6], (NUM_EXPERTS,), dtype=jnp.float32, minval=-s, maxval=s)
    return {"x": x, "W_shared": W_shared, "b_shared": b_shared,
            "W_experts": W_experts, "b_experts": b_experts,
            "W_router": W_router, "b_router": b_router}


def reference(x, W_shared, b_shared, W_experts, b_experts, W_router, b_router):
    shared_output = x @ W_shared + b_shared
    router_logits = x @ W_router + b_router
    expert_scores = jax.nn.softmax(router_logits, axis=-1)
    token_expert_map = jnp.argmax(expert_scores, axis=-1)
    routed_outputs = jnp.zeros_like(shared_output)
    for i in range(NUM_EXPERTS):
        mask = (token_expert_map == i).astype(jnp.float32)[:, None]
        expert_out = x @ W_experts[i] + b_experts[i]
        routed_outputs = routed_outputs + mask * expert_out
    output = shared_output + routed_outputs
    return output

if __name__ == "__main__":
    import jax
    _d = setup_inputs()
    print(jax.jit(kernel)(*tuple(_d.values())))

</pallas_src>

<mosaic_0001>
#map = affine_map<(d0, d1) -> (0, 0)>
module attributes {stable_mosaic.version = 14 : i64} {
  func.func @k(%arg0: i32, %arg1: i32, %arg2: memref<32768x384xi32, #tpu.memory_space<hbm>>, %arg3: memref<256x128xi32, #tpu.memory_space<hbm>>, %arg4: memref<40960x384xi32, #tpu.memory_space<hbm>>, %arg5: memref<8x128xi32, #tpu.memory_space<vmem>>, %arg6: memref<128x384xi32, #tpu.memory_space<vmem>>, %arg7: memref<128x384xi32, #tpu.memory_space<vmem>>, %arg8: memref<!tpu.dma_semaphore, #tpu.memory_space<semaphore_mem>>) attributes {dimension_semantics = [#tpu.dimension_semantics<core_parallel>, #tpu.dimension_semantics<subcore_parallel>], iteration_bounds = array<i64: 2, 16>, scalar_prefetch = 0 : i64, scratch_operands = 4 : i64, tpu.core_type = #tpu.core_type<sc_vector_subcore>, window_params = [{transform_indices = #map}, {transform_indices = #map}, {transform_indices = #map}]} {
    %mul3A = arith.constant 2 : i32
    %mul3A_0 = arith.muli %arg1, %mul3A : i32
    %add3A = arith.addi %mul3A_0, %arg0 : i32
    %mul3A_1 = arith.constant 8 : i32
    %mul3A_2 = arith.muli %add3A, %mul3A_1 : i32
    "tpu.region"() ({
      %run_scoped3A = tpu.sem_alloc : memref<!tpu.dma_semaphore, #tpu.memory_space<semaphore_mem>>
      %dma_start3A_157 = arith.constant 0 : i32
      %dma_start3A_158 = tpu.memref_slice %arg3[%mul3A_2, %dma_start3A_157] : memref<256x128xi32, #tpu.memory_space<hbm>> -> memref<8x128xi32, #tpu.memory_space<hbm>>
      %dma_start3A_159 = arith.constant 0 : i32
      %dma_start3A_160 = tpu.memref_slice %arg3[%mul3A_2, %dma_start3A_159] : memref<256x128xi32, #tpu.memory_space<hbm>> -> memref<8x128xi32, #tpu.memory_space<hbm>>
      tpu.enqueue_dma source(%dma_start3A_160 : memref<8x128xi32, #tpu.memory_space<hbm>>) target(%arg5 : memref<8x128xi32, #tpu.memory_space<vmem>>) target_semaphore(%run_scoped3A : memref<!tpu.dma_semaphore, #tpu.memory_space<semaphore_mem>>)
      %dma_wait3A_161 = arith.constant 0 : i32
      %dma_wait3A_162 = tpu.memref_slice %arg3[%mul3A_2, %dma_wait3A_161] : memref<256x128xi32, #tpu.memory_space<hbm>> -> memref<8x128xi32, #tpu.memory_space<hbm>>
      %dma_wait3A_163 = arith.constant 0 : i32
      %dma_wait3A_164 = tpu.memref_slice %arg3[%mul3A_2, %dma_wait3A_163] : memref<256x128xi32, #tpu.memory_space<hbm>> -> memref<8x128xi32, #tpu.memory_space<hbm>>
      tpu.wait_dma2 semaphore(%run_scoped3A : memref<!tpu.dma_semaphore, #tpu.memory_space<semaphore_mem>>) src(%dma_wait3A_164 : memref<8x128xi32, #tpu.memory_space<hbm>>) dst(%arg5 : memref<8x128xi32, #tpu.memory_space<vmem>>)
      tpu.yield
    }) : () -> ()
    %mul3A_3 = arith.constant 128 : i32
    %mul3A_4 = arith.muli %mul3A_2, %mul3A_3 : i32
    "tpu.region"() ({
      %run_scoped3A = tpu.sem_alloc : memref<!tpu.dma_semaphore, #tpu.memory_space<semaphore_mem>>
      %dma_start3A_157 = arith.constant 0 : i32
      %dma_start3A_158 = tpu.memref_slice %arg2[%mul3A_4, %dma_start3A_157] : memref<32768x384xi32, #tpu.memory_space<hbm>> -> memref<128x384xi32, #tpu.memory_space<hbm>>
      %dma_start3A_159 = arith.constant 0 : i32
      %dma_start3A_160 = tpu.memref_slice %arg2[%mul3A_4, %dma_start3A_159] : memref<32768x384xi32, #tpu.memory_space<hbm>> -> memref<128x384xi32, #tpu.memory_space<hbm>>
      tpu.enqueue_dma source(%dma_start3A_160 : memref<128x384xi32, #tpu.memory_space<hbm>>) target(%arg6 : memref<128x384xi32, #tpu.memory_space<vmem>>) target_semaphore(%run_scoped3A : memref<!tpu.dma_semaphore, #tpu.memory_space<semaphore_mem>>)
      %dma_wait3A_161 = arith.constant 0 : i32
      %dma_wait3A_162 = tpu.memref_slice %arg2[%mul3A_4, %dma_wait3A_161] : memref<32768x384xi32, #tpu.memory_space<hbm>> -> memref<128x384xi32, #tpu.memory_space<hbm>>
      %dma_wait3A_163 = arith.constant 0 : i32
      %dma_wait3A_164 = tpu.memref_slice %arg2[%mul3A_4, %dma_wait3A_163] : memref<32768x384xi32, #tpu.memory_space<hbm>> -> memref<128x384xi32, #tpu.memory_space<hbm>>
      tpu.wait_dma2 semaphore(%run_scoped3A : memref<!tpu.dma_semaphore, #tpu.memory_space<semaphore_mem>>) src(%dma_wait3A_164 : memref<128x384xi32, #tpu.memory_space<hbm>>) dst(%arg6 : memref<128x384xi32, #tpu.memory_space<vmem>>)
      tpu.yield
    }) : () -> ()
    %dma_start3A = arith.constant 0 : i32
    %dma_start3A_5 = arith.constant 0 : i32
    %dma_start3A_6 = tpu.memref_slice %arg5[%dma_start3A, %dma_start3A_5] : memref<8x128xi32, #tpu.memory_space<vmem>> -> memref<1x128xi32, #tpu.memory_space<vmem>>
    %dma_start3A_7 = tpu.memref_squeeze %dma_start3A_6 : memref<1x128xi32, #tpu.memory_space<vmem>> -> memref<128xi32, #tpu.memory_space<vmem>>
    %dma_start3A_8 = arith.constant 0 : i32
    %dma_start3A_9 = arith.constant 0 : i32
    %dma_start3A_10 = tpu.memref_slice %arg4[%dma_start3A_8, %dma_start3A_9] : memref<40960x384xi32, #tpu.memory_space<hbm>> -> memref<40960x384xi32, #tpu.memory_space<hbm>>
    tpu.enqueue_indirect_dma source(%arg6 : memref<128x384xi32, #tpu.memory_space<vmem>>) target(%dma_start3A_10 : memref<40960x384xi32, #tpu.memory_space<hbm>>) offsets(%dma_start3A_7 : memref<128xi32, #tpu.memory_space<vmem>>) semaphore(%arg8 : memref<!tpu.dma_semaphore, #tpu.memory_space<semaphore_mem>>)
    %add3A_11 = arith.constant 0 : i32
    %add3A_12 = arith.addi %mul3A_2, %add3A_11 : i32
    %add3A_13 = arith.constant 1 : i32
    %add3A_14 = arith.addi %add3A_12, %add3A_13 : i32
    %mul3A_15 = arith.constant 128 : i32
    %mul3A_16 = arith.muli %add3A_14, %mul3A_15 : i32
    "tpu.region"() ({
      %run_scoped3A = tpu.sem_alloc : memref<!tpu.dma_semaphore, #tpu.memory_space<semaphore_mem>>
      %dma_start3A_157 = arith.constant 0 : i32
      %dma_start3A_158 = tpu.memref_slice %arg2[%mul3A_16, %dma_start3A_157] : memref<32768x384xi32, #tpu.memory_space<hbm>> -> memref<128x384xi32, #tpu.memory_space<hbm>>
      %dma_start3A_159 = arith.constant 0 : i32
      %dma_start3A_160 = tpu.memref_slice %arg2[%mul3A_16, %dma_start3A_159] : memref<32768x384xi32, #tpu.memory_space<hbm>> -> memref<128x384xi32, #tpu.memory_space<hbm>>
      tpu.enqueue_dma source(%dma_start3A_160 : memref<128x384xi32, #tpu.memory_space<hbm>>) target(%arg7 : memref<128x384xi32, #tpu.memory_space<vmem>>) target_semaphore(%run_scoped3A : memref<!tpu.dma_semaphore, #tpu.memory_space<semaphore_mem>>)
      %dma_wait3A_161 = arith.constant 0 : i32
      %dma_wait3A_162 = tpu.memref_slice %arg2[%mul3A_16, %dma_wait3A_161] : memref<32768x384xi32, #tpu.memory_space<hbm>> -> memref<128x384xi32, #tpu.memory_space<hbm>>
      %dma_wait3A_163 = arith.constant 0 : i32
      %dma_wait3A_164 = tpu.memref_slice %arg2[%mul3A_16, %dma_wait3A_163] : memref<32768x384xi32, #tpu.memory_space<hbm>> -> memref<128x384xi32, #tpu.memory_space<hbm>>
      tpu.wait_dma2 semaphore(%run_scoped3A : memref<!tpu.dma_semaphore, #tpu.memory_space<semaphore_mem>>) src(%dma_wait3A_164 : memref<128x384xi32, #tpu.memory_space<hbm>>) dst(%arg7 : memref<128x384xi32, #tpu.memory_space<vmem>>)
      tpu.yield
    }) : () -> ()
    %dma_wait3A = arith.constant 0 : i32
    %dma_wait3A_17 = arith.constant 0 : i32
    %dma_wait3A_18 = tpu.memref_slice %arg5[%dma_wait3A, %dma_wait3A_17] : memref<8x128xi32, #tpu.memory_space<vmem>> -> memref<1x128xi32, #tpu.memory_space<vmem>>
    %dma_wait3A_19 = tpu.memref_squeeze %dma_wait3A_18 : memref<1x128xi32, #tpu.memory_space<vmem>> -> memref<128xi32, #tpu.memory_space<vmem>>
    %dma_wait3A_20 = arith.constant 0 : i32
    %dma_wait3A_21 = arith.constant 0 : i32
    %dma_wait3A_22 = tpu.memref_slice %arg4[%dma_wait3A_20, %dma_wait3A_21] : memref<40960x384xi32, #tpu.memory_space<hbm>> -> memref<40960x384xi32, #tpu.memory_space<hbm>>
    tpu.wait_indirect_dma semaphore(%arg8 : memref<!tpu.dma_semaphore, #tpu.memory_space<semaphore_mem>>) src(%arg6 : memref<128x384xi32, #tpu.memory_space<vmem>>) dst(%dma_wait3A_22 : memref<40960x384xi32, #tpu.memory_space<hbm>>)
    %dma_start3A_23 = arith.constant 1 : i32
    %dma_start3A_24 = arith.constant 0 : i32
    %dma_start3A_25 = tpu.memref_slice %arg5[%dma_start3A_23, %dma_start3A_24] : memref<8x128xi32, #tpu.memory_space<vmem>> -> memref<1x128xi32, #tpu.memory_space<vmem>>
    %dma_start3A_26 = tpu.memref_squeeze %dma_start3A_25 : memref<1x128xi32, #tpu.memory_space<vmem>> -> memref<128xi32, #tpu.memory_space<vmem>>
    %dma_start3A_27 = arith.constant 0 : i32
    %dma_start3A_28 = arith.constant 0 : i32
    %dma_start3A_29 = tpu.memref_slice %arg4[%dma_start3A_27, %dma_start3A_28] : memref<40960x384xi32, #tpu.memory_space<hbm>> -> memref<40960x384xi32, #tpu.memory_space<hbm>>
    tpu.enqueue_indirect_dma source(%arg7 : memref<128x384xi32, #tpu.memory_space<vmem>>) target(%dma_start3A_29 : memref<40960x384xi32, #tpu.memory_space<hbm>>) offsets(%dma_start3A_26 : memref<128xi32, #tpu.memory_space<vmem>>) semaphore(%arg8 : memref<!tpu.dma_semaphore, #tpu.memory_space<semaphore_mem>>)
    %add3A_30 = arith.constant 1 : i32
    %add3A_31 = arith.addi %mul3A_2, %add3A_30 : i32
    %add3A_32 = arith.constant 1 : i32
    %add3A_33 = arith.addi %add3A_31, %add3A_32 : i32
    %mul3A_34 = arith.constant 128 : i32
    %mul3A_35 = arith.muli %add3A_33, %mul3A_34 : i32
    "tpu.region"() ({
      %run_scoped3A = tpu.sem_alloc : memref<!tpu.dma_semaphore, #tpu.memory_space<semaphore_mem>>
      %dma_start3A_157 = arith.constant 0 : i32
      %dma_start3A_158 = tpu.memref_slice %arg2[%mul3A_35, %dma_start3A_157] : memref<32768x384xi32, #tpu.memory_space<hbm>> -> memref<128x384xi32, #tpu.memory_space<hbm>>
      %dma_start3A_159 = arith.constant 0 : i32
      %dma_start3A_160 = tpu.memref_slice %arg2[%mul3A_35, %dma_start3A_159] : memref<32768x384xi32, #tpu.memory_space<hbm>> -> memref<128x384xi32, #tpu.memory_space<hbm>>
      tpu.enqueue_dma source(%dma_start3A_160 : memref<128x384xi32, #tpu.memory_space<hbm>>) target(%arg6 : memref<128x384xi32, #tpu.memory_space<vmem>>) target_semaphore(%run_scoped3A : memref<!tpu.dma_semaphore, #tpu.memory_space<semaphore_mem>>)
      %dma_wait3A_161 = arith.constant 0 : i32
      %dma_wait3A_162 = tpu.memref_slice %arg2[%mul3A_35, %dma_wait3A_161] : memref<32768x384xi32, #tpu.memory_space<hbm>> -> memref<128x384xi32, #tpu.memory_space<hbm>>
      %dma_wait3A_163 = arith.constant 0 : i32
      %dma_wait3A_164 = tpu.memref_slice %arg2[%mul3A_35, %dma_wait3A_163] : memref<32768x384xi32, #tpu.memory_space<hbm>> -> memref<128x384xi32, #tpu.memory_space<hbm>>
      tpu.wait_dma2 semaphore(%run_scoped3A : memref<!tpu.dma_semaphore, #tpu.memory_space<semaphore_mem>>) src(%dma_wait3A_164 : memref<128x384xi32, #tpu.memory_space<hbm>>) dst(%arg6 : memref<128x384xi32, #tpu.memory_space<vmem>>)
      tpu.yield
    }) : () -> ()
    %dma_wait3A_36 = arith.constant 1 : i32
    %dma_wait3A_37 = arith.constant 0 : i32
    %dma_wait3A_38 = tpu.memref_slice %arg5[%dma_wait3A_36, %dma_wait3A_37] : memref<8x128xi32, #tpu.memory_space<vmem>> -> memref<1x128xi32, #tpu.memory_space<vmem>>
    %dma_wait3A_39 = tpu.memref_squeeze %dma_wait3A_38 : memref<1x128xi32, #tpu.memory_space<vmem>> -> memref<128xi32, #tpu.memory_space<vmem>>
    %dma_wait3A_40 = arith.constant 0 : i32
    %dma_wait3A_41 = arith.constant 0 : i32
    %dma_wait3A_42 = tpu.memref_slice %arg4[%dma_wait3A_40, %dma_wait3A_41] : memref<40960x384xi32, #tpu.memory_space<hbm>> -> memref<40960x384xi32, #tpu.memory_space<hbm>>
    tpu.wait_indirect_dma semaphore(%arg8 : memref<!tpu.dma_semaphore, #tpu.memory_space<semaphore_mem>>) src(%arg7 : memref<128x384xi32, #tpu.memory_space<vmem>>) dst(%dma_wait3A_42 : memref<40960x384xi32, #tpu.memory_space<hbm>>)
    %dma_start3A_43 = arith.constant 2 : i32
    %dma_start3A_44 = arith.constant 0 : i32
    %dma_start3A_45 = tpu.memref_slice %arg5[%dma_start3A_43, %dma_start3A_44] : memref<8x128xi32, #tpu.memory_space<vmem>> -> memref<1x128xi32, #tpu.memory_space<vmem>>
    %dma_start3A_46 = tpu.memref_squeeze %dma_start3A_45 : memref<1x128xi32, #tpu.memory_space<vmem>> -> memref<128xi32, #tpu.memory_space<vmem>>
    %dma_start3A_47 = arith.constant 0 : i32
    %dma_start3A_48 = arith.constant 0 : i32
    %dma_start3A_49 = tpu.memref_slice %arg4[%dma_start3A_47, %dma_start3A_48] : memref<40960x384xi32, #tpu.memory_space<hbm>> -> memref<40960x384xi32, #tpu.memory_space<hbm>>
    tpu.enqueue_indirect_dma source(%arg6 : memref<128x384xi32, #tpu.memory_space<vmem>>) target(%dma_start3A_49 : memref<40960x384xi32, #tpu.memory_space<hbm>>) offsets(%dma_start3A_46 : memref<128xi32, #tpu.memory_space<vmem>>) semaphore(%arg8 : memref<!tpu.dma_semaphore, #tpu.memory_space<semaphore_mem>>)
    %add3A_50 = arith.constant 2 : i32
    %add3A_51 = arith.addi %mul3A_2, %add3A_50 : i32
    %add3A_52 = arith.constant 1 : i32
    %add3A_53 = arith.addi %add3A_51, %add3A_52 : i32
    %mul3A_54 = arith.constant 128 : i32
    %mul3A_55 = arith.muli %add3A_53, %mul3A_54 : i32
    "tpu.region"() ({
      %run_scoped3A = tpu.sem_alloc : memref<!tpu.dma_semaphore, #tpu.memory_space<semaphore_mem>>
      %dma_start3A_157 = arith.constant 0 : i32
      %dma_start3A_158 = tpu.memref_slice %arg2[%mul3A_55, %dma_start3A_157] : memref<32768x384xi32, #tpu.memory_space<hbm>> -> memref<128x384xi32, #tpu.memory_space<hbm>>
      %dma_start3A_159 = arith.constant 0 : i32
      %dma_start3A_160 = tpu.memref_slice %arg2[%mul3A_55, %dma_start3A_159] : memref<32768x384xi32, #tpu.memory_space<hbm>> -> memref<128x384xi32, #tpu.memory_space<hbm>>
      tpu.enqueue_dma source(%dma_start3A_160 : memref<128x384xi32, #tpu.memory_space<hbm>>) target(%arg7 : memref<128x384xi32, #tpu.memory_space<vmem>>) target_semaphore(%run_scoped3A : memref<!tpu.dma_semaphore, #tpu.memory_space<semaphore_mem>>)
      %dma_wait3A_161 = arith.constant 0 : i32
      %dma_wait3A_162 = tpu.memref_slice %arg2[%mul3A_55, %dma_wait3A_161] : memref<32768x384xi32, #tpu.memory_space<hbm>> -> memref<128x384xi32, #tpu.memory_space<hbm>>
      %dma_wait3A_163 = arith.constant 0 : i32
      %dma_wait3A_164 = tpu.memref_slice %arg2[%mul3A_55, %dma_wait3A_163] : memref<32768x384xi32, #tpu.memory_space<hbm>> -> memref<128x384xi32, #tpu.memory_space<hbm>>
      tpu.wait_dma2 semaphore(%run_scoped3A : memref<!tpu.dma_semaphore, #tpu.memory_space<semaphore_mem>>) src(%dma_wait3A_164 : memref<128x384xi32, #tpu.memory_space<hbm>>) dst(%arg7 : memref<128x384xi32, #tpu.memory_space<vmem>>)
      tpu.yield
    }) : () -> ()
    %dma_wait3A_56 = arith.constant 2 : i32
    %dma_wait3A_57 = arith.constant 0 : i32
    %dma_wait3A_58 = tpu.memref_slice %arg5[%dma_wait3A_56, %dma_wait3A_57] : memref<8x128xi32, #tpu.memory_space<vmem>> -> memref<1x128xi32, #tpu.memory_space<vmem>>
    %dma_wait3A_59 = tpu.memref_squeeze %dma_wait3A_58 : memref<1x128xi32, #tpu.memory_space<vmem>> -> memref<128xi32, #tpu.memory_space<vmem>>
    %dma_wait3A_60 = arith.constant 0 : i32
    %dma_wait3A_61 = arith.constant 0 : i32
    %dma_wait3A_62 = tpu.memref_slice %arg4[%dma_wait3A_60, %dma_wait3A_61] : memref<40960x384xi32, #tpu.memory_space<hbm>> -> memref<40960x384xi32, #tpu.memory_space<hbm>>
    tpu.wait_indirect_dma semaphore(%arg8 : memref<!tpu.dma_semaphore, #tpu.memory_space<semaphore_mem>>) src(%arg6 : memref<128x384xi32, #tpu.memory_space<vmem>>) dst(%dma_wait3A_62 : memref<40960x384xi32, #tpu.memory_space<hbm>>)
    %dma_start3A_63 = arith.constant 3 : i32
    %dma_start3A_64 = arith.constant 0 : i32
    %dma_start3A_65 = tpu.memref_slice %arg5[%dma_start3A_63, %dma_start3A_64] : memref<8x128xi32, #tpu.memory_space<vmem>> -> memref<1x128xi32, #tpu.memory_space<vmem>>
    %dma_start3A_66 = tpu.memref_squeeze %dma_start3A_65 : memref<1x128xi32, #tpu.memory_space<vmem>> -> memref<128xi32, #tpu.memory_space<vmem>>
    %dma_start3A_67 = arith.constant 0 : i32
    %dma_start3A_68 = arith.constant 0 : i32
    %dma_start3A_69 = tpu.memref_slice %arg4[%dma_start3A_67, %dma_start3A_68] : memref<40960x384xi32, #tpu.memory_space<hbm>> -> memref<40960x384xi32, #tpu.memory_space<hbm>>
    tpu.enqueue_indirect_dma source(%arg7 : memref<128x384xi32, #tpu.memory_space<vmem>>) target(%dma_start3A_69 : memref<40960x384xi32, #tpu.memory_space<hbm>>) offsets(%dma_start3A_66 : memref<128xi32, #tpu.memory_space<vmem>>) semaphore(%arg8 : memref<!tpu.dma_semaphore, #tpu.memory_space<semaphore_mem>>)
    %add3A_70 = arith.constant 3 : i32
    %add3A_71 = arith.addi %mul3A_2, %add3A_70 : i32
    %add3A_72 = arith.constant 1 : i32
    %add3A_73 = arith.addi %add3A_71, %add3A_72 : i32
    %mul3A_74 = arith.constant 128 : i32
    %mul3A_75 = arith.muli %add3A_73, %mul3A_74 : i32
    "tpu.region"() ({
      %run_scoped3A = tpu.sem_alloc : memref<!tpu.dma_semaphore, #tpu.memory_space<semaphore_mem>>
      %dma_start3A_157 = arith.constant 0 : i32
      %dma_start3A_158 = tpu.memref_slice %arg2[%mul3A_75, %dma_start3A_157] : memref<32768x384xi32, #tpu.memory_space<hbm>> -> memref<128x384xi32, #tpu.memory_space<hbm>>
      %dma_start3A_159 = arith.constant 0 : i32
      %dma_start3A_160 = tpu.memref_slice %arg2[%mul3A_75, %dma_start3A_159] : memref<32768x384xi32, #tpu.memory_space<hbm>> -> memref<128x384xi32, #tpu.memory_space<hbm>>
      tpu.enqueue_dma source(%dma_start3A_160 : memref<128x384xi32, #tpu.memory_space<hbm>>) target(%arg6 : memref<128x384xi32, #tpu.memory_space<vmem>>) target_semaphore(%run_scoped3A : memref<!tpu.dma_semaphore, #tpu.memory_space<semaphore_mem>>)
      %dma_wait3A_161 = arith.constant 0 : i32
      %dma_wait3A_162 = tpu.memref_slice %arg2[%mul3A_75, %dma_wait3A_161] : memref<32768x384xi32, #tpu.memory_space<hbm>> -> memref<128x384xi32, #tpu.memory_space<hbm>>
      %dma_wait3A_163 = arith.constant 0 : i32
      %dma_wait3A_164 = tpu.memref_slice %arg2[%mul3A_75, %dma_wait3A_163] : memref<32768x384xi32, #tpu.memory_space<hbm>> -> memref<128x384xi32, #tpu.memory_space<hbm>>
      tpu.wait_dma2 semaphore(%run_scoped3A : memref<!tpu.dma_semaphore, #tpu.memory_space<semaphore_mem>>) src(%dma_wait3A_164 : memref<128x384xi32, #tpu.memory_space<hbm>>) dst(%arg6 : memref<128x384xi32, #tpu.memory_space<vmem>>)
      tpu.yield
    }) : () -> ()
    %dma_wait3A_76 = arith.constant 3 : i32
    %dma_wait3A_77 = arith.constant 0 : i32
    %dma_wait3A_78 = tpu.memref_slice %arg5[%dma_wait3A_76, %dma_wait3A_77] : memref<8x128xi32, #tpu.memory_space<vmem>> -> memref<1x128xi32, #tpu.memory_space<vmem>>
    %dma_wait3A_79 = tpu.memref_squeeze %dma_wait3A_78 : memref<1x128xi32, #tpu.memory_space<vmem>> -> memref<128xi32, #tpu.memory_space<vmem>>
    %dma_wait3A_80 = arith.constant 0 : i32
    %dma_wait3A_81 = arith.constant 0 : i32
    %dma_wait3A_82 = tpu.memref_slice %arg4[%dma_wait3A_80, %dma_wait3A_81] : memref<40960x384xi32, #tpu.memory_space<hbm>> -> memref<40960x384xi32, #tpu.memory_space<hbm>>
    tpu.wait_indirect_dma semaphore(%arg8 : memref<!tpu.dma_semaphore, #tpu.memory_space<semaphore_mem>>) src(%arg7 : memref<128x384xi32, #tpu.memory_space<vmem>>) dst(%dma_wait3A_82 : memref<40960x384xi32, #tpu.memory_space<hbm>>)
    %dma_start3A_83 = arith.constant 4 : i32
    %dma_start3A_84 = arith.constant 0 : i32
    %dma_start3A_85 = tpu.memref_slice %arg5[%dma_start3A_83, %dma_start3A_84] : memref<8x128xi32, #tpu.memory_space<vmem>> -> memref<1x128xi32, #tpu.memory_space<vmem>>
    %dma_start3A_86 = tpu.memref_squeeze %dma_start3A_85 : memref<1x128xi32, #tpu.memory_space<vmem>> -> memref<128xi32, #tpu.memory_space<vmem>>
    %dma_start3A_87 = arith.constant 0 : i32
    %dma_start3A_88 = arith.constant 0 : i32
    %dma_start3A_89 = tpu.memref_slice %arg4[%dma_start3A_87, %dma_start3A_88] : memref<40960x384xi32, #tpu.memory_space<hbm>> -> memref<40960x384xi32, #tpu.memory_space<hbm>>
    tpu.enqueue_indirect_dma source(%arg6 : memref<128x384xi32, #tpu.memory_space<vmem>>) target(%dma_start3A_89 : memref<40960x384xi32, #tpu.memory_space<hbm>>) offsets(%dma_start3A_86 : memref<128xi32, #tpu.memory_space<vmem>>) semaphore(%arg8 : memref<!tpu.dma_semaphore, #tpu.memory_space<semaphore_mem>>)
    %add3A_90 = arith.constant 4 : i32
    %add3A_91 = arith.addi %mul3A_2, %add3A_90 : i32
    %add3A_92 = arith.constant 1 : i32
    %add3A_93 = arith.addi %add3A_91, %add3A_92 : i32
    %mul3A_94 = arith.constant 128 : i32
    %mul3A_95 = arith.muli %add3A_93, %mul3A_94 : i32
    "tpu.region"() ({
      %run_scoped3A = tpu.sem_alloc : memref<!tpu.dma_semaphore, #tpu.memory_space<semaphore_mem>>
      %dma_start3A_157 = arith.constant 0 : i32
      %dma_start3A_158 = tpu.memref_slice %arg2[%mul3A_95, %dma_start3A_157] : memref<32768x384xi32, #tpu.memory_space<hbm>> -> memref<128x384xi32, #tpu.memory_space<hbm>>
      %dma_start3A_159 = arith.constant 0 : i32
      %dma_start3A_160 = tpu.memref_slice %arg2[%mul3A_95, %dma_start3A_159] : memref<32768x384xi32, #tpu.memory_space<hbm>> -> memref<128x384xi32, #tpu.memory_space<hbm>>
      tpu.enqueue_dma source(%dma_start3A_160 : memref<128x384xi32, #tpu.memory_space<hbm>>) target(%arg7 : memref<128x384xi32, #tpu.memory_space<vmem>>) target_semaphore(%run_scoped3A : memref<!tpu.dma_semaphore, #tpu.memory_space<semaphore_mem>>)
      %dma_wait3A_161 = arith.constant 0 : i32
      %dma_wait3A_162 = tpu.memref_slice %arg2[%mul3A_95, %dma_wait3A_161] : memref<32768x384xi32, #tpu.memory_space<hbm>> -> memref<128x384xi32, #tpu.memory_space<hbm>>
      %dma_wait3A_163 = arith.constant 0 : i32
      %dma_wait3A_164 = tpu.memref_slice %arg2[%mul3A_95, %dma_wait3A_163] : memref<32768x384xi32, #tpu.memory_space<hbm>> -> memref<128x384xi32, #tpu.memory_space<hbm>>
      tpu.wait_dma2 semaphore(%run_scoped3A : memref<!tpu.dma_semaphore, #tpu.memory_space<semaphore_mem>>) src(%dma_wait3A_164 : memref<128x384xi32, #tpu.memory_space<hbm>>) dst(%arg7 : memref<128x384xi32, #tpu.memory_space<vmem>>)
      tpu.yield
    }) : () -> ()
    %dma_wait3A_96 = arith.constant 4 : i32
    %dma_wait3A_97 = arith.constant 0 : i32
    %dma_wait3A_98 = tpu.memref_slice %arg5[%dma_wait3A_96, %dma_wait3A_97] : memref<8x128xi32, #tpu.memory_space<vmem>> -> memref<1x128xi32, #tpu.memory_space<vmem>>
    %dma_wait3A_99 = tpu.memref_squeeze %dma_wait3A_98 : memref<1x128xi32, #tpu.memory_space<vmem>> -> memref<128xi32, #tpu.memory_space<vmem>>
    %dma_wait3A_100 = arith.constant 0 : i32
    %dma_wait3A_101 = arith.constant 0 : i32
    %dma_wait3A_102 = tpu.memref_slice %arg4[%dma_wait3A_100, %dma_wait3A_101] : memref<40960x384xi32, #tpu.memory_space<hbm>> -> memref<40960x384xi32, #tpu.memory_space<hbm>>
    tpu.wait_indirect_dma semaphore(%arg8 : memref<!tpu.dma_semaphore, #tpu.memory_space<semaphore_mem>>) src(%arg6 : memref<128x384xi32, #tpu.memory_space<vmem>>) dst(%dma_wait3A_102 : memref<40960x384xi32, #tpu.memory_space<hbm>>)
    %dma_start3A_103 = arith.constant 5 : i32
    %dma_start3A_104 = arith.constant 0 : i32
    %dma_start3A_105 = tpu.memref_slice %arg5[%dma_start3A_103, %dma_start3A_104] : memref<8x128xi32, #tpu.memory_space<vmem>> -> memref<1x128xi32, #tpu.memory_space<vmem>>
    %dma_start3A_106 = tpu.memref_squeeze %dma_start3A_105 : memref<1x128xi32, #tpu.memory_space<vmem>> -> memref<128xi32, #tpu.memory_space<vmem>>
    %dma_start3A_107 = arith.constant 0 : i32
    %dma_start3A_108 = arith.constant 0 : i32
    %dma_start3A_109 = tpu.memref_slice %arg4[%dma_start3A_107, %dma_start3A_108] : memref<40960x384xi32, #tpu.memory_space<hbm>> -> memref<40960x384xi32, #tpu.memory_space<hbm>>
    tpu.enqueue_indirect_dma source(%arg7 : memref<128x384xi32, #tpu.memory_space<vmem>>) target(%dma_start3A_109 : memref<40960x384xi32, #tpu.memory_space<hbm>>) offsets(%dma_start3A_106 : memref<128xi32, #tpu.memory_space<vmem>>) semaphore(%arg8 : memref<!tpu.dma_semaphore, #tpu.memory_space<semaphore_mem>>)
    %add3A_110 = arith.constant 5 : i32
    %add3A_111 = arith.addi %mul3A_2, %add3A_110 : i32
    %add3A_112 = arith.constant 1 : i32
    %add3A_113 = arith.addi %add3A_111, %add3A_112 : i32
    %mul3A_114 = arith.constant 128 : i32
    %mul3A_115 = arith.muli %add3A_113, %mul3A_114 : i32
    "tpu.region"() ({
      %run_scoped3A = tpu.sem_alloc : memref<!tpu.dma_semaphore, #tpu.memory_space<semaphore_mem>>
      %dma_start3A_157 = arith.constant 0 : i32
      %dma_start3A_158 = tpu.memref_slice %arg2[%mul3A_115, %dma_start3A_157] : memref<32768x384xi32, #tpu.memory_space<hbm>> -> memref<128x384xi32, #tpu.memory_space<hbm>>
      %dma_start3A_159 = arith.constant 0 : i32
      %dma_start3A_160 = tpu.memref_slice %arg2[%mul3A_115, %dma_start3A_159] : memref<32768x384xi32, #tpu.memory_space<hbm>> -> memref<128x384xi32, #tpu.memory_space<hbm>>
      tpu.enqueue_dma source(%dma_start3A_160 : memref<128x384xi32, #tpu.memory_space<hbm>>) target(%arg6 : memref<128x384xi32, #tpu.memory_space<vmem>>) target_semaphore(%run_scoped3A : memref<!tpu.dma_semaphore, #tpu.memory_space<semaphore_mem>>)
      %dma_wait3A_161 = arith.constant 0 : i32
      %dma_wait3A_162 = tpu.memref_slice %arg2[%mul3A_115, %dma_wait3A_161] : memref<32768x384xi32, #tpu.memory_space<hbm>> -> memref<128x384xi32, #tpu.memory_space<hbm>>
      %dma_wait3A_163 = arith.constant 0 : i32
      %dma_wait3A_164 = tpu.memref_slice %arg2[%mul3A_115, %dma_wait3A_163] : memref<32768x384xi32, #tpu.memory_space<hbm>> -> memref<128x384xi32, #tpu.memory_space<hbm>>
      tpu.wait_dma2 semaphore(%run_scoped3A : memref<!tpu.dma_semaphore, #tpu.memory_space<semaphore_mem>>) src(%dma_wait3A_164 : memref<128x384xi32, #tpu.memory_space<hbm>>) dst(%arg6 : memref<128x384xi32, #tpu.memory_space<vmem>>)
      tpu.yield
    }) : () -> ()
    %dma_wait3A_116 = arith.constant 5 : i32
    %dma_wait3A_117 = arith.constant 0 : i32
    %dma_wait3A_118 = tpu.memref_slice %arg5[%dma_wait3A_116, %dma_wait3A_117] : memref<8x128xi32, #tpu.memory_space<vmem>> -> memref<1x128xi32, #tpu.memory_space<vmem>>
    %dma_wait3A_119 = tpu.memref_squeeze %dma_wait3A_118 : memref<1x128xi32, #tpu.memory_space<vmem>> -> memref<128xi32, #tpu.memory_space<vmem>>
    %dma_wait3A_120 = arith.constant 0 : i32
    %dma_wait3A_121 = arith.constant 0 : i32
    %dma_wait3A_122 = tpu.memref_slice %arg4[%dma_wait3A_120, %dma_wait3A_121] : memref<40960x384xi32, #tpu.memory_space<hbm>> -> memref<40960x384xi32, #tpu.memory_space<hbm>>
    tpu.wait_indirect_dma semaphore(%arg8 : memref<!tpu.dma_semaphore, #tpu.memory_space<semaphore_mem>>) src(%arg7 : memref<128x384xi32, #tpu.memory_space<vmem>>) dst(%dma_wait3A_122 : memref<40960x384xi32, #tpu.memory_space<hbm>>)
    %dma_start3A_123 = arith.constant 6 : i32
    %dma_start3A_124 = arith.constant 0 : i32
    %dma_start3A_125 = tpu.memref_slice %arg5[%dma_start3A_123, %dma_start3A_124] : memref<8x128xi32, #tpu.memory_space<vmem>> -> memref<1x128xi32, #tpu.memory_space<vmem>>
    %dma_start3A_126 = tpu.memref_squeeze %dma_start3A_125 : memref<1x128xi32, #tpu.memory_space<vmem>> -> memref<128xi32, #tpu.memory_space<vmem>>
    %dma_start3A_127 = arith.constant 0 : i32
    %dma_start3A_128 = arith.constant 0 : i32
    %dma_start3A_129 = tpu.memref_slice %arg4[%dma_start3A_127, %dma_start3A_128] : memref<40960x384xi32, #tpu.memory_space<hbm>> -> memref<40960x384xi32, #tpu.memory_space<hbm>>
    tpu.enqueue_indirect_dma source(%arg6 : memref<128x384xi32, #tpu.memory_space<vmem>>) target(%dma_start3A_129 : memref<40960x384xi32, #tpu.memory_space<hbm>>) offsets(%dma_start3A_126 : memref<128xi32, #tpu.memory_space<vmem>>) semaphore(%arg8 : memref<!tpu.dma_semaphore, #tpu.memory_space<semaphore_mem>>)
    %add3A_130 = arith.constant 6 : i32
    %add3A_131 = arith.addi %mul3A_2, %add3A_130 : i32
    %add3A_132 = arith.constant 1 : i32
    %add3A_133 = arith.addi %add3A_131, %add3A_132 : i32
    %mul3A_134 = arith.constant 128 : i32
    %mul3A_135 = arith.muli %add3A_133, %mul3A_134 : i32
    "tpu.region"() ({
      %run_scoped3A = tpu.sem_alloc : memref<!tpu.dma_semaphore, #tpu.memory_space<semaphore_mem>>
      %dma_start3A_157 = arith.constant 0 : i32
      %dma_start3A_158 = tpu.memref_slice %arg2[%mul3A_135, %dma_start3A_157] : memref<32768x384xi32, #tpu.memory_space<hbm>> -> memref<128x384xi32, #tpu.memory_space<hbm>>
      %dma_start3A_159 = arith.constant 0 : i32
      %dma_start3A_160 = tpu.memref_slice %arg2[%mul3A_135, %dma_start3A_159] : memref<32768x384xi32, #tpu.memory_space<hbm>> -> memref<128x384xi32, #tpu.memory_space<hbm>>
      tpu.enqueue_dma source(%dma_start3A_160 : memref<128x384xi32, #tpu.memory_space<hbm>>) target(%arg7 : memref<128x384xi32, #tpu.memory_space<vmem>>) target_semaphore(%run_scoped3A : memref<!tpu.dma_semaphore, #tpu.memory_space<semaphore_mem>>)
      %dma_wait3A_161 = arith.constant 0 : i32
      %dma_wait3A_162 = tpu.memref_slice %arg2[%mul3A_135, %dma_wait3A_161] : memref<32768x384xi32, #tpu.memory_space<hbm>> -> memref<128x384xi32, #tpu.memory_space<hbm>>
      %dma_wait3A_163 = arith.constant 0 : i32
      %dma_wait3A_164 = tpu.memref_slice %arg2[%mul3A_135, %dma_wait3A_163] : memref<32768x384xi32, #tpu.memory_space<hbm>> -> memref<128x384xi32, #tpu.memory_space<hbm>>
      tpu.wait_dma2 semaphore(%run_scoped3A : memref<!tpu.dma_semaphore, #tpu.memory_space<semaphore_mem>>) src(%dma_wait3A_164 : memref<128x384xi32, #tpu.memory_space<hbm>>) dst(%arg7 : memref<128x384xi32, #tpu.memory_space<vmem>>)
      tpu.yield
    }) : () -> ()
    %dma_wait3A_136 = arith.constant 6 : i32
    %dma_wait3A_137 = arith.constant 0 : i32
    %dma_wait3A_138 = tpu.memref_slice %arg5[%dma_wait3A_136, %dma_wait3A_137] : memref<8x128xi32, #tpu.memory_space<vmem>> -> memref<1x128xi32, #tpu.memory_space<vmem>>
    %dma_wait3A_139 = tpu.memref_squeeze %dma_wait3A_138 : memref<1x128xi32, #tpu.memory_space<vmem>> -> memref<128xi32, #tpu.memory_space<vmem>>
    %dma_wait3A_140 = arith.constant 0 : i32
    %dma_wait3A_141 = arith.constant 0 : i32
    %dma_wait3A_142 = tpu.memref_slice %arg4[%dma_wait3A_140, %dma_wait3A_141] : memref<40960x384xi32, #tpu.memory_space<hbm>> -> memref<40960x384xi32, #tpu.memory_space<hbm>>
    tpu.wait_indirect_dma semaphore(%arg8 : memref<!tpu.dma_semaphore, #tpu.memory_space<semaphore_mem>>) src(%arg6 : memref<128x384xi32, #tpu.memory_space<vmem>>) dst(%dma_wait3A_142 : memref<40960x384xi32, #tpu.memory_space<hbm>>)
    %dma_start3A_143 = arith.constant 7 : i32
    %dma_start3A_144 = arith.constant 0 : i32
    %dma_start3A_145 = tpu.memref_slice %arg5[%dma_start3A_143, %dma_start3A_144] : memref<8x128xi32, #tpu.memory_space<vmem>> -> memref<1x128xi32, #tpu.memory_space<vmem>>
    %dma_start3A_146 = tpu.memref_squeeze %dma_start3A_145 : memref<1x128xi32, #tpu.memory_space<vmem>> -> memref<128xi32, #tpu.memory_space<vmem>>
    %dma_start3A_147 = arith.constant 0 : i32
    %dma_start3A_148 = arith.constant 0 : i32
    %dma_start3A_149 = tpu.memref_slice %arg4[%dma_start3A_147, %dma_start3A_148] : memref<40960x384xi32, #tpu.memory_space<hbm>> -> memref<40960x384xi32, #tpu.memory_space<hbm>>
    tpu.enqueue_indirect_dma source(%arg7 : memref<128x384xi32, #tpu.memory_space<vmem>>) target(%dma_start3A_149 : memref<40960x384xi32, #tpu.memory_space<hbm>>) offsets(%dma_start3A_146 : memref<128xi32, #tpu.memory_space<vmem>>) semaphore(%arg8 : memref<!tpu.dma_semaphore, #tpu.memory_space<semaphore_mem>>)
    %dma_wait3A_150 = arith.constant 7 : i32
    %dma_wait3A_151 = arith.constant 0 : i32
    %dma_wait3A_152 = tpu.memref_slice %arg5[%dma_wait3A_150, %dma_wait3A_151] : memref<8x128xi32, #tpu.memory_space<vmem>> -> memref<1x128xi32, #tpu.memory_space<vmem>>
    %dma_wait3A_153 = tpu.memref_squeeze %dma_wait3A_152 : memref<1x128xi32, #tpu.memory_space<vmem>> -> memref<128xi32, #tpu.memory_space<vmem>>
    %dma_wait3A_154 = arith.constant 0 : i32
    %dma_wait3A_155 = arith.constant 0 : i32
    %dma_wait3A_156 = tpu.memref_slice %arg4[%dma_wait3A_154, %dma_wait3A_155] : memref<40960x384xi32, #tpu.memory_space<hbm>> -> memref<40960x384xi32, #tpu.memory_space<hbm>>
    tpu.wait_indirect_dma semaphore(%arg8 : memref<!tpu.dma_semaphore, #tpu.memory_space<semaphore_mem>>) src(%arg7 : memref<128x384xi32, #tpu.memory_space<vmem>>) dst(%dma_wait3A_156 : memref<40960x384xi32, #tpu.memory_space<hbm>>)
    return
  }
}

#map = affine_map<(d0, d1) -> (0, 0)>
module attributes {stable_mosaic.version = 14 : i64} {
  func.func @k(%arg0: i32, %arg1: i32, %arg2: memref<40960x768xf32, #tpu.memory_space<hbm>>, %arg3: memref<512x64xi32, #tpu.memory_space<hbm>>, %arg4: memref<32768x768xf32, #tpu.memory_space<hbm>>, %arg5: memref<16x64xi32, #tpu.memory_space<vmem>>, %arg6: memref<64x768xf32, #tpu.memory_space<vmem>>, %arg7: memref<64x768xf32, #tpu.memory_space<vmem>>, %arg8: memref<!tpu.dma_semaphore, #tpu.memory_space<semaphore_mem>>) attributes {dimension_semantics = [#tpu.dimension_semantics<core_parallel>, #tpu.dimension_semantics<subcore_parallel>], iteration_bounds = array<i64: 2, 16>, scalar_prefetch = 0 : i64, scratch_operands = 4 : i64, tpu.core_type = #tpu.core_type<sc_vector_subcore>, window_params = [{transform_indices = #map}, {transform_indices = #map}, {transform_indices = #map}]} {
    %mul3A = arith.constant 2 : i32
    %mul3A_0 = arith.muli %arg1, %mul3A : i32
    %add3A = arith.addi %mul3A_0, %arg0 : i32
    %mul3A_1 = arith.constant 16 : i32
    %mul3A_2 = arith.muli %add3A, %mul3A_1 : i32
    "tpu.region"() ({
      %run_scoped3A = tpu.sem_alloc : memref<!tpu.dma_semaphore, #tpu.memory_space<semaphore_mem>>
      %dma_start3A_289 = arith.constant 0 : i32
      %dma_start3A_290 = tpu.memref_slice %arg3[%mul3A_2, %dma_start3A_289] : memref<512x64xi32, #tpu.memory_space<hbm>> -> memref<16x64xi32, #tpu.memory_space<hbm>>
      %dma_start3A_291 = arith.constant 0 : i32
      %dma_start3A_292 = tpu.memref_slice %arg3[%mul3A_2, %dma_start3A_291] : memref<512x64xi32, #tpu.memory_space<hbm>> -> memref<16x64xi32, #tpu.memory_space<hbm>>
      tpu.enqueue_dma source(%dma_start3A_292 : memref<16x64xi32, #tpu.memory_space<hbm>>) target(%arg5 : memref<16x64xi32, #tpu.memory_space<vmem>>) target_semaphore(%run_scoped3A : memref<!tpu.dma_semaphore, #tpu.memory_space<semaphore_mem>>)
      %dma_wait3A_293 = arith.constant 0 : i32
      %dma_wait3A_294 = tpu.memref_slice %arg3[%mul3A_2, %dma_wait3A_293] : memref<512x64xi32, #tpu.memory_space<hbm>> -> memref<16x64xi32, #tpu.memory_space<hbm>>
      %dma_wait3A_295 = arith.constant 0 : i32
      %dma_wait3A_296 = tpu.memref_slice %arg3[%mul3A_2, %dma_wait3A_295] : memref<512x64xi32, #tpu.memory_space<hbm>> -> memref<16x64xi32, #tpu.memory_space<hbm>>
      tpu.wait_dma2 semaphore(%run_scoped3A : memref<!tpu.dma_semaphore, #tpu.memory_space<semaphore_mem>>) src(%dma_wait3A_296 : memref<16x64xi32, #tpu.memory_space<hbm>>) dst(%arg5 : memref<16x64xi32, #tpu.memory_space<vmem>>)
      tpu.yield
    }) : () -> ()
    %dma_start3A = arith.constant 0 : i32
    %dma_start3A_3 = arith.constant 0 : i32
    %dma_start3A_4 = tpu.memref_slice %arg5[%dma_start3A, %dma_start3A_3] : memref<16x64xi32, #tpu.memory_space<vmem>> -> memref<1x64xi32, #tpu.memory_space<vmem>>
    %dma_start3A_5 = tpu.memref_squeeze %dma_start3A_4 : memref<1x64xi32, #tpu.memory_space<vmem>> -> memref<64xi32, #tpu.memory_space<vmem>>
    %dma_start3A_6 = arith.constant 0 : i32
    %dma_start3A_7 = arith.constant 0 : i32
    %dma_start3A_8 = tpu.memref_slice %arg2[%dma_start3A_6, %dma_start3A_7] : memref<40960x768xf32, #tpu.memory_space<hbm>> -> memref<40960x768xf32, #tpu.memory_space<hbm>>
    tpu.enqueue_indirect_dma source(%dma_start3A_8 : memref<40960x768xf32, #tpu.memory_space<hbm>>) target(%arg6 : memref<64x768xf32, #tpu.memory_space<vmem>>) offsets(%dma_start3A_5 : memref<64xi32, #tpu.memory_space<vmem>>) semaphore(%arg8 : memref<!tpu.dma_semaphore, #tpu.memory_space<semaphore_mem>>)
    %dma_wait3A = arith.constant 0 : i32
    %dma_wait3A_9 = arith.constant 0 : i32
    %dma_wait3A_10 = tpu.memref_slice %arg5[%dma_wait3A, %dma_wait3A_9] : memref<16x64xi32, #tpu.memory_space<vmem>> -> memref<1x64xi32, #tpu.memory_space<vmem>>
    %dma_wait3A_11 = tpu.memref_squeeze %dma_wait3A_10 : memref<1x64xi32, #tpu.memory_space<vmem>> -> memref<64xi32, #tpu.memory_space<vmem>>
    %dma_wait3A_12 = arith.constant 0 : i32
    %dma_wait3A_13 = arith.constant 0 : i32
    %dma_wait3A_14 = tpu.memref_slice %arg2[%dma_wait3A_12, %dma_wait3A_13] : memref<40960x768xf32, #tpu.memory_space<hbm>> -> memref<40960x768xf32, #tpu.memory_space<hbm>>
    tpu.wait_indirect_dma semaphore(%arg8 : memref<!tpu.dma_semaphore, #tpu.memory_space<semaphore_mem>>) src(%dma_wait3A_14 : memref<40960x768xf32, #tpu.memory_space<hbm>>) dst(%arg6 : memref<64x768xf32, #tpu.memory_space<vmem>>)
    %dma_start3A_15 = arith.constant 1 : i32
    %dma_start3A_16 = arith.constant 0 : i32
    %dma_start3A_17 = tpu.memref_slice %arg5[%dma_start3A_15, %dma_start3A_16] : memref<16x64xi32, #tpu.memory_space<vmem>> -> memref<1x64xi32, #tpu.memory_space<vmem>>
    %dma_start3A_18 = tpu.memref_squeeze %dma_start3A_17 : memref<1x64xi32, #tpu.memory_space<vmem>> -> memref<64xi32, #tpu.memory_space<vmem>>
    %dma_start3A_19 = arith.constant 0 : i32
    %dma_start3A_20 = arith.constant 0 : i32
    %dma_start3A_21 = tpu.memref_slice %arg2[%dma_start3A_19, %dma_start3A_20] : memref<40960x768xf32, #tpu.memory_space<hbm>> -> memref<40960x768xf32, #tpu.memory_space<hbm>>
    tpu.enqueue_indirect_dma source(%dma_start3A_21 : memref<40960x768xf32, #tpu.memory_space<hbm>>) target(%arg7 : memref<64x768xf32, #tpu.memory_space<vmem>>) offsets(%dma_start3A_18 : memref<64xi32, #tpu.memory_space<vmem>>) semaphore(%arg8 : memref<!tpu.dma_semaphore, #tpu.memory_space<semaphore_mem>>)
    %add3A_22 = arith.constant 0 : i32
    %add3A_23 = arith.addi %mul3A_2, %add3A_22 : i32
    %mul3A_24 = arith.constant 64 : i32
    %mul3A_25 = arith.muli %add3A_23, %mul3A_24 : i32
    "tpu.region"() ({
      %run_scoped3A = tpu.sem_alloc : memref<!tpu.dma_semaphore, #tpu.memory_space<semaphore_mem>>
      %dma_start3A_289 = arith.constant 0 : i32
      %dma_start3A_290 = tpu.memref_slice %arg4[%mul3A_25, %dma_start3A_289] : memref<32768x768xf32, #tpu.memory_space<hbm>> -> memref<64x768xf32, #tpu.memory_space<hbm>>
      %dma_start3A_291 = arith.constant 0 : i32
      %dma_start3A_292 = tpu.memref_slice %arg4[%mul3A_25, %dma_start3A_291] : memref<32768x768xf32, #tpu.memory_space<hbm>> -> memref<64x768xf32, #tpu.memory_space<hbm>>
      tpu.enqueue_dma source(%arg6 : memref<64x768xf32, #tpu.memory_space<vmem>>) target(%dma_start3A_292 : memref<64x768xf32, #tpu.memory_space<hbm>>) target_semaphore(%run_scoped3A : memref<!tpu.dma_semaphore, #tpu.memory_space<semaphore_mem>>)
      %dma_wait3A_293 = arith.constant 0 : i32
      %dma_wait3A_294 = tpu.memref_slice %arg4[%mul3A_25, %dma_wait3A_293] : memref<32768x768xf32, #tpu.memory_space<hbm>> -> memref<64x768xf32, #tpu.memory_space<hbm>>
      %dma_wait3A_295 = arith.constant 0 : i32
      %dma_wait3A_296 = tpu.memref_slice %arg4[%mul3A_25, %dma_wait3A_295] : memref<32768x768xf32, #tpu.memory_space<hbm>> -> memref<64x768xf32, #tpu.memory_space<hbm>>
      tpu.wait_dma2 semaphore(%run_scoped3A : memref<!tpu.dma_semaphore, #tpu.memory_space<semaphore_mem>>) src(%arg6 : memref<64x768xf32, #tpu.memory_space<vmem>>) dst(%dma_wait3A_296 : memref<64x768xf32, #tpu.memory_space<hbm>>)
      tpu.yield
    }) : () -> ()
    %dma_wait3A_26 = arith.constant 1 : i32
    %dma_wait3A_27 = arith.constant 0 : i32
    %dma_wait3A_28 = tpu.memref_slice %arg5[%dma_wait3A_26, %dma_wait3A_27] : memref<16x64xi32, #tpu.memory_space<vmem>> -> memref<1x64xi32, #tpu.memory_space<vmem>>
    %dma_wait3A_29 = tpu.memref_squeeze %dma_wait3A_28 : memref<1x64xi32, #tpu.memory_space<vmem>> -> memref<64xi32, #tpu.memory_space<vmem>>
    %dma_wait3A_30 = arith.constant 0 : i32
    %dma_wait3A_31 = arith.constant 0 : i32
    %dma_wait3A_32 = tpu.memref_slice %arg2[%dma_wait3A_30, %dma_wait3A_31] : memref<40960x768xf32, #tpu.memory_space<hbm>> -> memref<40960x768xf32, #tpu.memory_space<hbm>>
    tpu.wait_indirect_dma semaphore(%arg8 : memref<!tpu.dma_semaphore, #tpu.memory_space<semaphore_mem>>) src(%dma_wait3A_32 : memref<40960x768xf32, #tpu.memory_space<hbm>>) dst(%arg7 : memref<64x768xf32, #tpu.memory_space<vmem>>)
    %dma_start3A_33 = arith.constant 2 : i32
    %dma_start3A_34 = arith.constant 0 : i32
    %dma_start3A_35 = tpu.memref_slice %arg5[%dma_start3A_33, %dma_start3A_34] : memref<16x64xi32, #tpu.memory_space<vmem>> -> memref<1x64xi32, #tpu.memory_space<vmem>>
    %dma_start3A_36 = tpu.memref_squeeze %dma_start3A_35 : memref<1x64xi32, #tpu.memory_space<vmem>> -> memref<64xi32, #tpu.memory_space<vmem>>
    %dma_start3A_37 = arith.constant 0 : i32
    %dma_start3A_38 = arith.constant 0 : i32
    %dma_start3A_39 = tpu.memref_slice %arg2[%dma_start3A_37, %dma_start3A_38] : memref<40960x768xf32, #tpu.memory_space<hbm>> -> memref<40960x768xf32, #tpu.memory_space<hbm>>
    tpu.enqueue_indirect_dma source(%dma_start3A_39 : memref<40960x768xf32, #tpu.memory_space<hbm>>) target(%arg6 : memref<64x768xf32, #tpu.memory_space<vmem>>) offsets(%dma_start3A_36 : memref<64xi32, #tpu.memory_space<vmem>>) semaphore(%arg8 : memref<!tpu.dma_semaphore, #tpu.memory_space<semaphore_mem>>)
    %add3A_40 = arith.constant 1 : i32
    %add3A_41 = arith.addi %mul3A_2, %add3A_40 : i32
    %mul3A_42 = arith.constant 64 : i32
    %mul3A_43 = arith.muli %add3A_41, %mul3A_42 : i32
    "tpu.region"() ({
      %run_scoped3A = tpu.sem_alloc : memref<!tpu.dma_semaphore, #tpu.memory_space<semaphore_mem>>
      %dma_start3A_289 = arith.constant 0 : i32
      %dma_start3A_290 = tpu.memref_slice %arg4[%mul3A_43, %dma_start3A_289] : memref<32768x768xf32, #tpu.memory_space<hbm>> -> memref<64x768xf32, #tpu.memory_space<hbm>>
      %dma_start3A_291 = arith.constant 0 : i32
      %dma_start3A_292 = tpu.memref_slice %arg4[%mul3A_43, %dma_start3A_291] : memref<32768x768xf32, #tpu.memory_space<hbm>> -> memref<64x768xf32, #tpu.memory_space<hbm>>
      tpu.enqueue_dma source(%arg7 : memref<64x768xf32, #tpu.memory_space<vmem>>) target(%dma_start3A_292 : memref<64x768xf32, #tpu.memory_space<hbm>>) target_semaphore(%run_scoped3A : memref<!tpu.dma_semaphore, #tpu.memory_space<semaphore_mem>>)
      %dma_wait3A_293 = arith.constant 0 : i32
      %dma_wait3A_294 = tpu.memref_slice %arg4[%mul3A_43, %dma_wait3A_293] : memref<32768x768xf32, #tpu.memory_space<hbm>> -> memref<64x768xf32, #tpu.memory_space<hbm>>
      %dma_wait3A_295 = arith.constant 0 : i32
      %dma_wait3A_296 = tpu.memref_slice %arg4[%mul3A_43, %dma_wait3A_295] : memref<32768x768xf32, #tpu.memory_space<hbm>> -> memref<64x768xf32, #tpu.memory_space<hbm>>
      tpu.wait_dma2 semaphore(%run_scoped3A : memref<!tpu.dma_semaphore, #tpu.memory_space<semaphore_mem>>) src(%arg7 : memref<64x768xf32, #tpu.memory_space<vmem>>) dst(%dma_wait3A_296 : memref<64x768xf32, #tpu.memory_space<hbm>>)
      tpu.yield
    }) : () -> ()
    %dma_wait3A_44 = arith.constant 2 : i32
    %dma_wait3A_45 = arith.constant 0 : i32
    %dma_wait3A_46 = tpu.memref_slice %arg5[%dma_wait3A_44, %dma_wait3A_45] : memref<16x64xi32, #tpu.memory_space<vmem>> -> memref<1x64xi32, #tpu.memory_space<vmem>>
    %dma_wait3A_47 = tpu.memref_squeeze %dma_wait3A_46 : memref<1x64xi32, #tpu.memory_space<vmem>> -> memref<64xi32, #tpu.memory_space<vmem>>
    %dma_wait3A_48 = arith.constant 0 : i32
    %dma_wait3A_49 = arith.constant 0 : i32
    %dma_wait3A_50 = tpu.memref_slice %arg2[%dma_wait3A_48, %dma_wait3A_49] : memref<40960x768xf32, #tpu.memory_space<hbm>> -> memref<40960x768xf32, #tpu.memory_space<hbm>>
    tpu.wait_indirect_dma semaphore(%arg8 : memref<!tpu.dma_semaphore, #tpu.memory_space<semaphore_mem>>) src(%dma_wait3A_50 : memref<40960x768xf32, #tpu.memory_space<hbm>>) dst(%arg6 : memref<64x768xf32, #tpu.memory_space<vmem>>)
    %dma_start3A_51 = arith.constant 3 : i32
    %dma_start3A_52 = arith.constant 0 : i32
    %dma_start3A_53 = tpu.memref_slice %arg5[%dma_start3A_51, %dma_start3A_52] : memref<16x64xi32, #tpu.memory_space<vmem>> -> memref<1x64xi32, #tpu.memory_space<vmem>>
    %dma_start3A_54 = tpu.memref_squeeze %dma_start3A_53 : memref<1x64xi32, #tpu.memory_space<vmem>> -> memref<64xi32, #tpu.memory_space<vmem>>
    %dma_start3A_55 = arith.constant 0 : i32
    %dma_start3A_56 = arith.constant 0 : i32
    %dma_start3A_57 = tpu.memref_slice %arg2[%dma_start3A_55, %dma_start3A_56] : memref<40960x768xf32, #tpu.memory_space<hbm>> -> memref<40960x768xf32, #tpu.memory_space<hbm>>
    tpu.enqueue_indirect_dma source(%dma_start3A_57 : memref<40960x768xf32, #tpu.memory_space<hbm>>) target(%arg7 : memref<64x768xf32, #tpu.memory_space<vmem>>) offsets(%dma_start3A_54 : memref<64xi32, #tpu.memory_space<vmem>>) semaphore(%arg8 : memref<!tpu.dma_semaphore, #tpu.memory_space<semaphore_mem>>)
    %add3A_58 = arith.constant 2 : i32
    %add3A_59 = arith.addi %mul3A_2, %add3A_58 : i32
    %mul3A_60 = arith.constant 64 : i32
    %mul3A_61 = arith.muli %add3A_59, %mul3A_60 : i32
    "tpu.region"() ({
      %run_scoped3A = tpu.sem_alloc : memref<!tpu.dma_semaphore, #tpu.memory_space<semaphore_mem>>
      %dma_start3A_289 = arith.constant 0 : i32
      %dma_start3A_290 = tpu.memref_slice %arg4[%mul3A_61, %dma_start3A_289] : memref<32768x768xf32, #tpu.memory_space<hbm>> -> memref<64x768xf32, #tpu.memory_space<hbm>>
      %dma_start3A_291 = arith.constant 0 : i32
      %dma_start3A_292 = tpu.memref_slice %arg4[%mul3A_61, %dma_start3A_291] : memref<32768x768xf32, #tpu.memory_space<hbm>> -> memref<64x768xf32, #tpu.memory_space<hbm>>
      tpu.enqueue_dma source(%arg6 : memref<64x768xf32, #tpu.memory_space<vmem>>) target(%dma_start3A_292 : memref<64x768xf32, #tpu.memory_space<hbm>>) target_semaphore(%run_scoped3A : memref<!tpu.dma_semaphore, #tpu.memory_space<semaphore_mem>>)
      %dma_wait3A_293 = arith.constant 0 : i32
      %dma_wait3A_294 = tpu.memref_slice %arg4[%mul3A_61, %dma_wait3A_293] : memref<32768x768xf32, #tpu.memory_space<hbm>> -> memref<64x768xf32, #tpu.memory_space<hbm>>
      %dma_wait3A_295 = arith.constant 0 : i32
      %dma_wait3A_296 = tpu.memref_slice %arg4[%mul3A_61, %dma_wait3A_295] : memref<32768x768xf32, #tpu.memory_space<hbm>> -> memref<64x768xf32, #tpu.memory_space<hbm>>
      tpu.wait_dma2 semaphore(%run_scoped3A : memref<!tpu.dma_semaphore, #tpu.memory_space<semaphore_mem>>) src(%arg6 : memref<64x768xf32, #tpu.memory_space<vmem>>) dst(%dma_wait3A_296 : memref<64x768xf32, #tpu.memory_space<hbm>>)
      tpu.yield
    }) : () -> ()
    %dma_wait3A_62 = arith.constant 3 : i32
    %dma_wait3A_63 = arith.constant 0 : i32
    %dma_wait3A_64 = tpu.memref_slice %arg5[%dma_wait3A_62, %dma_wait3A_63] : memref<16x64xi32, #tpu.memory_space<vmem>> -> memref<1x64xi32, #tpu.memory_space<vmem>>
    %dma_wait3A_65 = tpu.memref_squeeze %dma_wait3A_64 : memref<1x64xi32, #tpu.memory_space<vmem>> -> memref<64xi32, #tpu.memory_space<vmem>>
    %dma_wait3A_66 = arith.constant 0 : i32
    %dma_wait3A_67 = arith.constant 0 : i32
    %dma_wait3A_68 = tpu.memref_slice %arg2[%dma_wait3A_66, %dma_wait3A_67] : memref<40960x768xf32, #tpu.memory_space<hbm>> -> memref<40960x768xf32, #tpu.memory_space<hbm>>
    tpu.wait_indirect_dma semaphore(%arg8 : memref<!tpu.dma_semaphore, #tpu.memory_space<semaphore_mem>>) src(%dma_wait3A_68 : memref<40960x768xf32, #tpu.memory_space<hbm>>) dst(%arg7 : memref<64x768xf32, #tpu.memory_space<vmem>>)
    %dma_start3A_69 = arith.constant 4 : i32
    %dma_start3A_70 = arith.constant 0 : i32
    %dma_start3A_71 = tpu.memref_slice %arg5[%dma_start3A_69, %dma_start3A_70] : memref<16x64xi32, #tpu.memory_space<vmem>> -> memref<1x64xi32, #tpu.memory_space<vmem>>
    %dma_start3A_72 = tpu.memref_squeeze %dma_start3A_71 : memref<1x64xi32, #tpu.memory_space<vmem>> -> memref<64xi32, #tpu.memory_space<vmem>>
    %dma_start3A_73 = arith.constant 0 : i32
    %dma_start3A_74 = arith.constant 0 : i32
    %dma_start3A_75 = tpu.memref_slice %arg2[%dma_start3A_73, %dma_start3A_74] : memref<40960x768xf32, #tpu.memory_space<hbm>> -> memref<40960x768xf32, #tpu.memory_space<hbm>>
    tpu.enqueue_indirect_dma source(%dma_start3A_75 : memref<40960x768xf32, #tpu.memory_space<hbm>>) target(%arg6 : memref<64x768xf32, #tpu.memory_space<vmem>>) offsets(%dma_start3A_72 : memref<64xi32, #tpu.memory_space<vmem>>) semaphore(%arg8 : memref<!tpu.dma_semaphore, #tpu.memory_space<semaphore_mem>>)
    %add3A_76 = arith.constant 3 : i32
    %add3A_77 = arith.addi %mul3A_2, %add3A_76 : i32
    %mul3A_78 = arith.constant 64 : i32
    %mul3A_79 = arith.muli %add3A_77, %mul3A_78 : i32
    "tpu.region"() ({
      %run_scoped3A = tpu.sem_alloc : memref<!tpu.dma_semaphore, #tpu.memory_space<semaphore_mem>>
      %dma_start3A_289 = arith.constant 0 : i32
      %dma_start3A_290 = tpu.memref_slice %arg4[%mul3A_79, %dma_start3A_289] : memref<32768x768xf32, #tpu.memory_space<hbm>> -> memref<64x768xf32, #tpu.memory_space<hbm>>
      %dma_start3A_291 = arith.constant 0 : i32
      %dma_start3A_292 = tpu.memref_slice %arg4[%mul3A_79, %dma_start3A_291] : memref<32768x768xf32, #tpu.memory_space<hbm>> -> memref<64x768xf32, #tpu.memory_space<hbm>>
      tpu.enqueue_dma source(%arg7 : memref<64x768xf32, #tpu.memory_space<vmem>>) target(%dma_start3A_292 : memref<64x768xf32, #tpu.memory_space<hbm>>) target_semaphore(%run_scoped3A : memref<!tpu.dma_semaphore, #tpu.memory_space<semaphore_mem>>)
      %dma_wait3A_293 = arith.constant 0 : i32
      %dma_wait3A_294 = tpu.memref_slice %arg4[%mul3A_79, %dma_wait3A_293] : memref<32768x768xf32, #tpu.memory_space<hbm>> -> memref<64x768xf32, #tpu.memory_space<hbm>>
      %dma_wait3A_295 = arith.constant 0 : i32
      %dma_wait3A_296 = tpu.memref_slice %arg4[%mul3A_79, %dma_wait3A_295] : memref<32768x768xf32, #tpu.memory_space<hbm>> -> memref<64x768xf32, #tpu.memory_space<hbm>>
      tpu.wait_dma2 semaphore(%run_scoped3A : memref<!tpu.dma_semaphore, #tpu.memory_space<semaphore_mem>>) src(%arg7 : memref<64x768xf32, #tpu.memory_space<vmem>>) dst(%dma_wait3A_296 : memref<64x768xf32, #tpu.memory_space<hbm>>)
      tpu.yield
    }) : () -> ()
    %dma_wait3A_80 = arith.constant 4 : i32
    %dma_wait3A_81 = arith.constant 0 : i32
    %dma_wait3A_82 = tpu.memref_slice %arg5[%dma_wait3A_80, %dma_wait3A_81] : memref<16x64xi32, #tpu.memory_space<vmem>> -> memref<1x64xi32, #tpu.memory_space<vmem>>
    %dma_wait3A_83 = tpu.memref_squeeze %dma_wait3A_82 : memref<1x64xi32, #tpu.memory_space<vmem>> -> memref<64xi32, #tpu.memory_space<vmem>>
    %dma_wait3A_84 = arith.constant 0 : i32
    %dma_wait3A_85 = arith.constant 0 : i32
    %dma_wait3A_86 = tpu.memref_slice %arg2[%dma_wait3A_84, %dma_wait3A_85] : memref<40960x768xf32, #tpu.memory_space<hbm>> -> memref<40960x768xf32, #tpu.memory_space<hbm>>
    tpu.wait_indirect_dma semaphore(%arg8 : memref<!tpu.dma_semaphore, #tpu.memory_space<semaphore_mem>>) src(%dma_wait3A_86 : memref<40960x768xf32, #tpu.memory_space<hbm>>) dst(%arg6 : memref<64x768xf32, #tpu.memory_space<vmem>>)
    %dma_start3A_87 = arith.constant 5 : i32
    %dma_start3A_88 = arith.constant 0 : i32
    %dma_start3A_89 = tpu.memref_slice %arg5[%dma_start3A_87, %dma_start3A_88] : memref<16x64xi32, #tpu.memory_space<vmem>> -> memref<1x64xi32, #tpu.memory_space<vmem>>
    %dma_start3A_90 = tpu.memref_squeeze %dma_start3A_89 : memref<1x64xi32, #tpu.memory_space<vmem>> -> memref<64xi32, #tpu.memory_space<vmem>>
    %dma_start3A_91 = arith.constant 0 : i32
    %dma_start3A_92 = arith.constant 0 : i32
    %dma_start3A_93 = tpu.memref_slice %arg2[%dma_start3A_91, %dma_start3A_92] : memref<40960x768xf32, #tpu.memory_space<hbm>> -> memref<40960x768xf32, #tpu.memory_space<hbm>>
    tpu.enqueue_indirect_dma source(%dma_start3A_93 : memref<40960x768xf32, #tpu.memory_space<hbm>>) target(%arg7 : memref<64x768xf32, #tpu.memory_space<vmem>>) offsets(%dma_start3A_90 : memref<64xi32, #tpu.memory_space<vmem>>) semaphore(%arg8 : memref<!tpu.dma_semaphore, #tpu.memory_space<semaphore_mem>>)
    %add3A_94 = arith.constant 4 : i32
    %add3A_95 = arith.addi %mul3A_2, %add3A_94 : i32
    %mul3A_96 = arith.constant 64 : i32
    %mul3A_97 = arith.muli %add3A_95, %mul3A_96 : i32
    "tpu.region"() ({
      %run_scoped3A = tpu.sem_alloc : memref<!tpu.dma_semaphore, #tpu.memory_space<semaphore_mem>>
      %dma_start3A_289 = arith.constant 0 : i32
      %dma_start3A_290 = tpu.memref_slice %arg4[%mul3A_97, %dma_start3A_289] : memref<32768x768xf32, #tpu.memory_space<hbm>> -> memref<64x768xf32, #tpu.memory_space<hbm>>
      %dma_start3A_291 = arith.constant 0 : i32
      %dma_start3A_292 = tpu.memref_slice %arg4[%mul3A_97, %dma_start3A_291] : memref<32768x768xf32, #tpu.memory_space<hbm>> -> memref<64x768xf32, #tpu.memory_space<hbm>>
      tpu.enqueue_dma source(%arg6 : memref<64x768xf32, #tpu.memory_space<vmem>>) target(%dma_start3A_292 : memref<64x768xf32, #tpu.memory_space<hbm>>) target_semaphore(%run_scoped3A : memref<!tpu.dma_semaphore, #tpu.memory_space<semaphore_mem>>)
      %dma_wait3A_293 = arith.constant 0 : i32
      %dma_wait3A_294 = tpu.memref_slice %arg4[%mul3A_97, %dma_wait3A_293] : memref<32768x768xf32, #tpu.memory_space<hbm>> -> memref<64x768xf32, #tpu.memory_space<hbm>>
      %dma_wait3A_295 = arith.constant 0 : i32
      %dma_wait3A_296 = tpu.memref_slice %arg4[%mul3A_97, %dma_wait3A_295] : memref<32768x768xf32, #tpu.memory_space<hbm>> -> memref<64x768xf32, #tpu.memory_space<hbm>>
      tpu.wait_dma2 semaphore(%run_scoped3A : memref<!tpu.dma_semaphore, #tpu.memory_space<semaphore_mem>>) src(%arg6 : memref<64x768xf32, #tpu.memory_space<vmem>>) dst(%dma_wait3A_296 : memref<64x768xf32, #tpu.memory_space<hbm>>)
      tpu.yield
    }) : () -> ()
    %dma_wait3A_98 = arith.constant 5 : i32
    %dma_wait3A_99 = arith.constant 0 : i32
    %dma_wait3A_100 = tpu.memref_slice %arg5[%dma_wait3A_98, %dma_wait3A_99] : memref<16x64xi32, #tpu.memory_space<vmem>> -> memref<1x64xi32, #tpu.memory_space<vmem>>
    %dma_wait3A_101 = tpu.memref_squeeze %dma_wait3A_100 : memref<1x64xi32, #tpu.memory_space<vmem>> -> memref<64xi32, #tpu.memory_space<vmem>>
    %dma_wait3A_102 = arith.constant 0 : i32
    %dma_wait3A_103 = arith.constant 0 : i32
    %dma_wait3A_104 = tpu.memref_slice %arg2[%dma_wait3A_102, %dma_wait3A_103] : memref<40960x768xf32, #tpu.memory_space<hbm>> -> memref<40960x768xf32, #tpu.memory_space<hbm>>
    tpu.wait_indirect_dma semaphore(%arg8 : memref<!tpu.dma_semaphore, #tpu.memory_space<semaphore_mem>>) src(%dma_wait3A_104 : memref<40960x768xf32, #tpu.memory_space<hbm>>) dst(%arg7 : memref<64x768xf32, #tpu.memory_space<vmem>>)
    %dma_start3A_105 = arith.constant 6 : i32
    %dma_start3A_106 = arith.constant 0 : i32
    %dma_start3A_107 = tpu.memref_slice %arg5[%dma_start3A_105, %dma_start3A_106] : memref<16x64xi32, #tpu.memory_space<vmem>> -> memref<1x64xi32, #tpu.memory_space<vmem>>
    %dma_start3A_108 = tpu.memref_squeeze %dma_start3A_107 : memref<1x64xi32, #tpu.memory_space<vmem>> -> memref<64xi32, #tpu.memory_space<vmem>>
    %dma_start3A_109 = arith.constant 0 : i32
    %dma_start3A_110 = arith.constant 0 : i32
    %dma_start3A_111 = tpu.memref_slice %arg2[%dma_start3A_109, %dma_start3A_110] : memref<40960x768xf32, #tpu.memory_space<hbm>> -> memref<40960x768xf32, #tpu.memory_space<hbm>>
    tpu.enqueue_indirect_dma source(%dma_start3A_111 : memref<40960x768xf32, #tpu.memory_space<hbm>>) target(%arg6 : memref<64x768xf32, #tpu.memory_space<vmem>>) offsets(%dma_start3A_108 : memref<64xi32, #tpu.memory_space<vmem>>) semaphore(%arg8 : memref<!tpu.dma_semaphore, #tpu.memory_space<semaphore_mem>>)
    %add3A_112 = arith.constant 5 : i32
    %add3A_113 = arith.addi %mul3A_2, %add3A_112 : i32
    %mul3A_114 = arith.constant 64 : i32
    %mul3A_115 = arith.muli %add3A_113, %mul3A_114 : i32
    "tpu.region"() ({
      %run_scoped3A = tpu.sem_alloc : memref<!tpu.dma_semaphore, #tpu.memory_space<semaphore_mem>>
      %dma_start3A_289 = arith.constant 0 : i32
      %dma_start3A_290 = tpu.memref_slice %arg4[%mul3A_115, %dma_start3A_289] : memref<32768x768xf32, #tpu.memory_space<hbm>> -> memref<64x768xf32, #tpu.memory_space<hbm>>
      %dma_start3A_291 = arith.constant 0 : i32
      %dma_start3A_292 = tpu.memref_slice %arg4[%mul3A_115, %dma_start3A_291] : memref<32768x768xf32, #tpu.memory_space<hbm>> -> memref<64x768xf32, #tpu.memory_space<hbm>>
      tpu.enqueue_dma source(%arg7 : memref<64x768xf32, #tpu.memory_space<vmem>>) target(%dma_start3A_292 : memref<64x768xf32, #tpu.memory_space<hbm>>) target_semaphore(%run_scoped3A : memref<!tpu.dma_semaphore, #tpu.memory_space<semaphore_mem>>)
      %dma_wait3A_293 = arith.constant 0 : i32
      %dma_wait3A_294 = tpu.memref_slice %arg4[%mul3A_115, %dma_wait3A_293] : memref<32768x768xf32, #tpu.memory_space<hbm>> -> memref<64x768xf32, #tpu.memory_space<hbm>>
      %dma_wait3A_295 = arith.constant 0 : i32
      %dma_wait3A_296 = tpu.memref_slice %arg4[%mul3A_115, %dma_wait3A_295] : memref<32768x768xf32, #tpu.memory_space<hbm>> -> memref<64x768xf32, #tpu.memory_space<hbm>>
      tpu.wait_dma2 semaphore(%run_scoped3A : memref<!tpu.dma_semaphore, #tpu.memory_space<semaphore_mem>>) src(%arg7 : memref<64x768xf32, #tpu.memory_space<vmem>>) dst(%dma_wait3A_296 : memref<64x768xf32, #tpu.memory_space<hbm>>)
      tpu.yield
    }) : () -> ()
    %dma_wait3A_116 = arith.constant 6 : i32
    %dma_wait3A_117 = arith.constant 0 : i32
    %dma_wait3A_118 = tpu.memref_slice %arg5[%dma_wait3A_116, %dma_wait3A_117] : memref<16x64xi32, #tpu.memory_space<vmem>> -> memref<1x64xi32, #tpu.memory_space<vmem>>
    %dma_wait3A_119 = tpu.memref_squeeze %dma_wait3A_118 : memref<1x64xi32, #tpu.memory_space<vmem>> -> memref<64xi32, #tpu.memory_space<vmem>>
    %dma_wait3A_120 = arith.constant 0 : i32
    %dma_wait3A_121 = arith.constant 0 : i32
    %dma_wait3A_122 = tpu.memref_slice %arg2[%dma_wait3A_120, %dma_wait3A_121] : memref<40960x768xf32, #tpu.memory_space<hbm>> -> memref<40960x768xf32, #tpu.memory_space<hbm>>
    tpu.wait_indirect_dma semaphore(%arg8 : memref<!tpu.dma_semaphore, #tpu.memory_space<semaphore_mem>>) src(%dma_wait3A_122 : memref<40960x768xf32, #tpu.memory_space<hbm>>) dst(%arg6 : memref<64x768xf32, #tpu.memory_space<vmem>>)
    %dma_start3A_123 = arith.constant 7 : i32
    %dma_start3A_124 = arith.constant 0 : i32
    %dma_start3A_125 = tpu.memref_slice %arg5[%dma_start3A_123, %dma_start3A_124] : memref<16x64xi32, #tpu.memory_space<vmem>> -> memref<1x64xi32, #tpu.memory_space<vmem>>
    %dma_start3A_126 = tpu.memref_squeeze %dma_start3A_125 : memref<1x64xi32, #tpu.memory_space<vmem>> -> memref<64xi32, #tpu.memory_space<vmem>>
    %dma_start3A_127 = arith.constant 0 : i32
    %dma_start3A_128 = arith.constant 0 : i32
    %dma_start3A_129 = tpu.memref_slice %arg2[%dma_start3A_127, %dma_start3A_128] : memref<40960x768xf32, #tpu.memory_space<hbm>> -> memref<40960x768xf32, #tpu.memory_space<hbm>>
    tpu.enqueue_indirect_dma source(%dma_start3A_129 : memref<40960x768xf32, #tpu.memory_space<hbm>>) target(%arg7 : memref<64x768xf32, #tpu.memory_space<vmem>>) offsets(%dma_start3A_126 : memref<64xi32, #tpu.memory_space<vmem>>) semaphore(%arg8 : memref<!tpu.dma_semaphore, #tpu.memory_space<semaphore_mem>>)
    %add3A_130 = arith.constant 6 : i32
    %add3A_131 = arith.addi %mul3A_2, %add3A_130 : i32
    %mul3A_132 = arith.constant 64 : i32
    %mul3A_133 = arith.muli %add3A_131, %mul3A_132 : i32
    "tpu.region"() ({
      %run_scoped3A = tpu.sem_alloc : memref<!tpu.dma_semaphore, #tpu.memory_space<semaphore_mem>>
      %dma_start3A_289 = arith.constant 0 : i32
      %dma_start3A_290 = tpu.memref_slice %arg4[%mul3A_133, %dma_start3A_289] : memref<32768x768xf32, #tpu.memory_space<hbm>> -> memref<64x768xf32, #tpu.memory_space<hbm>>
      %dma_start3A_291 = arith.constant 0 : i32
      %dma_start3A_292 = tpu.memref_slice %arg4[%mul3A_133, %dma_start3A_291] : memref<32768x768xf32, #tpu.memory_space<hbm>> -> memref<64x768xf32, #tpu.memory_space<hbm>>
      tpu.enqueue_dma source(%arg6 : memref<64x768xf32, #tpu.memory_space<vmem>>) target(%dma_start3A_292 : memref<64x768xf32, #tpu.memory_space<hbm>>) target_semaphore(%run_scoped3A : memref<!tpu.dma_semaphore, #tpu.memory_space<semaphore_mem>>)
      %dma_wait3A_293 = arith.constant 0 : i32
      %dma_wait3A_294 = tpu.memref_slice %arg4[%mul3A_133, %dma_wait3A_293] : memref<32768x768xf32, #tpu.memory_space<hbm>> -> memref<64x768xf32, #tpu.memory_space<hbm>>
      %dma_wait3A_295 = arith.constant 0 : i32
      %dma_wait3A_296 = tpu.memref_slice %arg4[%mul3A_133, %dma_wait3A_295] : memref<32768x768xf32, #tpu.memory_space<hbm>> -> memref<64x768xf32, #tpu.memory_space<hbm>>
      tpu.wait_dma2 semaphore(%run_scoped3A : memref<!tpu.dma_semaphore, #tpu.memory_space<semaphore_mem>>) src(%arg6 : memref<64x768xf32, #tpu.memory_space<vmem>>) dst(%dma_wait3A_296 : memref<64x768xf32, #tpu.memory_space<hbm>>)
      tpu.yield
    }) : () -> ()
    %dma_wait3A_134 = arith.constant 7 : i32
    %dma_wait3A_135 = arith.constant 0 : i32
    %dma_wait3A_136 = tpu.memref_slice %arg5[%dma_wait3A_134, %dma_wait3A_135] : memref<16x64xi32, #tpu.memory_space<vmem>> -> memref<1x64xi32, #tpu.memory_space<vmem>>
    %dma_wait3A_137 = tpu.memref_squeeze %dma_wait3A_136 : memref<1x64xi32, #tpu.memory_space<vmem>> -> memref<64xi32, #tpu.memory_space<vmem>>
    %dma_wait3A_138 = arith.constant 0 : i32
    %dma_wait3A_139 = arith.constant 0 : i32
    %dma_wait3A_140 = tpu.memref_slice %arg2[%dma_wait3A_138, %dma_wait3A_139] : memref<40960x768xf32, #tpu.memory_space<hbm>> -> memref<40960x768xf32, #tpu.memory_space<hbm>>
    tpu.wait_indirect_dma semaphore(%arg8 : memref<!tpu.dma_semaphore, #tpu.memory_space<semaphore_mem>>) src(%dma_wait3A_140 : memref<40960x768xf32, #tpu.memory_space<hbm>>) dst(%arg7 : memref<64x768xf32, #tpu.memory_space<vmem>>)
    %dma_start3A_141 = arith.constant 8 : i32
    %dma_start3A_142 = arith.constant 0 : i32
    %dma_start3A_143 = tpu.memref_slice %arg5[%dma_start3A_141, %dma_start3A_142] : memref<16x64xi32, #tpu.memory_space<vmem>> -> memref<1x64xi32, #tpu.memory_space<vmem>>
    %dma_start3A_144 = tpu.memref_squeeze %dma_start3A_143 : memref<1x64xi32, #tpu.memory_space<vmem>> -> memref<64xi32, #tpu.memory_space<vmem>>
    %dma_start3A_145 = arith.constant 0 : i32
    %dma_start3A_146 = arith.constant 0 : i32
    %dma_start3A_147 = tpu.memref_slice %arg2[%dma_start3A_145, %dma_start3A_146] : memref<40960x768xf32, #tpu.memory_space<hbm>> -> memref<40960x768xf32, #tpu.memory_space<hbm>>
    tpu.enqueue_indirect_dma source(%dma_start3A_147 : memref<40960x768xf32, #tpu.memory_space<hbm>>) target(%arg6 : memref<64x768xf32, #tpu.memory_space<vmem>>) offsets(%dma_start3A_144 : memref<64xi32, #tpu.memory_space<vmem>>) semaphore(%arg8 : memref<!tpu.dma_semaphore, #tpu.memory_space<semaphore_mem>>)
    %add3A_148 = arith.constant 7 : i32
    %add3A_149 = arith.addi %mul3A_2, %add3A_148 : i32
    %mul3A_150 = arith.constant 64 : i32
    %mul3A_151 = arith.muli %add3A_149, %mul3A_150 : i32
    "tpu.region"() ({
      %run_scoped3A = tpu.sem_alloc : memref<!tpu.dma_semaphore, #tpu.memory_space<semaphore_mem>>
      %dma_start3A_289 = arith.constant 0 : i32
      %dma_start3A_290 = tpu.memref_slice %arg4[%mul3A_151, %dma_start3A_289] : memref<32768x768xf32, #tpu.memory_space<hbm>> -> memref<64x768xf32, #tpu.memory_space<hbm>>
      %dma_start3A_291 = arith.constant 0 : i32
      %dma_start3A_292 = tpu.memref_slice %arg4[%mul3A_151, %dma_start3A_291] : memref<32768x768xf32, #tpu.memory_space<hbm>> -> memref<64x768xf32, #tpu.memory_space<hbm>>
      tpu.enqueue_dma source(%arg7 : memref<64x768xf32, #tpu.memory_space<vmem>>) target(%dma_start3A_292 : memref<64x768xf32, #tpu.memory_space<hbm>>) target_semaphore(%run_scoped3A : memref<!tpu.dma_semaphore, #tpu.memory_space<semaphore_mem>>)
      %dma_wait3A_293 = arith.constant 0 : i32
      %dma_wait3A_294 = tpu.memref_slice %arg4[%mul3A_151, %dma_wait3A_293] : memref<32768x768xf32, #tpu.memory_space<hbm>> -> memref<64x768xf32, #tpu.memory_space<hbm>>
      %dma_wait3A_295 = arith.constant 0 : i32
      %dma_wait3A_296 = tpu.memref_slice %arg4[%mul3A_151, %dma_wait3A_295] : memref<32768x768xf32, #tpu.memory_space<hbm>> -> memref<64x768xf32, #tpu.memory_space<hbm>>
      tpu.wait_dma2 semaphore(%run_scoped3A : memref<!tpu.dma_semaphore, #tpu.memory_space<semaphore_mem>>) src(%arg7 : memref<64x768xf32, #tpu.memory_space<vmem>>) dst(%dma_wait3A_296 : memref<64x768xf32, #tpu.memory_space<hbm>>)
      tpu.yield
    }) : () -> ()
    %dma_wait3A_152 = arith.constant 8 : i32
    %dma_wait3A_153 = arith.constant 0 : i32
    %dma_wait3A_154 = tpu.memref_slice %arg5[%dma_wait3A_152, %dma_wait3A_153] : memref<16x64xi32, #tpu.memory_space<vmem>> -> memref<1x64xi32, #tpu.memory_space<vmem>>
    %dma_wait3A_155 = tpu.memref_squeeze %dma_wait3A_154 : memref<1x64xi32, #tpu.memory_space<vmem>> -> memref<64xi32, #tpu.memory_space<vmem>>
    %dma_wait3A_156 = arith.constant 0 : i32
    %dma_wait3A_157 = arith.constant 0 : i32
    %dma_wait3A_158 = tpu.memref_slice %arg2[%dma_wait3A_156, %dma_wait3A_157] : memref<40960x768xf32, #tpu.memory_space<hbm>> -> memref<40960x768xf32, #tpu.memory_space<hbm>>
    tpu.wait_indirect_dma semaphore(%arg8 : memref<!tpu.dma_semaphore, #tpu.memory_space<semaphore_mem>>) src(%dma_wait3A_158 : memref<40960x768xf32, #tpu.memory_space<hbm>>) dst(%arg6 : memref<64x768xf32, #tpu.memory_space<vmem>>)
    %dma_start3A_159 = arith.constant 9 : i32
    %dma_start3A_160 = arith.constant 0 : i32
    %dma_start3A_161 = tpu.memref_slice %arg5[%dma_start3A_159, %dma_start3A_160] : memref<16x64xi32, #tpu.memory_space<vmem>> -> memref<1x64xi32, #tpu.memory_space<vmem>>
    %dma_start3A_162 = tpu.memref_squeeze %dma_start3A_161 : memref<1x64xi32, #tpu.memory_space<vmem>> -> memref<64xi32, #tpu.memory_space<vmem>>
    %dma_start3A_163 = arith.constant 0 : i32
    %dma_start3A_164 = arith.constant 0 : i32
    %dma_start3A_165 = tpu.memref_slice %arg2[%dma_start3A_163, %dma_start3A_164] : memref<40960x768xf32, #tpu.memory_space<hbm>> -> memref<40960x768xf32, #tpu.memory_space<hbm>>
    tpu.enqueue_indirect_dma source(%dma_start3A_165 : memref<40960x768xf32, #tpu.memory_space<hbm>>) target(%arg7 : memref<64x768xf32, #tpu.memory_space<vmem>>) offsets(%dma_start3A_162 : memref<64xi32, #tpu.memory_space<vmem>>) semaphore(%arg8 : memref<!tpu.dma_semaphore, #tpu.memory_space<semaphore_mem>>)
    %add3A_166 = arith.constant 8 : i32
    %add3A_167 = arith.addi %mul3A_2, %add3A_166 : i32
    %mul3A_168 = arith.constant 64 : i32
    %mul3A_169 = arith.muli %add3A_167, %mul3A_168 : i32
    "tpu.region"() ({
      %run_scoped3A = tpu.sem_alloc : memref<!tpu.dma_semaphore, #tpu.memory_space<semaphore_mem>>
      %dma_start3A_289 = arith.constant 0 : i32
      %dma_start3A_290 = tpu.memref_slice %arg4[%mul3A_169, %dma_start3A_289] : memref<32768x768xf32, #tpu.memory_space<hbm>> -> memref<64x768xf32, #tpu.memory_space<hbm>>
      %dma_start3A_291 = arith.constant 0 : i32
      %dma_start3A_292 = tpu.memref_slice %arg4[%mul3A_169, %dma_start3A_291] : memref<32768x768xf32, #tpu.memory_space<hbm>> -> memref<64x768xf32, #tpu.memory_space<hbm>>
      tpu.enqueue_dma source(%arg6 : memref<64x768xf32, #tpu.memory_space<vmem>>) target(%dma_start3A_292 : memref<64x768xf32, #tpu.memory_space<hbm>>) target_semaphore(%run_scoped3A : memref<!tpu.dma_semaphore, #tpu.memory_space<semaphore_mem>>)
      %dma_wait3A_293 = arith.constant 0 : i32
      %dma_wait3A_294 = tpu.memref_slice %arg4[%mul3A_169, %dma_wait3A_293] : memref<32768x768xf32, #tpu.memory_space<hbm>> -> memref<64x768xf32, #tpu.memory_space<hbm>>
      %dma_wait3A_295 = arith.constant 0 : i32
      %dma_wait3A_296 = tpu.memref_slice %arg4[%mul3A_169, %dma_wait3A_295] : memref<32768x768xf32, #tpu.memory_space<hbm>> -> memref<64x768xf32, #tpu.memory_space<hbm>>
      tpu.wait_dma2 semaphore(%run_scoped3A : memref<!tpu.dma_semaphore, #tpu.memory_space<semaphore_mem>>) src(%arg6 : memref<64x768xf32, #tpu.memory_space<vmem>>) dst(%dma_wait3A_296 : memref<64x768xf32, #tpu.memory_space<hbm>>)
      tpu.yield
    }) : () -> ()
    %dma_wait3A_170 = arith.constant 9 : i32
    %dma_wait3A_171 = arith.constant 0 : i32
    %dma_wait3A_172 = tpu.memref_slice %arg5[%dma_wait3A_170, %dma_wait3A_171] : memref<16x64xi32, #tpu.memory_space<vmem>> -> memref<1x64xi32, #tpu.memory_space<vmem>>
    %dma_wait3A_173 = tpu.memref_squeeze %dma_wait3A_172 : memref<1x64xi32, #tpu.memory_space<vmem>> -> memref<64xi32, #tpu.memory_space<vmem>>
    %dma_wait3A_174 = arith.constant 0 : i32
    %dma_wait3A_175 = arith.constant 0 : i32
    %dma_wait3A_176 = tpu.memref_slice %arg2[%dma_wait3A_174, %dma_wait3A_175] : memref<40960x768xf32, #tpu.memory_space<hbm>> -> memref<40960x768xf32, #tpu.memory_space<hbm>>
    tpu.wait_indirect_dma semaphore(%arg8 : memref<!tpu.dma_semaphore, #tpu.memory_space<semaphore_mem>>) src(%dma_wait3A_176 : memref<40960x768xf32, #tpu.memory_space<hbm>>) dst(%arg7 : memref<64x768xf32, #tpu.memory_space<vmem>>)
    %dma_start3A_177 = arith.constant 10 : i32
    %dma_start3A_178 = arith.constant 0 : i32
    %dma_start3A_179 = tpu.memref_slice %arg5[%dma_start3A_177, %dma_start3A_178] : memref<16x64xi32, #tpu.memory_space<vmem>> -> memref<1x64xi32, #tpu.memory_space<vmem>>
    %dma_start3A_180 = tpu.memref_squeeze %dma_start3A_179 : memref<1x64xi32, #tpu.memory_space<vmem>> -> memref<64xi32, #tpu.memory_space<vmem>>
    %dma_start3A_181 = arith.constant 0 : i32
    %dma_start3A_182 = arith.constant 0 : i32
    %dma_start3A_183 = tpu.memref_slice %arg2[%dma_start3A_181, %dma_start3A_182] : memref<40960x768xf32, #tpu.memory_space<hbm>> -> memref<40960x768xf32, #tpu.memory_space<hbm>>
    tpu.enqueue_indirect_dma source(%dma_start3A_183 : memref<40960x768xf32, #tpu.memory_space<hbm>>) target(%arg6 : memref<64x768xf32, #tpu.memory_space<vmem>>) offsets(%dma_start3A_180 : memref<64xi32, #tpu.memory_space<vmem>>) semaphore(%arg8 : memref<!tpu.dma_semaphore, #tpu.memory_space<semaphore_mem>>)
    %add3A_184 = arith.constant 9 : i32
    %add3A_185 = arith.addi %mul3A_2, %add3A_184 : i32
    %mul3A_186 = arith.constant 64 : i32
    %mul3A_187 = arith.muli %add3A_185, %mul3A_186 : i32
    "tpu.region"() ({
      %run_scoped3A = tpu.sem_alloc : memref<!tpu.dma_semaphore, #tpu.memory_space<semaphore_mem>>
      %dma_start3A_289 = arith.constant 0 : i32
      %dma_start3A_290 = tpu.memref_slice %arg4[%mul3A_187, %dma_start3A_289] : memref<32768x768xf32, #tpu.memory_space<hbm>> -> memref<64x768xf32, #tpu.memory_space<hbm>>
      %dma_start3A_291 = arith.constant 0 : i32
      %dma_start3A_292 = tpu.memref_slice %arg4[%mul3A_187, %dma_start3A_291] : memref<32768x768xf32, #tpu.memory_space<hbm>> -> memref<64x768xf32, #tpu.memory_space<hbm>>
      tpu.enqueue_dma source(%arg7 : memref<64x768xf32, #tpu.memory_space<vmem>>) target(%dma_start3A_292 : memref<64x768xf32, #tpu.memory_space<hbm>>) target_semaphore(%run_scoped3A : memref<!tpu.dma_semaphore, #tpu.memory_space<semaphore_mem>>)
      %dma_wait3A_293 = arith.constant 0 : i32
      %dma_wait3A_294 = tpu.memref_slice %arg4[%mul3A_187, %dma_wait3A_293] : memref<32768x768xf32, #tpu.memory_space<hbm>> -> memref<64x768xf32, #tpu.memory_space<hbm>>
      %dma_wait3A_295 = arith.constant 0 : i32
      %dma_wait3A_296 = tpu.memref_slice %arg4[%mul3A_187, %dma_wait3A_295] : memref<32768x768xf32, #tpu.memory_space<hbm>> -> memref<64x768xf32, #tpu.memory_space<hbm>>
      tpu.wait_dma2 semaphore(%run_scoped3A : memref<!tpu.dma_semaphore, #tpu.memory_space<semaphore_mem>>) src(%arg7 : memref<64x768xf32, #tpu.memory_space<vmem>>) dst(%dma_wait3A_296 : memref<64x768xf32, #tpu.memory_space<hbm>>)
      tpu.yield
    }) : () -> ()
    %dma_wait3A_188 = arith.constant 10 : i32
    %dma_wait3A_189 = arith.constant 0 : i32
    %dma_wait3A_190 = tpu.memref_slice %arg5[%dma_wait3A_188, %dma_wait3A_189] : memref<16x64xi32, #tpu.memory_space<vmem>> -> memref<1x64xi32, #tpu.memory_space<vmem>>
    %dma_wait3A_191 = tpu.memref_squeeze %dma_wait3A_190 : memref<1x64xi32, #tpu.memory_space<vmem>> -> memref<64xi32, #tpu.memory_space<vmem>>
    %dma_wait3A_192 = arith.constant 0 : i32
    %dma_wait3A_193 = arith.constant 0 : i32
    %dma_wait3A_194 = tpu.memref_slice %arg2[%dma_wait3A_192, %dma_wait3A_193] : memref<40960x768xf32, #tpu.memory_space<hbm>> -> memref<40960x768xf32, #tpu.memory_space<hbm>>
    tpu.wait_indirect_dma semaphore(%arg8 : memref<!tpu.dma_semaphore, #tpu.memory_space<semaphore_mem>>) src(%dma_wait3A_194 : memref<40960x768xf32, #tpu.memory_space<hbm>>) dst(%arg6 : memref<64x768xf32, #tpu.memory_space<vmem>>)
    %dma_start3A_195 = arith.constant 11 : i32
    %dma_start3A_196 = arith.constant 0 : i32
    %dma_start3A_197 = tpu.memref_slice %arg5[%dma_start3A_195, %dma_start3A_196] : memref<16x64xi32, #tpu.memory_space<vmem>> -> memref<1x64xi32, #tpu.memory_space<vmem>>
    %dma_start3A_198 = tpu.memref_squeeze %dma_start3A_197 : memref<1x64xi32, #tpu.memory_space<vmem>> -> memref<64xi32, #tpu.memory_space<vmem>>
    %dma_start3A_199 = arith.constant 0 : i32
    %dma_start3A_200 = arith.constant 0 : i32
    %dma_start3A_201 = tpu.memref_slice %arg2[%dma_start3A_199, %dma_start3A_200] : memref<40960x768xf32, #tpu.memory_space<hbm>> -> memref<40960x768xf32, #tpu.memory_space<hbm>>
    tpu.enqueue_indirect_dma source(%dma_start3A_201 : memref<40960x768xf32, #tpu.memory_space<hbm>>) target(%arg7 : memref<64x768xf32, #tpu.memory_space<vmem>>) offsets(%dma_start3A_198 : memref<64xi32, #tpu.memory_space<vmem>>) semaphore(%arg8 : memref<!tpu.dma_semaphore, #tpu.memory_space<semaphore_mem>>)
    %add3A_202 = arith.constant 10 : i32
    %add3A_203 = arith.addi %mul3A_2, %add3A_202 : i32
    %mul3A_204 = arith.constant 64 : i32
    %mul3A_205 = arith.muli %add3A_203, %mul3A_204 : i32
    "tpu.region"() ({
      %run_scoped3A = tpu.sem_alloc : memref<!tpu.dma_semaphore, #tpu.memory_space<semaphore_mem>>
      %dma_start3A_289 = arith.constant 0 : i32
      %dma_start3A_290 = tpu.memref_slice %arg4[%mul3A_205, %dma_start3A_289] : memref<32768x768xf32, #tpu.memory_space<hbm>> -> memref<64x768xf32, #tpu.memory_space<hbm>>
      %dma_start3A_291 = arith.constant 0 : i32
      %dma_start3A_292 = tpu.memref_slice %arg4[%mul3A_205, %dma_start3A_291] : memref<32768x768xf32, #tpu.memory_space<hbm>> -> memref<64x768xf32, #tpu.memory_space<hbm>>
      tpu.enqueue_dma source(%arg6 : memref<64x768xf32, #tpu.memory_space<vmem>>) target(%dma_start3A_292 : memref<64x768xf32, #tpu.memory_space<hbm>>) target_semaphore(%run_scoped3A : memref<!tpu.dma_semaphore, #tpu.memory_space<semaphore_mem>>)
      %dma_wait3A_293 = arith.constant 0 : i32
      %dma_wait3A_294 = tpu.memref_slice %arg4[%mul3A_205, %dma_wait3A_293] : memref<32768x768xf32, #tpu.memory_space<hbm>> -> memref<64x768xf32, #tpu.memory_space<hbm>>
      %dma_wait3A_295 = arith.constant 0 : i32
      %dma_wait3A_296 = tpu.memref_slice %arg4[%mul3A_205, %dma_wait3A_295] : memref<32768x768xf32, #tpu.memory_space<hbm>> -> memref<64x768xf32, #tpu.memory_space<hbm>>
      tpu.wait_dma2 semaphore(%run_scoped3A : memref<!tpu.dma_semaphore, #tpu.memory_space<semaphore_mem>>) src(%arg6 : memref<64x768xf32, #tpu.memory_space<vmem>>) dst(%dma_wait3A_296 : memref<64x768xf32, #tpu.memory_space<hbm>>)
      tpu.yield
    }) : () -> ()
    %dma_wait3A_206 = arith.constant 11 : i32
    %dma_wait3A_207 = arith.constant 0 : i32
    %dma_wait3A_208 = tpu.memref_slice %arg5[%dma_wait3A_206, %dma_wait3A_207] : memref<16x64xi32, #tpu.memory_space<vmem>> -> memref<1x64xi32, #tpu.memory_space<vmem>>
    %dma_wait3A_209 = tpu.memref_squeeze %dma_wait3A_208 : memref<1x64xi32, #tpu.memory_space<vmem>> -> memref<64xi32, #tpu.memory_space<vmem>>
    %dma_wait3A_210 = arith.constant 0 : i32
    %dma_wait3A_211 = arith.constant 0 : i32
    %dma_wait3A_212 = tpu.memref_slice %arg2[%dma_wait3A_210, %dma_wait3A_211] : memref<40960x768xf32, #tpu.memory_space<hbm>> -> memref<40960x768xf32, #tpu.memory_space<hbm>>
    tpu.wait_indirect_dma semaphore(%arg8 : memref<!tpu.dma_semaphore, #tpu.memory_space<semaphore_mem>>) src(%dma_wait3A_212 : memref<40960x768xf32, #tpu.memory_space<hbm>>) dst(%arg7 : memref<64x768xf32, #tpu.memory_space<vmem>>)
    %dma_start3A_213 = arith.constant 12 : i32
    %dma_start3A_214 = arith.constant 0 : i32
    %dma_start3A_215 = tpu.memref_slice %arg5[%dma_start3A_213, %dma_start3A_214] : memref<16x64xi32, #tpu.memory_space<vmem>> -> memref<1x64xi32, #tpu.memory_space<vmem>>
    %dma_start3A_216 = tpu.memref_squeeze %dma_start3A_215 : memref<1x64xi32, #tpu.memory_space<vmem>> -> memref<64xi32, #tpu.memory_space<vmem>>
    %dma_start3A_217 = arith.constant 0 : i32
    %dma_start3A_218 = arith.constant 0 : i32
    %dma_start3A_219 = tpu.memref_slice %arg2[%dma_start3A_217, %dma_start3A_218] : memref<40960x768xf32, #tpu.memory_space<hbm>> -> memref<40960x768xf32, #tpu.memory_space<hbm>>
    tpu.enqueue_indirect_dma source(%dma_start3A_219 : memref<40960x768xf32, #tpu.memory_space<hbm>>) target(%arg6 : memref<64x768xf32, #tpu.memory_space<vmem>>) offsets(%dma_start3A_216 : memref<64xi32, #tpu.memory_space<vmem>>) semaphore(%arg8 : memref<!tpu.dma_semaphore, #tpu.memory_space<semaphore_mem>>)
    %add3A_220 = arith.constant 11 : i32
    %add3A_221 = arith.addi %mul3A_2, %add3A_220 : i32
    %mul3A_222 = arith.constant 64 : i32
    %mul3A_223 = arith.muli %add3A_221, %mul3A_222 : i32
    "tpu.region"() ({
      %run_scoped3A = tpu.sem_alloc : memref<!tpu.dma_semaphore, #tpu.memory_space<semaphore_mem>>
      %dma_start3A_289 = arith.constant 0 : i32
      %dma_start3A_290 = tpu.memref_slice %arg4[%mul3A_223, %dma_start3A_289] : memref<32768x768xf32, #tpu.memory_space<hbm>> -> memref<64x768xf32, #tpu.memory_space<hbm>>
      %dma_start3A_291 = arith.constant 0 : i32
      %dma_start3A_292 = tpu.memref_slice %arg4[%mul3A_223, %dma_start3A_291] : memref<32768x768xf32, #tpu.memory_space<hbm>> -> memref<64x768xf32, #tpu.memory_space<hbm>>
      tpu.enqueue_dma source(%arg7 : memref<64x768xf32, #tpu.memory_space<vmem>>) target(%dma_start3A_292 : memref<64x768xf32, #tpu.memory_space<hbm>>) target_semaphore(%run_scoped3A : memref<!tpu.dma_semaphore, #tpu.memory_space<semaphore_mem>>)
      %dma_wait3A_293 = arith.constant 0 : i32
      %dma_wait3A_294 = tpu.memref_slice %arg4[%mul3A_223, %dma_wait3A_293] : memref<32768x768xf32, #tpu.memory_space<hbm>> -> memref<64x768xf32, #tpu.memory_space<hbm>>
      %dma_wait3A_295 = arith.constant 0 : i32
      %dma_wait3A_296 = tpu.memref_slice %arg4[%mul3A_223, %dma_wait3A_295] : memref<32768x768xf32, #tpu.memory_space<hbm>> -> memref<64x768xf32, #tpu.memory_space<hbm>>
      tpu.wait_dma2 semaphore(%run_scoped3A : memref<!tpu.dma_semaphore, #tpu.memory_space<semaphore_mem>>) src(%arg7 : memref<64x768xf32, #tpu.memory_space<vmem>>) dst(%dma_wait3A_296 : memref<64x768xf32, #tpu.memory_space<hbm>>)
      tpu.yield
    }) : () -> ()
    %dma_wait3A_224 = arith.constant 12 : i32
    %dma_wait3A_225 = arith.constant 0 : i32
    %dma_wait3A_226 = tpu.memref_slice %arg5[%dma_wait3A_224, %dma_wait3A_225] : memref<16x64xi32, #tpu.memory_space<vmem>> -> memref<1x64xi32, #tpu.memory_space<vmem>>
    %dma_wait3A_227 = tpu.memref_squeeze %dma_wait3A_226 : memref<1x64xi32, #tpu.memory_space<vmem>> -> memref<64xi32, #tpu.memory_space<vmem>>
    %dma_wait3A_228 = arith.constant 0 : i32
    %dma_wait3A_229 = arith.constant 0 : i32
    %dma_wait3A_230 = tpu.memref_slice %arg2[%dma_wait3A_228, %dma_wait3A_229] : memref<40960x768xf32, #tpu.memory_space<hbm>> -> memref<40960x768xf32, #tpu.memory_space<hbm>>
    tpu.wait_indirect_dma semaphore(%arg8 : memref<!tpu.dma_semaphore, #tpu.memory_space<semaphore_mem>>) src(%dma_wait3A_230 : memref<40960x768xf32, #tpu.memory_space<hbm>>) dst(%arg6 : memref<64x768xf32, #tpu.memory_space<vmem>>)
    %dma_start3A_231 = arith.constant 13 : i32
    %dma_start3A_232 = arith.constant 0 : i32
    %dma_start3A_233 = tpu.memref_slice %arg5[%dma_start3A_231, %dma_start3A_232] : memref<16x64xi32, #tpu.memory_space<vmem>> -> memref<1x64xi32, #tpu.memory_space<vmem>>
    %dma_start3A_234 = tpu.memref_squeeze %dma_start3A_233 : memref<1x64xi32, #tpu.memory_space<vmem>> -> memref<64xi32, #tpu.memory_space<vmem>>
    %dma_start3A_235 = arith.constant 0 : i32
    %dma_start3A_236 = arith.constant 0 : i32
    %dma_start3A_237 = tpu.memref_slice %arg2[%dma_start3A_235, %dma_start3A_236] : memref<40960x768xf32, #tpu.memory_space<hbm>> -> memref<40960x768xf32, #tpu.memory_space<hbm>>
    tpu.enqueue_indirect_dma source(%dma_start3A_237 : memref<40960x768xf32, #tpu.memory_space<hbm>>) target(%arg7 : memref<64x768xf32, #tpu.memory_space<vmem>>) offsets(%dma_start3A_234 : memref<64xi32, #tpu.memory_space<vmem>>) semaphore(%arg8 : memref<!tpu.dma_semaphore, #tpu.memory_space<semaphore_mem>>)
    %add3A_238 = arith.constant 12 : i32
    %add3A_239 = arith.addi %mul3A_2, %add3A_238 : i32
    %mul3A_240 = arith.constant 64 : i32
    %mul3A_241 = arith.muli %add3A_239, %mul3A_240 : i32
    "tpu.region"() ({
      %run_scoped3A = tpu.sem_alloc : memref<!tpu.dma_semaphore, #tpu.memory_space<semaphore_mem>>
      %dma_start3A_289 = arith.constant 0 : i32
      %dma_start3A_290 = tpu.memref_slice %arg4[%mul3A_241, %dma_start3A_289] : memref<32768x768xf32, #tpu.memory_space<hbm>> -> memref<64x768xf32, #tpu.memory_space<hbm>>
      %dma_start3A_291 = arith.constant 0 : i32
      %dma_start3A_292 = tpu.memref_slice %arg4[%mul3A_241, %dma_start3A_291] : memref<32768x768xf32, #tpu.memory_space<hbm>> -> memref<64x768xf32, #tpu.memory_space<hbm>>
      tpu.enqueue_dma source(%arg6 : memref<64x768xf32, #tpu.memory_space<vmem>>) target(%dma_start3A_292 : memref<64x768xf32, #tpu.memory_space<hbm>>) target_semaphore(%run_scoped3A : memref<!tpu.dma_semaphore, #tpu.memory_space<semaphore_mem>>)
      %dma_wait3A_293 = arith.constant 0 : i32
      %dma_wait3A_294 = tpu.memref_slice %arg4[%mul3A_241, %dma_wait3A_293] : memref<32768x768xf32, #tpu.memory_space<hbm>> -> memref<64x768xf32, #tpu.memory_space<hbm>>
      %dma_wait3A_295 = arith.constant 0 : i32
      %dma_wait3A_296 = tpu.memref_slice %arg4[%mul3A_241, %dma_wait3A_295] : memref<32768x768xf32, #tpu.memory_space<hbm>> -> memref<64x768xf32, #tpu.memory_space<hbm>>
      tpu.wait_dma2 semaphore(%run_scoped3A : memref<!tpu.dma_semaphore, #tpu.memory_space<semaphore_mem>>) src(%arg6 : memref<64x768xf32, #tpu.memory_space<vmem>>) dst(%dma_wait3A_296 : memref<64x768xf32, #tpu.memory_space<hbm>>)
      tpu.yield
    }) : () -> ()
    %dma_wait3A_242 = arith.constant 13 : i32
    %dma_wait3A_243 = arith.constant 0 : i32
    %dma_wait3A_244 = tpu.memref_slice %arg5[%dma_wait3A_242, %dma_wait3A_243] : memref<16x64xi32, #tpu.memory_space<vmem>> -> memref<1x64xi32, #tpu.memory_space<vmem>>
    %dma_wait3A_245 = tpu.memref_squeeze %dma_wait3A_244 : memref<1x64xi32, #tpu.memory_space<vmem>> -> memref<64xi32, #tpu.memory_space<vmem>>
    %dma_wait3A_246 = arith.constant 0 : i32
    %dma_wait3A_247 = arith.constant 0 : i32
    %dma_wait3A_248 = tpu.memref_slice %arg2[%dma_wait3A_246, %dma_wait3A_247] : memref<40960x768xf32, #tpu.memory_space<hbm>> -> memref<40960x768xf32, #tpu.memory_space<hbm>>
    tpu.wait_indirect_dma semaphore(%arg8 : memref<!tpu.dma_semaphore, #tpu.memory_space<semaphore_mem>>) src(%dma_wait3A_248 : memref<40960x768xf32, #tpu.memory_space<hbm>>) dst(%arg7 : memref<64x768xf32, #tpu.memory_space<vmem>>)
    %dma_start3A_249 = arith.constant 14 : i32
    %dma_start3A_250 = arith.constant 0 : i32
    %dma_start3A_251 = tpu.memref_slice %arg5[%dma_start3A_249, %dma_start3A_250] : memref<16x64xi32, #tpu.memory_space<vmem>> -> memref<1x64xi32, #tpu.memory_space<vmem>>
    %dma_start3A_252 = tpu.memref_squeeze %dma_start3A_251 : memref<1x64xi32, #tpu.memory_space<vmem>> -> memref<64xi32, #tpu.memory_space<vmem>>
    %dma_start3A_253 = arith.constant 0 : i32
    %dma_start3A_254 = arith.constant 0 : i32
    %dma_start3A_255 = tpu.memref_slice %arg2[%dma_start3A_253, %dma_start3A_254] : memref<40960x768xf32, #tpu.memory_space<hbm>> -> memref<40960x768xf32, #tpu.memory_space<hbm>>
    tpu.enqueue_indirect_dma source(%dma_start3A_255 : memref<40960x768xf32, #tpu.memory_space<hbm>>) target(%arg6 : memref<64x768xf32, #tpu.memory_space<vmem>>) offsets(%dma_start3A_252 : memref<64xi32, #tpu.memory_space<vmem>>) semaphore(%arg8 : memref<!tpu.dma_semaphore, #tpu.memory_space<semaphore_mem>>)
    %add3A_256 = arith.constant 13 : i32
    %add3A_257 = arith.addi %mul3A_2, %add3A_256 : i32
    %mul3A_258 = arith.constant 64 : i32
    %mul3A_259 = arith.muli %add3A_257, %mul3A_258 : i32
    "tpu.region"() ({
      %run_scoped3A = tpu.sem_alloc : memref<!tpu.dma_semaphore, #tpu.memory_space<semaphore_mem>>
      %dma_start3A_289 = arith.constant 0 : i32
      %dma_start3A_290 = tpu.memref_slice %arg4[%mul3A_259, %dma_start3A_289] : memref<32768x768xf32, #tpu.memory_space<hbm>> -> memref<64x768xf32, #tpu.memory_space<hbm>>
      %dma_start3A_291 = arith.constant 0 : i32
      %dma_start3A_292 = tpu.memref_slice %arg4[%mul3A_259, %dma_start3A_291] : memref<32768x768xf32, #tpu.memory_space<hbm>> -> memref<64x768xf32, #tpu.memory_space<hbm>>
      tpu.enqueue_dma source(%arg7 : memref<64x768xf32, #tpu.memory_space<vmem>>) target(%dma_start3A_292 : memref<64x768xf32, #tpu.memory_space<hbm>>) target_semaphore(%run_scoped3A : memref<!tpu.dma_semaphore, #tpu.memory_space<semaphore_mem>>)
      %dma_wait3A_293 = arith.constant 0 : i32
      %dma_wait3A_294 = tpu.memref_slice %arg4[%mul3A_259, %dma_wait3A_293] : memref<32768x768xf32, #tpu.memory_space<hbm>> -> memref<64x768xf32, #tpu.memory_space<hbm>>
      %dma_wait3A_295 = arith.constant 0 : i32
      %dma_wait3A_296 = tpu.memref_slice %arg4[%mul3A_259, %dma_wait3A_295] : memref<32768x768xf32, #tpu.memory_space<hbm>> -> memref<64x768xf32, #tpu.memory_space<hbm>>
      tpu.wait_dma2 semaphore(%run_scoped3A : memref<!tpu.dma_semaphore, #tpu.memory_space<semaphore_mem>>) src(%arg7 : memref<64x768xf32, #tpu.memory_space<vmem>>) dst(%dma_wait3A_296 : memref<64x768xf32, #tpu.memory_space<hbm>>)
      tpu.yield
    }) : () -> ()
    %dma_wait3A_260 = arith.constant 14 : i32
    %dma_wait3A_261 = arith.constant 0 : i32
    %dma_wait3A_262 = tpu.memref_slice %arg5[%dma_wait3A_260, %dma_wait3A_261] : memref<16x64xi32, #tpu.memory_space<vmem>> -> memref<1x64xi32, #tpu.memory_space<vmem>>
    %dma_wait3A_263 = tpu.memref_squeeze %dma_wait3A_262 : memref<1x64xi32, #tpu.memory_space<vmem>> -> memref<64xi32, #tpu.memory_space<vmem>>
    %dma_wait3A_264 = arith.constant 0 : i32
    %dma_wait3A_265 = arith.constant 0 : i32
    %dma_wait3A_266 = tpu.memref_slice %arg2[%dma_wait3A_264, %dma_wait3A_265] : memref<40960x768xf32, #tpu.memory_space<hbm>> -> memref<40960x768xf32, #tpu.memory_space<hbm>>
    tpu.wait_indirect_dma semaphore(%arg8 : memref<!tpu.dma_semaphore, #tpu.memory_space<semaphore_mem>>) src(%dma_wait3A_266 : memref<40960x768xf32, #tpu.memory_space<hbm>>) dst(%arg6 : memref<64x768xf32, #tpu.memory_space<vmem>>)
    %dma_start3A_267 = arith.constant 15 : i32
    %dma_start3A_268 = arith.constant 0 : i32
    %dma_start3A_269 = tpu.memref_slice %arg5[%dma_start3A_267, %dma_start3A_268] : memref<16x64xi32, #tpu.memory_space<vmem>> -> memref<1x64xi32, #tpu.memory_space<vmem>>
    %dma_start3A_270 = tpu.memref_squeeze %dma_start3A_269 : memref<1x64xi32, #tpu.memory_space<vmem>> -> memref<64xi32, #tpu.memory_space<vmem>>
    %dma_start3A_271 = arith.constant 0 : i32
    %dma_start3A_272 = arith.constant 0 : i32
    %dma_start3A_273 = tpu.memref_slice %arg2[%dma_start3A_271, %dma_start3A_272] : memref<40960x768xf32, #tpu.memory_space<hbm>> -> memref<40960x768xf32, #tpu.memory_space<hbm>>
    tpu.enqueue_indirect_dma source(%dma_start3A_273 : memref<40960x768xf32, #tpu.memory_space<hbm>>) target(%arg7 : memref<64x768xf32, #tpu.memory_space<vmem>>) offsets(%dma_start3A_270 : memref<64xi32, #tpu.memory_space<vmem>>) semaphore(%arg8 : memref<!tpu.dma_semaphore, #tpu.memory_space<semaphore_mem>>)
    %add3A_274 = arith.constant 14 : i32
    %add3A_275 = arith.addi %mul3A_2, %add3A_274 : i32
    %mul3A_276 = arith.constant 64 : i32
    %mul3A_277 = arith.muli %add3A_275, %mul3A_276 : i32
    "tpu.region"() ({
      %run_scoped3A = tpu.sem_alloc : memref<!tpu.dma_semaphore, #tpu.memory_space<semaphore_mem>>
      %dma_start3A_289 = arith.constant 0 : i32
      %dma_start3A_290 = tpu.memref_slice %arg4[%mul3A_277, %dma_start3A_289] : memref<32768x768xf32, #tpu.memory_space<hbm>> -> memref<64x768xf32, #tpu.memory_space<hbm>>
      %dma_start3A_291 = arith.constant 0 : i32
      %dma_start3A_292 = tpu.memref_slice %arg4[%mul3A_277, %dma_start3A_291] : memref<32768x768xf32, #tpu.memory_space<hbm>> -> memref<64x768xf32, #tpu.memory_space<hbm>>
      tpu.enqueue_dma source(%arg6 : memref<64x768xf32, #tpu.memory_space<vmem>>) target(%dma_start3A_292 : memref<64x768xf32, #tpu.memory_space<hbm>>) target_semaphore(%run_scoped3A : memref<!tpu.dma_semaphore, #tpu.memory_space<semaphore_mem>>)
      %dma_wait3A_293 = arith.constant 0 : i32
      %dma_wait3A_294 = tpu.memref_slice %arg4[%mul3A_277, %dma_wait3A_293] : memref<32768x768xf32, #tpu.memory_space<hbm>> -> memref<64x768xf32, #tpu.memory_space<hbm>>
      %dma_wait3A_295 = arith.constant 0 : i32
      %dma_wait3A_296 = tpu.memref_slice %arg4[%mul3A_277, %dma_wait3A_295] : memref<32768x768xf32, #tpu.memory_space<hbm>> -> memref<64x768xf32, #tpu.memory_space<hbm>>
      tpu.wait_dma2 semaphore(%run_scoped3A : memref<!tpu.dma_semaphore, #tpu.memory_space<semaphore_mem>>) src(%arg6 : memref<64x768xf32, #tpu.memory_space<vmem>>) dst(%dma_wait3A_296 : memref<64x768xf32, #tpu.memory_space<hbm>>)
      tpu.yield
    }) : () -> ()
    %dma_wait3A_278 = arith.constant 15 : i32
    %dma_wait3A_279 = arith.constant 0 : i32
    %dma_wait3A_280 = tpu.memref_slice %arg5[%dma_wait3A_278, %dma_wait3A_279] : memref<16x64xi32, #tpu.memory_space<vmem>> -> memref<1x64xi32, #tpu.memory_space<vmem>>
    %dma_wait3A_281 = tpu.memref_squeeze %dma_wait3A_280 : memref<1x64xi32, #tpu.memory_space<vmem>> -> memref<64xi32, #tpu.memory_space<vmem>>
    %dma_wait3A_282 = arith.constant 0 : i32
    %dma_wait3A_283 = arith.constant 0 : i32
    %dma_wait3A_284 = tpu.memref_slice %arg2[%dma_wait3A_282, %dma_wait3A_283] : memref<40960x768xf32, #tpu.memory_space<hbm>> -> memref<40960x768xf32, #tpu.memory_space<hbm>>
    tpu.wait_indirect_dma semaphore(%arg8 : memref<!tpu.dma_semaphore, #tpu.memory_space<semaphore_mem>>) src(%dma_wait3A_284 : memref<40960x768xf32, #tpu.memory_space<hbm>>) dst(%arg7 : memref<64x768xf32, #tpu.memory_space<vmem>>)
    %add3A_285 = arith.constant 15 : i32
    %add3A_286 = arith.addi %mul3A_2, %add3A_285 : i32
    %mul3A_287 = arith.constant 64 : i32
    %mul3A_288 = arith.muli %add3A_286, %mul3A_287 : i32
    "tpu.region"() ({
      %run_scoped3A = tpu.sem_alloc : memref<!tpu.dma_semaphore, #tpu.memory_space<semaphore_mem>>
      %dma_start3A_289 = arith.constant 0 : i32
      %dma_start3A_290 = tpu.memref_slice %arg4[%mul3A_288, %dma_start3A_289] : memref<32768x768xf32, #tpu.memory_space<hbm>> -> memref<64x768xf32, #tpu.memory_space<hbm>>
      %dma_start3A_291 = arith.constant 0 : i32
      %dma_start3A_292 = tpu.memref_slice %arg4[%mul3A_288, %dma_start3A_291] : memref<32768x768xf32, #tpu.memory_space<hbm>> -> memref<64x768xf32, #tpu.memory_space<hbm>>
      tpu.enqueue_dma source(%arg7 : memref<64x768xf32, #tpu.memory_space<vmem>>) target(%dma_start3A_292 : memref<64x768xf32, #tpu.memory_space<hbm>>) target_semaphore(%run_scoped3A : memref<!tpu.dma_semaphore, #tpu.memory_space<semaphore_mem>>)
      %dma_wait3A_293 = arith.constant 0 : i32
      %dma_wait3A_294 = tpu.memref_slice %arg4[%mul3A_288, %dma_wait3A_293] : memref<32768x768xf32, #tpu.memory_space<hbm>> -> memref<64x768xf32, #tpu.memory_space<hbm>>
      %dma_wait3A_295 = arith.constant 0 : i32
      %dma_wait3A_296 = tpu.memref_slice %arg4[%mul3A_288, %dma_wait3A_295] : memref<32768x768xf32, #tpu.memory_space<hbm>> -> memref<64x768xf32, #tpu.memory_space<hbm>>
      tpu.wait_dma2 semaphore(%run_scoped3A : memref<!tpu.dma_semaphore, #tpu.memory_space<semaphore_mem>>) src(%arg7 : memref<64x768xf32, #tpu.memory_space<vmem>>) dst(%dma_wait3A_296 : memref<64x768xf32, #tpu.memory_space<hbm>>)
      tpu.yield
    }) : () -> ()
    return
  }
}

module attributes {stable_mosaic.version = 14 : i64} {
  func.func @_router_kernel(%arg0: i32, %arg1: memref<1024x768xf32, #tpu.memory_space<vmem>>, %arg2: memref<768x8xf32, #tpu.memory_space<vmem>>, %arg3: memref<1x8xf32, #tpu.memory_space<vmem>>, %arg4: memref<1024x1024xf32, #tpu.memory_space<vmem>>, %arg5: memref<1x1024x1xi32, #tpu.memory_space<vmem>>, %arg6: memref<1x1x8xi32, #tpu.memory_space<vmem>>, %arg7: memref<1x1024x1xi32, #tpu.memory_space<vmem>>, %arg8: memref<1024x384xi32, #tpu.memory_space<vmem>>) attributes {dimension_semantics = [#tpu.dimension_semantics<arbitrary>], iteration_bounds = array<i64: 32>, scalar_prefetch = 0 : i64, scratch_operands = 0 : i64, tpu.core_type = #tpu.core_type<tc>, window_params = [{transform_indices = @transform_0, window_bounds = array<i64: 1024, 768>}, {pipeline_mode = #tpu.pipeline_mode<synchronous>, transform_indices = @transform_1, window_bounds = array<i64: 768, 8>}, {pipeline_mode = #tpu.pipeline_mode<synchronous>, transform_indices = @transform_2, window_bounds = array<i64: 1, 8>}, {pipeline_mode = #tpu.pipeline_mode<synchronous>, transform_indices = @transform_3, window_bounds = array<i64: 1024, 1024>}, {transform_indices = @transform_4, window_bounds = array<i64: 1, 1024, 1>}, {transform_indices = @transform_5, window_bounds = array<i64: 1, 1, 8>}, {transform_indices = @transform_6, window_bounds = array<i64: 1, 1024, 1>}, {transform_indices = @transform_7, window_bounds = array<i64: 1024, 384>}]} {
    %get3A = arith.constant 0 : index
    %get3A_0 = arith.constant 0 : index
    %get3A_1 = vector.load %arg1[%get3A, %get3A_0] : memref<1024x768xf32, #tpu.memory_space<vmem>>, vector<1024x768xf32>
    %slice3A = vector.extract_strided_slice %get3A_1 {offsets = [0, 0], sizes = [1024, 384], strides = [1, 1]} : vector<1024x768xf32> to vector<1024x384xf32>
    %bitcast_convert_type3A = tpu.bitcast %slice3A : vector<1024x384xf32> -> vector<1024x384xi32>
    %slice3A_2 = vector.extract_strided_slice %get3A_1 {offsets = [0, 384], sizes = [1024, 384], strides = [1, 1]} : vector<1024x768xf32> to vector<1024x384xf32>
    %bitcast_convert_type3A_3 = tpu.bitcast %slice3A_2 : vector<1024x384xf32> -> vector<1024x384xi32>
    %add3A = arith.constant 32768 : i32
    %add3A_4 = vector.broadcast %add3A : i32 to vector<1024x384xi32>
    %add3A_5 = arith.addi %bitcast_convert_type3A_3, %add3A_4 : vector<1024x384xi32>
    %and3A = arith.constant -65536 : i32
    %and3A_6 = vector.broadcast %and3A : i32 to vector<1024x384xi32>
    %and3A_7 = arith.andi %add3A_5, %and3A_6 : vector<1024x384xi32>
    %add3A_8 = arith.constant 32768 : i32
    %add3A_9 = vector.broadcast %add3A_8 : i32 to vector<1024x384xi32>
    %add3A_10 = arith.addi %bitcast_convert_type3A, %add3A_9 : vector<1024x384xi32>
    %shift_right_logical3A = arith.constant 16 : i32
    %shift_right_logical3A_11 = vector.broadcast %shift_right_logical3A : i32 to vector<1024x384xi32>
    %shift_right_logical3A_12 = arith.shrui %add3A_10, %shift_right_logical3A_11 : vector<1024x384xi32>
    %or3A = arith.ori %and3A_7, %shift_right_logical3A_12 : vector<1024x384xi32>
    %bitcast_convert_type3A_13 = tpu.bitcast %or3A : vector<1024x384xi32> -> vector<1024x384xi32>
    %swap3A = arith.constant 0 : index
    %swap3A_14 = arith.constant 0 : index
    %swap3A_15 = vector.load %arg8[%swap3A, %swap3A_14] : memref<1024x384xi32, #tpu.memory_space<vmem>>, vector<1024x384xi32>
    tpu.vector_store %arg8[%swap3A, %swap3A_14], %bitcast_convert_type3A_13 {strides = array<i32>} : memref<1024x384xi32, #tpu.memory_space<vmem>>, vector<1024x384xi32>,
    %get3A_16 = arith.constant 0 : index
    %get3A_17 = arith.constant 0 : index
    %get3A_18 = vector.load %arg2[%get3A_16, %get3A_17] : memref<768x8xf32, #tpu.memory_space<vmem>>, vector<768x8xf32>
    %dot_general3A = arith.constant dense<0.000000e+00> : vector<1024x8xf32>
    %dot_general3A_19 = tpu.matmul %get3A_1, %get3A_18, %dot_general3A {dimension_numbers = #tpu.dot_dimension_numbers<[1], [0], [0], [1], [0, 0, 1, 1], [], []>, transpose_lhs_hint = false} : vector<1024x768xf32>, vector<768x8xf32>, vector<1024x8xf32> -> vector<1024x8xf32>
    %get3A_20 = arith.constant 0 : index
    %get3A_21 = arith.constant 0 : index
    %get3A_22 = vector.load %arg3[%get3A_20, %get3A_21] : memref<1x8xf32, #tpu.memory_space<vmem>>, vector<1x8xf32>
    %add3A_23 = vector.broadcast %get3A_22 : vector<1x8xf32> to vector<1024x8xf32>
    %add3A_24 = arith.addf %dot_general3A_19, %add3A_23 : vector<1024x8xf32>
    %argmax3A = tpu.reduce_index %add3A_24 {axis = 1 : i32, kind = #tpu.reduction_kind<arg_max>} : vector<1024x8xf32> -> vector<1024xi32>
    %broadcast_in_dim3A = vector.shape_cast %argmax3A : vector<1024xi32> to vector<1024x1xi32>
    %swap3A_25 = arith.constant 0 : index
    %swap3A_26 = arith.constant 0 : index
    %swap3A_27 = arith.constant 0 : index
    %swap3A_28 = vector.load %arg5[%swap3A_25, %swap3A_26, %swap3A_27] : memref<1x1024x1xi32, #tpu.memory_space<vmem>>, vector<1x1024x1xi32>
    %swap3A_29 = vector.shape_cast %swap3A_28 : vector<1x1024x1xi32> to vector<1024x1xi32>
    %swap3A_30 = vector.shape_cast %broadcast_in_dim3A : vector<1024x1xi32> to vector<1x1024x1xi32>
    tpu.vector_store %arg5[%swap3A_25, %swap3A_26, %swap3A_27], %swap3A_30 {strides = array<i32>} : memref<1x1024x1xi32, #tpu.memory_space<vmem>>, vector<1x1024x1xi32>,
    %iota3A = tpu.iota {dimensions = array<i32: 1>} : vector<1024x8xi32>
    %eq3A = vector.broadcast %broadcast_in_dim3A : vector<1024x1xi32> to vector<1024x8xi32>
    %eq3A_31 = arith.cmpi eq, %eq3A, %iota3A : vector<1024x8xi32>
    %convert_element_type3A = arith.extui %eq3A_31 : vector<1024x8xi1> to vector<1024x8xi32>
    %convert_element_type3A_32 = arith.sitofp %convert_element_type3A : vector<1024x8xi32> to vector<1024x8xf32>
    %reduce_sum3A = arith.constant dense<0.000000e+00> : vector<8xf32>
    %reduce_sum3A_33 = vector.multi_reduction <add>, %convert_element_type3A_32, %reduce_sum3A [0] : vector<1024x8xf32> to vector<8xf32>
    %broadcast_in_dim3A_34 = vector.shape_cast %reduce_sum3A_33 : vector<8xf32> to vector<1x8xf32>
    %convert_element_type3A_35 = arith.fptosi %broadcast_in_dim3A_34 : vector<1x8xf32> to vector<1x8xi32>
    %swap3A_36 = arith.constant 0 : index
    %swap3A_37 = arith.constant 0 : index
    %swap3A_38 = arith.constant 0 : index
    %swap3A_39 = vector.load %arg6[%swap3A_36, %swap3A_37, %swap3A_38] : memref<1x1x8xi32, #tpu.memory_space<vmem>>, vector<1x1x8xi32>
    %swap3A_40 = vector.shape_cast %swap3A_39 : vector<1x1x8xi32> to vector<1x8xi32>
    %swap3A_41 = vector.shape_cast %convert_element_type3A_35 : vector<1x8xi32> to vector<1x1x8xi32>
    tpu.vector_store %arg6[%swap3A_36, %swap3A_37, %swap3A_38], %swap3A_41 {strides = array<i32>} : memref<1x1x8xi32, #tpu.memory_space<vmem>>, vector<1x1x8xi32>,
    %get3A_42 = arith.constant 0 : index
    %get3A_43 = arith.constant 0 : index
    %get3A_44 = vector.load %arg4[%get3A_42, %get3A_43] : memref<1024x1024xf32, #tpu.memory_space<vmem>>, vector<1024x1024xf32>
    %dot_general3A_45 = arith.constant dense<0.000000e+00> : vector<1024x8xf32>
    %dot_general3A_46 = tpu.matmul %get3A_44, %convert_element_type3A_32, %dot_general3A_45 {dimension_numbers = #tpu.dot_dimension_numbers<[1], [0], [0], [1], [0, 0, 1, 1], [], []>, transpose_lhs_hint = false} : vector<1024x1024xf32>, vector<1024x8xf32>, vector<1024x8xf32> -> vector<1024x8xf32>
    %mul3A = arith.mulf %dot_general3A_46, %convert_element_type3A_32 : vector<1024x8xf32>
    %reduce_sum3A_47 = arith.constant dense<0.000000e+00> : vector<1024xf32>
    %reduce_sum3A_48 = vector.multi_reduction <add>, %mul3A, %reduce_sum3A_47 [1] : vector<1024x8xf32> to vector<1024xf32>
    %convert_element_type3A_49 = arith.fptosi %reduce_sum3A_48 : vector<1024xf32> to vector<1024xi32>
    %broadcast_in_dim3A_50 = vector.shape_cast %convert_element_type3A_49 : vector<1024xi32> to vector<1024x1xi32>
    %swap3A_51 = arith.constant 0 : index
    %swap3A_52 = arith.constant 0 : index
    %swap3A_53 = arith.constant 0 : index
    %swap3A_54 = vector.load %arg7[%swap3A_51, %swap3A_52, %swap3A_53] : memref<1x1024x1xi32, #tpu.memory_space<vmem>>, vector<1x1024x1xi32>
    %swap3A_55 = vector.shape_cast %swap3A_54 : vector<1x1024x1xi32> to vector<1024x1xi32>
    %swap3A_56 = vector.shape_cast %broadcast_in_dim3A_50 : vector<1024x1xi32> to vector<1x1024x1xi32>
    tpu.vector_store %arg7[%swap3A_51, %swap3A_52, %swap3A_53], %swap3A_56 {strides = array<i32>} : memref<1x1024x1xi32, #tpu.memory_space<vmem>>, vector<1x1024x1xi32>,
    return
  }
  func.func @transform_0(%arg0: i32) -> (i32, i32) {
    %c0_i32 = arith.constant 0 : i32
    %c0_i32_0 = arith.constant 0 : i32
    return %arg0, %c0_i32 : i32, i32
  }
  func.func @transform_1(%arg0: i32) -> (i32, i32) {
    %c0_i32 = arith.constant 0 : i32
    %c0_i32_0 = arith.constant 0 : i32
    %c0_i32_1 = arith.constant 0 : i32
    return %c0_i32, %c0_i32_0 : i32, i32
  }
  func.func @transform_2(%arg0: i32) -> (i32, i32) {
    %c0_i32 = arith.constant 0 : i32
    %c0_i32_0 = arith.constant 0 : i32
    %c0_i32_1 = arith.constant 0 : i32
    return %c0_i32, %c0_i32_0 : i32, i32
  }
  func.func @transform_3(%arg0: i32) -> (i32, i32) {
    %c0_i32 = arith.constant 0 : i32
    %c0_i32_0 = arith.constant 0 : i32
    %c0_i32_1 = arith.constant 0 : i32
    return %c0_i32, %c0_i32_0 : i32, i32
  }
  func.func @transform_4(%arg0: i32) -> (i32, i32, i32) {
    %c0_i32 = arith.constant 0 : i32
    %c0_i32_0 = arith.constant 0 : i32
    %c0_i32_1 = arith.constant 0 : i32
    return %arg0, %c0_i32, %c0_i32_0 : i32, i32, i32
  }
  func.func @transform_5(%arg0: i32) -> (i32, i32, i32) {
    %c0_i32 = arith.constant 0 : i32
    %c0_i32_0 = arith.constant 0 : i32
    %c0_i32_1 = arith.constant 0 : i32
    return %arg0, %c0_i32, %c0_i32_0 : i32, i32, i32
  }
  func.func @transform_6(%arg0: i32) -> (i32, i32, i32) {
    %c0_i32 = arith.constant 0 : i32
    %c0_i32_0 = arith.constant 0 : i32
    %c0_i32_1 = arith.constant 0 : i32
    return %arg0, %c0_i32, %c0_i32_0 : i32, i32, i32
  }
  func.func @transform_7(%arg0: i32) -> (i32, i32) {
    %c0_i32 = arith.constant 0 : i32
    %c0_i32_0 = arith.constant 0 : i32
    return %arg0, %c0_i32 : i32, i32
  }
}

module attributes {stable_mosaic.version = 14 : i64} {
  func.func @_pos_kernel(%arg0: i32, %arg1: memref<1x8192x1xi32, #tpu.memory_space<vmem>>, %arg2: memref<32x1x8xi32, #tpu.memory_space<vmem>>, %arg3: memref<1x8192x1xi32, #tpu.memory_space<vmem>>, %arg4: memref<1x8192x1xi32, #tpu.memory_space<vmem>>, %arg5: memref<1x40xi32, #tpu.memory_space<vmem>>) attributes {dimension_semantics = [#tpu.dimension_semantics<arbitrary>], iteration_bounds = array<i64: 4>, scalar_prefetch = 0 : i64, scratch_operands = 0 : i64, tpu.core_type = #tpu.core_type<tc>, window_params = [{transform_indices = @transform_0, window_bounds = array<i64: 1, 8192, 1>}, {pipeline_mode = #tpu.pipeline_mode<synchronous>, transform_indices = @transform_1, window_bounds = array<i64: 32, 1, 8>}, {transform_indices = @transform_2, window_bounds = array<i64: 1, 8192, 1>}, {transform_indices = @transform_3, window_bounds = array<i64: 1, 8192, 1>}, {pipeline_mode = #tpu.pipeline_mode<synchronous>, transform_indices = @transform_4, window_bounds = array<i64: 1, 40>}]} {
    %get3A = arith.constant 0 : index
    %get3A_0 = arith.constant 0 : index
    %get3A_1 = arith.constant 0 : index
    %get3A_2 = vector.load %arg2[%get3A, %get3A_0, %get3A_1] : memref<32x1x8xi32, #tpu.memory_space<vmem>>, vector<32x1x8xi32>
    %get3A_3 = vector.shape_cast %get3A_2 : vector<32x1x8xi32> to vector<32x8xi32>
    %reduce_sum3A = arith.constant dense<0> : vector<8xi32>
    %reduce_sum3A_4 = vector.multi_reduction <add>, %get3A_3, %reduce_sum3A [0] : vector<32x8xi32> to vector<8xi32>
    %add3A = arith.constant 1024 : i32
    %add3A_5 = vector.broadcast %add3A : i32 to vector<8xi32>
    %add3A_6 = arith.addi %reduce_sum3A_4, %add3A_5 : vector<8xi32>
    %sub3A = arith.constant 1 : i32
    %sub3A_7 = vector.broadcast %sub3A : i32 to vector<8xi32>
    %sub3A_8 = arith.subi %add3A_6, %sub3A_7 : vector<8xi32>
    %jit3A = arith.constant 1024 : i32
    %div3A = vector.broadcast %jit3A : i32 to vector<8xi32>
    %div3A_9 = arith.divsi %sub3A_8, %div3A : vector<8xi32>
    %sign3A = arith.constant 0 : i32
    %sign3A_10 = vector.broadcast %sign3A : i32 to vector<8xi32>
    %sign3A_11 = arith.cmpi sgt, %sub3A_8, %sign3A_10 : vector<8xi32>
    %sign3A_12 = arith.extui %sign3A_11 : vector<8xi1> to vector<8xi32>
    %sign3A_13 = arith.constant 0 : i32
    %sign3A_14 = vector.broadcast %sign3A_13 : i32 to vector<8xi32>
    %sign3A_15 = arith.cmpi slt, %sub3A_8, %sign3A_14 : vector<8xi32>
    %sign3A_16 = arith.extui %sign3A_15 : vector<8xi1> to vector<8xi32>
    %sign3A_17 = arith.subi %sign3A_12, %sign3A_16 : vector<8xi32>
    %sign3A_18 = arith.constant 0 : i32
    %sign3A_19 = arith.cmpi sgt, %jit3A, %sign3A_18 : i32
    %sign3A_20 = arith.extui %sign3A_19 : i1 to i32
    %sign3A_21 = arith.constant 0 : i32
    %sign3A_22 = arith.cmpi slt, %jit3A, %sign3A_21 : i32
    %sign3A_23 = arith.extui %sign3A_22 : i1 to i32
    %sign3A_24 = arith.subi %sign3A_20, %sign3A_23 : i32
    %ne3A = vector.broadcast %sign3A_24 : i32 to vector<8xi32>
    %ne3A_25 = arith.cmpi ne, %sign3A_17, %ne3A : vector<8xi32>
    %rem3A = vector.broadcast %jit3A : i32 to vector<8xi32>
    %rem3A_26 = arith.remsi %sub3A_8, %rem3A : vector<8xi32>
    %ne3A_27 = arith.constant 0 : i32
    %ne3A_28 = vector.broadcast %ne3A_27 : i32 to vector<8xi32>
    %ne3A_29 = arith.cmpi ne, %rem3A_26, %ne3A_28 : vector<8xi32>
    %and3A = arith.andi %ne3A_25, %ne3A_29 : vector<8xi1>
    %sub3A_30 = arith.constant 1 : i32
    %sub3A_31 = vector.broadcast %sub3A_30 : i32 to vector<8xi32>
    %sub3A_32 = arith.subi %div3A_9, %sub3A_31 : vector<8xi32>
    %select_n3A = arith.select %and3A, %sub3A_32, %div3A_9 : vector<8xi1>, vector<8xi32>
    %mul3A = arith.constant 1024 : i32
    %mul3A_33 = vector.broadcast %mul3A : i32 to vector<8xi32>
    %mul3A_34 = arith.muli %select_n3A, %mul3A_33 : vector<8xi32>
    %iota3A = tpu.iota {dimensions = array<i32: 1>} : vector<8x8xi32>
    %iota3A_35 = tpu.iota {dimensions = array<i32: 0>} : vector<8x8xi32>
    %lt3A = arith.cmpi slt, %iota3A, %iota3A_35 : vector<8x8xi32>
    %broadcast_in_dim3A = vector.shape_cast %mul3A_34 : vector<8xi32> to vector<1x8xi32>
    %jit3A_36 = arith.constant 0 : i32
    %broadcast_in_dim3A_37 = vector.shape_cast %broadcast_in_dim3A : vector<1x8xi32> to vector<1x8xi32>
    %broadcast_in_dim3A_38 = vector.broadcast %broadcast_in_dim3A_37 : vector<1x8xi32> to vector<8x8xi32>
    %broadcast_in_dim3A_39 = vector.broadcast %jit3A_36 : i32 to vector<8x8xi32>
    %select_n3A_40 = arith.select %lt3A, %broadcast_in_dim3A_38, %broadcast_in_dim3A_39 : vector<8x8xi1>, vector<8x8xi32>
    %reduce_sum3A_41 = arith.constant dense<0> : vector<8xi32>
    %reduce_sum3A_42 = vector.multi_reduction <add>, %select_n3A_40, %reduce_sum3A_41 [1] : vector<8x8xi32> to vector<8xi32>
    %iota3A_43 = tpu.iota {dimensions = array<i32: 0>} : vector<32x8xi32>
    %mul3A_44 = arith.constant 8 : i32
    %mul3A_45 = arith.muli %arg0, %mul3A_44 : i32
    %add3A_46 = arith.constant 0 : i32
    %add3A_47 = arith.addi %mul3A_45, %add3A_46 : i32
    %lt3A_48 = vector.broadcast %add3A_47 : i32 to vector<32x8xi32>
    %lt3A_49 = arith.cmpi slt, %iota3A_43, %lt3A_48 : vector<32x8xi32>
    %jit3A_50 = arith.constant 0 : i32
    %broadcast_in_dim3A_51 = vector.broadcast %jit3A_50 : i32 to vector<32x8xi32>
    %select_n3A_52 = arith.select %lt3A_49, %get3A_3, %broadcast_in_dim3A_51 : vector<32x8xi1>, vector<32x8xi32>
    %reduce_sum3A_53 = arith.constant dense<0> : vector<8xi32>
    %reduce_sum3A_54 = vector.multi_reduction <add>, %select_n3A_52, %reduce_sum3A_53 [0] : vector<32x8xi32> to vector<8xi32>
    %add3A_55 = arith.addi %reduce_sum3A_42, %reduce_sum3A_54 : vector<8xi32>
    %broadcast_in_dim3A_56 = vector.shape_cast %add3A_55 : vector<8xi32> to vector<1x8xi32>
    %broadcast_in_dim3A_57 = vector.shape_cast %broadcast_in_dim3A_56 : vector<1x8xi32> to vector<1x8xi32>
    %broadcast_in_dim3A_58 = vector.broadcast %broadcast_in_dim3A_57 : vector<1x8xi32> to vector<1024x8xi32>
    %mul3A_59 = arith.constant 8 : i32
    %mul3A_60 = arith.muli %arg0, %mul3A_59 : i32
    %add3A_61 = arith.constant 1 : i32
    %add3A_62 = arith.addi %mul3A_60, %add3A_61 : i32
    %lt3A_63 = vector.broadcast %add3A_62 : i32 to vector<32x8xi32>
    %lt3A_64 = arith.cmpi slt, %iota3A_43, %lt3A_63 : vector<32x8xi32>
    %jit3A_65 = arith.constant 0 : i32
    %broadcast_in_dim3A_66 = vector.broadcast %jit3A_65 : i32 to vector<32x8xi32>
    %select_n3A_67 = arith.select %lt3A_64, %get3A_3, %broadcast_in_dim3A_66 : vector<32x8xi1>, vector<32x8xi32>
    %reduce_sum3A_68 = arith.constant dense<0> : vector<8xi32>
    %reduce_sum3A_69 = vector.multi_reduction <add>, %select_n3A_67, %reduce_sum3A_68 [0] : vector<32x8xi32> to vector<8xi32>
    %add3A_70 = arith.addi %reduce_sum3A_42, %reduce_sum3A_69 : vector<8xi32>
    %broadcast_in_dim3A_71 = vector.shape_cast %add3A_70 : vector<8xi32> to vector<1x8xi32>
    %broadcast_in_dim3A_72 = vector.shape_cast %broadcast_in_dim3A_71 : vector<1x8xi32> to vector<1x8xi32>
    %broadcast_in_dim3A_73 = vector.broadcast %broadcast_in_dim3A_72 : vector<1x8xi32> to vector<1024x8xi32>
    %mul3A_74 = arith.constant 8 : i32
    %mul3A_75 = arith.muli %arg0, %mul3A_74 : i32
    %add3A_76 = arith.constant 2 : i32
    %add3A_77 = arith.addi %mul3A_75, %add3A_76 : i32
    %lt3A_78 = vector.broadcast %add3A_77 : i32 to vector<32x8xi32>
    %lt3A_79 = arith.cmpi slt, %iota3A_43, %lt3A_78 : vector<32x8xi32>
    %jit3A_80 = arith.constant 0 : i32
    %broadcast_in_dim3A_81 = vector.broadcast %jit3A_80 : i32 to vector<32x8xi32>
    %select_n3A_82 = arith.select %lt3A_79, %get3A_3, %broadcast_in_dim3A_81 : vector<32x8xi1>, vector<32x8xi32>
    %reduce_sum3A_83 = arith.constant dense<0> : vector<8xi32>
    %reduce_sum3A_84 = vector.multi_reduction <add>, %select_n3A_82, %reduce_sum3A_83 [0] : vector<32x8xi32> to vector<8xi32>
    %add3A_85 = arith.addi %reduce_sum3A_42, %reduce_sum3A_84 : vector<8xi32>
    %broadcast_in_dim3A_86 = vector.shape_cast %add3A_85 : vector<8xi32> to vector<1x8xi32>
    %broadcast_in_dim3A_87 = vector.shape_cast %broadcast_in_dim3A_86 : vector<1x8xi32> to vector<1x8xi32>
    %broadcast_in_dim3A_88 = vector.broadcast %broadcast_in_dim3A_87 : vector<1x8xi32> to vector<1024x8xi32>
    %mul3A_89 = arith.constant 8 : i32
    %mul3A_90 = arith.muli %arg0, %mul3A_89 : i32
    %add3A_91 = arith.constant 3 : i32
    %add3A_92 = arith.addi %mul3A_90, %add3A_91 : i32
    %lt3A_93 = vector.broadcast %add3A_92 : i32 to vector<32x8xi32>
    %lt3A_94 = arith.cmpi slt, %iota3A_43, %lt3A_93 : vector<32x8xi32>
    %jit3A_95 = arith.constant 0 : i32
    %broadcast_in_dim3A_96 = vector.broadcast %jit3A_95 : i32 to vector<32x8xi32>
    %select_n3A_97 = arith.select %lt3A_94, %get3A_3, %broadcast_in_dim3A_96 : vector<32x8xi1>, vector<32x8xi32>
    %reduce_sum3A_98 = arith.constant dense<0> : vector<8xi32>
    %reduce_sum3A_99 = vector.multi_reduction <add>, %select_n3A_97, %reduce_sum3A_98 [0] : vector<32x8xi32> to vector<8xi32>
    %add3A_100 = arith.addi %reduce_sum3A_42, %reduce_sum3A_99 : vector<8xi32>
    %broadcast_in_dim3A_101 = vector.shape_cast %add3A_100 : vector<8xi32> to vector<1x8xi32>
    %broadcast_in_dim3A_102 = vector.shape_cast %broadcast_in_dim3A_101 : vector<1x8xi32> to vector<1x8xi32>
    %broadcast_in_dim3A_103 = vector.broadcast %broadcast_in_dim3A_102 : vector<1x8xi32> to vector<1024x8xi32>
    %mul3A_104 = arith.constant 8 : i32
    %mul3A_105 = arith.muli %arg0, %mul3A_104 : i32
    %add3A_106 = arith.constant 4 : i32
    %add3A_107 = arith.addi %mul3A_105, %add3A_106 : i32
    %lt3A_108 = vector.broadcast %add3A_107 : i32 to vector<32x8xi32>
    %lt3A_109 = arith.cmpi slt, %iota3A_43, %lt3A_108 : vector<32x8xi32>
    %jit3A_110 = arith.constant 0 : i32
    %broadcast_in_dim3A_111 = vector.broadcast %jit3A_110 : i32 to vector<32x8xi32>
    %select_n3A_112 = arith.select %lt3A_109, %get3A_3, %broadcast_in_dim3A_111 : vector<32x8xi1>, vector<32x8xi32>
    %reduce_sum3A_113 = arith.constant dense<0> : vector<8xi32>
    %reduce_sum3A_114 = vector.multi_reduction <add>, %select_n3A_112, %reduce_sum3A_113 [0] : vector<32x8xi32> to vector<8xi32>
    %add3A_115 = arith.addi %reduce_sum3A_42, %reduce_sum3A_114 : vector<8xi32>
    %broadcast_in_dim3A_116 = vector.shape_cast %add3A_115 : vector<8xi32> to vector<1x8xi32>
    %broadcast_in_dim3A_117 = vector.shape_cast %broadcast_in_dim3A_116 : vector<1x8xi32> to vector<1x8xi32>
    %broadcast_in_dim3A_118 = vector.broadcast %broadcast_in_dim3A_117 : vector<1x8xi32> to vector<1024x8xi32>
    %mul3A_119 = arith.constant 8 : i32
    %mul3A_120 = arith.muli %arg0, %mul3A_119 : i32
    %add3A_121 = arith.constant 5 : i32
    %add3A_122 = arith.addi %mul3A_120, %add3A_121 : i32
    %lt3A_123 = vector.broadcast %add3A_122 : i32 to vector<32x8xi32>
    %lt3A_124 = arith.cmpi slt, %iota3A_43, %lt3A_123 : vector<32x8xi32>
    %jit3A_125 = arith.constant 0 : i32
    %broadcast_in_dim3A_126 = vector.broadcast %jit3A_125 : i32 to vector<32x8xi32>
    %select_n3A_127 = arith.select %lt3A_124, %get3A_3, %broadcast_in_dim3A_126 : vector<32x8xi1>, vector<32x8xi32>
    %reduce_sum3A_128 = arith.constant dense<0> : vector<8xi32>
    %reduce_sum3A_129 = vector.multi_reduction <add>, %select_n3A_127, %reduce_sum3A_128 [0] : vector<32x8xi32> to vector<8xi32>
    %add3A_130 = arith.addi %reduce_sum3A_42, %reduce_sum3A_129 : vector<8xi32>
    %broadcast_in_dim3A_131 = vector.shape_cast %add3A_130 : vector<8xi32> to vector<1x8xi32>
    %broadcast_in_dim3A_132 = vector.shape_cast %broadcast_in_dim3A_131 : vector<1x8xi32> to vector<1x8xi32>
    %broadcast_in_dim3A_133 = vector.broadcast %broadcast_in_dim3A_132 : vector<1x8xi32> to vector<1024x8xi32>
    %mul3A_134 = arith.constant 8 : i32
    %mul3A_135 = arith.muli %arg0, %mul3A_134 : i32
    %add3A_136 = arith.constant 6 : i32
    %add3A_137 = arith.addi %mul3A_135, %add3A_136 : i32
    %lt3A_138 = vector.broadcast %add3A_137 : i32 to vector<32x8xi32>
    %lt3A_139 = arith.cmpi slt, %iota3A_43, %lt3A_138 : vector<32x8xi32>
    %jit3A_140 = arith.constant 0 : i32
    %broadcast_in_dim3A_141 = vector.broadcast %jit3A_140 : i32 to vector<32x8xi32>
    %select_n3A_142 = arith.select %lt3A_139, %get3A_3, %broadcast_in_dim3A_141 : vector<32x8xi1>, vector<32x8xi32>
    %reduce_sum3A_143 = arith.constant dense<0> : vector<8xi32>
    %reduce_sum3A_144 = vector.multi_reduction <add>, %select_n3A_142, %reduce_sum3A_143 [0] : vector<32x8xi32> to vector<8xi32>
    %add3A_145 = arith.addi %reduce_sum3A_42, %reduce_sum3A_144 : vector<8xi32>
    %broadcast_in_dim3A_146 = vector.shape_cast %add3A_145 : vector<8xi32> to vector<1x8xi32>
    %broadcast_in_dim3A_147 = vector.shape_cast %broadcast_in_dim3A_146 : vector<1x8xi32> to vector<1x8xi32>
    %broadcast_in_dim3A_148 = vector.broadcast %broadcast_in_dim3A_147 : vector<1x8xi32> to vector<1024x8xi32>
    %mul3A_149 = arith.constant 8 : i32
    %mul3A_150 = arith.muli %arg0, %mul3A_149 : i32
    %add3A_151 = arith.constant 7 : i32
    %add3A_152 = arith.addi %mul3A_150, %add3A_151 : i32
    %lt3A_153 = vector.broadcast %add3A_152 : i32 to vector<32x8xi32>
    %lt3A_154 = arith.cmpi slt, %iota3A_43, %lt3A_153 : vector<32x8xi32>
    %jit3A_155 = arith.constant 0 : i32
    %broadcast_in_dim3A_156 = vector.broadcast %jit3A_155 : i32 to vector<32x8xi32>
    %select_n3A_157 = arith.select %lt3A_154, %get3A_3, %broadcast_in_dim3A_156 : vector<32x8xi1>, vector<32x8xi32>
    %reduce_sum3A_158 = arith.constant dense<0> : vector<8xi32>
    %reduce_sum3A_159 = vector.multi_reduction <add>, %select_n3A_157, %reduce_sum3A_158 [0] : vector<32x8xi32> to vector<8xi32>
    %add3A_160 = arith.addi %reduce_sum3A_42, %reduce_sum3A_159 : vector<8xi32>
    %broadcast_in_dim3A_161 = vector.shape_cast %add3A_160 : vector<8xi32> to vector<1x8xi32>
    %broadcast_in_dim3A_162 = vector.shape_cast %broadcast_in_dim3A_161 : vector<1x8xi32> to vector<1x8xi32>
    %broadcast_in_dim3A_163 = vector.broadcast %broadcast_in_dim3A_162 : vector<1x8xi32> to vector<1024x8xi32>
    %concatenate3A = tpu.concatenate %broadcast_in_dim3A_58, %broadcast_in_dim3A_73, %broadcast_in_dim3A_88, %broadcast_in_dim3A_103, %broadcast_in_dim3A_118, %broadcast_in_dim3A_133, %broadcast_in_dim3A_148, %broadcast_in_dim3A_163 in 0 : vector<1024x8xi32>, vector<1024x8xi32>, vector<1024x8xi32>, vector<1024x8xi32>, vector<1024x8xi32>, vector<1024x8xi32>, vector<1024x8xi32>, vector<1024x8xi32> -> vector<8192x8xi32>
    %get3A_164 = arith.constant 0 : index
    %get3A_165 = arith.constant 0 : index
    %get3A_166 = arith.constant 0 : index
    %get3A_167 = vector.load %arg1[%get3A_164, %get3A_165, %get3A_166] : memref<1x8192x1xi32, #tpu.memory_space<vmem>>, vector<1x8192x1xi32>
    %get3A_168 = vector.shape_cast %get3A_167 : vector<1x8192x1xi32> to vector<8192x1xi32>
    %iota3A_169 = tpu.iota {dimensions = array<i32: 1>} : vector<8192x8xi32>
    %eq3A = vector.broadcast %get3A_168 : vector<8192x1xi32> to vector<8192x8xi32>
    %eq3A_170 = arith.cmpi eq, %eq3A, %iota3A_169 : vector<8192x8xi32>
    %jit3A_171 = arith.constant 0 : i32
    %broadcast_in_dim3A_172 = vector.broadcast %jit3A_171 : i32 to vector<8192x8xi32>
    %select_n3A_173 = arith.select %eq3A_170, %concatenate3A, %broadcast_in_dim3A_172 : vector<8192x8xi1>, vector<8192x8xi32>
    %reduce_sum3A_174 = arith.constant dense<0> : vector<8192xi32>
    %reduce_sum3A_175 = vector.multi_reduction <add>, %select_n3A_173, %reduce_sum3A_174 [1] : vector<8192x8xi32> to vector<8192xi32>
    %get3A_176 = arith.constant 0 : index
    %get3A_177 = arith.constant 0 : index
    %get3A_178 = arith.constant 0 : index
    %get3A_179 = vector.load %arg3[%get3A_176, %get3A_177, %get3A_178] : memref<1x8192x1xi32, #tpu.memory_space<vmem>>, vector<1x8192x1xi32>
    %get3A_180 = vector.shape_cast %get3A_179 : vector<1x8192x1xi32> to vector<8192xi32>
    %add3A_181 = arith.addi %reduce_sum3A_175, %get3A_180 : vector<8192xi32>
    %broadcast_in_dim3A_182 = vector.shape_cast %add3A_181 : vector<8192xi32> to vector<8192x1xi32>
    %swap3A = arith.constant 0 : index
    %swap3A_183 = arith.constant 0 : index
    %swap3A_184 = arith.constant 0 : index
    %swap3A_185 = vector.load %arg4[%swap3A, %swap3A_183, %swap3A_184] : memref<1x8192x1xi32, #tpu.memory_space<vmem>>, vector<1x8192x1xi32>
    %swap3A_186 = vector.shape_cast %swap3A_185 : vector<1x8192x1xi32> to vector<8192x1xi32>
    %swap3A_187 = vector.shape_cast %broadcast_in_dim3A_182 : vector<8192x1xi32> to vector<1x8192x1xi32>
    tpu.vector_store %arg4[%swap3A, %swap3A_183, %swap3A_184], %swap3A_187 {strides = array<i32>} : memref<1x8192x1xi32, #tpu.memory_space<vmem>>, vector<1x8192x1xi32>,
    %iota3A_188 = tpu.iota {dimensions = array<i32: 0>} : vector<40x8xi32>
    %mul3A_189 = arith.constant 1024 : i32
    %mul3A_190 = vector.broadcast %mul3A_189 : i32 to vector<40x8xi32>
    %mul3A_191 = arith.muli %iota3A_188, %mul3A_190 : vector<40x8xi32>
    %broadcast_in_dim3A_192 = vector.shape_cast %reduce_sum3A_42 : vector<8xi32> to vector<1x8xi32>
    %le3A = vector.broadcast %broadcast_in_dim3A_192 : vector<1x8xi32> to vector<40x8xi32>
    %le3A_193 = arith.cmpi sle, %le3A, %mul3A_191 : vector<40x8xi32>
    %convert_element_type3A = arith.extui %le3A_193 : vector<40x8xi1> to vector<40x8xi32>
    %reduce_sum3A_194 = arith.constant dense<0> : vector<40xi32>
    %reduce_sum3A_195 = vector.multi_reduction <add>, %convert_element_type3A, %reduce_sum3A_194 [1] : vector<40x8xi32> to vector<40xi32>
    %sub3A_196 = arith.constant 1 : i32
    %sub3A_197 = vector.broadcast %sub3A_196 : i32 to vector<40xi32>
    %sub3A_198 = arith.subi %reduce_sum3A_195, %sub3A_197 : vector<40xi32>
    %broadcast_in_dim3A_199 = vector.shape_cast %sub3A_198 : vector<40xi32> to vector<1x40xi32>
    %swap3A_200 = arith.constant 0 : index
    %swap3A_201 = arith.constant 0 : index
    %swap3A_202 = vector.load %arg5[%swap3A_200, %swap3A_201] : memref<1x40xi32, #tpu.memory_space<vmem>>, vector<1x40xi32>
    tpu.vector_store %arg5[%swap3A_200, %swap3A_201], %broadcast_in_dim3A_199 {strides = array<i32>} : memref<1x40xi32, #tpu.memory_space<vmem>>, vector<1x40xi32>,
    return
  }
  func.func @transform_0(%arg0: i32) -> (i32, i32, i32) {
    %c0_i32 = arith.constant 0 : i32
    %c0_i32_0 = arith.constant 0 : i32
    %c0_i32_1 = arith.constant 0 : i32
    return %arg0, %c0_i32, %c0_i32_0 : i32, i32, i32
  }
  func.func @transform_1(%arg0: i32) -> (i32, i32, i32) {
    %c0_i32 = arith.constant 0 : i32
    %c0_i32_0 = arith.constant 0 : i32
    %c0_i32_1 = arith.constant 0 : i32
    %c0_i32_2 = arith.constant 0 : i32
    return %c0_i32, %c0_i32_0, %c0_i32_1 : i32, i32, i32
  }
  func.func @transform_2(%arg0: i32) -> (i32, i32, i32) {
    %c0_i32 = arith.constant 0 : i32
    %c0_i32_0 = arith.constant 0 : i32
    %c0_i32_1 = arith.constant 0 : i32
    return %arg0, %c0_i32, %c0_i32_0 : i32, i32, i32
  }
  func.func @transform_3(%arg0: i32) -> (i32, i32, i32) {
    %c0_i32 = arith.constant 0 : i32
    %c0_i32_0 = arith.constant 0 : i32
    %c0_i32_1 = arith.constant 0 : i32
    return %arg0, %c0_i32, %c0_i32_0 : i32, i32, i32
  }
  func.func @transform_4(%arg0: i32) -> (i32, i32) {
    %c0_i32 = arith.constant 0 : i32
    %c0_i32_0 = arith.constant 0 : i32
    %c0_i32_1 = arith.constant 0 : i32
    return %c0_i32, %c0_i32_0 : i32, i32
  }
}

module attributes {stable_mosaic.version = 14 : i64} {
  func.func @_wcomb_kernel(%arg0: i32, %arg1: memref<768x768xf32, #tpu.memory_space<vmem>>, %arg2: memref<1x768x768xf32, #tpu.memory_space<vmem>>, %arg3: memref<1x768xf32, #tpu.memory_space<vmem>>, %arg4: memref<1x1x768xf32, #tpu.memory_space<vmem>>, %arg5: memref<1x2x384x768xbf16, #tpu.memory_space<vmem>>, %arg6: memref<1x1x768xf32, #tpu.memory_space<vmem>>) attributes {dimension_semantics = [#tpu.dimension_semantics<arbitrary>], iteration_bounds = array<i64: 8>, scalar_prefetch = 0 : i64, scratch_operands = 0 : i64, tpu.core_type = #tpu.core_type<tc>, window_params = [{pipeline_mode = #tpu.pipeline_mode<synchronous>, transform_indices = @transform_0, window_bounds = array<i64: 768, 768>}, {transform_indices = @transform_1, window_bounds = array<i64: 1, 768, 768>}, {pipeline_mode = #tpu.pipeline_mode<synchronous>, transform_indices = @transform_2, window_bounds = array<i64: 1, 768>}, {transform_indices = @transform_3, window_bounds = array<i64: 1, 1, 768>}, {transform_indices = @transform_4, window_bounds = array<i64: 1, 2, 384, 768>}, {transform_indices = @transform_5, window_bounds = array<i64: 1, 1, 768>}]} {
    %get3A = arith.constant 0 : index
    %get3A_0 = arith.constant 0 : index
    %get3A_1 = vector.load %arg1[%get3A, %get3A_0] : memref<768x768xf32, #tpu.memory_space<vmem>>, vector<768x768xf32>
    %get3A_2 = arith.constant 0 : index
    %get3A_3 = arith.constant 0 : index
    %get3A_4 = arith.constant 0 : index
    %get3A_5 = vector.load %arg2[%get3A_2, %get3A_3, %get3A_4] : memref<1x768x768xf32, #tpu.memory_space<vmem>>, vector<1x768x768xf32>
    %get3A_6 = vector.shape_cast %get3A_5 : vector<1x768x768xf32> to vector<768x768xf32>
    %add3A = arith.addf %get3A_1, %get3A_6 : vector<768x768xf32>
    %slice3A = vector.extract_strided_slice %add3A {offsets = [0, 0], sizes = [384, 768], strides = [1, 1]} : vector<768x768xf32> to vector<384x768xf32>
    %convert_element_type3A = arith.truncf %slice3A : vector<384x768xf32> to vector<384x768xbf16>
    %swap3A = arith.constant 0 : index
    %swap3A_7 = arith.constant 0 : index
    %swap3A_8 = arith.constant 0 : index
    %swap3A_9 = arith.constant 0 : index
    %swap3A_10 = vector.load %arg5[%swap3A, %swap3A_7, %swap3A_8, %swap3A_9] : memref<1x2x384x768xbf16, #tpu.memory_space<vmem>>, vector<1x1x384x768xbf16>
    %swap3A_11 = vector.shape_cast %swap3A_10 : vector<1x1x384x768xbf16> to vector<384x768xbf16>
    %swap3A_12 = vector.shape_cast %convert_element_type3A : vector<384x768xbf16> to vector<1x1x384x768xbf16>
    tpu.vector_store %arg5[%swap3A, %swap3A_7, %swap3A_8, %swap3A_9], %swap3A_12 {strides = array<i32>} : memref<1x2x384x768xbf16, #tpu.memory_space<vmem>>, vector<1x1x384x768xbf16>,
    %slice3A_13 = vector.extract_strided_slice %add3A {offsets = [384, 0], sizes = [384, 768], strides = [1, 1]} : vector<768x768xf32> to vector<384x768xf32>
    %convert_element_type3A_14 = arith.truncf %slice3A_13 : vector<384x768xf32> to vector<384x768xbf16>
    %swap3A_15 = arith.constant 0 : index
    %swap3A_16 = arith.constant 1 : index
    %swap3A_17 = arith.constant 0 : index
    %swap3A_18 = arith.constant 0 : index
    %swap3A_19 = vector.load %arg5[%swap3A_15, %swap3A_16, %swap3A_17, %swap3A_18] : memref<1x2x384x768xbf16, #tpu.memory_space<vmem>>, vector<1x1x384x768xbf16>
    %swap3A_20 = vector.shape_cast %swap3A_19 : vector<1x1x384x768xbf16> to vector<384x768xbf16>
    %swap3A_21 = vector.shape_cast %convert_element_type3A_14 : vector<384x768xbf16> to vector<1x1x384x768xbf16>
    tpu.vector_store %arg5[%swap3A_15, %swap3A_16, %swap3A_17, %swap3A_18], %swap3A_21 {strides = array<i32>} : memref<1x2x384x768xbf16, #tpu.memory_space<vmem>>, vector<1x1x384x768xbf16>,
    %get3A_22 = arith.constant 0 : index
    %get3A_23 = arith.constant 0 : index
    %get3A_24 = vector.load %arg3[%get3A_22, %get3A_23] : memref<1x768xf32, #tpu.memory_space<vmem>>, vector<1x768xf32>
    %get3A_25 = arith.constant 0 : index
    %get3A_26 = arith.constant 0 : index
    %get3A_27 = arith.constant 0 : index
    %get3A_28 = vector.load %arg4[%get3A_25, %get3A_26, %get3A_27] : memref<1x1x768xf32, #tpu.memory_space<vmem>>, vector<1x1x768xf32>
    %get3A_29 = vector.shape_cast %get3A_28 : vector<1x1x768xf32> to vector<1x768xf32>
    %add3A_30 = arith.addf %get3A_24, %get3A_29 : vector<1x768xf32>
    %swap3A_31 = arith.constant 0 : index
    %swap3A_32 = arith.constant 0 : index
    %swap3A_33 = arith.constant 0 : index
    %swap3A_34 = vector.load %arg6[%swap3A_31, %swap3A_32, %swap3A_33] : memref<1x1x768xf32, #tpu.memory_space<vmem>>, vector<1x1x768xf32>
    %swap3A_35 = vector.shape_cast %swap3A_34 : vector<1x1x768xf32> to vector<1x768xf32>
    %swap3A_36 = vector.shape_cast %add3A_30 : vector<1x768xf32> to vector<1x1x768xf32>
    tpu.vector_store %arg6[%swap3A_31, %swap3A_32, %swap3A_33], %swap3A_36 {strides = array<i32>} : memref<1x1x768xf32, #tpu.memory_space<vmem>>, vector<1x1x768xf32>,
    return
  }
  func.func @transform_0(%arg0: i32) -> (i32, i32) {
    %c0_i32 = arith.constant 0 : i32
    %c0_i32_0 = arith.constant 0 : i32
    %c0_i32_1 = arith.constant 0 : i32
    return %c0_i32, %c0_i32_0 : i32, i32
  }
  func.func @transform_1(%arg0: i32) -> (i32, i32, i32) {
    %c0_i32 = arith.constant 0 : i32
    %c0_i32_0 = arith.constant 0 : i32
    %c0_i32_1 = arith.constant 0 : i32
    return %arg0, %c0_i32, %c0_i32_0 : i32, i32, i32
  }
  func.func @transform_2(%arg0: i32) -> (i32, i32) {
    %c0_i32 = arith.constant 0 : i32
    %c0_i32_0 = arith.constant 0 : i32
    %c0_i32_1 = arith.constant 0 : i32
    return %c0_i32, %c0_i32_0 : i32, i32
  }
  func.func @transform_3(%arg0: i32) -> (i32, i32, i32) {
    %c0_i32 = arith.constant 0 : i32
    %c0_i32_0 = arith.constant 0 : i32
    %c0_i32_1 = arith.constant 0 : i32
    return %arg0, %c0_i32, %c0_i32_0 : i32, i32, i32
  }
  func.func @transform_4(%arg0: i32) -> (i32, i32, i32, i32) {
    %c0_i32 = arith.constant 0 : i32
    %c0_i32_0 = arith.constant 0 : i32
    %c0_i32_1 = arith.constant 0 : i32
    %c0_i32_2 = arith.constant 0 : i32
    return %arg0, %c0_i32, %c0_i32_0, %c0_i32_1 : i32, i32, i32, i32
  }
  func.func @transform_5(%arg0: i32) -> (i32, i32, i32) {
    %c0_i32 = arith.constant 0 : i32
    %c0_i32_0 = arith.constant 0 : i32
    %c0_i32_1 = arith.constant 0 : i32
    return %arg0, %c0_i32, %c0_i32_0 : i32, i32, i32
  }
}

module attributes {stable_mosaic.version = 14 : i64} {
  func.func @_mm_kernel(%arg0: i32, %arg1: memref<40xi32, #tpu.memory_space<smem>>, %arg2: memref<1024x384xi32, #tpu.memory_space<vmem>>, %arg3: memref<1x2x384x768xbf16, #tpu.memory_space<vmem>>, %arg4: memref<1x1x768xf32, #tpu.memory_space<vmem>>, %arg5: memref<1024x768xf32, #tpu.memory_space<vmem>>) attributes {dimension_semantics = [#tpu.dimension_semantics<arbitrary>], iteration_bounds = array<i64: 40>, scalar_prefetch = 1 : i64, scratch_operands = 0 : i64, tpu.core_type = #tpu.core_type<tc>, window_params = [{transform_indices = @transform_0, window_bounds = array<i64: 1024, 384>}, {transform_indices = @transform_1, window_bounds = array<i64: 1, 2, 384, 768>}, {transform_indices = @transform_2, window_bounds = array<i64: 1, 1, 768>}, {transform_indices = @transform_3, window_bounds = array<i64: 1024, 768>}]} {
    %get3A = arith.constant 0 : index
    %get3A_0 = arith.constant 0 : index
    %get3A_1 = vector.load %arg2[%get3A, %get3A_0] : memref<1024x384xi32, #tpu.memory_space<vmem>>, vector<1024x384xi32>
    %bitcast_convert_type3A = tpu.bitcast %get3A_1 : vector<1024x384xi32> -> vector<1024x384xi32>
    %shift_left3A = arith.constant 16 : i32
    %shift_left3A_2 = vector.broadcast %shift_left3A : i32 to vector<1024x384xi32>
    %shift_left3A_3 = arith.shli %bitcast_convert_type3A, %shift_left3A_2 : vector<1024x384xi32>
    %bitcast_convert_type3A_4 = tpu.bitcast %shift_left3A_3 : vector<1024x384xi32> -> vector<1024x384xf32>
    %convert_element_type3A = arith.truncf %bitcast_convert_type3A_4 : vector<1024x384xf32> to vector<1024x384xbf16>
    %and3A = arith.constant -65536 : i32
    %and3A_5 = vector.broadcast %and3A : i32 to vector<1024x384xi32>
    %and3A_6 = arith.andi %bitcast_convert_type3A, %and3A_5 : vector<1024x384xi32>
    %bitcast_convert_type3A_7 = tpu.bitcast %and3A_6 : vector<1024x384xi32> -> vector<1024x384xf32>
    %convert_element_type3A_8 = arith.truncf %bitcast_convert_type3A_7 : vector<1024x384xf32> to vector<1024x384xbf16>
    %get3A_9 = arith.constant 0 : index
    %get3A_10 = arith.constant 0 : index
    %get3A_11 = arith.constant 0 : index
    %get3A_12 = arith.constant 0 : index
    %get3A_13 = vector.load %arg3[%get3A_9, %get3A_10, %get3A_11, %get3A_12] : memref<1x2x384x768xbf16, #tpu.memory_space<vmem>>, vector<1x1x384x768xbf16>
    %get3A_14 = vector.shape_cast %get3A_13 : vector<1x1x384x768xbf16> to vector<384x768xbf16>
    %dot_general3A = arith.constant dense<0.000000e+00> : vector<1024x768xf32>
    %dot_general3A_15 = tpu.matmul %convert_element_type3A, %get3A_14, %dot_general3A {dimension_numbers = #tpu.dot_dimension_numbers<[1], [0], [0], [1], [0, 0, 1, 1], [], []>, transpose_lhs_hint = false} : vector<1024x384xbf16>, vector<384x768xbf16>, vector<1024x768xf32> -> vector<1024x768xf32>
    %get3A_16 = arith.constant 0 : index
    %get3A_17 = arith.constant 1 : index
    %get3A_18 = arith.constant 0 : index
    %get3A_19 = arith.constant 0 : index
    %get3A_20 = vector.load %arg3[%get3A_16, %get3A_17, %get3A_18, %get3A_19] : memref<1x2x384x768xbf16, #tpu.memory_space<vmem>>, vector<1x1x384x768xbf16>
    %get3A_21 = vector.shape_cast %get3A_20 : vector<1x1x384x768xbf16> to vector<384x768xbf16>
    %dot_general3A_22 = arith.constant dense<0.000000e+00> : vector<1024x768xf32>
    %dot_general3A_23 = tpu.matmul %convert_element_type3A_8, %get3A_21, %dot_general3A_22 {dimension_numbers = #tpu.dot_dimension_numbers<[1], [0], [0], [1], [0, 0, 1, 1], [], []>, transpose_lhs_hint = false} : vector<1024x384xbf16>, vector<384x768xbf16>, vector<1024x768xf32> -> vector<1024x768xf32>
    %add3A = arith.addf %dot_general3A_15, %dot_general3A_23 : vector<1024x768xf32>
    %get3A_24 = arith.constant 0 : index
    %get3A_25 = arith.constant 0 : index
    %get3A_26 = arith.constant 0 : index
    %get3A_27 = vector.load %arg4[%get3A_24, %get3A_25, %get3A_26] : memref<1x1x768xf32, #tpu.memory_space<vmem>>, vector<1x1x768xf32>
    %get3A_28 = vector.shape_cast %get3A_27 : vector<1x1x768xf32> to vector<1x768xf32>
    %add3A_29 = vector.broadcast %get3A_28 : vector<1x768xf32> to vector<1024x768xf32>
    %add3A_30 = arith.addf %add3A, %add3A_29 : vector<1024x768xf32>
    %swap3A = arith.constant 0 : index
    %swap3A_31 = arith.constant 0 : index
    %swap3A_32 = vector.load %arg5[%swap3A, %swap3A_31] : memref<1024x768xf32, #tpu.memory_space<vmem>>, vector<1024x768xf32>
    tpu.vector_store %arg5[%swap3A, %swap3A_31], %add3A_30 {strides = array<i32>} : memref<1024x768xf32, #tpu.memory_space<vmem>>, vector<1024x768xf32>,
    return
  }
  func.func @transform_0(%arg0: i32, %arg1: memref<40xi32, #tpu.memory_space<smem>>) -> (i32, i32) {
    %c0_i32 = arith.constant 0 : i32
    %c0_i32_0 = arith.constant 0 : i32
    return %arg0, %c0_i32 : i32, i32
  }
  func.func @transform_1(%arg0: i32, %arg1: memref<40xi32, #tpu.memory_space<smem>>) -> (i32, i32, i32, i32) {
    %get3A = arith.index_cast %arg0 : i32 to index
    %get3A_0 = memref.load %arg1[%get3A] : memref<40xi32, #tpu.memory_space<smem>>
    %c0_i32 = arith.constant 0 : i32
    %c0_i32_1 = arith.constant 0 : i32
    %c0_i32_2 = arith.constant 0 : i32
    %c0_i32_3 = arith.constant 0 : i32
    return %get3A_0, %c0_i32, %c0_i32_1, %c0_i32_2 : i32, i32, i32, i32
  }
  func.func @transform_2(%arg0: i32, %arg1: memref<40xi32, #tpu.memory_space<smem>>) -> (i32, i32, i32) {
    %get3A = arith.index_cast %arg0 : i32 to index
    %get3A_0 = memref.load %arg1[%get3A] : memref<40xi32, #tpu.memory_space<smem>>
    %c0_i32 = arith.constant 0 : i32
    %c0_i32_1 = arith.constant 0 : i32
    %c0_i32_2 = arith.constant 0 : i32
    return %get3A_0, %c0_i32, %c0_i32_1 : i32, i32, i32
  }
  func.func @transform_3(%arg0: i32, %arg1: memref<40xi32, #tpu.memory_space<smem>>) -> (i32, i32) {
    %c0_i32 = arith.constant 0 : i32
    %c0_i32_0 = arith.constant 0 : i32
    return %arg0, %c0_i32 : i32, i32
  }
}

</mosaic_0001>

<sc_bundles>
// kernel: kernel.11.cloned.1.call-start
scs
__scs_entry_jumppad:
0x0: {  	(pc) =	sbr.rel $0x88, $3  }
0x1: {  	(tag) =	ssettag $0x0;
	lr =	simm.s32 $0x1  }
0x2: {  	[smem:$0x3F9A] =	sst lr;
	_ =	strace $0xD0000000  }
0x3: {  	_ = 	snop  }
0x4: {  	_ = 	snop  }
0x5: {  	_ = 	snop  }
0x6: {  	_ = 	snop  }
0x7: {  	_ = 	snop  }
__scs_overlays_trampoline_lowered:
0x8: {  	[smem:$0x3FA9] =	sst s0  }
0x9: {  	[smem:$0x3FAA] =	sst s1  }
0xa: {  	[smem:$0x3FAB] =	sst s2  }
0xb: {  	[smem:$0x3FAC] =	sst s3  }
0xc: {  	[smem:$0x3FAD] =	sst s4  }
0xd: {  	[smem:$0x3FAE] =	sst s5  }
0xe: {  	[smem:$0x3FAF] =	sst s6  }
0xf: {  	[smem:$0x3FB0] =	sst s7  }
0x10: {  	[smem:$0x3FB1] =	sst s8  }
0x11: {  	[smem:$0x3FB2] =	sst s9;
	s0 =	simm.s32 @!p0 $0x0  }
0x12: {  	s1 =	sld [smem:$0x3F98];
	s0 =	simm.s32 @p0 $0x1  }
0x13: {  	[smem:$0x3FB3] =	sst s0;
	s0 =	simm.s32 @!p1 $0x0  }
0x14: {  	s2 =	sld [smem:$0x3F97];
	s0 =	simm.s32 @p1 $0x1  }
0x15: {  	[smem:$0x3FB4] =	sst s0;
	s0 =	simm.s32 @!p2 $0x0  }
0x16: {  	s3 =	sld [smem:$0x3FDB];
	s0 =	simm.s32 @p2 $0x1  }
0x17: {  	s4 =	simm.s32 $0x1BF5;
	[smem:$0x3FB6] =	sst s0  }
0x18: {  	s0 =	sld [smem:$0x3F99];
	_ =	swait.ge [sflag:s4], $0x0  }
0x19: {  	s7 =	sld [smem:$0x3F9A]  }
0x1a: {  	s8 =	sadd.s32 $0xFFFFE003, lr  }
0x1b: {  	s9 =	sadd.s32 $0xFFFFFEF7, lr;
	s5 =	simm.s32 $0xFFFFFFFF;
	p2 =	slt.u32 s8, $0xFFFFF086  }
0x1c: {  	p1 =	slt.u32 s9, $0xF7A;
	s5 =	simm.s32 @!p2 $0x0  }
0x1d: {  	s5 =	simm.s32 @p1 $0x1;
	p0 =	seq.s32 s7, s2  }
0x1e: {  	s7 =	smul.u32 @!p0 $0xF7A, s2;
	p2 =	seq.s32 @!p0 s5, $0x0  }
0x1f: {  	s9 =	smul.u32 $0xF7A, s1;
	s8 =	simm.s32 @!p0 $0x1BF5;
	p2 =	por !p2, p0  }
0x20: {  	[sflag:s8] =	ssyncset.s32 @!p0 $0xFFFFF086;
	s6 =	sadd.s32 @!p0 s3, s7;
	s7 =	simm.s32 @!p0 $0x108  }
0x21: {  	s3 =	sadd.s32 s3, s9;
	s6 =	sadd.s32 @!p0 $0x88, s6;
	s7 =	simm.s32 @p2 $0x1082  }
0x22: {  	[simem:s7], [sflag:s8] =	dma.local @!p0 [hbm:s6], $0xF7A  }
0x23: {  	s9 =	sor.u32 $0xD0000000, s2;
	s6 =	simm.s32 $0x108;
	_ =	swait.ge @!p0 [sflag:s8], $0x0  }
0x24: {  	s3 =	sadd.s32 $0x88, s3;
	s6 =	simm.s32 @!p1 $0x1082;
	[sflag:s4] =	ssyncset.s32 $0xFFFFF086  }
0x25: {  	[simem:s6], [sflag:s4] =	dma.local [hbm:s3], $0xF7A  }
0x26: {  	[smem:$0x3F9A] =	sst s1;
	(tag) =	ssettag s2;
	_ =	strace s9  }
0x27: {  	s1 =	sld [smem:$0x3FAA]  }
0x28: {  	s2 =	sld [smem:$0x3FAB]  }
0x29: {  	s4 =	sld [smem:$0x3FAD]  }
0x2a: {  	p0 =	seq.s32 s5, $0x0;
	s5 =	sld [smem:$0x3FAE]  }
0x2b: {  	s6 =	sld [smem:$0x3FAF]  }
0x2c: {  	s7 =	sld [smem:$0x3FB0]  }
0x2d: {  	s3 =	simm.s32 $0x108;
	s8 =	sld [smem:$0x3FB1]  }
0x2e: {  	s3 =	simm.s32 @!p0 $0x1082;
	s9 =	sld [smem:$0x3FB2]  }
0x2f: {  	lr =	sadd.s32 s0, s3;
	s0 =	sld [smem:$0x3FA9]  }
0x30: {  	s3 =	sld [smem:$0x3FAC]  }
0x31: {  	[smem:$0x3FB5] =	sst s10  }
0x32: {  	s10 =	sld [smem:$0x3FB3];
	_ =	sdelay $0x3  }
0x33: {  	p0 =	seq.s32 s10, $0x1;
	s10 =	sld [smem:$0x3FB5];
	_ =	sdelay $0x3  }
0x34: {  	[smem:$0x3FB5] =	sst s10  }
0x35: {  	s10 =	sld [smem:$0x3FB4];
	_ =	sdelay $0x3  }
0x36: {  	p1 =	seq.s32 s10, $0x1;
	s10 =	sld [smem:$0x3FB5];
	_ =	sdelay $0x3  }
0x37: {  	[smem:$0x3FB5] =	sst s10  }
0x38: {  	s10 =	sld [smem:$0x3FB6]  }
0x39: {  	_ = 	snop;
	(pc) =	sbr.ind lr, $3  }
0x3a: {  	_ = 	snop  }
0x3b: {  	_ = 	snop  }
0x3c: {  	p2 =	seq.s32 s10, $0x1;
	s10 =	sld [smem:$0x3FB5]  }
0x3d: {  	_ =	shalt  }
0x3e: {  	_ =	shalt  }
0x3f: {  	_ =	shalt  }
0x40: {  	_ =	shalt  }
0x41: {  	_ =	shalt  }
0x42: {  	_ =	shalt  }
0x43: {  	_ =	shalt  }
0x44: {  	_ =	shalt  }
0x45: {  	_ =	shalt  }
0x46: {  	_ =	shalt  }
0x47: {  	_ =	shalt  }
0x48: {  	_ =	shalt  }
0x49: {  	_ =	shalt  }
0x4a: {  	_ =	shalt  }
0x4b: {  	_ =	shalt  }
0x4c: {  	_ =	shalt  }
0x4d: {  	_ =	shalt  }
0x4e: {  	_ =	shalt  }
0x4f: {  	_ =	shalt  }
0x50: {  	_ =	shalt  }
0x51: {  	_ =	shalt  }
0x52: {  	_ =	shalt  }
0x53: {  	_ =	shalt  }
0x54: {  	_ =	shalt  }
0x55: {  	_ =	shalt  }
0x56: {  	_ =	shalt  }
0x57: {  	_ =	shalt  }
0x58: {  	_ =	shalt  }
0x59: {  	_ =	shalt  }
0x5a: {  	_ =	shalt  }
0x5b: {  	_ =	shalt  }
0x5c: {  	_ =	shalt  }
0x5d: {  	_ =	shalt  }
0x5e: {  	_ =	shalt  }
0x5f: {  	_ =	shalt  }
0x60: {  	_ =	shalt  }
0x61: {  	_ =	shalt  }
0x62: {  	_ =	shalt  }
0x63: {  	_ =	shalt  }
0x64: {  	_ =	shalt  }
0x65: {  	_ =	shalt  }
0x66: {  	_ =	shalt  }
0x67: {  	_ =	shalt  }
0x68: {  	_ =	shalt  }
0x69: {  	_ =	shalt  }
0x6a: {  	_ =	shalt  }
0x6b: {  	_ =	shalt  }
0x6c: {  	_ =	shalt  }
0x6d: {  	_ =	shalt  }
0x6e: {  	_ =	shalt  }
0x6f: {  	_ =	shalt  }
0x70: {  	_ =	shalt  }
0x71: {  	_ =	shalt  }
0x72: {  	_ =	shalt  }
0x73: {  	_ =	shalt  }
0x74: {  	_ =	shalt  }
0x75: {  	_ =	shalt  }
0x76: {  	_ =	shalt  }
0x77: {  	_ =	shalt  }
0x78: {  	_ =	shalt  }
0x79: {  	_ =	shalt  }
0x7a: {  	_ =	shalt  }
0x7b: {  	_ =	shalt  }
0x7c: {  	_ =	shalt  }
0x7d: {  	_ =	shalt  }
0x7e: {  	_ =	shalt  }
0x7f: {  	_ =	shalt  }
0x80: {  	_ =	shalt  }
0x81: {  	_ =	shalt  }
0x82: {  	_ =	shalt  }
0x83: {  	_ =	shalt  }
0x84: {  	_ =	shalt  }
0x85: {  	_ =	shalt  }
0x86: {  	_ =	shalt  }
0x87: {  	_ =	shalt  }
.Lfunc_end0:
.L_simem_size_0:
called_computation.1_lowered:
.L_overlay_start_0:
0x88: {  	s2 =	sld [smem:$0x3FD9]  }
0x89: {  	s3 =	sld [smem:$0x3FFE];
	_ =	sdelay $0x1  }
0x8a: {  	s1 =	srdreg.scid  }
0x8b: {  	s0 =	sand.u32 $0x1, s1  }
0x8c: {  	s17 =	sshll.u32 s0, $0xA;
	s2 =	sadd.s32 s3, s2  }
0x8d: {  	s2 =	sadd.s32 s2, s17  }
0x8e: {  	[smem:$0x3FC1] =	sst s2  }
0x8f: {  	_ = 	snop  }
0x90: {  	s2 =	sld [smem:$0x3FD0];
	(tm) =	ssettm $0x1  }
0x91: {  	s18 =	sld [smem:$0x3FFB];
	_ =	sdelay $0x3  }
0x92: {  	_ =	strace s18  }
0x93: {  	s3 =	sld [smem:$0x3FFC];
	_ =	sdelay $0x3  }
0x94: {  	_ =	strace s3  }
0x95: {  	s3 =	sld [smem:$0x3FFD];
	_ =	sdelay $0x3  }
0x96: {  	_ =	strace s3  }
0x97: {  	_ =	strace $0x8FFFFFFF  }
0x98: {  	s19 =	sld [smem:$0x3FDB];
	_ =	sdelay $0x1  }
0x99: {  	s4 =	simm.s32 $_scs_section_size  }
0x9a: {  	s5 =	simm.s32 $_size__tile_overlayer_lowered;
	s6 =	simm.s32 $_tile_overlayer_lowered  }
0x9b: {  	s22 =	simm.s32 $0x1BFF;
	s21 =	sshll.u32 s6, $0x1;
	s3 =	sadd.s32 s4, s19  }
0x9c: {  	s7 =	simm.s32 $0x0;
	s20 =	sshll.u32 s5, $0x1;
	s5 =	sadd.s32 s21, s3  }
0x9d: {  	[timem:s7], [sflag:s22] =	dma.local [hbm:s5], s20  }
0x9e: {  	_ =	swait.ge [sflag:s22], s20  }
0x9f: {  	s4 =	ssub.s32 $0x0, s20;
	[sflag:s22] =	ssyncset.done $0x0  }
0xa0: {  	[sflag:s22] =	ssyncadd.s32 s4;
	_ =	sdelay $0x1  }
0xa1: {  	s23 =	simm.s32 $0x1B8B  }
0xa2: {  	_ =	swait.ge [sflag:s23], $0x1  }
0xa3: {  	[sflag:s23] =	ssyncset.done $0x0  }
0xa4: {  	s25 =	simm.s32 $0x1B8E;
	s24 =	sld [smem:$0x3FFE];
	[sflag:s23] =	ssyncadd.s32 $0xFFFFFFFF  }
0xa5: {  	s26 =	simm.s32 $execute0_lowered;
	[smem:$0x3FD2] =	sst s25  }
0xa6: {  	s5 =	sshll.u32 s26, $0x1;
	_ =	strace $0x80000049;
	[dreg:$0x1] =	wrdreg $0xFFFFFFFF  }
0xa7: {  	s28 =	simm.s32 $_size_execute0_lowered;
	s3 =	sadd.s32 s3, s5;
	[dreg:$0x0] =	wrdreg $0x0  }
0xa8: {  	s5 =	sshll.u32 s28, $0x1;
	[dreg:$0x2] =	wrdreg s3  }
0xa9: {  	[dreg:$0x3] =	wrdreg s5  }
0xaa: {  	[dreg:$0x4] =	wrdreg $0xC0  }
0xab: {  	_ =	task [dreg:s7], $0x5FFFF  }
0xac: {  	[dreg:$0x1] =	wrdreg $0xFFFFFFFF  }
0xad: {  	[dreg:$0x0] =	wrdreg $0x60  }
0xae: {  	[dreg:$0x2] =	wrdreg s24  }
0xaf: {  	[dreg:$0x3] =	wrdreg s2  }
0xb0: {  	[dreg:$0x4] =	wrdreg $0x9  }
0xb1: {  	_ =	task.clear_ibuf [dreg:s7], $0x5FFFF;
	_ =	strace $0x90000049  }
0xb2: {  	s29 =	simm.s32 $0x9;
	_ =	strace $0x8000004B  }
0xb3: {  	_ =	swait.ge [sflag:s29], $0x1  }
0xb4: {  	[sflag:s29] =	ssyncadd.s32 $0xFFFFFFFF  }
0xb5: {  	_ =	strace $0x9000004B  }
0xb6: {  	_ =	sfence  }
0xb7: {  	s30 =	sld [smem:$0x0];
	_ =	sdelay $0x2  }
0xb8: {  	s31 =	sshll.u32 s1, $0xD;
	s1 =	sshrl.u32 s1, $0x2  }
0xb9: {  	s3 =	sand.u32 $0x4000, s31;
	s1 =	sadd.s32 s1, s30  }
0xba: {  	s0 =	sor.u32 s3, s0;
	s1 =	sshll.u32 s1, $0x11  }
0xbb: {  	s0 =	sor.u32 s1, s0  }
0xbc: {  	s0 =	sadd.s32 $0x8F2B, s0  }
0xbd: {  	[sflag:s0] =	ssyncadd.remote.s32 $0x1  }
0xbe: {  	_ =	sfence.sel $0xFFFF  }
0xbf: {  	[dreg:$0x0] =	wrdreg $0xFFFFFFFF;
	(pc) =	sbr.abs _section_cstart, $3  }
0xc0: {  	[dreg:$0x1] =	wrdreg $0xFFFFFFFF  }
0xc1: {  	_ =	task.clear_ibuf [dreg:s7], $0x2FFFF;
	_ =	strace $0x9FFFFFFF  }
0xc2: {  	(tm) =	ssettm $0x7FFFFFFF  }
0xc3: {  	_ =	shalt  }
tec
execute0_lowered:
.L_overlay_start_1:
0x0: {  	(tag) =	ssettag $0x1  }
0x1: {  	s1 =	srdreg.scid;
	s2 =	stileid.u32  }
0x2: {  	s1 =	sand.u32 $0x1, s1;
	s2 =	sshll.u32 s2, $0x1  }
0x3: {  	s0 =	rddreg [dreg:$0x0];
	s4 =	sor.u32 s1, s2  }
0x4: {  	s3 =	rddreg [dreg:$0x1];
	s5 =	sshll.u32 s4, $0x8  }
0x5: {  	s2 =	simm.s32 $0x0;
	s6 =	smul.u32 $0x18000, s4;
	s5 =	sadd.s32 s5, s0  }
0x6: {  	[smem:$0x7FF] =	sst s2;
	s5 =	sadd.s32 $0x182600, s5  }
0x7: {  	_ =	strace $0x8000004A;
	s6 =	sadd.s32 s3, s6;
	[dreg:$0x3] =	wrdreg s5  }
0x8: {  	s17 =	sadd.s32 $0x1800, s6;
	[dreg:$0x13] =	wrdreg s6  }
0x9: {  	s4 =	smul.u32 $0xC0000, s4;
	s18 =	sadd.s32 $0x3000, s6;
	[dreg:$0x4] =	wrdreg s17  }
0xa: {  	s19 =	sadd.s32 $0x4800, s6;
	[dreg:$0x5] =	wrdreg s18  }
0xb: {  	s4 =	sshrl.u32 s4, $0x3;
	s20 =	sadd.s32 $0x6000, s6;
	[dreg:$0x6] =	wrdreg s19  }
0xc: {  	s21 =	sadd.s32 $0x7800, s6;
	s3 =	sadd.s32 s3, s4;
	[dreg:$0x7] =	wrdreg s20  }
0xd: {  	[dreg:$0x8] =	wrdreg s21;
	s4 =	sadd.s32 $0x9000, s3  }
0xe: {  	s22 =	sadd.s32 $0xA800, s3;
	[dreg:$0x9] =	wrdreg s4  }
0xf: {  	s23 =	sadd.s32 $0xC000, s3;
	[dreg:$0xa] =	wrdreg s22  }
0x10: {  	s8 =	simm.s32 $0x2;
	s24 =	sadd.s32 $0xD800, s3;
	[dreg:$0xb] =	wrdreg s23  }
0x11: {  	s1 =	ssub.s32 $0x2, s1;
	s25 =	sadd.s32 $0xF000, s3;
	[dreg:$0xc] =	wrdreg s24  }
0x12: {  	s30 =	sshrl.u32 s1, $0x1;
	s26 =	sadd.s32 $0x10800, s3;
	[dreg:$0xd] =	wrdreg s25  }
0x13: {  	s1 =	ssub.s32 s1, s30;
	s28 =	sadd.s32 $0x12000, s3;
	[dreg:$0xe] =	wrdreg s26  }
0x14: {  	s5 =	sadd.s32 $0x184700, s0;
	s29 =	sadd.s32 $0x13800, s3;
	[dreg:$0xf] =	wrdreg s28  }
0x15: {  	v2 =	vlaneseq.u32;
	s6 =	sadd.s32 $0x184800, s0;
	s31 =	sadd.s32 $0x15000, s3;
	[dreg:$0x10] =	wrdreg s29  }
0x16: {  	vm0 =	vmmov $0xffff;
	v1 =	vshrl.u32 v2, $0x3;
	s3 =	sadd.s32 $0x16800, s3;
	s4 =	sadd.s32 $0x184600, s0;
	[dreg:$0x11] =	wrdreg s31  }
0x17: {  	v0 =	vand.u32 $0x7, v2;
	v2 =	vor.u32 $0x8, v2;
	v1 =	vmul.u32 $0x8, v1;
	[dreg:$0x12] =	wrdreg s3;
	s0 =	smax.u32 s1, $0x1;
	s3 =	simm.s32 $0x1  }
.LBB2_1:
0x18: {  	[dreg:$0x14] =	wrdreg s0  }
0x19: {  	s12 =	rddreg [dreg:$0x3]  }
0x1a: {  	[tilespmem:s2], [sflag:$0x2] =	stream.linear.gather [hbm4b:s12+s2], $0x800, $0x38;
	[tilespmem:$0x18800] =	vst v63  }
0x1b: {  	_ =	swait.ge [sflag:s8], $0x800  }
0x1c: {  	[sflag:s8] =	ssyncset.done $0x0  }
0x1d: {  	[sflag:s8] =	ssyncadd.s32 $0xFFFFF800  }
0x1e: {  	v3 =	vld [tilespmem:$0x0];
	_ =	sdelay $0x4  }
0x1f: {  	v4 =	vshrl.u32 v3, $0x3  }
0x20: {  	v4 =	vmul.u32 $0x30, v4  }
0x21: {  	v3 =	vand.u32 $0x7, v3  }
0x22: {  	v3 =	vor.u32 v3, v4  }
0x23: {  	v4 =	vperm.xlane v3, v0;
	_ =	sdelay $0x1  }
0x24: {  	v4 =	vadd.s32 v1, v4;
	_ =	sdelay $0x3  }
0x25: {  	s24 =	simm.s32 $0x800;
	v3 =	vperm.xlane v3, v2  }
0x26: {  	[tilespmem:s24], [sflag:$0x1] =	stream.indirect_vreg.gather [hbm4b:s4+s2], $0x80, v4, vm0, $0xb8;
	[tilespmem:$0x18800] =	vst v63  }
0x27: {  	s25 =	simm.s32 $0x1000;
	v3 =	vadd.s32 v1, v3  }
0x28: {  	[tilespmem:s25], [sflag:$0x1] =	stream.indirect_vreg.gather [hbm4b:s5+s2], $0x80, v4, vm0, $0xb8;
	[tilespmem:$0x18800] =	vst v63  }
0x29: {  	s26 =	simm.s32 $0x1800  }
0x2a: {  	[tilespmem:s26], [sflag:$0x1] =	stream.indirect_vreg.gather [hbm4b:s6+s2], $0x80, v4, vm0, $0xb8;
	[tilespmem:$0x18800] =	vst v63  }
0x2b: {  	s28 =	simm.s32 $0x2000  }
0x2c: {  	[tilespmem:s28], [sflag:$0x1] =	stream.indirect_vreg.gather [hbm4b:s4+s2], $0x80, v3, vm0, $0xb8;
	[tilespmem:$0x18800] =	vst v63  }
0x2d: {  	s29 =	simm.s32 $0x2800  }
0x2e: {  	[tilespmem:s29], [sflag:$0x1] =	stream.indirect_vreg.gather [hbm4b:s5+s2], $0x80, v3, vm0, $0xb8;
	[tilespmem:$0x18800] =	vst v63  }
0x2f: {  	s30 =	simm.s32 $0x3000  }
0x30: {  	[tilespmem:s30], [sflag:$0x1] =	stream.indirect_vreg.gather [hbm4b:s6+s2], $0x80, v3, vm0, $0xb8;
	[tilespmem:$0x18800] =	vst v63  }
0x31: {  	v3 =	vld [tilespmem:$0x10];
	_ =	sdelay $0x4  }
0x32: {  	v57 =	vshrl.u32 v3, $0x3  }
0x33: {  	v4 =	vmul.u32 $0x30, v57  }
0x34: {  	v3 =	vand.u32 $0x7, v3  }
0x35: {  	v3 =	vor.u32 v3, v4  }
0x36: {  	v4 =	vperm.xlane v3, v0;
	_ =	sdelay $0x1  }
0x37: {  	v4 =	vadd.s32 v1, v4;
	_ =	sdelay $0x3  }
0x38: {  	s31 =	simm.s32 $0x3800;
	v3 =	vperm.xlane v3, v2  }
0x39: {  	[tilespmem:s31], [sflag:$0x1] =	stream.indirect_vreg.gather [hbm4b:s4+s2], $0x80, v4, vm0, $0xb8;
	[tilespmem:$0x18800] =	vst v63  }
0x3a: {  	s1 =	simm.s32 $0x4000;
	v3 =	vadd.s32 v1, v3  }
0x3b: {  	[tilespmem:s1], [sflag:$0x1] =	stream.indirect_vreg.gather [hbm4b:s5+s2], $0x80, v4, vm0, $0xb8;
	[tilespmem:$0x18800] =	vst v63  }
0x3c: {  	s9 =	simm.s32 $0x4800  }
0x3d: {  	[tilespmem:s9], [sflag:$0x1] =	stream.indirect_vreg.gather [hbm4b:s6+s2], $0x80, v4, vm0, $0xb8;
	[tilespmem:$0x18800] =	vst v63  }
0x3e: {  	s10 =	simm.s32 $0x5000  }
0x3f: {  	[tilespmem:s10], [sflag:$0x1] =	stream.indirect_vreg.gather [hbm4b:s4+s2], $0x80, v3, vm0, $0xb8;
	[tilespmem:$0x18800] =	vst v63  }
0x40: {  	s12 =	simm.s32 $0x5800  }
0x41: {  	[tilespmem:s12], [sflag:$0x1] =	stream.indirect_vreg.gather [hbm4b:s5+s2], $0x80, v3, vm0, $0xb8;
	[tilespmem:$0x18800] =	vst v63  }
0x42: {  	s14 =	simm.s32 $0x6000  }
0x43: {  	[tilespmem:s14], [sflag:$0x1] =	stream.indirect_vreg.gather [hbm4b:s6+s2], $0x80, v3, vm0, $0xb8;
	[tilespmem:$0x18800] =	vst v63  }
0x44: {  	v3 =	vld [tilespmem:$0x20];
	_ =	sdelay $0x4  }
0x45: {  	v58 =	vshrl.u32 v3, $0x3  }
0x46: {  	v4 =	vmul.u32 $0x30, v58  }
0x47: {  	v3 =	vand.u32 $0x7, v3  }
0x48: {  	v3 =	vor.u32 v3, v4  }
0x49: {  	v4 =	vperm.xlane v3, v0;
	_ =	sdelay $0x1  }
0x4a: {  	v4 =	vadd.s32 v1, v4;
	_ =	sdelay $0x3  }
0x4b: {  	s15 =	simm.s32 $0x6800;
	v3 =	vperm.xlane v3, v2  }
0x4c: {  	[tilespmem:s15], [sflag:$0x1] =	stream.indirect_vreg.gather [hbm4b:s4+s2], $0x80, v4, vm0, $0xb8;
	[tilespmem:$0x18800] =	vst v63  }
0x4d: {  	s18 =	simm.s32 $0x7000;
	v3 =	vadd.s32 v1, v3  }
0x4e: {  	[tilespmem:s18], [sflag:$0x1] =	stream.indirect_vreg.gather [hbm4b:s5+s2], $0x80, v4, vm0, $0xb8;
	[tilespmem:$0x18800] =	vst v63  }
0x4f: {  	s19 =	simm.s32 $0x7800  }
0x50: {  	[tilespmem:s19], [sflag:$0x1] =	stream.indirect_vreg.gather [hbm4b:s6+s2], $0x80, v4, vm0, $0xb8;
	[tilespmem:$0x18800] =	vst v63  }
0x51: {  	s22 =	simm.s32 $0x8000  }
0x52: {  	[tilespmem:s22], [sflag:$0x1] =	stream.indirect_vreg.gather [hbm4b:s4+s2], $0x80, v3, vm0, $0xb8;
	[tilespmem:$0x18800] =	vst v63  }
0x53: {  	s23 =	simm.s32 $0x8800  }
0x54: {  	[tilespmem:s23], [sflag:$0x1] =	stream.indirect_vreg.gather [hbm4b:s5+s2], $0x80, v3, vm0, $0xb8;
	[tilespmem:$0x18800] =	vst v63  }
0x55: {  	s25 =	simm.s32 $0x9000  }
0x56: {  	[tilespmem:s25], [sflag:$0x1] =	stream.indirect_vreg.gather [hbm4b:s6+s2], $0x80, v3, vm0, $0xb8;
	[tilespmem:$0x18800] =	vst v63  }
0x57: {  	v3 =	vld [tilespmem:$0x30];
	_ =	sdelay $0x4  }
0x58: {  	v59 =	vshrl.u32 v3, $0x3  }
0x59: {  	v4 =	vmul.u32 $0x30, v59  }
0x5a: {  	v3 =	vand.u32 $0x7, v3  }
0x5b: {  	v3 =	vor.u32 v3, v4  }
0x5c: {  	v4 =	vperm.xlane v3, v0;
	_ =	sdelay $0x1  }
0x5d: {  	v4 =	vadd.s32 v1, v4;
	_ =	sdelay $0x3  }
0x5e: {  	s1 =	simm.s32 $0x9800;
	v3 =	vperm.xlane v3, v2  }
0x5f: {  	[tilespmem:s1], [sflag:$0x1] =	stream.indirect_vreg.gather [hbm4b:s4+s2], $0x80, v4, vm0, $0xb8;
	[tilespmem:$0x18800] =	vst v63  }
0x60: {  	s9 =	simm.s32 $0xA000;
	v3 =	vadd.s32 v1, v3  }
0x61: {  	[tilespmem:s9], [sflag:$0x1] =	stream.indirect_vreg.gather [hbm4b:s5+s2], $0x80, v4, vm0, $0xb8;
	[tilespmem:$0x18800] =	vst v63  }
0x62: {  	s10 =	simm.s32 $0xA800  }
0x63: {  	[tilespmem:s10], [sflag:$0x1] =	stream.indirect_vreg.gather [hbm4b:s6+s2], $0x80, v4, vm0, $0xb8;
	[tilespmem:$0x18800] =	vst v63  }
0x64: {  	s12 =	simm.s32 $0xB000  }
0x65: {  	[tilespmem:s12], [sflag:$0x1] =	stream.indirect_vreg.gather [hbm4b:s4+s2], $0x80, v3, vm0, $0xb8;
	[tilespmem:$0x18800] =	vst v63  }
0x66: {  	s14 =	simm.s32 $0xB800  }
0x67: {  	[tilespmem:s14], [sflag:$0x1] =	stream.indirect_vreg.gather [hbm4b:s5+s2], $0x80, v3, vm0, $0xb8;
	[tilespmem:$0x18800] =	vst v63  }
0x68: {  	s15 =	simm.s32 $0xC000  }
0x69: {  	[tilespmem:s15], [sflag:$0x1] =	stream.indirect_vreg.gather [hbm4b:s6+s2], $0x80, v3, vm0, $0xb8;
	[tilespmem:$0x18800] =	vst v63  }
0x6a: {  	_ =	swait.ge [sflag:s3], $0xC000  }
0x6b: {  	[sflag:s3] =	ssyncset.done $0x0  }
0x6c: {  	[sflag:s3] =	ssyncadd.s32 $0xFFFF4000  }
0x6d: {  	v3 =	vld [tilespmem:$0x80];
	_ =	sdelay $0x4  }
0x6e: {  	v60 =	vshrl.u32 v3, $0x3  }
0x6f: {  	v4 =	vmul.u32 $0x30, v60  }
0x70: {  	v3 =	vand.u32 $0x7, v3  }
0x71: {  	v3 =	vor.u32 v3, v4  }
0x72: {  	v4 =	vperm.xlane v3, v0;
	_ =	sdelay $0x1  }
0x73: {  	v4 =	vadd.s32 v1, v4;
	_ =	sdelay $0x3  }
0x74: {  	s18 =	simm.s32 $0xC800;
	v3 =	vperm.xlane v3, v2  }
0x75: {  	[tilespmem:s18], [sflag:$0x1] =	stream.indirect_vreg.gather [hbm4b:s4+s2], $0x80, v4, vm0, $0xb8;
	[tilespmem:$0x18800] =	vst v63  }
0x76: {  	s19 =	simm.s32 $0xD000;
	v3 =	vadd.s32 v1, v3  }
0x77: {  	[tilespmem:s19], [sflag:$0x1] =	stream.indirect_vreg.gather [hbm4b:s5+s2], $0x80, v4, vm0, $0xb8;
	[tilespmem:$0x18800] =	vst v63  }
0x78: {  	s22 =	simm.s32 $0xD800  }
0x79: {  	[tilespmem:s22], [sflag:$0x1] =	stream.indirect_vreg.gather [hbm4b:s6+s2], $0x80, v4, vm0, $0xb8;
	[tilespmem:$0x18800] =	vst v63  }
0x7a: {  	s23 =	simm.s32 $0xE000  }
0x7b: {  	[tilespmem:s23], [sflag:$0x1] =	stream.indirect_vreg.gather [hbm4b:s4+s2], $0x80, v3, vm0, $0xb8;
	[tilespmem:$0x18800] =	vst v63  }
0x7c: {  	s25 =	simm.s32 $0xE800  }
0x7d: {  	[tilespmem:s25], [sflag:$0x1] =	stream.indirect_vreg.gather [hbm4b:s5+s2], $0x80, v3, vm0, $0xb8;
	[tilespmem:$0x18800] =	vst v63  }
0x7e: {  	s9 =	simm.s32 $0xF000  }
0x7f: {  	[tilespmem:s9], [sflag:$0x1] =	stream.indirect_vreg.gather [hbm4b:s6+s2], $0x80, v3, vm0, $0xb8;
	[tilespmem:$0x18800] =	vst v63  }
0x80: {  	v3 =	vld [tilespmem:$0x90];
	_ =	sdelay $0x4  }
0x81: {  	v61 =	vshrl.u32 v3, $0x3  }
0x82: {  	v4 =	vmul.u32 $0x30, v61  }
0x83: {  	v3 =	vand.u32 $0x7, v3  }
0x84: {  	v3 =	vor.u32 v3, v4  }
0x85: {  	v4 =	vperm.xlane v3, v0;
	_ =	sdelay $0x1  }
0x86: {  	v4 =	vadd.s32 v1, v4;
	_ =	sdelay $0x3  }
0x87: {  	s10 =	simm.s32 $0xF800;
	v3 =	vperm.xlane v3, v2  }
0x88: {  	[tilespmem:s10], [sflag:$0x1] =	stream.indirect_vreg.gather [hbm4b:s4+s2], $0x80, v4, vm0, $0xb8;
	[tilespmem:$0x18800] =	vst v63  }
0x89: {  	s12 =	simm.s32 $0x10000;
	v3 =	vadd.s32 v1, v3  }
0x8a: {  	[tilespmem:s12], [sflag:$0x1] =	stream.indirect_vreg.gather [hbm4b:s5+s2], $0x80, v4, vm0, $0xb8;
	[tilespmem:$0x18800] =	vst v63  }
0x8b: {  	s18 =	simm.s32 $0x10800  }
0x8c: {  	[tilespmem:s18], [sflag:$0x1] =	stream.indirect_vreg.gather [hbm4b:s6+s2], $0x80, v4, vm0, $0xb8;
	[tilespmem:$0x18800] =	vst v63  }
0x8d: {  	s19 =	simm.s32 $0x11000  }
0x8e: {  	[tilespmem:s19], [sflag:$0x1] =	stream.indirect_vreg.gather [hbm4b:s4+s2], $0x80, v3, vm0, $0xb8;
	[tilespmem:$0x18800] =	vst v63  }
0x8f: {  	s22 =	simm.s32 $0x11800  }
0x90: {  	[tilespmem:s22], [sflag:$0x1] =	stream.indirect_vreg.gather [hbm4b:s5+s2], $0x80, v3, vm0, $0xb8;
	[tilespmem:$0x18800] =	vst v63  }
0x91: {  	s23 =	simm.s32 $0x12000  }
0x92: {  	[tilespmem:s23], [sflag:$0x1] =	stream.indirect_vreg.gather [hbm4b:s6+s2], $0x80, v3, vm0, $0xb8;
	[tilespmem:$0x18800] =	vst v63  }
0x93: {  	v3 =	vld [tilespmem:$0xA0];
	_ =	sdelay $0x4  }
0x94: {  	v62 =	vshrl.u32 v3, $0x3  }
0x95: {  	v4 =	vmul.u32 $0x30, v62  }
0x96: {  	v3 =	vand.u32 $0x7, v3  }
0x97: {  	v3 =	vor.u32 v3, v4  }
0x98: {  	v4 =	vperm.xlane v3, v0;
	_ =	sdelay $0x1  }
0x99: {  	v4 =	vadd.s32 v1, v4;
	_ =	sdelay $0x3  }
0x9a: {  	s25 =	simm.s32 $0x12800;
	v3 =	vperm.xlane v3, v2  }
0x9b: {  	[tilespmem:s25], [sflag:$0x1] =	stream.indirect_vreg.gather [hbm4b:s4+s2], $0x80, v4, vm0, $0xb8;
	[tilespmem:$0x18800] =	vst v63  }
0x9c: {  	s9 =	simm.s32 $0x13000;
	v3 =	vadd.s32 v1, v3  }
0x9d: {  	[tilespmem:s9], [sflag:$0x1] =	stream.indirect_vreg.gather [hbm4b:s5+s2], $0x80, v4, vm0, $0xb8;
	[tilespmem:$0x18800] =	vst v63  }
0x9e: {  	s10 =	simm.s32 $0x13800  }
0x9f: {  	[tilespmem:s10], [sflag:$0x1] =	stream.indirect_vreg.gather [hbm4b:s6+s2], $0x80, v4, vm0, $0xb8;
	[tilespmem:$0x18800] =	vst v63  }
0xa0: {  	s12 =	simm.s32 $0x14000  }
0xa1: {  	[tilespmem:s12], [sflag:$0x1] =	stream.indirect_vreg.gather [hbm4b:s4+s2], $0x80, v3, vm0, $0xb8;
	[tilespmem:$0x18800] =	vst v63  }
0xa2: {  	s22 =	simm.s32 $0x14800  }
0xa3: {  	[tilespmem:s22], [sflag:$0x1] =	stream.indirect_vreg.gather [hbm4b:s5+s2], $0x80, v3, vm0, $0xb8;
	[tilespmem:$0x18800] =	vst v63  }
0xa4: {  	s23 =	simm.s32 $0x15000  }
0xa5: {  	[tilespmem:s23], [sflag:$0x1] =	stream.indirect_vreg.gather [hbm4b:s6+s2], $0x80, v3, vm0, $0xb8;
	[tilespmem:$0x18800] =	vst v63  }
0xa6: {  	v3 =	vld [tilespmem:$0xB0];
	_ =	sdelay $0x4  }
0xa7: {  	v63 =	vshrl.u32 v3, $0x3  }
0xa8: {  	v4 =	vmul.u32 $0x30, v63  }
0xa9: {  	v3 =	vand.u32 $0x7, v3  }
0xaa: {  	v3 =	vor.u32 v3, v4  }
0xab: {  	v4 =	vperm.xlane v3, v0;
	_ =	sdelay $0x1  }
0xac: {  	v4 =	vadd.s32 v1, v4;
	_ =	sdelay $0x3  }
0xad: {  	s25 =	simm.s32 $0x15800;
	v3 =	vperm.xlane v3, v2  }
0xae: {  	[tilespmem:s25], [sflag:$0x1] =	stream.indirect_vreg.gather [hbm4b:s4+s2], $0x80, v4, vm0, $0xb8;
	[tilespmem:$0x18800] =	vst v63  }
0xaf: {  	s9 =	simm.s32 $0x16000;
	v3 =	vadd.s32 v1, v3  }
0xb0: {  	[tilespmem:s9], [sflag:$0x1] =	stream.indirect_vreg.gather [hbm4b:s5+s2], $0x80, v4, vm0, $0xb8;
	[tilespmem:$0x18800] =	vst v63  }
0xb1: {  	s10 =	simm.s32 $0x16800  }
0xb2: {  	[tilespmem:s10], [sflag:$0x1] =	stream.indirect_vreg.gather [hbm4b:s6+s2], $0x80, v4, vm0, $0xb8;
	[tilespmem:$0x18800] =	vst v63  }
0xb3: {  	s12 =	simm.s32 $0x17000  }
0xb4: {  	[tilespmem:s12], [sflag:$0x1] =	stream.indirect_vreg.gather [hbm4b:s4+s2], $0x80, v3, vm0, $0xb8;
	[tilespmem:$0x18800] =	vst v63  }
0xb5: {  	s25 =	simm.s32 $0x17800  }
0xb6: {  	[tilespmem:s25], [sflag:$0x1] =	stream.indirect_vreg.gather [hbm4b:s5+s2], $0x80, v3, vm0, $0xb8;
	[tilespmem:$0x18800] =	vst v63  }
0xb7: {  	s0 =	simm.s32 $0x18000  }
0xb8: {  	[tilespmem:s0], [sflag:$0x1] =	stream.indirect_vreg.gather [hbm4b:s6+s2], $0x80, v3, vm0, $0xb8;
	[tilespmem:$0x18800] =	vst v63  }
0xb9: {  	s9 =	rddreg [dreg:$0x13];
	s10 =	simm.s32 $0x800  }
0xba: {  	[hbm4b:s9+s2] =	stream.linear.scatter [tilespmem:s10], [sflag:$0x2], $0xC000, $0x38;
	[tilespmem:$0x18800] =	vst v63  }
0xbb: {  	_ =	swait.ge [sflag:s8], $0xC000  }
0xbc: {  	[sflag:s8] =	ssyncset.done $0x0  }
0xbd: {  	[sflag:s8] =	ssyncadd.s32 $0xFFFF4000  }
0xbe: {  	_ =	swait.ge [sflag:s3], $0xC000  }
0xbf: {  	[sflag:s3] =	ssyncset.done $0x0  }
0xc0: {  	[sflag:s3] =	ssyncadd.s32 $0xFFFF4000  }
0xc1: {  	v3 =	vld [tilespmem:$0x100];
	_ =	sdelay $0x4  }
0xc2: {  	v8 =	vshrl.u32 v3, $0x3  }
0xc3: {  	v4 =	vmul.u32 $0x30, v8  }
0xc4: {  	v3 =	vand.u32 $0x7, v3  }
0xc5: {  	v3 =	vor.u32 v3, v4  }
0xc6: {  	v4 =	vperm.xlane v3, v0;
	_ =	sdelay $0x1  }
0xc7: {  	v4 =	vadd.s32 v1, v4;
	_ =	sdelay $0x3  }
0xc8: {  	v3 =	vperm.xlane v3, v2  }
0xc9: {  	[tilespmem:s10], [sflag:$0x1] =	stream.indirect_vreg.gather [hbm4b:s4+s2], $0x80, v4, vm0, $0xb8;
	[tilespmem:$0x18800] =	vst v63  }
0xca: {  	s7 =	simm.s32 $0x1000;
	v3 =	vadd.s32 v1, v3  }
0xcb: {  	[tilespmem:s7], [sflag:$0x1] =	stream.indirect_vreg.gather [hbm4b:s5+s2], $0x80, v4, vm0, $0xb8;
	[tilespmem:$0x18800] =	vst v63  }
0xcc: {  	s11 =	simm.s32 $0x1800  }
0xcd: {  	[tilespmem:s11], [sflag:$0x1] =	stream.indirect_vreg.gather [hbm4b:s6+s2], $0x80, v4, vm0, $0xb8;
	[tilespmem:$0x18800] =	vst v63  }
0xce: {  	s13 =	simm.s32 $0x2000  }
0xcf: {  	[tilespmem:s13], [sflag:$0x1] =	stream.indirect_vreg.gather [hbm4b:s4+s2], $0x80, v3, vm0, $0xb8;
	[tilespmem:$0x18800] =	vst v63  }
0xd0: {  	s16 =	simm.s32 $0x2800  }
0xd1: {  	[tilespmem:s16], [sflag:$0x1] =	stream.indirect_vreg.gather [hbm4b:s5+s2], $0x80, v3, vm0, $0xb8;
	[tilespmem:$0x18800] =	vst v63  }
0xd2: {  	s26 =	simm.s32 $0x3000  }
0xd3: {  	[tilespmem:s26], [sflag:$0x1] =	stream.indirect_vreg.gather [hbm4b:s6+s2], $0x80, v3, vm0, $0xb8;
	[tilespmem:$0x18800] =	vst v63  }
0xd4: {  	v3 =	vld [tilespmem:$0x110];
	_ =	sdelay $0x4  }
0xd5: {  	v9 =	vshrl.u32 v3, $0x3  }
0xd6: {  	v4 =	vmul.u32 $0x30, v9  }
0xd7: {  	v3 =	vand.u32 $0x7, v3  }
0xd8: {  	v3 =	vor.u32 v3, v4  }
0xd9: {  	v4 =	vperm.xlane v3, v0;
	_ =	sdelay $0x1  }
0xda: {  	v4 =	vadd.s32 v1, v4;
	_ =	sdelay $0x3  }
0xdb: {  	s28 =	simm.s32 $0x3800;
	v3 =	vperm.xlane v3, v2  }
0xdc: {  	[tilespmem:s28], [sflag:$0x1] =	stream.indirect_vreg.gather [hbm4b:s4+s2], $0x80, v4, vm0, $0xb8;
	[tilespmem:$0x18800] =	vst v63  }
0xdd: {  	s17 =	simm.s32 $0x4000;
	v3 =	vadd.s32 v1, v3  }
0xde: {  	[tilespmem:s17], [sflag:$0x1] =	stream.indirect_vreg.gather [hbm4b:s5+s2], $0x80, v4, vm0, $0xb8;
	[tilespmem:$0x18800] =	vst v63  }
0xdf: {  	s20 =	simm.s32 $0x4800  }
0xe0: {  	[tilespmem:s20], [sflag:$0x1] =	stream.indirect_vreg.gather [hbm4b:s6+s2], $0x80, v4, vm0, $0xb8;
	[tilespmem:$0x18800] =	vst v63  }
0xe1: {  	s21 =	simm.s32 $0x5000  }
0xe2: {  	[tilespmem:s21], [sflag:$0x1] =	stream.indirect_vreg.gather [hbm4b:s4+s2], $0x80, v3, vm0, $0xb8;
	[tilespmem:$0x18800] =	vst v63  }
0xe3: {  	s24 =	simm.s32 $0x5800  }
0xe4: {  	[tilespmem:s24], [sflag:$0x1] =	stream.indirect_vreg.gather [hbm4b:s5+s2], $0x80, v3, vm0, $0xb8;
	[tilespmem:$0x18800] =	vst v63  }
0xe5: {  	s31 =	simm.s32 $0x6000  }
0xe6: {  	[tilespmem:s31], [sflag:$0x1] =	stream.indirect_vreg.gather [hbm4b:s6+s2], $0x80, v3, vm0, $0xb8;
	[tilespmem:$0x18800] =	vst v63  }
0xe7: {  	v3 =	vld [tilespmem:$0x120];
	_ =	sdelay $0x4  }
0xe8: {  	v10 =	vshrl.u32 v3, $0x3  }
0xe9: {  	v4 =	vmul.u32 $0x30, v10  }
0xea: {  	v3 =	vand.u32 $0x7, v3  }
0xeb: {  	v3 =	vor.u32 v3, v4  }
0xec: {  	v4 =	vperm.xlane v3, v0;
	_ =	sdelay $0x1  }
0xed: {  	v4 =	vadd.s32 v1, v4;
	_ =	sdelay $0x3  }
0xee: {  	s9 =	simm.s32 $0x6800;
	v3 =	vperm.xlane v3, v2  }
0xef: {  	[tilespmem:s9], [sflag:$0x1] =	stream.indirect_vreg.gather [hbm4b:s4+s2], $0x80, v4, vm0, $0xb8;
	[tilespmem:$0x18800] =	vst v63  }
0xf0: {  	s26 =	simm.s32 $0x7000;
	v3 =	vadd.s32 v1, v3  }
0xf1: {  	[tilespmem:s26], [sflag:$0x1] =	stream.indirect_vreg.gather [hbm4b:s5+s2], $0x80, v4, vm0, $0xb8;
	[tilespmem:$0x18800] =	vst v63  }
0xf2: {  	s28 =	simm.s32 $0x7800  }
0xf3: {  	[tilespmem:s28], [sflag:$0x1] =	stream.indirect_vreg.gather [hbm4b:s6+s2], $0x80, v4, vm0, $0xb8;
	[tilespmem:$0x18800] =	vst v63  }
0xf4: {  	s29 =	simm.s32 $0x8000  }
0xf5: {  	[tilespmem:s29], [sflag:$0x1] =	stream.indirect_vreg.gather [hbm4b:s4+s2], $0x80, v3, vm0, $0xb8;
	[tilespmem:$0x18800] =	vst v63  }
0xf6: {  	s30 =	simm.s32 $0x8800  }
0xf7: {  	[tilespmem:s30], [sflag:$0x1] =	stream.indirect_vreg.gather [hbm4b:s5+s2], $0x80, v3, vm0, $0xb8;
	[tilespmem:$0x18800] =	vst v63  }
0xf8: {  	s25 =	simm.s32 $0x9000  }
0xf9: {  	[tilespmem:s25], [sflag:$0x1] =	stream.indirect_vreg.gather [hbm4b:s6+s2], $0x80, v3, vm0, $0xb8;
	[tilespmem:$0x18800] =	vst v63  }
0xfa: {  	v3 =	vld [tilespmem:$0x130];
	_ =	sdelay $0x4  }
0xfb: {  	v11 =	vshrl.u32 v3, $0x3  }
0xfc: {  	v4 =	vmul.u32 $0x30, v11  }
0xfd: {  	v3 =	vand.u32 $0x7, v3  }
0xfe: {  	v3 =	vor.u32 v3, v4  }
0xff: {  	v4 =	vperm.xlane v3, v0;
	_ =	sdelay $0x1  }
0x100: {  	v4 =	vadd.s32 v1, v4;
	_ =	sdelay $0x3  }
0x101: {  	s10 =	simm.s32 $0x9800;
	v3 =	vperm.xlane v3, v2  }
0x102: {  	[tilespmem:s10], [sflag:$0x1] =	stream.indirect_vreg.gather [hbm4b:s4+s2], $0x80, v4, vm0, $0xb8;
	[tilespmem:$0x18800] =	vst v63  }
0x103: {  	s29 =	simm.s32 $0xA000;
	v3 =	vadd.s32 v1, v3  }
0x104: {  	[tilespmem:s29], [sflag:$0x1] =	stream.indirect_vreg.gather [hbm4b:s5+s2], $0x80, v4, vm0, $0xb8;
	[tilespmem:$0x18800] =	vst v63  }
0x105: {  	s30 =	simm.s32 $0xA800  }
0x106: {  	[tilespmem:s30], [sflag:$0x1] =	stream.indirect_vreg.gather [hbm4b:s6+s2], $0x80, v4, vm0, $0xb8;
	[tilespmem:$0x18800] =	vst v63  }
0x107: {  	s31 =	simm.s32 $0xB000  }
0x108: {  	[tilespmem:s31], [sflag:$0x1] =	stream.indirect_vreg.gather [hbm4b:s4+s2], $0x80, v3, vm0, $0xb8;
	[tilespmem:$0x18800] =	vst v63  }
0x109: {  	s24 =	simm.s32 $0xB800  }
0x10a: {  	[tilespmem:s24], [sflag:$0x1] =	stream.indirect_vreg.gather [hbm4b:s5+s2], $0x80, v3, vm0, $0xb8;
	[tilespmem:$0x18800] =	vst v63  }
0x10b: {  	s1 =	simm.s32 $0xC000  }
0x10c: {  	[tilespmem:s1], [sflag:$0x1] =	stream.indirect_vreg.gather [hbm4b:s6+s2], $0x80, v3, vm0, $0xb8;
	[tilespmem:$0x18800] =	vst v63  }
0x10d: {  	s7 =	rddreg [dreg:$0x4];
	s11 =	simm.s32 $0xC800  }
0x10e: {  	[hbm4b:s7+s2] =	stream.linear.scatter [tilespmem:s11], [sflag:$0x2], $0xC000, $0x38;
	[tilespmem:$0x18800] =	vst v63  }
0x10f: {  	_ =	swait.ge [sflag:s8], $0xC000  }
0x110: {  	[sflag:s8] =	ssyncset.done $0x0  }
0x111: {  	[sflag:s8] =	ssyncadd.s32 $0xFFFF4000  }
0x112: {  	_ =	swait.ge [sflag:s3], $0xC000  }
0x113: {  	[sflag:s3] =	ssyncset.done $0x0  }
0x114: {  	[sflag:s3] =	ssyncadd.s32 $0xFFFF4000  }
0x115: {  	v3 =	vld [tilespmem:$0x180];
	_ =	sdelay $0x4  }
0x116: {  	v12 =	vshrl.u32 v3, $0x3  }
0x117: {  	v4 =	vmul.u32 $0x30, v12  }
0x118: {  	v3 =	vand.u32 $0x7, v3  }
0x119: {  	v3 =	vor.u32 v3, v4  }
0x11a: {  	v4 =	vperm.xlane v3, v0;
	_ =	sdelay $0x1  }
0x11b: {  	v4 =	vadd.s32 v1, v4;
	_ =	sdelay $0x3  }
0x11c: {  	v3 =	vperm.xlane v3, v2  }
0x11d: {  	[tilespmem:s11], [sflag:$0x1] =	stream.indirect_vreg.gather [hbm4b:s4+s2], $0x80, v4, vm0, $0xb8;
	[tilespmem:$0x18800] =	vst v63  }
0x11e: {  	s7 =	simm.s32 $0xD000;
	v3 =	vadd.s32 v1, v3  }
0x11f: {  	[tilespmem:s7], [sflag:$0x1] =	stream.indirect_vreg.gather [hbm4b:s5+s2], $0x80, v4, vm0, $0xb8;
	[tilespmem:$0x18800] =	vst v63  }
0x120: {  	s1 =	simm.s32 $0xD800  }
0x121: {  	[tilespmem:s1], [sflag:$0x1] =	stream.indirect_vreg.gather [hbm4b:s6+s2], $0x80, v4, vm0, $0xb8;
	[tilespmem:$0x18800] =	vst v63  }
0x122: {  	s11 =	simm.s32 $0xE000  }
0x123: {  	[tilespmem:s11], [sflag:$0x1] =	stream.indirect_vreg.gather [hbm4b:s4+s2], $0x80, v3, vm0, $0xb8;
	[tilespmem:$0x18800] =	vst v63  }
0x124: {  	s13 =	simm.s32 $0xE800  }
0x125: {  	[tilespmem:s13], [sflag:$0x1] =	stream.indirect_vreg.gather [hbm4b:s5+s2], $0x80, v3, vm0, $0xb8;
	[tilespmem:$0x18800] =	vst v63  }
0x126: {  	s14 =	simm.s32 $0xF000  }
0x127: {  	[tilespmem:s14], [sflag:$0x1] =	stream.indirect_vreg.gather [hbm4b:s6+s2], $0x80, v3, vm0, $0xb8;
	[tilespmem:$0x18800] =	vst v63  }
0x128: {  	v3 =	vld [tilespmem:$0x190];
	_ =	sdelay $0x4  }
0x129: {  	v13 =	vshrl.u32 v3, $0x3  }
0x12a: {  	v4 =	vmul.u32 $0x30, v13  }
0x12b: {  	v3 =	vand.u32 $0x7, v3  }
0x12c: {  	v3 =	vor.u32 v3, v4  }
0x12d: {  	v4 =	vperm.xlane v3, v0;
	_ =	sdelay $0x1  }
0x12e: {  	v4 =	vadd.s32 v1, v4;
	_ =	sdelay $0x3  }
0x12f: {  	s15 =	simm.s32 $0xF800;
	v3 =	vperm.xlane v3, v2  }
0x130: {  	[tilespmem:s15], [sflag:$0x1] =	stream.indirect_vreg.gather [hbm4b:s4+s2], $0x80, v4, vm0, $0xb8;
	[tilespmem:$0x18800] =	vst v63  }
0x131: {  	s14 =	simm.s32 $0x10000;
	v3 =	vadd.s32 v1, v3  }
0x132: {  	[tilespmem:s14], [sflag:$0x1] =	stream.indirect_vreg.gather [hbm4b:s5+s2], $0x80, v4, vm0, $0xb8;
	[tilespmem:$0x18800] =	vst v63  }
0x133: {  	s15 =	simm.s32 $0x10800  }
0x134: {  	[tilespmem:s15], [sflag:$0x1] =	stream.indirect_vreg.gather [hbm4b:s6+s2], $0x80, v4, vm0, $0xb8;
	[tilespmem:$0x18800] =	vst v63  }
0x135: {  	s16 =	simm.s32 $0x11000  }
0x136: {  	[tilespmem:s16], [sflag:$0x1] =	stream.indirect_vreg.gather [hbm4b:s4+s2], $0x80, v3, vm0, $0xb8;
	[tilespmem:$0x18800] =	vst v63  }
0x137: {  	s17 =	simm.s32 $0x11800  }
0x138: {  	[tilespmem:s17], [sflag:$0x1] =	stream.indirect_vreg.gather [hbm4b:s5+s2], $0x80, v3, vm0, $0xb8;
	[tilespmem:$0x18800] =	vst v63  }
0x139: {  	s18 =	simm.s32 $0x12000  }
0x13a: {  	[tilespmem:s18], [sflag:$0x1] =	stream.indirect_vreg.gather [hbm4b:s6+s2], $0x80, v3, vm0, $0xb8;
	[tilespmem:$0x18800] =	vst v63  }
0x13b: {  	v3 =	vld [tilespmem:$0x1A0];
	_ =	sdelay $0x4  }
0x13c: {  	v14 =	vshrl.u32 v3, $0x3  }
0x13d: {  	v4 =	vmul.u32 $0x30, v14  }
0x13e: {  	v3 =	vand.u32 $0x7, v3  }
0x13f: {  	v3 =	vor.u32 v3, v4  }
0x140: {  	v4 =	vperm.xlane v3, v0;
	_ =	sdelay $0x1  }
0x141: {  	v4 =	vadd.s32 v1, v4;
	_ =	sdelay $0x3  }
0x142: {  	s19 =	simm.s32 $0x12800;
	v3 =	vperm.xlane v3, v2  }
0x143: {  	[tilespmem:s19], [sflag:$0x1] =	stream.indirect_vreg.gather [hbm4b:s4+s2], $0x80, v4, vm0, $0xb8;
	[tilespmem:$0x18800] =	vst v63  }
0x144: {  	s18 =	simm.s32 $0x13000;
	v3 =	vadd.s32 v1, v3  }
0x145: {  	[tilespmem:s18], [sflag:$0x1] =	stream.indirect_vreg.gather [hbm4b:s5+s2], $0x80, v4, vm0, $0xb8;
	[tilespmem:$0x18800] =	vst v63  }
0x146: {  	s19 =	simm.s32 $0x13800  }
0x147: {  	[tilespmem:s19], [sflag:$0x1] =	stream.indirect_vreg.gather [hbm4b:s6+s2], $0x80, v4, vm0, $0xb8;
	[tilespmem:$0x18800] =	vst v63  }
0x148: {  	s20 =	simm.s32 $0x14000  }
0x149: {  	[tilespmem:s20], [sflag:$0x1] =	stream.indirect_vreg.gather [hbm4b:s4+s2], $0x80, v3, vm0, $0xb8;
	[tilespmem:$0x18800] =	vst v63  }
0x14a: {  	s21 =	simm.s32 $0x14800  }
0x14b: {  	[tilespmem:s21], [sflag:$0x1] =	stream.indirect_vreg.gather [hbm4b:s5+s2], $0x80, v3, vm0, $0xb8;
	[tilespmem:$0x18800] =	vst v63  }
0x14c: {  	s22 =	simm.s32 $0x15000  }
0x14d: {  	[tilespmem:s22], [sflag:$0x1] =	stream.indirect_vreg.gather [hbm4b:s6+s2], $0x80, v3, vm0, $0xb8;
	[tilespmem:$0x18800] =	vst v63  }
0x14e: {  	v3 =	vld [tilespmem:$0x1B0];
	_ =	sdelay $0x4  }
0x14f: {  	v15 =	vshrl.u32 v3, $0x3  }
0x150: {  	v4 =	vmul.u32 $0x30, v15  }
0x151: {  	v3 =	vand.u32 $0x7, v3  }
0x152: {  	v3 =	vor.u32 v3, v4  }
0x153: {  	v4 =	vperm.xlane v3, v0;
	_ =	sdelay $0x1  }
0x154: {  	v4 =	vadd.s32 v1, v4;
	_ =	sdelay $0x3  }
0x155: {  	s23 =	simm.s32 $0x15800;
	v3 =	vperm.xlane v3, v2  }
0x156: {  	[tilespmem:s23], [sflag:$0x1] =	stream.indirect_vreg.gather [hbm4b:s4+s2], $0x80, v4, vm0, $0xb8;
	[tilespmem:$0x18800] =	vst v63  }
0x157: {  	s22 =	simm.s32 $0x16000;
	v3 =	vadd.s32 v1, v3  }
0x158: {  	[tilespmem:s22], [sflag:$0x1] =	stream.indirect_vreg.gather [hbm4b:s5+s2], $0x80, v4, vm0, $0xb8;
	[tilespmem:$0x18800] =	vst v63  }
0x159: {  	s23 =	simm.s32 $0x16800  }
0x15a: {  	[tilespmem:s23], [sflag:$0x1] =	stream.indirect_vreg.gather [hbm4b:s6+s2], $0x80, v4, vm0, $0xb8;
	[tilespmem:$0x18800] =	vst v63  }
0x15b: {  	s24 =	simm.s32 $0x17000  }
0x15c: {  	[tilespmem:s24], [sflag:$0x1] =	stream.indirect_vreg.gather [hbm4b:s4+s2], $0x80, v3, vm0, $0xb8;
	[tilespmem:$0x18800] =	vst v63  }
0x15d: {  	s12 =	simm.s32 $0x17800  }
0x15e: {  	[tilespmem:s12], [sflag:$0x1] =	stream.indirect_vreg.gather [hbm4b:s5+s2], $0x80, v3, vm0, $0xb8;
	[tilespmem:$0x18800] =	vst v63  }
0x15f: {  	s0 =	simm.s32 $0x18000  }
0x160: {  	[tilespmem:s0], [sflag:$0x1] =	stream.indirect_vreg.gather [hbm4b:s6+s2], $0x80, v3, vm0, $0xb8;
	[tilespmem:$0x18800] =	vst v63  }
0x161: {  	s12 =	rddreg [dreg:$0x5];
	s0 =	simm.s32 $0x800  }
0x162: {  	[hbm4b:s12+s2] =	stream.linear.scatter [tilespmem:s0], [sflag:$0x2], $0xC000, $0x38;
	[tilespmem:$0x18800] =	vst v63  }
0x163: {  	_ =	swait.ge [sflag:s8], $0xC000  }
0x164: {  	[sflag:s8] =	ssyncset.done $0x0  }
0x165: {  	[sflag:s8] =	ssyncadd.s32 $0xFFFF4000  }
0x166: {  	_ =	swait.ge [sflag:s3], $0xC000  }
0x167: {  	[sflag:s3] =	ssyncset.done $0x0  }
0x168: {  	[sflag:s3] =	ssyncadd.s32 $0xFFFF4000  }
0x169: {  	v3 =	vld [tilespmem:$0x200];
	_ =	sdelay $0x4  }
0x16a: {  	v16 =	vshrl.u32 v3, $0x3  }
0x16b: {  	v4 =	vmul.u32 $0x30, v16  }
0x16c: {  	v3 =	vand.u32 $0x7, v3  }
0x16d: {  	v3 =	vor.u32 v3, v4  }
0x16e: {  	v4 =	vperm.xlane v3, v0;
	_ =	sdelay $0x1  }
0x16f: {  	v4 =	vadd.s32 v1, v4;
	_ =	sdelay $0x3  }
0x170: {  	v3 =	vperm.xlane v3, v2  }
0x171: {  	[tilespmem:s0], [sflag:$0x1] =	stream.indirect_vreg.gather [hbm4b:s4+s2], $0x80, v4, vm0, $0xb8;
	[tilespmem:$0x18800] =	vst v63  }
0x172: {  	s12 =	simm.s32 $0x1000;
	v3 =	vadd.s32 v1, v3  }
0x173: {  	[tilespmem:s12], [sflag:$0x1] =	stream.indirect_vreg.gather [hbm4b:s5+s2], $0x80, v4, vm0, $0xb8;
	[tilespmem:$0x18800] =	vst v63  }
0x174: {  	s12 =	simm.s32 $0x1800  }
0x175: {  	[tilespmem:s12], [sflag:$0x1] =	stream.indirect_vreg.gather [hbm4b:s6+s2], $0x80, v4, vm0, $0xb8;
	[tilespmem:$0x18800] =	vst v63  }
0x176: {  	s12 =	simm.s32 $0x2000  }
0x177: {  	[tilespmem:s12], [sflag:$0x1] =	stream.indirect_vreg.gather [hbm4b:s4+s2], $0x80, v3, vm0, $0xb8;
	[tilespmem:$0x18800] =	vst v63  }
0x178: {  	s12 =	simm.s32 $0x2800  }
0x179: {  	[tilespmem:s12], [sflag:$0x1] =	stream.indirect_vreg.gather [hbm4b:s5+s2], $0x80, v3, vm0, $0xb8;
	[tilespmem:$0x18800] =	vst v63  }
0x17a: {  	s12 =	simm.s32 $0x3000  }
0x17b: {  	[tilespmem:s12], [sflag:$0x1] =	stream.indirect_vreg.gather [hbm4b:s6+s2], $0x80, v3, vm0, $0xb8;
	[tilespmem:$0x18800] =	vst v63  }
0x17c: {  	v3 =	vld [tilespmem:$0x210];
	_ =	sdelay $0x4  }
0x17d: {  	v17 =	vshrl.u32 v3, $0x3  }
0x17e: {  	v4 =	vmul.u32 $0x30, v17  }
0x17f: {  	v3 =	vand.u32 $0x7, v3  }
0x180: {  	v3 =	vor.u32 v3, v4  }
0x181: {  	v4 =	vperm.xlane v3, v0;
	_ =	sdelay $0x1  }
0x182: {  	v4 =	vadd.s32 v1, v4;
	_ =	sdelay $0x3  }
0x183: {  	s12 =	simm.s32 $0x3800;
	v3 =	vperm.xlane v3, v2  }
0x184: {  	[tilespmem:s12], [sflag:$0x1] =	stream.indirect_vreg.gather [hbm4b:s4+s2], $0x80, v4, vm0, $0xb8;
	[tilespmem:$0x18800] =	vst v63  }
0x185: {  	v3 =	vadd.s32 v1, v3;
	s12 =	simm.s32 $0x4000  }
0x186: {  	[tilespmem:s12], [sflag:$0x1] =	stream.indirect_vreg.gather [hbm4b:s5+s2], $0x80, v4, vm0, $0xb8;
	[tilespmem:$0x18800] =	vst v63  }
0x187: {  	s12 =	simm.s32 $0x4800  }
0x188: {  	[tilespmem:s12], [sflag:$0x1] =	stream.indirect_vreg.gather [hbm4b:s6+s2], $0x80, v4, vm0, $0xb8;
	[tilespmem:$0x18800] =	vst v63  }
0x189: {  	s12 =	simm.s32 $0x5000  }
0x18a: {  	[tilespmem:s12], [sflag:$0x1] =	stream.indirect_vreg.gather [hbm4b:s4+s2], $0x80, v3, vm0, $0xb8;
	[tilespmem:$0x18800] =	vst v63  }
0x18b: {  	s12 =	simm.s32 $0x5800  }
0x18c: {  	[tilespmem:s12], [sflag:$0x1] =	stream.indirect_vreg.gather [hbm4b:s5+s2], $0x80, v3, vm0, $0xb8;
	[tilespmem:$0x18800] =	vst v63  }
0x18d: {  	s12 =	simm.s32 $0x6000  }
0x18e: {  	[tilespmem:s12], [sflag:$0x1] =	stream.indirect_vreg.gather [hbm4b:s6+s2], $0x80, v3, vm0, $0xb8;
	[tilespmem:$0x18800] =	vst v63  }
0x18f: {  	v3 =	vld [tilespmem:$0x220];
	_ =	sdelay $0x4  }
0x190: {  	v18 =	vshrl.u32 v3, $0x3  }
0x191: {  	v4 =	vmul.u32 $0x30, v18  }
0x192: {  	v3 =	vand.u32 $0x7, v3  }
0x193: {  	v3 =	vor.u32 v3, v4  }
0x194: {  	v4 =	vperm.xlane v3, v0;
	_ =	sdelay $0x1  }
0x195: {  	v4 =	vadd.s32 v1, v4;
	_ =	sdelay $0x3  }
0x196: {  	v3 =	vperm.xlane v3, v2  }
0x197: {  	[tilespmem:s9], [sflag:$0x1] =	stream.indirect_vreg.gather [hbm4b:s4+s2], $0x80, v4, vm0, $0xb8;
	[tilespmem:$0x18800] =	vst v63  }
0x198: {  	v3 =	vadd.s32 v1, v3  }
0x199: {  	[tilespmem:s26], [sflag:$0x1] =	stream.indirect_vreg.gather [hbm4b:s5+s2], $0x80, v4, vm0, $0xb8;
	[tilespmem:$0x18800] =	vst v63  }
0x19a: {  	_ = 	snop  }
0x19b: {  	[tilespmem:s28], [sflag:$0x1] =	stream.indirect_vreg.gather [hbm4b:s6+s2], $0x80, v4, vm0, $0xb8;
	[tilespmem:$0x18800] =	vst v63  }
0x19c: {  	s9 =	simm.s32 $0x8000  }
0x19d: {  	[tilespmem:s9], [sflag:$0x1] =	stream.indirect_vreg.gather [hbm4b:s4+s2], $0x80, v3, vm0, $0xb8;
	[tilespmem:$0x18800] =	vst v63  }
0x19e: {  	s28 =	simm.s32 $0x8800  }
0x19f: {  	[tilespmem:s28], [sflag:$0x1] =	stream.indirect_vreg.gather [hbm4b:s5+s2], $0x80, v3, vm0, $0xb8;
	[tilespmem:$0x18800] =	vst v63  }
0x1a0: {  	_ = 	snop  }
0x1a1: {  	[tilespmem:s25], [sflag:$0x1] =	stream.indirect_vreg.gather [hbm4b:s6+s2], $0x80, v3, vm0, $0xb8;
	[tilespmem:$0x18800] =	vst v63  }
0x1a2: {  	v3 =	vld [tilespmem:$0x230];
	_ =	sdelay $0x4  }
0x1a3: {  	v19 =	vshrl.u32 v3, $0x3  }
0x1a4: {  	v4 =	vmul.u32 $0x30, v19  }
0x1a5: {  	v3 =	vand.u32 $0x7, v3  }
0x1a6: {  	v3 =	vor.u32 v3, v4  }
0x1a7: {  	v4 =	vperm.xlane v3, v0;
	_ =	sdelay $0x1  }
0x1a8: {  	v4 =	vadd.s32 v1, v4;
	_ =	sdelay $0x3  }
0x1a9: {  	v3 =	vperm.xlane v3, v2  }
0x1aa: {  	[tilespmem:s10], [sflag:$0x1] =	stream.indirect_vreg.gather [hbm4b:s4+s2], $0x80, v4, vm0, $0xb8;
	[tilespmem:$0x18800] =	vst v63  }
0x1ab: {  	v3 =	vadd.s32 v1, v3  }
0x1ac: {  	[tilespmem:s29], [sflag:$0x1] =	stream.indirect_vreg.gather [hbm4b:s5+s2], $0x80, v4, vm0, $0xb8;
	[tilespmem:$0x18800] =	vst v63  }
0x1ad: {  	_ = 	snop  }
0x1ae: {  	[tilespmem:s30], [sflag:$0x1] =	stream.indirect_vreg.gather [hbm4b:s6+s2], $0x80, v4, vm0, $0xb8;
	[tilespmem:$0x18800] =	vst v63  }
0x1af: {  	_ = 	snop  }
0x1b0: {  	[tilespmem:s31], [sflag:$0x1] =	stream.indirect_vreg.gather [hbm4b:s4+s2], $0x80, v3, vm0, $0xb8;
	[tilespmem:$0x18800] =	vst v63  }
0x1b1: {  	s29 =	simm.s32 $0xB800  }
0x1b2: {  	[tilespmem:s29], [sflag:$0x1] =	stream.indirect_vreg.gather [hbm4b:s5+s2], $0x80, v3, vm0, $0xb8;
	[tilespmem:$0x18800] =	vst v63  }
0x1b3: {  	s31 =	simm.s32 $0xC000  }
0x1b4: {  	[tilespmem:s31], [sflag:$0x1] =	stream.indirect_vreg.gather [hbm4b:s6+s2], $0x80, v3, vm0, $0xb8;
	[tilespmem:$0x18800] =	vst v63  }
0x1b5: {  	s10 =	simm.s32 $0xC800;
	s30 =	rddreg [dreg:$0x6]  }
0x1b6: {  	[hbm4b:s30+s2] =	stream.linear.scatter [tilespmem:s10], [sflag:$0x2], $0xC000, $0x38;
	[tilespmem:$0x18800] =	vst v63  }
0x1b7: {  	_ =	swait.ge [sflag:s8], $0xC000  }
0x1b8: {  	[sflag:s8] =	ssyncset.done $0x0  }
0x1b9: {  	[sflag:s8] =	ssyncadd.s32 $0xFFFF4000  }
0x1ba: {  	_ =	swait.ge [sflag:s3], $0xC000  }
0x1bb: {  	[sflag:s3] =	ssyncset.done $0x0  }
0x1bc: {  	[sflag:s3] =	ssyncadd.s32 $0xFFFF4000  }
0x1bd: {  	v3 =	vld [tilespmem:$0x280];
	_ =	sdelay $0x4  }
0x1be: {  	v20 =	vshrl.u32 v3, $0x3  }
0x1bf: {  	v4 =	vmul.u32 $0x30, v20  }
0x1c0: {  	v3 =	vand.u32 $0x7, v3  }
0x1c1: {  	v3 =	vor.u32 v3, v4  }
0x1c2: {  	v4 =	vperm.xlane v3, v0;
	_ =	sdelay $0x1  }
0x1c3: {  	v4 =	vadd.s32 v1, v4;
	_ =	sdelay $0x3  }
0x1c4: {  	v3 =	vperm.xlane v3, v2  }
0x1c5: {  	[tilespmem:s10], [sflag:$0x1] =	stream.indirect_vreg.gather [hbm4b:s4+s2], $0x80, v4, vm0, $0xb8;
	[tilespmem:$0x18800] =	vst v63  }
0x1c6: {  	v3 =	vadd.s32 v1, v3  }
0x1c7: {  	[tilespmem:s7], [sflag:$0x1] =	stream.indirect_vreg.gather [hbm4b:s5+s2], $0x80, v4, vm0, $0xb8;
	[tilespmem:$0x18800] =	vst v63  }
0x1c8: {  	_ = 	snop  }
0x1c9: {  	[tilespmem:s1], [sflag:$0x1] =	stream.indirect_vreg.gather [hbm4b:s6+s2], $0x80, v4, vm0, $0xb8;
	[tilespmem:$0x18800] =	vst v63  }
0x1ca: {  	_ = 	snop  }
0x1cb: {  	[tilespmem:s11], [sflag:$0x1] =	stream.indirect_vreg.gather [hbm4b:s4+s2], $0x80, v3, vm0, $0xb8;
	[tilespmem:$0x18800] =	vst v63  }
0x1cc: {  	_ = 	snop  }
0x1cd: {  	[tilespmem:s13], [sflag:$0x1] =	stream.indirect_vreg.gather [hbm4b:s5+s2], $0x80, v3, vm0, $0xb8;
	[tilespmem:$0x18800] =	vst v63  }
0x1ce: {  	s7 =	simm.s32 $0xF000  }
0x1cf: {  	[tilespmem:s7], [sflag:$0x1] =	stream.indirect_vreg.gather [hbm4b:s6+s2], $0x80, v3, vm0, $0xb8;
	[tilespmem:$0x18800] =	vst v63  }
0x1d0: {  	v3 =	vld [tilespmem:$0x290];
	_ =	sdelay $0x4  }
0x1d1: {  	v21 =	vshrl.u32 v3, $0x3  }
0x1d2: {  	v4 =	vmul.u32 $0x30, v21  }
0x1d3: {  	v3 =	vand.u32 $0x7, v3  }
0x1d4: {  	v3 =	vor.u32 v3, v4  }
0x1d5: {  	v4 =	vperm.xlane v3, v0;
	_ =	sdelay $0x1  }
0x1d6: {  	v4 =	vadd.s32 v1, v4;
	_ =	sdelay $0x3  }
0x1d7: {  	s10 =	simm.s32 $0xF800;
	v3 =	vperm.xlane v3, v2  }
0x1d8: {  	[tilespmem:s10], [sflag:$0x1] =	stream.indirect_vreg.gather [hbm4b:s4+s2], $0x80, v4, vm0, $0xb8;
	[tilespmem:$0x18800] =	vst v63  }
0x1d9: {  	v3 =	vadd.s32 v1, v3  }
0x1da: {  	[tilespmem:s14], [sflag:$0x1] =	stream.indirect_vreg.gather [hbm4b:s5+s2], $0x80, v4, vm0, $0xb8;
	[tilespmem:$0x18800] =	vst v63  }
0x1db: {  	_ = 	snop  }
0x1dc: {  	[tilespmem:s15], [sflag:$0x1] =	stream.indirect_vreg.gather [hbm4b:s6+s2], $0x80, v4, vm0, $0xb8;
	[tilespmem:$0x18800] =	vst v63  }
0x1dd: {  	_ = 	snop  }
0x1de: {  	[tilespmem:s16], [sflag:$0x1] =	stream.indirect_vreg.gather [hbm4b:s4+s2], $0x80, v3, vm0, $0xb8;
	[tilespmem:$0x18800] =	vst v63  }
0x1df: {  	_ = 	snop  }
0x1e0: {  	[tilespmem:s17], [sflag:$0x1] =	stream.indirect_vreg.gather [hbm4b:s5+s2], $0x80, v3, vm0, $0xb8;
	[tilespmem:$0x18800] =	vst v63  }
0x1e1: {  	s11 =	simm.s32 $0x12000  }
0x1e2: {  	[tilespmem:s11], [sflag:$0x1] =	stream.indirect_vreg.gather [hbm4b:s6+s2], $0x80, v3, vm0, $0xb8;
	[tilespmem:$0x18800] =	vst v63  }
0x1e3: {  	v3 =	vld [tilespmem:$0x2A0];
	_ =	sdelay $0x4  }
0x1e4: {  	v22 =	vshrl.u32 v3, $0x3  }
0x1e5: {  	v4 =	vmul.u32 $0x30, v22  }
0x1e6: {  	v3 =	vand.u32 $0x7, v3  }
0x1e7: {  	v3 =	vor.u32 v3, v4  }
0x1e8: {  	v4 =	vperm.xlane v3, v0;
	_ =	sdelay $0x1  }
0x1e9: {  	v4 =	vadd.s32 v1, v4;
	_ =	sdelay $0x3  }
0x1ea: {  	s13 =	simm.s32 $0x12800;
	v3 =	vperm.xlane v3, v2  }
0x1eb: {  	[tilespmem:s13], [sflag:$0x1] =	stream.indirect_vreg.gather [hbm4b:s4+s2], $0x80, v4, vm0, $0xb8;
	[tilespmem:$0x18800] =	vst v63  }
0x1ec: {  	v3 =	vadd.s32 v1, v3  }
0x1ed: {  	[tilespmem:s18], [sflag:$0x1] =	stream.indirect_vreg.gather [hbm4b:s5+s2], $0x80, v4, vm0, $0xb8;
	[tilespmem:$0x18800] =	vst v63  }
0x1ee: {  	_ = 	snop  }
0x1ef: {  	[tilespmem:s19], [sflag:$0x1] =	stream.indirect_vreg.gather [hbm4b:s6+s2], $0x80, v4, vm0, $0xb8;
	[tilespmem:$0x18800] =	vst v63  }
0x1f0: {  	_ = 	snop  }
0x1f1: {  	[tilespmem:s20], [sflag:$0x1] =	stream.indirect_vreg.gather [hbm4b:s4+s2], $0x80, v3, vm0, $0xb8;
	[tilespmem:$0x18800] =	vst v63  }
0x1f2: {  	_ = 	snop  }
0x1f3: {  	[tilespmem:s21], [sflag:$0x1] =	stream.indirect_vreg.gather [hbm4b:s5+s2], $0x80, v3, vm0, $0xb8;
	[tilespmem:$0x18800] =	vst v63  }
0x1f4: {  	s14 =	simm.s32 $0x15000  }
0x1f5: {  	[tilespmem:s14], [sflag:$0x1] =	stream.indirect_vreg.gather [hbm4b:s6+s2], $0x80, v3, vm0, $0xb8;
	[tilespmem:$0x18800] =	vst v63  }
0x1f6: {  	v3 =	vld [tilespmem:$0x2B0];
	_ =	sdelay $0x4  }
0x1f7: {  	v23 =	vshrl.u32 v3, $0x3  }
0x1f8: {  	v4 =	vmul.u32 $0x30, v23  }
0x1f9: {  	v3 =	vand.u32 $0x7, v3  }
0x1fa: {  	v3 =	vor.u32 v3, v4  }
0x1fb: {  	v4 =	vperm.xlane v3, v0;
	_ =	sdelay $0x1  }
0x1fc: {  	v4 =	vadd.s32 v1, v4;
	_ =	sdelay $0x3  }
0x1fd: {  	s15 =	simm.s32 $0x15800;
	v3 =	vperm.xlane v3, v2  }
0x1fe: {  	[tilespmem:s15], [sflag:$0x1] =	stream.indirect_vreg.gather [hbm4b:s4+s2], $0x80, v4, vm0, $0xb8;
	[tilespmem:$0x18800] =	vst v63  }
0x1ff: {  	v3 =	vadd.s32 v1, v3  }
0x200: {  	[tilespmem:s22], [sflag:$0x1] =	stream.indirect_vreg.gather [hbm4b:s5+s2], $0x80, v4, vm0, $0xb8;
	[tilespmem:$0x18800] =	vst v63  }
0x201: {  	_ = 	snop  }
0x202: {  	[tilespmem:s23], [sflag:$0x1] =	stream.indirect_vreg.gather [hbm4b:s6+s2], $0x80, v4, vm0, $0xb8;
	[tilespmem:$0x18800] =	vst v63  }
0x203: {  	_ = 	snop  }
0x204: {  	[tilespmem:s24], [sflag:$0x1] =	stream.indirect_vreg.gather [hbm4b:s4+s2], $0x80, v3, vm0, $0xb8;
	[tilespmem:$0x18800] =	vst v63  }
0x205: {  	s1 =	simm.s32 $0x17800  }
0x206: {  	[tilespmem:s1], [sflag:$0x1] =	stream.indirect_vreg.gather [hbm4b:s5+s2], $0x80, v3, vm0, $0xb8;
	[tilespmem:$0x18800] =	vst v63  }
0x207: {  	s24 =	simm.s32 $0x18000  }
0x208: {  	[tilespmem:s24], [sflag:$0x1] =	stream.indirect_vreg.gather [hbm4b:s6+s2], $0x80, v3, vm0, $0xb8;
	[tilespmem:$0x18800] =	vst v63  }
0x209: {  	s20 =	rddreg [dreg:$0x7];
	s21 =	simm.s32 $0x800  }
0x20a: {  	[hbm4b:s20+s2] =	stream.linear.scatter [tilespmem:s21], [sflag:$0x2], $0xC000, $0x38;
	[tilespmem:$0x18800] =	vst v63  }
0x20b: {  	_ =	swait.ge [sflag:s8], $0xC000  }
0x20c: {  	[sflag:s8] =	ssyncset.done $0x0  }
0x20d: {  	[sflag:s8] =	ssyncadd.s32 $0xFFFF4000  }
0x20e: {  	_ =	swait.ge [sflag:s3], $0xC000  }
0x20f: {  	[sflag:s3] =	ssyncset.done $0x0  }
0x210: {  	[sflag:s3] =	ssyncadd.s32 $0xFFFF4000  }
0x211: {  	v3 =	vld [tilespmem:$0x300];
	_ =	sdelay $0x4  }
0x212: {  	v24 =	vshrl.u32 v3, $0x3  }
0x213: {  	v4 =	vmul.u32 $0x30, v24  }
0x214: {  	v3 =	vand.u32 $0x7, v3  }
0x215: {  	v3 =	vor.u32 v3, v4  }
0x216: {  	v4 =	vperm.xlane v3, v0;
	_ =	sdelay $0x1  }
0x217: {  	v4 =	vadd.s32 v1, v4;
	_ =	sdelay $0x3  }
0x218: {  	v3 =	vperm.xlane v3, v2  }
0x219: {  	[tilespmem:s21], [sflag:$0x1] =	stream.indirect_vreg.gather [hbm4b:s4+s2], $0x80, v4, vm0, $0xb8;
	[tilespmem:$0x18800] =	vst v63  }
0x21a: {  	s22 =	simm.s32 $0x1000;
	v3 =	vadd.s32 v1, v3  }
0x21b: {  	[tilespmem:s22], [sflag:$0x1] =	stream.indirect_vreg.gather [hbm4b:s5+s2], $0x80, v4, vm0, $0xb8;
	[tilespmem:$0x18800] =	vst v63  }
0x21c: {  	s23 =	simm.s32 $0x1800  }
0x21d: {  	[tilespmem:s23], [sflag:$0x1] =	stream.indirect_vreg.gather [hbm4b:s6+s2], $0x80, v4, vm0, $0xb8;
	[tilespmem:$0x18800] =	vst v63  }
0x21e: {  	s25 =	simm.s32 $0x2000  }
0x21f: {  	[tilespmem:s25], [sflag:$0x1] =	stream.indirect_vreg.gather [hbm4b:s4+s2], $0x80, v3, vm0, $0xb8;
	[tilespmem:$0x18800] =	vst v63  }
0x220: {  	s26 =	simm.s32 $0x2800  }
0x221: {  	[tilespmem:s26], [sflag:$0x1] =	stream.indirect_vreg.gather [hbm4b:s5+s2], $0x80, v3, vm0, $0xb8;
	[tilespmem:$0x18800] =	vst v63  }
0x222: {  	s29 =	simm.s32 $0x3000  }
0x223: {  	[tilespmem:s29], [sflag:$0x1] =	stream.indirect_vreg.gather [hbm4b:s6+s2], $0x80, v3, vm0, $0xb8;
	[tilespmem:$0x18800] =	vst v63  }
0x224: {  	v3 =	vld [tilespmem:$0x310];
	_ =	sdelay $0x4  }
0x225: {  	v25 =	vshrl.u32 v3, $0x3  }
0x226: {  	v4 =	vmul.u32 $0x30, v25  }
0x227: {  	v3 =	vand.u32 $0x7, v3  }
0x228: {  	v3 =	vor.u32 v3, v4  }
0x229: {  	v4 =	vperm.xlane v3, v0;
	_ =	sdelay $0x1  }
0x22a: {  	v4 =	vadd.s32 v1, v4;
	_ =	sdelay $0x3  }
0x22b: {  	s30 =	simm.s32 $0x3800;
	v3 =	vperm.xlane v3, v2  }
0x22c: {  	[tilespmem:s30], [sflag:$0x1] =	stream.indirect_vreg.gather [hbm4b:s4+s2], $0x80, v4, vm0, $0xb8;
	[tilespmem:$0x18800] =	vst v63  }
0x22d: {  	s31 =	simm.s32 $0x4000;
	v3 =	vadd.s32 v1, v3  }
0x22e: {  	[tilespmem:s31], [sflag:$0x1] =	stream.indirect_vreg.gather [hbm4b:s5+s2], $0x80, v4, vm0, $0xb8;
	[tilespmem:$0x18800] =	vst v63  }
0x22f: {  	s12 =	simm.s32 $0x4800  }
0x230: {  	[tilespmem:s12], [sflag:$0x1] =	stream.indirect_vreg.gather [hbm4b:s6+s2], $0x80, v4, vm0, $0xb8;
	[tilespmem:$0x18800] =	vst v63  }
0x231: {  	s16 =	simm.s32 $0x5000  }
0x232: {  	[tilespmem:s16], [sflag:$0x1] =	stream.indirect_vreg.gather [hbm4b:s4+s2], $0x80, v3, vm0, $0xb8;
	[tilespmem:$0x18800] =	vst v63  }
0x233: {  	s17 =	simm.s32 $0x5800  }
0x234: {  	[tilespmem:s17], [sflag:$0x1] =	stream.indirect_vreg.gather [hbm4b:s5+s2], $0x80, v3, vm0, $0xb8;
	[tilespmem:$0x18800] =	vst v63  }
0x235: {  	s18 =	simm.s32 $0x6000  }
0x236: {  	[tilespmem:s18], [sflag:$0x1] =	stream.indirect_vreg.gather [hbm4b:s6+s2], $0x80, v3, vm0, $0xb8;
	[tilespmem:$0x18800] =	vst v63  }
0x237: {  	v3 =	vld [tilespmem:$0x320];
	_ =	sdelay $0x4  }
0x238: {  	v26 =	vshrl.u32 v3, $0x3  }
0x239: {  	v4 =	vmul.u32 $0x30, v26  }
0x23a: {  	v3 =	vand.u32 $0x7, v3  }
0x23b: {  	v3 =	vor.u32 v3, v4  }
0x23c: {  	v4 =	vperm.xlane v3, v0;
	_ =	sdelay $0x1  }
0x23d: {  	v4 =	vadd.s32 v1, v4;
	_ =	sdelay $0x3  }
0x23e: {  	s19 =	simm.s32 $0x6800;
	v3 =	vperm.xlane v3, v2  }
0x23f: {  	[tilespmem:s19], [sflag:$0x1] =	stream.indirect_vreg.gather [hbm4b:s4+s2], $0x80, v4, vm0, $0xb8;
	[tilespmem:$0x18800] =	vst v63  }
0x240: {  	s25 =	simm.s32 $0x7000;
	v3 =	vadd.s32 v1, v3  }
0x241: {  	[tilespmem:s25], [sflag:$0x1] =	stream.indirect_vreg.gather [hbm4b:s5+s2], $0x80, v4, vm0, $0xb8;
	[tilespmem:$0x18800] =	vst v63  }
0x242: {  	s26 =	simm.s32 $0x7800  }
0x243: {  	[tilespmem:s26], [sflag:$0x1] =	stream.indirect_vreg.gather [hbm4b:s6+s2], $0x80, v4, vm0, $0xb8;
	[tilespmem:$0x18800] =	vst v63  }
0x244: {  	_ = 	snop  }
0x245: {  	[tilespmem:s9], [sflag:$0x1] =	stream.indirect_vreg.gather [hbm4b:s4+s2], $0x80, v3, vm0, $0xb8;
	[tilespmem:$0x18800] =	vst v63  }
0x246: {  	_ = 	snop  }
0x247: {  	[tilespmem:s28], [sflag:$0x1] =	stream.indirect_vreg.gather [hbm4b:s5+s2], $0x80, v3, vm0, $0xb8;
	[tilespmem:$0x18800] =	vst v63  }
0x248: {  	s20 =	simm.s32 $0x9000  }
0x249: {  	[tilespmem:s20], [sflag:$0x1] =	stream.indirect_vreg.gather [hbm4b:s6+s2], $0x80, v3, vm0, $0xb8;
	[tilespmem:$0x18800] =	vst v63  }
0x24a: {  	v3 =	vld [tilespmem:$0x330];
	_ =	sdelay $0x4  }
0x24b: {  	v27 =	vshrl.u32 v3, $0x3  }
0x24c: {  	v4 =	vmul.u32 $0x30, v27  }
0x24d: {  	v3 =	vand.u32 $0x7, v3  }
0x24e: {  	v3 =	vor.u32 v3, v4  }
0x24f: {  	v4 =	vperm.xlane v3, v0;
	_ =	sdelay $0x1  }
0x250: {  	v4 =	vadd.s32 v1, v4;
	_ =	sdelay $0x3  }
0x251: {  	s21 =	simm.s32 $0x9800;
	v3 =	vperm.xlane v3, v2  }
0x252: {  	[tilespmem:s21], [sflag:$0x1] =	stream.indirect_vreg.gather [hbm4b:s4+s2], $0x80, v4, vm0, $0xb8;
	[tilespmem:$0x18800] =	vst v63  }
0x253: {  	s28 =	simm.s32 $0xA000;
	v3 =	vadd.s32 v1, v3  }
0x254: {  	[tilespmem:s28], [sflag:$0x1] =	stream.indirect_vreg.gather [hbm4b:s5+s2], $0x80, v4, vm0, $0xb8;
	[tilespmem:$0x18800] =	vst v63  }
0x255: {  	s29 =	simm.s32 $0xA800  }
0x256: {  	[tilespmem:s29], [sflag:$0x1] =	stream.indirect_vreg.gather [hbm4b:s6+s2], $0x80, v4, vm0, $0xb8;
	[tilespmem:$0x18800] =	vst v63  }
0x257: {  	s30 =	simm.s32 $0xB000  }
0x258: {  	[tilespmem:s30], [sflag:$0x1] =	stream.indirect_vreg.gather [hbm4b:s4+s2], $0x80, v3, vm0, $0xb8;
	[tilespmem:$0x18800] =	vst v63  }
0x259: {  	s31 =	simm.s32 $0xB800  }
0x25a: {  	[tilespmem:s31], [sflag:$0x1] =	stream.indirect_vreg.gather [hbm4b:s5+s2], $0x80, v3, vm0, $0xb8;
	[tilespmem:$0x18800] =	vst v63  }
0x25b: {  	s0 =	simm.s32 $0xC000  }
0x25c: {  	[tilespmem:s0], [sflag:$0x1] =	stream.indirect_vreg.gather [hbm4b:s6+s2], $0x80, v3, vm0, $0xb8;
	[tilespmem:$0x18800] =	vst v63  }
0x25d: {  	s22 =	rddreg [dreg:$0x8];
	s23 =	simm.s32 $0xC800  }
0x25e: {  	[hbm4b:s22+s2] =	stream.linear.scatter [tilespmem:s23], [sflag:$0x2], $0xC000, $0x38;
	[tilespmem:$0x18800] =	vst v63  }
0x25f: {  	_ =	swait.ge [sflag:s8], $0xC000  }
0x260: {  	[sflag:s8] =	ssyncset.done $0x0  }
0x261: {  	[sflag:s8] =	ssyncadd.s32 $0xFFFF4000  }
0x262: {  	_ =	swait.ge [sflag:s3], $0xC000  }
0x263: {  	[sflag:s3] =	ssyncset.done $0x0  }
0x264: {  	[sflag:s3] =	ssyncadd.s32 $0xFFFF4000  }
0x265: {  	v3 =	vld [tilespmem:$0x380];
	_ =	sdelay $0x4  }
0x266: {  	v28 =	vshrl.u32 v3, $0x3  }
0x267: {  	v4 =	vmul.u32 $0x30, v28  }
0x268: {  	v3 =	vand.u32 $0x7, v3  }
0x269: {  	v3 =	vor.u32 v3, v4  }
0x26a: {  	v4 =	vperm.xlane v3, v0;
	_ =	sdelay $0x1  }
0x26b: {  	v4 =	vadd.s32 v1, v4;
	_ =	sdelay $0x3  }
0x26c: {  	v3 =	vperm.xlane v3, v2  }
0x26d: {  	[tilespmem:s23], [sflag:$0x1] =	stream.indirect_vreg.gather [hbm4b:s4+s2], $0x80, v4, vm0, $0xb8;
	[tilespmem:$0x18800] =	vst v63  }
0x26e: {  	s9 =	simm.s32 $0xD000;
	v3 =	vadd.s32 v1, v3  }
0x26f: {  	[tilespmem:s9], [sflag:$0x1] =	stream.indirect_vreg.gather [hbm4b:s5+s2], $0x80, v4, vm0, $0xb8;
	[tilespmem:$0x18800] =	vst v63  }
0x270: {  	s16 =	simm.s32 $0xD800  }
0x271: {  	[tilespmem:s16], [sflag:$0x1] =	stream.indirect_vreg.gather [hbm4b:s6+s2], $0x80, v4, vm0, $0xb8;
	[tilespmem:$0x18800] =	vst v63  }
0x272: {  	s17 =	simm.s32 $0xE000  }
0x273: {  	[tilespmem:s17], [sflag:$0x1] =	stream.indirect_vreg.gather [hbm4b:s4+s2], $0x80, v3, vm0, $0xb8;
	[tilespmem:$0x18800] =	vst v63  }
0x274: {  	s18 =	simm.s32 $0xE800  }
0x275: {  	[tilespmem:s18], [sflag:$0x1] =	stream.indirect_vreg.gather [hbm4b:s5+s2], $0x80, v3, vm0, $0xb8;
	[tilespmem:$0x18800] =	vst v63  }
0x276: {  	_ = 	snop  }
0x277: {  	[tilespmem:s7], [sflag:$0x1] =	stream.indirect_vreg.gather [hbm4b:s6+s2], $0x80, v3, vm0, $0xb8;
	[tilespmem:$0x18800] =	vst v63  }
0x278: {  	v3 =	vld [tilespmem:$0x390];
	_ =	sdelay $0x4  }
0x279: {  	v29 =	vshrl.u32 v3, $0x3  }
0x27a: {  	v4 =	vmul.u32 $0x30, v29  }
0x27b: {  	v3 =	vand.u32 $0x7, v3  }
0x27c: {  	v3 =	vor.u32 v3, v4  }
0x27d: {  	v4 =	vperm.xlane v3, v0;
	_ =	sdelay $0x1  }
0x27e: {  	v4 =	vadd.s32 v1, v4;
	_ =	sdelay $0x3  }
0x27f: {  	v3 =	vperm.xlane v3, v2  }
0x280: {  	[tilespmem:s10], [sflag:$0x1] =	stream.indirect_vreg.gather [hbm4b:s4+s2], $0x80, v4, vm0, $0xb8;
	[tilespmem:$0x18800] =	vst v63  }
0x281: {  	s7 =	simm.s32 $0x10000;
	v3 =	vadd.s32 v1, v3  }
0x282: {  	[tilespmem:s7], [sflag:$0x1] =	stream.indirect_vreg.gather [hbm4b:s5+s2], $0x80, v4, vm0, $0xb8;
	[tilespmem:$0x18800] =	vst v63  }
0x283: {  	s10 =	simm.s32 $0x10800  }
0x284: {  	[tilespmem:s10], [sflag:$0x1] =	stream.indirect_vreg.gather [hbm4b:s6+s2], $0x80, v4, vm0, $0xb8;
	[tilespmem:$0x18800] =	vst v63  }
0x285: {  	s19 =	simm.s32 $0x11000  }
0x286: {  	[tilespmem:s19], [sflag:$0x1] =	stream.indirect_vreg.gather [hbm4b:s4+s2], $0x80, v3, vm0, $0xb8;
	[tilespmem:$0x18800] =	vst v63  }
0x287: {  	s20 =	simm.s32 $0x11800  }
0x288: {  	[tilespmem:s20], [sflag:$0x1] =	stream.indirect_vreg.gather [hbm4b:s5+s2], $0x80, v3, vm0, $0xb8;
	[tilespmem:$0x18800] =	vst v63  }
0x289: {  	_ = 	snop  }
0x28a: {  	[tilespmem:s11], [sflag:$0x1] =	stream.indirect_vreg.gather [hbm4b:s6+s2], $0x80, v3, vm0, $0xb8;
	[tilespmem:$0x18800] =	vst v63  }
0x28b: {  	v3 =	vld [tilespmem:$0x3A0];
	_ =	sdelay $0x4  }
0x28c: {  	v30 =	vshrl.u32 v3, $0x3  }
0x28d: {  	v4 =	vmul.u32 $0x30, v30  }
0x28e: {  	v3 =	vand.u32 $0x7, v3  }
0x28f: {  	v3 =	vor.u32 v3, v4  }
0x290: {  	v4 =	vperm.xlane v3, v0;
	_ =	sdelay $0x1  }
0x291: {  	v4 =	vadd.s32 v1, v4;
	_ =	sdelay $0x3  }
0x292: {  	v3 =	vperm.xlane v3, v2  }
0x293: {  	[tilespmem:s13], [sflag:$0x1] =	stream.indirect_vreg.gather [hbm4b:s4+s2], $0x80, v4, vm0, $0xb8;
	[tilespmem:$0x18800] =	vst v63  }
0x294: {  	s11 =	simm.s32 $0x13000;
	v3 =	vadd.s32 v1, v3  }
0x295: {  	[tilespmem:s11], [sflag:$0x1] =	stream.indirect_vreg.gather [hbm4b:s5+s2], $0x80, v4, vm0, $0xb8;
	[tilespmem:$0x18800] =	vst v63  }
0x296: {  	s13 =	simm.s32 $0x13800  }
0x297: {  	[tilespmem:s13], [sflag:$0x1] =	stream.indirect_vreg.gather [hbm4b:s6+s2], $0x80, v4, vm0, $0xb8;
	[tilespmem:$0x18800] =	vst v63  }
0x298: {  	s21 =	simm.s32 $0x14000  }
0x299: {  	[tilespmem:s21], [sflag:$0x1] =	stream.indirect_vreg.gather [hbm4b:s4+s2], $0x80, v3, vm0, $0xb8;
	[tilespmem:$0x18800] =	vst v63  }
0x29a: {  	s22 =	simm.s32 $0x14800  }
0x29b: {  	[tilespmem:s22], [sflag:$0x1] =	stream.indirect_vreg.gather [hbm4b:s5+s2], $0x80, v3, vm0, $0xb8;
	[tilespmem:$0x18800] =	vst v63  }
0x29c: {  	_ = 	snop  }
0x29d: {  	[tilespmem:s14], [sflag:$0x1] =	stream.indirect_vreg.gather [hbm4b:s6+s2], $0x80, v3, vm0, $0xb8;
	[tilespmem:$0x18800] =	vst v63  }
0x29e: {  	v3 =	vld [tilespmem:$0x3B0];
	_ =	sdelay $0x4  }
0x29f: {  	v31 =	vshrl.u32 v3, $0x3  }
0x2a0: {  	v4 =	vmul.u32 $0x30, v31  }
0x2a1: {  	v3 =	vand.u32 $0x7, v3  }
0x2a2: {  	v3 =	vor.u32 v3, v4  }
0x2a3: {  	v4 =	vperm.xlane v3, v0;
	_ =	sdelay $0x1  }
0x2a4: {  	v4 =	vadd.s32 v1, v4;
	_ =	sdelay $0x3  }
0x2a5: {  	v3 =	vperm.xlane v3, v2  }
0x2a6: {  	[tilespmem:s15], [sflag:$0x1] =	stream.indirect_vreg.gather [hbm4b:s4+s2], $0x80, v4, vm0, $0xb8;
	[tilespmem:$0x18800] =	vst v63  }
0x2a7: {  	s14 =	simm.s32 $0x16000;
	v3 =	vadd.s32 v1, v3  }
0x2a8: {  	[tilespmem:s14], [sflag:$0x1] =	stream.indirect_vreg.gather [hbm4b:s5+s2], $0x80, v4, vm0, $0xb8;
	[tilespmem:$0x18800] =	vst v63  }
0x2a9: {  	s15 =	simm.s32 $0x16800  }
0x2aa: {  	[tilespmem:s15], [sflag:$0x1] =	stream.indirect_vreg.gather [hbm4b:s6+s2], $0x80, v4, vm0, $0xb8;
	[tilespmem:$0x18800] =	vst v63  }
0x2ab: {  	s23 =	simm.s32 $0x17000  }
0x2ac: {  	[tilespmem:s23], [sflag:$0x1] =	stream.indirect_vreg.gather [hbm4b:s4+s2], $0x80, v3, vm0, $0xb8;
	[tilespmem:$0x18800] =	vst v63  }
0x2ad: {  	_ = 	snop  }
0x2ae: {  	[tilespmem:s1], [sflag:$0x1] =	stream.indirect_vreg.gather [hbm4b:s5+s2], $0x80, v3, vm0, $0xb8;
	[tilespmem:$0x18800] =	vst v63  }
0x2af: {  	_ = 	snop  }
0x2b0: {  	[tilespmem:s24], [sflag:$0x1] =	stream.indirect_vreg.gather [hbm4b:s6+s2], $0x80, v3, vm0, $0xb8;
	[tilespmem:$0x18800] =	vst v63  }
0x2b1: {  	s1 =	rddreg [dreg:$0x9];
	s24 =	simm.s32 $0x800  }
0x2b2: {  	[hbm4b:s1+s2] =	stream.linear.scatter [tilespmem:s24], [sflag:$0x2], $0xC000, $0x38;
	[tilespmem:$0x18800] =	vst v63  }
0x2b3: {  	_ =	swait.ge [sflag:s8], $0xC000  }
0x2b4: {  	[sflag:s8] =	ssyncset.done $0x0  }
0x2b5: {  	[sflag:s8] =	ssyncadd.s32 $0xFFFF4000  }
0x2b6: {  	_ =	swait.ge [sflag:s3], $0xC000  }
0x2b7: {  	[sflag:s3] =	ssyncset.done $0x0  }
0x2b8: {  	[sflag:s3] =	ssyncadd.s32 $0xFFFF4000  }
0x2b9: {  	v3 =	vld [tilespmem:$0x400];
	_ =	sdelay $0x4  }
0x2ba: {  	v32 =	vshrl.u32 v3, $0x3  }
0x2bb: {  	v4 =	vmul.u32 $0x30, v32  }
0x2bc: {  	v3 =	vand.u32 $0x7, v3  }
0x2bd: {  	v3 =	vor.u32 v3, v4  }
0x2be: {  	v4 =	vperm.xlane v3, v0;
	_ =	sdelay $0x1  }
0x2bf: {  	v4 =	vadd.s32 v1, v4;
	_ =	sdelay $0x3  }
0x2c0: {  	v3 =	vperm.xlane v3, v2  }
0x2c1: {  	[tilespmem:s24], [sflag:$0x1] =	stream.indirect_vreg.gather [hbm4b:s4+s2], $0x80, v4, vm0, $0xb8;
	[tilespmem:$0x18800] =	vst v63  }
0x2c2: {  	s12 =	simm.s32 $0x1000;
	v3 =	vadd.s32 v1, v3  }
0x2c3: {  	[tilespmem:s12], [sflag:$0x1] =	stream.indirect_vreg.gather [hbm4b:s5+s2], $0x80, v4, vm0, $0xb8;
	[tilespmem:$0x18800] =	vst v63  }
0x2c4: {  	s24 =	simm.s32 $0x1800  }
0x2c5: {  	[tilespmem:s24], [sflag:$0x1] =	stream.indirect_vreg.gather [hbm4b:s6+s2], $0x80, v4, vm0, $0xb8;
	[tilespmem:$0x18800] =	vst v63  }
0x2c6: {  	s12 =	simm.s32 $0x2000  }
0x2c7: {  	[tilespmem:s12], [sflag:$0x1] =	stream.indirect_vreg.gather [hbm4b:s4+s2], $0x80, v3, vm0, $0xb8;
	[tilespmem:$0x18800] =	vst v63  }
0x2c8: {  	s24 =	simm.s32 $0x2800  }
0x2c9: {  	[tilespmem:s24], [sflag:$0x1] =	stream.indirect_vreg.gather [hbm4b:s5+s2], $0x80, v3, vm0, $0xb8;
	[tilespmem:$0x18800] =	vst v63  }
0x2ca: {  	s12 =	simm.s32 $0x3000  }
0x2cb: {  	[tilespmem:s12], [sflag:$0x1] =	stream.indirect_vreg.gather [hbm4b:s6+s2], $0x80, v3, vm0, $0xb8;
	[tilespmem:$0x18800] =	vst v63  }
0x2cc: {  	v3 =	vld [tilespmem:$0x410];
	_ =	sdelay $0x4  }
0x2cd: {  	v33 =	vshrl.u32 v3, $0x3  }
0x2ce: {  	v4 =	vmul.u32 $0x30, v33  }
0x2cf: {  	v3 =	vand.u32 $0x7, v3  }
0x2d0: {  	v3 =	vor.u32 v3, v4  }
0x2d1: {  	v4 =	vperm.xlane v3, v0;
	_ =	sdelay $0x1  }
0x2d2: {  	v4 =	vadd.s32 v1, v4;
	_ =	sdelay $0x3  }
0x2d3: {  	s24 =	simm.s32 $0x3800;
	v3 =	vperm.xlane v3, v2  }
0x2d4: {  	[tilespmem:s24], [sflag:$0x1] =	stream.indirect_vreg.gather [hbm4b:s4+s2], $0x80, v4, vm0, $0xb8;
	[tilespmem:$0x18800] =	vst v63  }
0x2d5: {  	s12 =	simm.s32 $0x4000;
	v3 =	vadd.s32 v1, v3  }
0x2d6: {  	[tilespmem:s12], [sflag:$0x1] =	stream.indirect_vreg.gather [hbm4b:s5+s2], $0x80, v4, vm0, $0xb8;
	[tilespmem:$0x18800] =	vst v63  }
0x2d7: {  	s24 =	simm.s32 $0x4800  }
0x2d8: {  	[tilespmem:s24], [sflag:$0x1] =	stream.indirect_vreg.gather [hbm4b:s6+s2], $0x80, v4, vm0, $0xb8;
	[tilespmem:$0x18800] =	vst v63  }
0x2d9: {  	s12 =	simm.s32 $0x5000  }
0x2da: {  	[tilespmem:s12], [sflag:$0x1] =	stream.indirect_vreg.gather [hbm4b:s4+s2], $0x80, v3, vm0, $0xb8;
	[tilespmem:$0x18800] =	vst v63  }
0x2db: {  	s24 =	simm.s32 $0x5800  }
0x2dc: {  	[tilespmem:s24], [sflag:$0x1] =	stream.indirect_vreg.gather [hbm4b:s5+s2], $0x80, v3, vm0, $0xb8;
	[tilespmem:$0x18800] =	vst v63  }
0x2dd: {  	s12 =	simm.s32 $0x6000  }
0x2de: {  	[tilespmem:s12], [sflag:$0x1] =	stream.indirect_vreg.gather [hbm4b:s6+s2], $0x80, v3, vm0, $0xb8;
	[tilespmem:$0x18800] =	vst v63  }
0x2df: {  	v3 =	vld [tilespmem:$0x420];
	_ =	sdelay $0x4  }
0x2e0: {  	v34 =	vshrl.u32 v3, $0x3  }
0x2e1: {  	v4 =	vmul.u32 $0x30, v34  }
0x2e2: {  	v3 =	vand.u32 $0x7, v3  }
0x2e3: {  	v3 =	vor.u32 v3, v4  }
0x2e4: {  	v4 =	vperm.xlane v3, v0;
	_ =	sdelay $0x1  }
0x2e5: {  	v4 =	vadd.s32 v1, v4;
	_ =	sdelay $0x3  }
0x2e6: {  	s24 =	simm.s32 $0x6800;
	v3 =	vperm.xlane v3, v2  }
0x2e7: {  	[tilespmem:s24], [sflag:$0x1] =	stream.indirect_vreg.gather [hbm4b:s4+s2], $0x80, v4, vm0, $0xb8;
	[tilespmem:$0x18800] =	vst v63  }
0x2e8: {  	v3 =	vadd.s32 v1, v3  }
0x2e9: {  	[tilespmem:s25], [sflag:$0x1] =	stream.indirect_vreg.gather [hbm4b:s5+s2], $0x80, v4, vm0, $0xb8;
	[tilespmem:$0x18800] =	vst v63  }
0x2ea: {  	_ = 	snop  }
0x2eb: {  	[tilespmem:s26], [sflag:$0x1] =	stream.indirect_vreg.gather [hbm4b:s6+s2], $0x80, v4, vm0, $0xb8;
	[tilespmem:$0x18800] =	vst v63  }
0x2ec: {  	s25 =	simm.s32 $0x8000  }
0x2ed: {  	[tilespmem:s25], [sflag:$0x1] =	stream.indirect_vreg.gather [hbm4b:s4+s2], $0x80, v3, vm0, $0xb8;
	[tilespmem:$0x18800] =	vst v63  }
0x2ee: {  	s26 =	simm.s32 $0x8800  }
0x2ef: {  	[tilespmem:s26], [sflag:$0x1] =	stream.indirect_vreg.gather [hbm4b:s5+s2], $0x80, v3, vm0, $0xb8;
	[tilespmem:$0x18800] =	vst v63  }
0x2f0: {  	s24 =	simm.s32 $0x9000  }
0x2f1: {  	[tilespmem:s24], [sflag:$0x1] =	stream.indirect_vreg.gather [hbm4b:s6+s2], $0x80, v3, vm0, $0xb8;
	[tilespmem:$0x18800] =	vst v63  }
0x2f2: {  	v3 =	vld [tilespmem:$0x430];
	_ =	sdelay $0x4  }
0x2f3: {  	v35 =	vshrl.u32 v3, $0x3  }
0x2f4: {  	v4 =	vmul.u32 $0x30, v35  }
0x2f5: {  	v3 =	vand.u32 $0x7, v3  }
0x2f6: {  	v3 =	vor.u32 v3, v4  }
0x2f7: {  	v4 =	vperm.xlane v3, v0;
	_ =	sdelay $0x1  }
0x2f8: {  	v4 =	vadd.s32 v1, v4;
	_ =	sdelay $0x3  }
0x2f9: {  	s25 =	simm.s32 $0x9800;
	v3 =	vperm.xlane v3, v2  }
0x2fa: {  	[tilespmem:s25], [sflag:$0x1] =	stream.indirect_vreg.gather [hbm4b:s4+s2], $0x80, v4, vm0, $0xb8;
	[tilespmem:$0x18800] =	vst v63  }
0x2fb: {  	v3 =	vadd.s32 v1, v3  }
0x2fc: {  	[tilespmem:s28], [sflag:$0x1] =	stream.indirect_vreg.gather [hbm4b:s5+s2], $0x80, v4, vm0, $0xb8;
	[tilespmem:$0x18800] =	vst v63  }
0x2fd: {  	_ = 	snop  }
0x2fe: {  	[tilespmem:s29], [sflag:$0x1] =	stream.indirect_vreg.gather [hbm4b:s6+s2], $0x80, v4, vm0, $0xb8;
	[tilespmem:$0x18800] =	vst v63  }
0x2ff: {  	_ = 	snop  }
0x300: {  	[tilespmem:s30], [sflag:$0x1] =	stream.indirect_vreg.gather [hbm4b:s4+s2], $0x80, v3, vm0, $0xb8;
	[tilespmem:$0x18800] =	vst v63  }
0x301: {  	_ = 	snop  }
0x302: {  	[tilespmem:s31], [sflag:$0x1] =	stream.indirect_vreg.gather [hbm4b:s5+s2], $0x80, v3, vm0, $0xb8;
	[tilespmem:$0x18800] =	vst v63  }
0x303: {  	_ = 	snop  }
0x304: {  	[tilespmem:s0], [sflag:$0x1] =	stream.indirect_vreg.gather [hbm4b:s6+s2], $0x80, v3, vm0, $0xb8;
	[tilespmem:$0x18800] =	vst v63  }
0x305: {  	s1 =	simm.s32 $0xC800;
	s30 =	rddreg [dreg:$0xa]  }
0x306: {  	[hbm4b:s30+s2] =	stream.linear.scatter [tilespmem:s1], [sflag:$0x2], $0xC000, $0x38;
	[tilespmem:$0x18800] =	vst v63  }
0x307: {  	_ =	swait.ge [sflag:s8], $0xC000  }
0x308: {  	[sflag:s8] =	ssyncset.done $0x0  }
0x309: {  	[sflag:s8] =	ssyncadd.s32 $0xFFFF4000  }
0x30a: {  	_ =	swait.ge [sflag:s3], $0xC000  }
0x30b: {  	[sflag:s3] =	ssyncset.done $0x0  }
0x30c: {  	[sflag:s3] =	ssyncadd.s32 $0xFFFF4000  }
0x30d: {  	v3 =	vld [tilespmem:$0x480];
	_ =	sdelay $0x4  }
0x30e: {  	v36 =	vshrl.u32 v3, $0x3  }
0x30f: {  	v4 =	vmul.u32 $0x30, v36  }
0x310: {  	v3 =	vand.u32 $0x7, v3  }
0x311: {  	v3 =	vor.u32 v3, v4  }
0x312: {  	v4 =	vperm.xlane v3, v0;
	_ =	sdelay $0x1  }
0x313: {  	v4 =	vadd.s32 v1, v4;
	_ =	sdelay $0x3  }
0x314: {  	v3 =	vperm.xlane v3, v2  }
0x315: {  	[tilespmem:s1], [sflag:$0x1] =	stream.indirect_vreg.gather [hbm4b:s4+s2], $0x80, v4, vm0, $0xb8;
	[tilespmem:$0x18800] =	vst v63  }
0x316: {  	v3 =	vadd.s32 v1, v3  }
0x317: {  	[tilespmem:s9], [sflag:$0x1] =	stream.indirect_vreg.gather [hbm4b:s5+s2], $0x80, v4, vm0, $0xb8;
	[tilespmem:$0x18800] =	vst v63  }
0x318: {  	_ = 	snop  }
0x319: {  	[tilespmem:s16], [sflag:$0x1] =	stream.indirect_vreg.gather [hbm4b:s6+s2], $0x80, v4, vm0, $0xb8;
	[tilespmem:$0x18800] =	vst v63  }
0x31a: {  	_ = 	snop  }
0x31b: {  	[tilespmem:s17], [sflag:$0x1] =	stream.indirect_vreg.gather [hbm4b:s4+s2], $0x80, v3, vm0, $0xb8;
	[tilespmem:$0x18800] =	vst v63  }
0x31c: {  	_ = 	snop  }
0x31d: {  	[tilespmem:s18], [sflag:$0x1] =	stream.indirect_vreg.gather [hbm4b:s5+s2], $0x80, v3, vm0, $0xb8;
	[tilespmem:$0x18800] =	vst v63  }
0x31e: {  	s9 =	simm.s32 $0xF000  }
0x31f: {  	[tilespmem:s9], [sflag:$0x1] =	stream.indirect_vreg.gather [hbm4b:s6+s2], $0x80, v3, vm0, $0xb8;
	[tilespmem:$0x18800] =	vst v63  }
0x320: {  	v3 =	vld [tilespmem:$0x490];
	_ =	sdelay $0x4  }
0x321: {  	v37 =	vshrl.u32 v3, $0x3  }
0x322: {  	v4 =	vmul.u32 $0x30, v37  }
0x323: {  	v3 =	vand.u32 $0x7, v3  }
0x324: {  	v3 =	vor.u32 v3, v4  }
0x325: {  	v4 =	vperm.xlane v3, v0;
	_ =	sdelay $0x1  }
0x326: {  	v4 =	vadd.s32 v1, v4;
	_ =	sdelay $0x3  }
0x327: {  	s16 =	simm.s32 $0xF800;
	v3 =	vperm.xlane v3, v2  }
0x328: {  	[tilespmem:s16], [sflag:$0x1] =	stream.indirect_vreg.gather [hbm4b:s4+s2], $0x80, v4, vm0, $0xb8;
	[tilespmem:$0x18800] =	vst v63  }
0x329: {  	v3 =	vadd.s32 v1, v3  }
0x32a: {  	[tilespmem:s7], [sflag:$0x1] =	stream.indirect_vreg.gather [hbm4b:s5+s2], $0x80, v4, vm0, $0xb8;
	[tilespmem:$0x18800] =	vst v63  }
0x32b: {  	_ = 	snop  }
0x32c: {  	[tilespmem:s10], [sflag:$0x1] =	stream.indirect_vreg.gather [hbm4b:s6+s2], $0x80, v4, vm0, $0xb8;
	[tilespmem:$0x18800] =	vst v63  }
0x32d: {  	_ = 	snop  }
0x32e: {  	[tilespmem:s19], [sflag:$0x1] =	stream.indirect_vreg.gather [hbm4b:s4+s2], $0x80, v3, vm0, $0xb8;
	[tilespmem:$0x18800] =	vst v63  }
0x32f: {  	_ = 	snop  }
0x330: {  	[tilespmem:s20], [sflag:$0x1] =	stream.indirect_vreg.gather [hbm4b:s5+s2], $0x80, v3, vm0, $0xb8;
	[tilespmem:$0x18800] =	vst v63  }
0x331: {  	s0 =	simm.s32 $0x12000  }
0x332: {  	[tilespmem:s0], [sflag:$0x1] =	stream.indirect_vreg.gather [hbm4b:s6+s2], $0x80, v3, vm0, $0xb8;
	[tilespmem:$0x18800] =	vst v63  }
0x333: {  	v3 =	vld [tilespmem:$0x4A0];
	_ =	sdelay $0x4  }
0x334: {  	v38 =	vshrl.u32 v3, $0x3  }
0x335: {  	v4 =	vmul.u32 $0x30, v38  }
0x336: {  	v3 =	vand.u32 $0x7, v3  }
0x337: {  	v3 =	vor.u32 v3, v4  }
0x338: {  	v4 =	vperm.xlane v3, v0;
	_ =	sdelay $0x1  }
0x339: {  	v4 =	vadd.s32 v1, v4;
	_ =	sdelay $0x3  }
0x33a: {  	s17 =	simm.s32 $0x12800;
	v3 =	vperm.xlane v3, v2  }
0x33b: {  	[tilespmem:s17], [sflag:$0x1] =	stream.indirect_vreg.gather [hbm4b:s4+s2], $0x80, v4, vm0, $0xb8;
	[tilespmem:$0x18800] =	vst v63  }
0x33c: {  	v3 =	vadd.s32 v1, v3  }
0x33d: {  	[tilespmem:s11], [sflag:$0x1] =	stream.indirect_vreg.gather [hbm4b:s5+s2], $0x80, v4, vm0, $0xb8;
	[tilespmem:$0x18800] =	vst v63  }
0x33e: {  	_ = 	snop  }
0x33f: {  	[tilespmem:s13], [sflag:$0x1] =	stream.indirect_vreg.gather [hbm4b:s6+s2], $0x80, v4, vm0, $0xb8;
	[tilespmem:$0x18800] =	vst v63  }
0x340: {  	_ = 	snop  }
0x341: {  	[tilespmem:s21], [sflag:$0x1] =	stream.indirect_vreg.gather [hbm4b:s4+s2], $0x80, v3, vm0, $0xb8;
	[tilespmem:$0x18800] =	vst v63  }
0x342: {  	_ = 	snop  }
0x343: {  	[tilespmem:s22], [sflag:$0x1] =	stream.indirect_vreg.gather [hbm4b:s5+s2], $0x80, v3, vm0, $0xb8;
	[tilespmem:$0x18800] =	vst v63  }
0x344: {  	s1 =	simm.s32 $0x15000  }
0x345: {  	[tilespmem:s1], [sflag:$0x1] =	stream.indirect_vreg.gather [hbm4b:s6+s2], $0x80, v3, vm0, $0xb8;
	[tilespmem:$0x18800] =	vst v63  }
0x346: {  	v3 =	vld [tilespmem:$0x4B0];
	_ =	sdelay $0x4  }
0x347: {  	v39 =	vshrl.u32 v3, $0x3  }
0x348: {  	v4 =	vmul.u32 $0x30, v39  }
0x349: {  	v3 =	vand.u32 $0x7, v3  }
0x34a: {  	v3 =	vor.u32 v3, v4  }
0x34b: {  	v4 =	vperm.xlane v3, v0;
	_ =	sdelay $0x1  }
0x34c: {  	v4 =	vadd.s32 v1, v4;
	_ =	sdelay $0x3  }
0x34d: {  	s11 =	simm.s32 $0x15800;
	v3 =	vperm.xlane v3, v2  }
0x34e: {  	[tilespmem:s11], [sflag:$0x1] =	stream.indirect_vreg.gather [hbm4b:s4+s2], $0x80, v4, vm0, $0xb8;
	[tilespmem:$0x18800] =	vst v63  }
0x34f: {  	v3 =	vadd.s32 v1, v3  }
0x350: {  	[tilespmem:s14], [sflag:$0x1] =	stream.indirect_vreg.gather [hbm4b:s5+s2], $0x80, v4, vm0, $0xb8;
	[tilespmem:$0x18800] =	vst v63  }
0x351: {  	_ = 	snop  }
0x352: {  	[tilespmem:s15], [sflag:$0x1] =	stream.indirect_vreg.gather [hbm4b:s6+s2], $0x80, v4, vm0, $0xb8;
	[tilespmem:$0x18800] =	vst v63  }
0x353: {  	_ = 	snop  }
0x354: {  	[tilespmem:s23], [sflag:$0x1] =	stream.indirect_vreg.gather [hbm4b:s4+s2], $0x80, v3, vm0, $0xb8;
	[tilespmem:$0x18800] =	vst v63  }
0x355: {  	s7 =	simm.s32 $0x17800  }
0x356: {  	[tilespmem:s7], [sflag:$0x1] =	stream.indirect_vreg.gather [hbm4b:s5+s2], $0x80, v3, vm0, $0xb8;
	[tilespmem:$0x18800] =	vst v63  }
0x357: {  	s10 =	simm.s32 $0x18000  }
0x358: {  	[tilespmem:s10], [sflag:$0x1] =	stream.indirect_vreg.gather [hbm4b:s6+s2], $0x80, v3, vm0, $0xb8;
	[tilespmem:$0x18800] =	vst v63  }
0x359: {  	s21 =	rddreg [dreg:$0xb];
	s22 =	simm.s32 $0x800  }
0x35a: {  	[hbm4b:s21+s2] =	stream.linear.scatter [tilespmem:s22], [sflag:$0x2], $0xC000, $0x38;
	[tilespmem:$0x18800] =	vst v63  }
0x35b: {  	_ =	swait.ge [sflag:s8], $0xC000  }
0x35c: {  	[sflag:s8] =	ssyncset.done $0x0  }
0x35d: {  	[sflag:s8] =	ssyncadd.s32 $0xFFFF4000  }
0x35e: {  	_ =	swait.ge [sflag:s3], $0xC000  }
0x35f: {  	[sflag:s3] =	ssyncset.done $0x0  }
0x360: {  	[sflag:s3] =	ssyncadd.s32 $0xFFFF4000  }
0x361: {  	v3 =	vld [tilespmem:$0x500];
	_ =	sdelay $0x4  }
0x362: {  	v40 =	vshrl.u32 v3, $0x3  }
0x363: {  	v4 =	vmul.u32 $0x30, v40  }
0x364: {  	v3 =	vand.u32 $0x7, v3  }
0x365: {  	v3 =	vor.u32 v3, v4  }
0x366: {  	v4 =	vperm.xlane v3, v0;
	_ =	sdelay $0x1  }
0x367: {  	v4 =	vadd.s32 v1, v4;
	_ =	sdelay $0x3  }
0x368: {  	v3 =	vperm.xlane v3, v2  }
0x369: {  	[tilespmem:s22], [sflag:$0x1] =	stream.indirect_vreg.gather [hbm4b:s4+s2], $0x80, v4, vm0, $0xb8;
	[tilespmem:$0x18800] =	vst v63  }
0x36a: {  	s13 =	simm.s32 $0x1000;
	v3 =	vadd.s32 v1, v3  }
0x36b: {  	[tilespmem:s13], [sflag:$0x1] =	stream.indirect_vreg.gather [hbm4b:s5+s2], $0x80, v4, vm0, $0xb8;
	[tilespmem:$0x18800] =	vst v63  }
0x36c: {  	s14 =	simm.s32 $0x1800  }
0x36d: {  	[tilespmem:s14], [sflag:$0x1] =	stream.indirect_vreg.gather [hbm4b:s6+s2], $0x80, v4, vm0, $0xb8;
	[tilespmem:$0x18800] =	vst v63  }
0x36e: {  	s15 =	simm.s32 $0x2000  }
0x36f: {  	[tilespmem:s15], [sflag:$0x1] =	stream.indirect_vreg.gather [hbm4b:s4+s2], $0x80, v3, vm0, $0xb8;
	[tilespmem:$0x18800] =	vst v63  }
0x370: {  	s18 =	simm.s32 $0x2800  }
0x371: {  	[tilespmem:s18], [sflag:$0x1] =	stream.indirect_vreg.gather [hbm4b:s5+s2], $0x80, v3, vm0, $0xb8;
	[tilespmem:$0x18800] =	vst v63  }
0x372: {  	s28 =	simm.s32 $0x3000  }
0x373: {  	[tilespmem:s28], [sflag:$0x1] =	stream.indirect_vreg.gather [hbm4b:s6+s2], $0x80, v3, vm0, $0xb8;
	[tilespmem:$0x18800] =	vst v63  }
0x374: {  	v3 =	vld [tilespmem:$0x510];
	_ =	sdelay $0x4  }
0x375: {  	v41 =	vshrl.u32 v3, $0x3  }
0x376: {  	v4 =	vmul.u32 $0x30, v41  }
0x377: {  	v3 =	vand.u32 $0x7, v3  }
0x378: {  	v3 =	vor.u32 v3, v4  }
0x379: {  	v4 =	vperm.xlane v3, v0;
	_ =	sdelay $0x1  }
0x37a: {  	v4 =	vadd.s32 v1, v4;
	_ =	sdelay $0x3  }
0x37b: {  	s29 =	simm.s32 $0x3800;
	v3 =	vperm.xlane v3, v2  }
0x37c: {  	[tilespmem:s29], [sflag:$0x1] =	stream.indirect_vreg.gather [hbm4b:s4+s2], $0x80, v4, vm0, $0xb8;
	[tilespmem:$0x18800] =	vst v63  }
0x37d: {  	s19 =	simm.s32 $0x4000;
	v3 =	vadd.s32 v1, v3  }
0x37e: {  	[tilespmem:s19], [sflag:$0x1] =	stream.indirect_vreg.gather [hbm4b:s5+s2], $0x80, v4, vm0, $0xb8;
	[tilespmem:$0x18800] =	vst v63  }
0x37f: {  	s20 =	simm.s32 $0x4800  }
0x380: {  	[tilespmem:s20], [sflag:$0x1] =	stream.indirect_vreg.gather [hbm4b:s6+s2], $0x80, v4, vm0, $0xb8;
	[tilespmem:$0x18800] =	vst v63  }
0x381: {  	s21 =	simm.s32 $0x5000  }
0x382: {  	[tilespmem:s21], [sflag:$0x1] =	stream.indirect_vreg.gather [hbm4b:s4+s2], $0x80, v3, vm0, $0xb8;
	[tilespmem:$0x18800] =	vst v63  }
0x383: {  	s22 =	simm.s32 $0x5800  }
0x384: {  	[tilespmem:s22], [sflag:$0x1] =	stream.indirect_vreg.gather [hbm4b:s5+s2], $0x80, v3, vm0, $0xb8;
	[tilespmem:$0x18800] =	vst v63  }
0x385: {  	s30 =	simm.s32 $0x6000  }
0x386: {  	[tilespmem:s30], [sflag:$0x1] =	stream.indirect_vreg.gather [hbm4b:s6+s2], $0x80, v3, vm0, $0xb8;
	[tilespmem:$0x18800] =	vst v63  }
0x387: {  	v3 =	vld [tilespmem:$0x520];
	_ =	sdelay $0x4  }
0x388: {  	v42 =	vshrl.u32 v3, $0x3  }
0x389: {  	v4 =	vmul.u32 $0x30, v42  }
0x38a: {  	v3 =	vand.u32 $0x7, v3  }
0x38b: {  	v3 =	vor.u32 v3, v4  }
0x38c: {  	v4 =	vperm.xlane v3, v0;
	_ =	sdelay $0x1  }
0x38d: {  	v4 =	vadd.s32 v1, v4;
	_ =	sdelay $0x3  }
0x38e: {  	s23 =	simm.s32 $0x6800;
	v3 =	vperm.xlane v3, v2  }
0x38f: {  	[tilespmem:s23], [sflag:$0x1] =	stream.indirect_vreg.gather [hbm4b:s4+s2], $0x80, v4, vm0, $0xb8;
	[tilespmem:$0x18800] =	vst v63  }
0x390: {  	s26 =	simm.s32 $0x7000;
	v3 =	vadd.s32 v1, v3  }
0x391: {  	[tilespmem:s26], [sflag:$0x1] =	stream.indirect_vreg.gather [hbm4b:s5+s2], $0x80, v4, vm0, $0xb8;
	[tilespmem:$0x18800] =	vst v63  }
0x392: {  	s23 =	simm.s32 $0x7800  }
0x393: {  	[tilespmem:s23], [sflag:$0x1] =	stream.indirect_vreg.gather [hbm4b:s6+s2], $0x80, v4, vm0, $0xb8;
	[tilespmem:$0x18800] =	vst v63  }
0x394: {  	s23 =	simm.s32 $0x8000  }
0x395: {  	[tilespmem:s23], [sflag:$0x1] =	stream.indirect_vreg.gather [hbm4b:s4+s2], $0x80, v3, vm0, $0xb8;
	[tilespmem:$0x18800] =	vst v63  }
0x396: {  	s26 =	simm.s32 $0x8800  }
0x397: {  	[tilespmem:s26], [sflag:$0x1] =	stream.indirect_vreg.gather [hbm4b:s5+s2], $0x80, v3, vm0, $0xb8;
	[tilespmem:$0x18800] =	vst v63  }
0x398: {  	_ = 	snop  }
0x399: {  	[tilespmem:s24], [sflag:$0x1] =	stream.indirect_vreg.gather [hbm4b:s6+s2], $0x80, v3, vm0, $0xb8;
	[tilespmem:$0x18800] =	vst v63  }
0x39a: {  	v3 =	vld [tilespmem:$0x530];
	_ =	sdelay $0x4  }
0x39b: {  	v43 =	vshrl.u32 v3, $0x3  }
0x39c: {  	v4 =	vmul.u32 $0x30, v43  }
0x39d: {  	v3 =	vand.u32 $0x7, v3  }
0x39e: {  	v3 =	vor.u32 v3, v4  }
0x39f: {  	v4 =	vperm.xlane v3, v0;
	_ =	sdelay $0x1  }
0x3a0: {  	v4 =	vadd.s32 v1, v4;
	_ =	sdelay $0x3  }
0x3a1: {  	v3 =	vperm.xlane v3, v2  }
0x3a2: {  	[tilespmem:s25], [sflag:$0x1] =	stream.indirect_vreg.gather [hbm4b:s4+s2], $0x80, v4, vm0, $0xb8;
	[tilespmem:$0x18800] =	vst v63  }
0x3a3: {  	s24 =	simm.s32 $0xA000;
	v3 =	vadd.s32 v1, v3  }
0x3a4: {  	[tilespmem:s24], [sflag:$0x1] =	stream.indirect_vreg.gather [hbm4b:s5+s2], $0x80, v4, vm0, $0xb8;
	[tilespmem:$0x18800] =	vst v63  }
0x3a5: {  	s25 =	simm.s32 $0xA800  }
0x3a6: {  	[tilespmem:s25], [sflag:$0x1] =	stream.indirect_vreg.gather [hbm4b:s6+s2], $0x80, v4, vm0, $0xb8;
	[tilespmem:$0x18800] =	vst v63  }
0x3a7: {  	s24 =	simm.s32 $0xB000  }
0x3a8: {  	[tilespmem:s24], [sflag:$0x1] =	stream.indirect_vreg.gather [hbm4b:s4+s2], $0x80, v3, vm0, $0xb8;
	[tilespmem:$0x18800] =	vst v63  }
0x3a9: {  	s31 =	simm.s32 $0xB800  }
0x3aa: {  	[tilespmem:s31], [sflag:$0x1] =	stream.indirect_vreg.gather [hbm4b:s5+s2], $0x80, v3, vm0, $0xb8;
	[tilespmem:$0x18800] =	vst v63  }
0x3ab: {  	s24 =	simm.s32 $0xC000  }
0x3ac: {  	[tilespmem:s24], [sflag:$0x1] =	stream.indirect_vreg.gather [hbm4b:s6+s2], $0x80, v3, vm0, $0xb8;
	[tilespmem:$0x18800] =	vst v63  }
0x3ad: {  	s25 =	rddreg [dreg:$0xc];
	s31 =	simm.s32 $0xC800  }
0x3ae: {  	[hbm4b:s25+s2] =	stream.linear.scatter [tilespmem:s31], [sflag:$0x2], $0xC000, $0x38;
	[tilespmem:$0x18800] =	vst v63  }
0x3af: {  	_ =	swait.ge [sflag:s8], $0xC000  }
0x3b0: {  	[sflag:s8] =	ssyncset.done $0x0  }
0x3b1: {  	[sflag:s8] =	ssyncadd.s32 $0xFFFF4000  }
0x3b2: {  	_ =	swait.ge [sflag:s3], $0xC000  }
0x3b3: {  	[sflag:s3] =	ssyncset.done $0x0  }
0x3b4: {  	[sflag:s3] =	ssyncadd.s32 $0xFFFF4000  }
0x3b5: {  	v3 =	vld [tilespmem:$0x580];
	_ =	sdelay $0x4  }
0x3b6: {  	v44 =	vshrl.u32 v3, $0x3  }
0x3b7: {  	v4 =	vmul.u32 $0x30, v44  }
0x3b8: {  	v3 =	vand.u32 $0x7, v3  }
0x3b9: {  	v3 =	vor.u32 v3, v4  }
0x3ba: {  	v4 =	vperm.xlane v3, v0;
	_ =	sdelay $0x1  }
0x3bb: {  	v4 =	vadd.s32 v1, v4;
	_ =	sdelay $0x3  }
0x3bc: {  	v3 =	vperm.xlane v3, v2  }
0x3bd: {  	[tilespmem:s31], [sflag:$0x1] =	stream.indirect_vreg.gather [hbm4b:s4+s2], $0x80, v4, vm0, $0xb8;
	[tilespmem:$0x18800] =	vst v63  }
0x3be: {  	s25 =	simm.s32 $0xD000;
	v3 =	vadd.s32 v1, v3  }
0x3bf: {  	[tilespmem:s25], [sflag:$0x1] =	stream.indirect_vreg.gather [hbm4b:s5+s2], $0x80, v4, vm0, $0xb8;
	[tilespmem:$0x18800] =	vst v63  }
0x3c0: {  	s31 =	simm.s32 $0xD800  }
0x3c1: {  	[tilespmem:s31], [sflag:$0x1] =	stream.indirect_vreg.gather [hbm4b:s6+s2], $0x80, v4, vm0, $0xb8;
	[tilespmem:$0x18800] =	vst v63  }
0x3c2: {  	s12 =	simm.s32 $0xE000  }
0x3c3: {  	[tilespmem:s12], [sflag:$0x1] =	stream.indirect_vreg.gather [hbm4b:s4+s2], $0x80, v3, vm0, $0xb8;
	[tilespmem:$0x18800] =	vst v63  }
0x3c4: {  	s12 =	simm.s32 $0xE800  }
0x3c5: {  	[tilespmem:s12], [sflag:$0x1] =	stream.indirect_vreg.gather [hbm4b:s5+s2], $0x80, v3, vm0, $0xb8;
	[tilespmem:$0x18800] =	vst v63  }
0x3c6: {  	_ = 	snop  }
0x3c7: {  	[tilespmem:s9], [sflag:$0x1] =	stream.indirect_vreg.gather [hbm4b:s6+s2], $0x80, v3, vm0, $0xb8;
	[tilespmem:$0x18800] =	vst v63  }
0x3c8: {  	v3 =	vld [tilespmem:$0x590];
	_ =	sdelay $0x4  }
0x3c9: {  	v45 =	vshrl.u32 v3, $0x3  }
0x3ca: {  	v4 =	vmul.u32 $0x30, v45  }
0x3cb: {  	v3 =	vand.u32 $0x7, v3  }
0x3cc: {  	v3 =	vor.u32 v3, v4  }
0x3cd: {  	v4 =	vperm.xlane v3, v0;
	_ =	sdelay $0x1  }
0x3ce: {  	v4 =	vadd.s32 v1, v4;
	_ =	sdelay $0x3  }
0x3cf: {  	v3 =	vperm.xlane v3, v2  }
0x3d0: {  	[tilespmem:s16], [sflag:$0x1] =	stream.indirect_vreg.gather [hbm4b:s4+s2], $0x80, v4, vm0, $0xb8;
	[tilespmem:$0x18800] =	vst v63  }
0x3d1: {  	s9 =	simm.s32 $0x10000;
	v3 =	vadd.s32 v1, v3  }
0x3d2: {  	[tilespmem:s9], [sflag:$0x1] =	stream.indirect_vreg.gather [hbm4b:s5+s2], $0x80, v4, vm0, $0xb8;
	[tilespmem:$0x18800] =	vst v63  }
0x3d3: {  	s16 =	simm.s32 $0x10800  }
0x3d4: {  	[tilespmem:s16], [sflag:$0x1] =	stream.indirect_vreg.gather [hbm4b:s6+s2], $0x80, v4, vm0, $0xb8;
	[tilespmem:$0x18800] =	vst v63  }
0x3d5: {  	s12 =	simm.s32 $0x11000  }
0x3d6: {  	[tilespmem:s12], [sflag:$0x1] =	stream.indirect_vreg.gather [hbm4b:s4+s2], $0x80, v3, vm0, $0xb8;
	[tilespmem:$0x18800] =	vst v63  }
0x3d7: {  	s12 =	simm.s32 $0x11800  }
0x3d8: {  	[tilespmem:s12], [sflag:$0x1] =	stream.indirect_vreg.gather [hbm4b:s5+s2], $0x80, v3, vm0, $0xb8;
	[tilespmem:$0x18800] =	vst v63  }
0x3d9: {  	_ = 	snop  }
0x3da: {  	[tilespmem:s0], [sflag:$0x1] =	stream.indirect_vreg.gather [hbm4b:s6+s2], $0x80, v3, vm0, $0xb8;
	[tilespmem:$0x18800] =	vst v63  }
0x3db: {  	v3 =	vld [tilespmem:$0x5A0];
	_ =	sdelay $0x4  }
0x3dc: {  	v46 =	vshrl.u32 v3, $0x3  }
0x3dd: {  	v4 =	vmul.u32 $0x30, v46  }
0x3de: {  	v3 =	vand.u32 $0x7, v3  }
0x3df: {  	v3 =	vor.u32 v3, v4  }
0x3e0: {  	v4 =	vperm.xlane v3, v0;
	_ =	sdelay $0x1  }
0x3e1: {  	v4 =	vadd.s32 v1, v4;
	_ =	sdelay $0x3  }
0x3e2: {  	v3 =	vperm.xlane v3, v2  }
0x3e3: {  	[tilespmem:s17], [sflag:$0x1] =	stream.indirect_vreg.gather [hbm4b:s4+s2], $0x80, v4, vm0, $0xb8;
	[tilespmem:$0x18800] =	vst v63  }
0x3e4: {  	s0 =	simm.s32 $0x13000;
	v3 =	vadd.s32 v1, v3  }
0x3e5: {  	[tilespmem:s0], [sflag:$0x1] =	stream.indirect_vreg.gather [hbm4b:s5+s2], $0x80, v4, vm0, $0xb8;
	[tilespmem:$0x18800] =	vst v63  }
0x3e6: {  	s17 =	simm.s32 $0x13800  }
0x3e7: {  	[tilespmem:s17], [sflag:$0x1] =	stream.indirect_vreg.gather [hbm4b:s6+s2], $0x80, v4, vm0, $0xb8;
	[tilespmem:$0x18800] =	vst v63  }
0x3e8: {  	s12 =	simm.s32 $0x14000  }
0x3e9: {  	[tilespmem:s12], [sflag:$0x1] =	stream.indirect_vreg.gather [hbm4b:s4+s2], $0x80, v3, vm0, $0xb8;
	[tilespmem:$0x18800] =	vst v63  }
0x3ea: {  	s12 =	simm.s32 $0x14800  }
0x3eb: {  	[tilespmem:s12], [sflag:$0x1] =	stream.indirect_vreg.gather [hbm4b:s5+s2], $0x80, v3, vm0, $0xb8;
	[tilespmem:$0x18800] =	vst v63  }
0x3ec: {  	_ = 	snop  }
0x3ed: {  	[tilespmem:s1], [sflag:$0x1] =	stream.indirect_vreg.gather [hbm4b:s6+s2], $0x80, v3, vm0, $0xb8;
	[tilespmem:$0x18800] =	vst v63  }
0x3ee: {  	v3 =	vld [tilespmem:$0x5B0];
	_ =	sdelay $0x4  }
0x3ef: {  	v47 =	vshrl.u32 v3, $0x3  }
0x3f0: {  	v4 =	vmul.u32 $0x30, v47  }
0x3f1: {  	v3 =	vand.u32 $0x7, v3  }
0x3f2: {  	v3 =	vor.u32 v3, v4  }
0x3f3: {  	v4 =	vperm.xlane v3, v0;
	_ =	sdelay $0x1  }
0x3f4: {  	v4 =	vadd.s32 v1, v4;
	_ =	sdelay $0x3  }
0x3f5: {  	v3 =	vperm.xlane v3, v2  }
0x3f6: {  	[tilespmem:s11], [sflag:$0x1] =	stream.indirect_vreg.gather [hbm4b:s4+s2], $0x80, v4, vm0, $0xb8;
	[tilespmem:$0x18800] =	vst v63  }
0x3f7: {  	v3 =	vadd.s32 v1, v3;
	s11 =	simm.s32 $0x16000  }
0x3f8: {  	[tilespmem:s11], [sflag:$0x1] =	stream.indirect_vreg.gather [hbm4b:s5+s2], $0x80, v4, vm0, $0xb8;
	[tilespmem:$0x18800] =	vst v63  }
0x3f9: {  	s12 =	simm.s32 $0x16800  }
0x3fa: {  	[tilespmem:s12], [sflag:$0x1] =	stream.indirect_vreg.gather [hbm4b:s6+s2], $0x80, v4, vm0, $0xb8;
	[tilespmem:$0x18800] =	vst v63  }
0x3fb: {  	s12 =	simm.s32 $0x17000  }
0x3fc: {  	[tilespmem:s12], [sflag:$0x1] =	stream.indirect_vreg.gather [hbm4b:s4+s2], $0x80, v3, vm0, $0xb8;
	[tilespmem:$0x18800] =	vst v63  }
0x3fd: {  	_ = 	snop  }
0x3fe: {  	[tilespmem:s7], [sflag:$0x1] =	stream.indirect_vreg.gather [hbm4b:s5+s2], $0x80, v3, vm0, $0xb8;
	[tilespmem:$0x18800] =	vst v63  }
0x3ff: {  	_ = 	snop  }
0x400: {  	[tilespmem:s10], [sflag:$0x1] =	stream.indirect_vreg.gather [hbm4b:s6+s2], $0x80, v3, vm0, $0xb8;
	[tilespmem:$0x18800] =	vst v63  }
0x401: {  	s7 =	rddreg [dreg:$0xd];
	s10 =	simm.s32 $0x800  }
0x402: {  	[hbm4b:s7+s2] =	stream.linear.scatter [tilespmem:s10], [sflag:$0x2], $0xC000, $0x38;
	[tilespmem:$0x18800] =	vst v63  }
0x403: {  	_ =	swait.ge [sflag:s8], $0xC000  }
0x404: {  	[sflag:s8] =	ssyncset.done $0x0  }
0x405: {  	[sflag:s8] =	ssyncadd.s32 $0xFFFF4000  }
0x406: {  	_ =	swait.ge [sflag:s3], $0xC000  }
0x407: {  	[sflag:s3] =	ssyncset.done $0x0  }
0x408: {  	[sflag:s3] =	ssyncadd.s32 $0xFFFF4000  }
0x409: {  	v3 =	vld [tilespmem:$0x600];
	_ =	sdelay $0x4  }
0x40a: {  	v48 =	vshrl.u32 v3, $0x3  }
0x40b: {  	v4 =	vmul.u32 $0x30, v48  }
0x40c: {  	v3 =	vand.u32 $0x7, v3  }
0x40d: {  	v3 =	vor.u32 v3, v4  }
0x40e: {  	v4 =	vperm.xlane v3, v0;
	_ =	sdelay $0x1  }
0x40f: {  	v4 =	vadd.s32 v1, v4;
	_ =	sdelay $0x3  }
0x410: {  	v3 =	vperm.xlane v3, v2  }
0x411: {  	[tilespmem:s10], [sflag:$0x1] =	stream.indirect_vreg.gather [hbm4b:s4+s2], $0x80, v4, vm0, $0xb8;
	[tilespmem:$0x18800] =	vst v63  }
0x412: {  	v3 =	vadd.s32 v1, v3  }
0x413: {  	[tilespmem:s13], [sflag:$0x1] =	stream.indirect_vreg.gather [hbm4b:s5+s2], $0x80, v4, vm0, $0xb8;
	[tilespmem:$0x18800] =	vst v63  }
0x414: {  	_ = 	snop  }
0x415: {  	[tilespmem:s14], [sflag:$0x1] =	stream.indirect_vreg.gather [hbm4b:s6+s2], $0x80, v4, vm0, $0xb8;
	[tilespmem:$0x18800] =	vst v63  }
0x416: {  	_ = 	snop  }
0x417: {  	[tilespmem:s15], [sflag:$0x1] =	stream.indirect_vreg.gather [hbm4b:s4+s2], $0x80, v3, vm0, $0xb8;
	[tilespmem:$0x18800] =	vst v63  }
0x418: {  	_ = 	snop  }
0x419: {  	[tilespmem:s18], [sflag:$0x1] =	stream.indirect_vreg.gather [hbm4b:s5+s2], $0x80, v3, vm0, $0xb8;
	[tilespmem:$0x18800] =	vst v63  }
0x41a: {  	_ = 	snop  }
0x41b: {  	[tilespmem:s28], [sflag:$0x1] =	stream.indirect_vreg.gather [hbm4b:s6+s2], $0x80, v3, vm0, $0xb8;
	[tilespmem:$0x18800] =	vst v63  }
0x41c: {  	v3 =	vld [tilespmem:$0x610];
	_ =	sdelay $0x4  }
0x41d: {  	v49 =	vshrl.u32 v3, $0x3  }
0x41e: {  	v4 =	vmul.u32 $0x30, v49  }
0x41f: {  	v3 =	vand.u32 $0x7, v3  }
0x420: {  	v3 =	vor.u32 v3, v4  }
0x421: {  	v4 =	vperm.xlane v3, v0;
	_ =	sdelay $0x1  }
0x422: {  	v4 =	vadd.s32 v1, v4;
	_ =	sdelay $0x3  }
0x423: {  	v3 =	vperm.xlane v3, v2  }
0x424: {  	[tilespmem:s29], [sflag:$0x1] =	stream.indirect_vreg.gather [hbm4b:s4+s2], $0x80, v4, vm0, $0xb8;
	[tilespmem:$0x18800] =	vst v63  }
0x425: {  	v3 =	vadd.s32 v1, v3  }
0x426: {  	[tilespmem:s19], [sflag:$0x1] =	stream.indirect_vreg.gather [hbm4b:s5+s2], $0x80, v4, vm0, $0xb8;
	[tilespmem:$0x18800] =	vst v63  }
0x427: {  	_ = 	snop  }
0x428: {  	[tilespmem:s20], [sflag:$0x1] =	stream.indirect_vreg.gather [hbm4b:s6+s2], $0x80, v4, vm0, $0xb8;
	[tilespmem:$0x18800] =	vst v63  }
0x429: {  	_ = 	snop  }
0x42a: {  	[tilespmem:s21], [sflag:$0x1] =	stream.indirect_vreg.gather [hbm4b:s4+s2], $0x80, v3, vm0, $0xb8;
	[tilespmem:$0x18800] =	vst v63  }
0x42b: {  	_ = 	snop  }
0x42c: {  	[tilespmem:s22], [sflag:$0x1] =	stream.indirect_vreg.gather [hbm4b:s5+s2], $0x80, v3, vm0, $0xb8;
	[tilespmem:$0x18800] =	vst v63  }
0x42d: {  	_ = 	snop  }
0x42e: {  	[tilespmem:s30], [sflag:$0x1] =	stream.indirect_vreg.gather [hbm4b:s6+s2], $0x80, v3, vm0, $0xb8;
	[tilespmem:$0x18800] =	vst v63  }
0x42f: {  	v3 =	vld [tilespmem:$0x620];
	_ =	sdelay $0x4  }
0x430: {  	v50 =	vshrl.u32 v3, $0x3  }
0x431: {  	v4 =	vmul.u32 $0x30, v50  }
0x432: {  	v3 =	vand.u32 $0x7, v3  }
0x433: {  	v3 =	vor.u32 v3, v4  }
0x434: {  	v4 =	vperm.xlane v3, v0;
	_ =	sdelay $0x1  }
0x435: {  	v4 =	vadd.s32 v1, v4;
	_ =	sdelay $0x3  }
0x436: {  	s12 =	simm.s32 $0x6800;
	v3 =	vperm.xlane v3, v2  }
0x437: {  	[tilespmem:s12], [sflag:$0x1] =	stream.indirect_vreg.gather [hbm4b:s4+s2], $0x80, v4, vm0, $0xb8;
	[tilespmem:$0x18800] =	vst v63  }
0x438: {  	s20 =	simm.s32 $0x7000;
	v3 =	vadd.s32 v1, v3  }
0x439: {  	[tilespmem:s20], [sflag:$0x1] =	stream.indirect_vreg.gather [hbm4b:s5+s2], $0x80, v4, vm0, $0xb8;
	[tilespmem:$0x18800] =	vst v63  }
0x43a: {  	s21 =	simm.s32 $0x7800  }
0x43b: {  	[tilespmem:s21], [sflag:$0x1] =	stream.indirect_vreg.gather [hbm4b:s6+s2], $0x80, v4, vm0, $0xb8;
	[tilespmem:$0x18800] =	vst v63  }
0x43c: {  	_ = 	snop  }
0x43d: {  	[tilespmem:s23], [sflag:$0x1] =	stream.indirect_vreg.gather [hbm4b:s4+s2], $0x80, v3, vm0, $0xb8;
	[tilespmem:$0x18800] =	vst v63  }
0x43e: {  	_ = 	snop  }
0x43f: {  	[tilespmem:s26], [sflag:$0x1] =	stream.indirect_vreg.gather [hbm4b:s5+s2], $0x80, v3, vm0, $0xb8;
	[tilespmem:$0x18800] =	vst v63  }
0x440: {  	s23 =	simm.s32 $0x9000  }
0x441: {  	[tilespmem:s23], [sflag:$0x1] =	stream.indirect_vreg.gather [hbm4b:s6+s2], $0x80, v3, vm0, $0xb8;
	[tilespmem:$0x18800] =	vst v63  }
0x442: {  	v3 =	vld [tilespmem:$0x630];
	_ =	sdelay $0x4  }
0x443: {  	v51 =	vshrl.u32 v3, $0x3  }
0x444: {  	v4 =	vmul.u32 $0x30, v51  }
0x445: {  	v3 =	vand.u32 $0x7, v3  }
0x446: {  	v3 =	vor.u32 v3, v4  }
0x447: {  	v4 =	vperm.xlane v3, v0;
	_ =	sdelay $0x1  }
0x448: {  	v4 =	vadd.s32 v1, v4;
	_ =	sdelay $0x3  }
0x449: {  	s26 =	simm.s32 $0x9800;
	v3 =	vperm.xlane v3, v2  }
0x44a: {  	[tilespmem:s26], [sflag:$0x1] =	stream.indirect_vreg.gather [hbm4b:s4+s2], $0x80, v4, vm0, $0xb8;
	[tilespmem:$0x18800] =	vst v63  }
0x44b: {  	s30 =	simm.s32 $0xA000;
	v3 =	vadd.s32 v1, v3  }
0x44c: {  	[tilespmem:s30], [sflag:$0x1] =	stream.indirect_vreg.gather [hbm4b:s5+s2], $0x80, v4, vm0, $0xb8;
	[tilespmem:$0x18800] =	vst v63  }
0x44d: {  	s7 =	simm.s32 $0xA800  }
0x44e: {  	[tilespmem:s7], [sflag:$0x1] =	stream.indirect_vreg.gather [hbm4b:s6+s2], $0x80, v4, vm0, $0xb8;
	[tilespmem:$0x18800] =	vst v63  }
0x44f: {  	s12 =	simm.s32 $0xB000  }
0x450: {  	[tilespmem:s12], [sflag:$0x1] =	stream.indirect_vreg.gather [hbm4b:s4+s2], $0x80, v3, vm0, $0xb8;
	[tilespmem:$0x18800] =	vst v63  }
0x451: {  	s23 =	simm.s32 $0xB800  }
0x452: {  	[tilespmem:s23], [sflag:$0x1] =	stream.indirect_vreg.gather [hbm4b:s5+s2], $0x80, v3, vm0, $0xb8;
	[tilespmem:$0x18800] =	vst v63  }
0x453: {  	_ = 	snop  }
0x454: {  	[tilespmem:s24], [sflag:$0x1] =	stream.indirect_vreg.gather [hbm4b:s6+s2], $0x80, v3, vm0, $0xb8;
	[tilespmem:$0x18800] =	vst v63  }
0x455: {  	s26 =	rddreg [dreg:$0xe];
	s30 =	simm.s32 $0xC800  }
0x456: {  	[hbm4b:s26+s2] =	stream.linear.scatter [tilespmem:s30], [sflag:$0x2], $0xC000, $0x38;
	[tilespmem:$0x18800] =	vst v63  }
0x457: {  	_ =	swait.ge [sflag:s8], $0xC000  }
0x458: {  	[sflag:s8] =	ssyncset.done $0x0  }
0x459: {  	[sflag:s8] =	ssyncadd.s32 $0xFFFF4000  }
0x45a: {  	_ =	swait.ge [sflag:s3], $0xC000  }
0x45b: {  	[sflag:s3] =	ssyncset.done $0x0  }
0x45c: {  	[sflag:s3] =	ssyncadd.s32 $0xFFFF4000  }
0x45d: {  	v3 =	vld [tilespmem:$0x680];
	_ =	sdelay $0x4  }
0x45e: {  	v52 =	vshrl.u32 v3, $0x3  }
0x45f: {  	v4 =	vmul.u32 $0x30, v52  }
0x460: {  	v3 =	vand.u32 $0x7, v3  }
0x461: {  	v3 =	vor.u32 v3, v4  }
0x462: {  	v4 =	vperm.xlane v3, v0;
	_ =	sdelay $0x1  }
0x463: {  	v4 =	vadd.s32 v1, v4;
	_ =	sdelay $0x3  }
0x464: {  	v3 =	vperm.xlane v3, v2  }
0x465: {  	[tilespmem:s30], [sflag:$0x1] =	stream.indirect_vreg.gather [hbm4b:s4+s2], $0x80, v4, vm0, $0xb8;
	[tilespmem:$0x18800] =	vst v63  }
0x466: {  	v3 =	vadd.s32 v1, v3  }
0x467: {  	[tilespmem:s25], [sflag:$0x1] =	stream.indirect_vreg.gather [hbm4b:s5+s2], $0x80, v4, vm0, $0xb8;
	[tilespmem:$0x18800] =	vst v63  }
0x468: {  	_ = 	snop  }
0x469: {  	[tilespmem:s31], [sflag:$0x1] =	stream.indirect_vreg.gather [hbm4b:s6+s2], $0x80, v4, vm0, $0xb8;
	[tilespmem:$0x18800] =	vst v63  }
0x46a: {  	s31 =	simm.s32 $0xE000  }
0x46b: {  	[tilespmem:s31], [sflag:$0x1] =	stream.indirect_vreg.gather [hbm4b:s4+s2], $0x80, v3, vm0, $0xb8;
	[tilespmem:$0x18800] =	vst v63  }
0x46c: {  	s1 =	simm.s32 $0xE800  }
0x46d: {  	[tilespmem:s1], [sflag:$0x1] =	stream.indirect_vreg.gather [hbm4b:s5+s2], $0x80, v3, vm0, $0xb8;
	[tilespmem:$0x18800] =	vst v63  }
0x46e: {  	s12 =	simm.s32 $0xF000  }
0x46f: {  	[tilespmem:s12], [sflag:$0x1] =	stream.indirect_vreg.gather [hbm4b:s6+s2], $0x80, v3, vm0, $0xb8;
	[tilespmem:$0x18800] =	vst v63  }
0x470: {  	v3 =	vld [tilespmem:$0x690];
	_ =	sdelay $0x4  }
0x471: {  	v53 =	vshrl.u32 v3, $0x3  }
0x472: {  	v4 =	vmul.u32 $0x30, v53  }
0x473: {  	v3 =	vand.u32 $0x7, v3  }
0x474: {  	v3 =	vor.u32 v3, v4  }
0x475: {  	v4 =	vperm.xlane v3, v0;
	_ =	sdelay $0x1  }
0x476: {  	v4 =	vadd.s32 v1, v4;
	_ =	sdelay $0x3  }
0x477: {  	s31 =	simm.s32 $0xF800;
	v3 =	vperm.xlane v3, v2  }
0x478: {  	[tilespmem:s31], [sflag:$0x1] =	stream.indirect_vreg.gather [hbm4b:s4+s2], $0x80, v4, vm0, $0xb8;
	[tilespmem:$0x18800] =	vst v63  }
0x479: {  	v3 =	vadd.s32 v1, v3  }
0x47a: {  	[tilespmem:s9], [sflag:$0x1] =	stream.indirect_vreg.gather [hbm4b:s5+s2], $0x80, v4, vm0, $0xb8;
	[tilespmem:$0x18800] =	vst v63  }
0x47b: {  	_ = 	snop  }
0x47c: {  	[tilespmem:s16], [sflag:$0x1] =	stream.indirect_vreg.gather [hbm4b:s6+s2], $0x80, v4, vm0, $0xb8;
	[tilespmem:$0x18800] =	vst v63  }
0x47d: {  	s1 =	simm.s32 $0x11000  }
0x47e: {  	[tilespmem:s1], [sflag:$0x1] =	stream.indirect_vreg.gather [hbm4b:s4+s2], $0x80, v3, vm0, $0xb8;
	[tilespmem:$0x18800] =	vst v63  }
0x47f: {  	s12 =	simm.s32 $0x11800  }
0x480: {  	[tilespmem:s12], [sflag:$0x1] =	stream.indirect_vreg.gather [hbm4b:s5+s2], $0x80, v3, vm0, $0xb8;
	[tilespmem:$0x18800] =	vst v63  }
0x481: {  	s12 =	simm.s32 $0x12000  }
0x482: {  	[tilespmem:s12], [sflag:$0x1] =	stream.indirect_vreg.gather [hbm4b:s6+s2], $0x80, v3, vm0, $0xb8;
	[tilespmem:$0x18800] =	vst v63  }
0x483: {  	v3 =	vld [tilespmem:$0x6A0];
	_ =	sdelay $0x4  }
0x484: {  	v54 =	vshrl.u32 v3, $0x3  }
0x485: {  	v4 =	vmul.u32 $0x30, v54  }
0x486: {  	v3 =	vand.u32 $0x7, v3  }
0x487: {  	v3 =	vor.u32 v3, v4  }
0x488: {  	v4 =	vperm.xlane v3, v0;
	_ =	sdelay $0x1  }
0x489: {  	v4 =	vadd.s32 v1, v4;
	_ =	sdelay $0x3  }
0x48a: {  	s12 =	simm.s32 $0x12800;
	v3 =	vperm.xlane v3, v2  }
0x48b: {  	[tilespmem:s12], [sflag:$0x1] =	stream.indirect_vreg.gather [hbm4b:s4+s2], $0x80, v4, vm0, $0xb8;
	[tilespmem:$0x18800] =	vst v63  }
0x48c: {  	v3 =	vadd.s32 v1, v3  }
0x48d: {  	[tilespmem:s0], [sflag:$0x1] =	stream.indirect_vreg.gather [hbm4b:s5+s2], $0x80, v4, vm0, $0xb8;
	[tilespmem:$0x18800] =	vst v63  }
0x48e: {  	_ = 	snop  }
0x48f: {  	[tilespmem:s17], [sflag:$0x1] =	stream.indirect_vreg.gather [hbm4b:s6+s2], $0x80, v4, vm0, $0xb8;
	[tilespmem:$0x18800] =	vst v63  }
0x490: {  	s12 =	simm.s32 $0x14000  }
0x491: {  	[tilespmem:s12], [sflag:$0x1] =	stream.indirect_vreg.gather [hbm4b:s4+s2], $0x80, v3, vm0, $0xb8;
	[tilespmem:$0x18800] =	vst v63  }
0x492: {  	s1 =	simm.s32 $0x14800  }
0x493: {  	[tilespmem:s1], [sflag:$0x1] =	stream.indirect_vreg.gather [hbm4b:s5+s2], $0x80, v3, vm0, $0xb8;
	[tilespmem:$0x18800] =	vst v63  }
0x494: {  	s12 =	simm.s32 $0x15000  }
0x495: {  	[tilespmem:s12], [sflag:$0x1] =	stream.indirect_vreg.gather [hbm4b:s6+s2], $0x80, v3, vm0, $0xb8;
	[tilespmem:$0x18800] =	vst v63  }
0x496: {  	v3 =	vld [tilespmem:$0x6B0];
	_ =	sdelay $0x4  }
0x497: {  	v55 =	vshrl.u32 v3, $0x3  }
0x498: {  	v4 =	vmul.u32 $0x30, v55  }
0x499: {  	v3 =	vand.u32 $0x7, v3  }
0x49a: {  	v3 =	vor.u32 v3, v4  }
0x49b: {  	v4 =	vperm.xlane v3, v0;
	_ =	sdelay $0x1  }
0x49c: {  	v4 =	vadd.s32 v1, v4;
	_ =	sdelay $0x3  }
0x49d: {  	s1 =	simm.s32 $0x15800;
	v3 =	vperm.xlane v3, v2  }
0x49e: {  	[tilespmem:s1], [sflag:$0x1] =	stream.indirect_vreg.gather [hbm4b:s4+s2], $0x80, v4, vm0, $0xb8;
	[tilespmem:$0x18800] =	vst v63  }
0x49f: {  	v3 =	vadd.s32 v1, v3  }
0x4a0: {  	[tilespmem:s11], [sflag:$0x1] =	stream.indirect_vreg.gather [hbm4b:s5+s2], $0x80, v4, vm0, $0xb8;
	[tilespmem:$0x18800] =	vst v63  }
0x4a1: {  	s12 =	simm.s32 $0x16800  }
0x4a2: {  	[tilespmem:s12], [sflag:$0x1] =	stream.indirect_vreg.gather [hbm4b:s6+s2], $0x80, v4, vm0, $0xb8;
	[tilespmem:$0x18800] =	vst v63  }
0x4a3: {  	s1 =	simm.s32 $0x17000  }
0x4a4: {  	[tilespmem:s1], [sflag:$0x1] =	stream.indirect_vreg.gather [hbm4b:s4+s2], $0x80, v3, vm0, $0xb8;
	[tilespmem:$0x18800] =	vst v63  }
0x4a5: {  	s12 =	simm.s32 $0x17800  }
0x4a6: {  	[tilespmem:s12], [sflag:$0x1] =	stream.indirect_vreg.gather [hbm4b:s5+s2], $0x80, v3, vm0, $0xb8;
	[tilespmem:$0x18800] =	vst v63  }
0x4a7: {  	s1 =	simm.s32 $0x18000  }
0x4a8: {  	[tilespmem:s1], [sflag:$0x1] =	stream.indirect_vreg.gather [hbm4b:s6+s2], $0x80, v3, vm0, $0xb8;
	[tilespmem:$0x18800] =	vst v63  }
0x4a9: {  	s10 =	simm.s32 $0x800;
	s0 =	rddreg [dreg:$0xf]  }
0x4aa: {  	[hbm4b:s0+s2] =	stream.linear.scatter [tilespmem:s10], [sflag:$0x2], $0xC000, $0x38;
	[tilespmem:$0x18800] =	vst v63  }
0x4ab: {  	_ =	swait.ge [sflag:s8], $0xC000  }
0x4ac: {  	[sflag:s8] =	ssyncset.done $0x0  }
0x4ad: {  	[sflag:s8] =	ssyncadd.s32 $0xFFFF4000  }
0x4ae: {  	_ =	swait.ge [sflag:s3], $0xC000  }
0x4af: {  	[sflag:s3] =	ssyncset.done $0x0  }
0x4b0: {  	[sflag:s3] =	ssyncadd.s32 $0xFFFF4000  }
0x4b1: {  	v3 =	vld [tilespmem:$0x700];
	_ =	sdelay $0x4  }
0x4b2: {  	v56 =	vshrl.u32 v3, $0x3  }
0x4b3: {  	v4 =	vmul.u32 $0x30, v56  }
0x4b4: {  	v3 =	vand.u32 $0x7, v3  }
0x4b5: {  	v3 =	vor.u32 v3, v4  }
0x4b6: {  	v4 =	vperm.xlane v3, v0;
	_ =	sdelay $0x1  }
0x4b7: {  	v4 =	vadd.s32 v1, v4;
	_ =	sdelay $0x3  }
0x4b8: {  	v3 =	vperm.xlane v3, v2  }
0x4b9: {  	[tilespmem:s10], [sflag:$0x1] =	stream.indirect_vreg.gather [hbm4b:s4+s2], $0x80, v4, vm0, $0xb8;
	[tilespmem:$0x18800] =	vst v63  }
0x4ba: {  	s12 =	simm.s32 $0x1000;
	v3 =	vadd.s32 v1, v3  }
0x4bb: {  	[tilespmem:s12], [sflag:$0x1] =	stream.indirect_vreg.gather [hbm4b:s5+s2], $0x80, v4, vm0, $0xb8;
	[tilespmem:$0x18800] =	vst v63  }
0x4bc: {  	s12 =	simm.s32 $0x1800  }
0x4bd: {  	[tilespmem:s12], [sflag:$0x1] =	stream.indirect_vreg.gather [hbm4b:s6+s2], $0x80, v4, vm0, $0xb8;
	[tilespmem:$0x18800] =	vst v63  }
0x4be: {  	s12 =	simm.s32 $0x2000  }
0x4bf: {  	[tilespmem:s12], [sflag:$0x1] =	stream.indirect_vreg.gather [hbm4b:s4+s2], $0x80, v3, vm0, $0xb8;
	[tilespmem:$0x18800] =	vst v63  }
0x4c0: {  	s13 =	simm.s32 $0x2800  }
0x4c1: {  	[tilespmem:s13], [sflag:$0x1] =	stream.indirect_vreg.gather [hbm4b:s5+s2], $0x80, v3, vm0, $0xb8;
	[tilespmem:$0x18800] =	vst v63  }
0x4c2: {  	s28 =	simm.s32 $0x3000  }
0x4c3: {  	[tilespmem:s28], [sflag:$0x1] =	stream.indirect_vreg.gather [hbm4b:s6+s2], $0x80, v3, vm0, $0xb8;
	[tilespmem:$0x18800] =	vst v63  }
0x4c4: {  	v3 =	vld [tilespmem:$0x710];
	_ =	sdelay $0x4  }
0x4c5: {  	v57 =	vshrl.u32 v3, $0x3  }
0x4c6: {  	v4 =	vmul.u32 $0x30, v57  }
0x4c7: {  	v3 =	vand.u32 $0x7, v3  }
0x4c8: {  	v3 =	vor.u32 v3, v4  }
0x4c9: {  	v4 =	vperm.xlane v3, v0;
	_ =	sdelay $0x1  }
0x4ca: {  	v4 =	vadd.s32 v1, v4;
	_ =	sdelay $0x3  }
0x4cb: {  	s29 =	simm.s32 $0x3800;
	v3 =	vperm.xlane v3, v2  }
0x4cc: {  	[tilespmem:s29], [sflag:$0x1] =	stream.indirect_vreg.gather [hbm4b:s4+s2], $0x80, v4, vm0, $0xb8;
	[tilespmem:$0x18800] =	vst v63  }
0x4cd: {  	s14 =	simm.s32 $0x4000;
	v3 =	vadd.s32 v1, v3  }
0x4ce: {  	[tilespmem:s14], [sflag:$0x1] =	stream.indirect_vreg.gather [hbm4b:s5+s2], $0x80, v4, vm0, $0xb8;
	[tilespmem:$0x18800] =	vst v63  }
0x4cf: {  	s15 =	simm.s32 $0x4800  }
0x4d0: {  	[tilespmem:s15], [sflag:$0x1] =	stream.indirect_vreg.gather [hbm4b:s6+s2], $0x80, v4, vm0, $0xb8;
	[tilespmem:$0x18800] =	vst v63  }
0x4d1: {  	s18 =	simm.s32 $0x5000  }
0x4d2: {  	[tilespmem:s18], [sflag:$0x1] =	stream.indirect_vreg.gather [hbm4b:s4+s2], $0x80, v3, vm0, $0xb8;
	[tilespmem:$0x18800] =	vst v63  }
0x4d3: {  	s19 =	simm.s32 $0x5800  }
0x4d4: {  	[tilespmem:s19], [sflag:$0x1] =	stream.indirect_vreg.gather [hbm4b:s5+s2], $0x80, v3, vm0, $0xb8;
	[tilespmem:$0x18800] =	vst v63  }
0x4d5: {  	s22 =	simm.s32 $0x6000  }
0x4d6: {  	[tilespmem:s22], [sflag:$0x1] =	stream.indirect_vreg.gather [hbm4b:s6+s2], $0x80, v3, vm0, $0xb8;
	[tilespmem:$0x18800] =	vst v63  }
0x4d7: {  	v3 =	vld [tilespmem:$0x720];
	_ =	sdelay $0x4  }
0x4d8: {  	v58 =	vshrl.u32 v3, $0x3  }
0x4d9: {  	v4 =	vmul.u32 $0x30, v58  }
0x4da: {  	v3 =	vand.u32 $0x7, v3  }
0x4db: {  	v3 =	vor.u32 v3, v4  }
0x4dc: {  	v4 =	vperm.xlane v3, v0;
	_ =	sdelay $0x1  }
0x4dd: {  	v4 =	vadd.s32 v1, v4;
	_ =	sdelay $0x3  }
0x4de: {  	s14 =	simm.s32 $0x6800;
	v3 =	vperm.xlane v3, v2  }
0x4df: {  	[tilespmem:s14], [sflag:$0x1] =	stream.indirect_vreg.gather [hbm4b:s4+s2], $0x80, v4, vm0, $0xb8;
	[tilespmem:$0x18800] =	vst v63  }
0x4e0: {  	s15 =	simm.s32 $0x7000;
	v3 =	vadd.s32 v1, v3  }
0x4e1: {  	[tilespmem:s15], [sflag:$0x1] =	stream.indirect_vreg.gather [hbm4b:s5+s2], $0x80, v4, vm0, $0xb8;
	[tilespmem:$0x18800] =	vst v63  }
0x4e2: {  	s18 =	simm.s32 $0x7800  }
0x4e3: {  	[tilespmem:s18], [sflag:$0x1] =	stream.indirect_vreg.gather [hbm4b:s6+s2], $0x80, v4, vm0, $0xb8;
	[tilespmem:$0x18800] =	vst v63  }
0x4e4: {  	s20 =	simm.s32 $0x8000  }
0x4e5: {  	[tilespmem:s20], [sflag:$0x1] =	stream.indirect_vreg.gather [hbm4b:s4+s2], $0x80, v3, vm0, $0xb8;
	[tilespmem:$0x18800] =	vst v63  }
0x4e6: {  	s21 =	simm.s32 $0x8800  }
0x4e7: {  	[tilespmem:s21], [sflag:$0x1] =	stream.indirect_vreg.gather [hbm4b:s5+s2], $0x80, v3, vm0, $0xb8;
	[tilespmem:$0x18800] =	vst v63  }
0x4e8: {  	s19 =	simm.s32 $0x9000  }
0x4e9: {  	[tilespmem:s19], [sflag:$0x1] =	stream.indirect_vreg.gather [hbm4b:s6+s2], $0x80, v3, vm0, $0xb8;
	[tilespmem:$0x18800] =	vst v63  }
0x4ea: {  	v3 =	vld [tilespmem:$0x730];
	_ =	sdelay $0x4  }
0x4eb: {  	v59 =	vshrl.u32 v3, $0x3  }
0x4ec: {  	v4 =	vmul.u32 $0x30, v59  }
0x4ed: {  	v3 =	vand.u32 $0x7, v3  }
0x4ee: {  	v3 =	vor.u32 v3, v4  }
0x4ef: {  	v4 =	vperm.xlane v3, v0;
	_ =	sdelay $0x1  }
0x4f0: {  	v4 =	vadd.s32 v1, v4;
	_ =	sdelay $0x3  }
0x4f1: {  	s20 =	simm.s32 $0x9800;
	v3 =	vperm.xlane v3, v2  }
0x4f2: {  	[tilespmem:s20], [sflag:$0x1] =	stream.indirect_vreg.gather [hbm4b:s4+s2], $0x80, v4, vm0, $0xb8;
	[tilespmem:$0x18800] =	vst v63  }
0x4f3: {  	s21 =	simm.s32 $0xA000;
	v3 =	vadd.s32 v1, v3  }
0x4f4: {  	[tilespmem:s21], [sflag:$0x1] =	stream.indirect_vreg.gather [hbm4b:s5+s2], $0x80, v4, vm0, $0xb8;
	[tilespmem:$0x18800] =	vst v63  }
0x4f5: {  	s22 =	simm.s32 $0xA800  }
0x4f6: {  	[tilespmem:s22], [sflag:$0x1] =	stream.indirect_vreg.gather [hbm4b:s6+s2], $0x80, v4, vm0, $0xb8;
	[tilespmem:$0x18800] =	vst v63  }
0x4f7: {  	s28 =	simm.s32 $0xB000  }
0x4f8: {  	[tilespmem:s28], [sflag:$0x1] =	stream.indirect_vreg.gather [hbm4b:s4+s2], $0x80, v3, vm0, $0xb8;
	[tilespmem:$0x18800] =	vst v63  }
0x4f9: {  	s29 =	simm.s32 $0xB800  }
0x4fa: {  	[tilespmem:s29], [sflag:$0x1] =	stream.indirect_vreg.gather [hbm4b:s5+s2], $0x80, v3, vm0, $0xb8;
	[tilespmem:$0x18800] =	vst v63  }
0x4fb: {  	s23 =	simm.s32 $0xC000  }
0x4fc: {  	[tilespmem:s23], [sflag:$0x1] =	stream.indirect_vreg.gather [hbm4b:s6+s2], $0x80, v3, vm0, $0xb8;
	[tilespmem:$0x18800] =	vst v63  }
0x4fd: {  	s7 =	simm.s32 $0xC800;
	s0 =	rddreg [dreg:$0x10]  }
0x4fe: {  	[hbm4b:s0+s2] =	stream.linear.scatter [tilespmem:s7], [sflag:$0x2], $0xC000, $0x38;
	[tilespmem:$0x18800] =	vst v63  }
0x4ff: {  	_ =	swait.ge [sflag:s8], $0xC000  }
0x500: {  	[sflag:s8] =	ssyncset.done $0x0  }
0x501: {  	[sflag:s8] =	ssyncadd.s32 $0xFFFF4000  }
0x502: {  	_ =	swait.ge [sflag:s3], $0xC000  }
0x503: {  	[sflag:s3] =	ssyncset.done $0x0  }
0x504: {  	[sflag:s3] =	ssyncadd.s32 $0xFFFF4000  }
0x505: {  	v3 =	vld [tilespmem:$0x780];
	_ =	sdelay $0x4  }
0x506: {  	v60 =	vshrl.u32 v3, $0x3  }
0x507: {  	v4 =	vmul.u32 $0x30, v60  }
0x508: {  	v3 =	vand.u32 $0x7, v3  }
0x509: {  	v3 =	vor.u32 v3, v4  }
0x50a: {  	v4 =	vperm.xlane v3, v0;
	_ =	sdelay $0x1  }
0x50b: {  	v4 =	vadd.s32 v1, v4;
	_ =	sdelay $0x3  }
0x50c: {  	v3 =	vperm.xlane v3, v2  }
0x50d: {  	[tilespmem:s7], [sflag:$0x1] =	stream.indirect_vreg.gather [hbm4b:s4+s2], $0x80, v4, vm0, $0xb8;
	[tilespmem:$0x18800] =	vst v63  }
0x50e: {  	s24 =	simm.s32 $0xD000;
	v3 =	vadd.s32 v1, v3  }
0x50f: {  	[tilespmem:s24], [sflag:$0x1] =	stream.indirect_vreg.gather [hbm4b:s5+s2], $0x80, v4, vm0, $0xb8;
	[tilespmem:$0x18800] =	vst v63  }
0x510: {  	s25 =	simm.s32 $0xD800  }
0x511: {  	[tilespmem:s25], [sflag:$0x1] =	stream.indirect_vreg.gather [hbm4b:s6+s2], $0x80, v4, vm0, $0xb8;
	[tilespmem:$0x18800] =	vst v63  }
0x512: {  	s26 =	simm.s32 $0xE000  }
0x513: {  	[tilespmem:s26], [sflag:$0x1] =	stream.indirect_vreg.gather [hbm4b:s4+s2], $0x80, v3, vm0, $0xb8;
	[tilespmem:$0x18800] =	vst v63  }
0x514: {  	s30 =	simm.s32 $0xE800  }
0x515: {  	[tilespmem:s30], [sflag:$0x1] =	stream.indirect_vreg.gather [hbm4b:s5+s2], $0x80, v3, vm0, $0xb8;
	[tilespmem:$0x18800] =	vst v63  }
0x516: {  	s14 =	simm.s32 $0xF000  }
0x517: {  	[tilespmem:s14], [sflag:$0x1] =	stream.indirect_vreg.gather [hbm4b:s6+s2], $0x80, v3, vm0, $0xb8;
	[tilespmem:$0x18800] =	vst v63  }
0x518: {  	v3 =	vld [tilespmem:$0x790];
	_ =	sdelay $0x4  }
0x519: {  	v61 =	vshrl.u32 v3, $0x3  }
0x51a: {  	v4 =	vmul.u32 $0x30, v61  }
0x51b: {  	v3 =	vand.u32 $0x7, v3  }
0x51c: {  	v3 =	vor.u32 v3, v4  }
0x51d: {  	v4 =	vperm.xlane v3, v0;
	_ =	sdelay $0x1  }
0x51e: {  	v4 =	vadd.s32 v1, v4;
	_ =	sdelay $0x3  }
0x51f: {  	s15 =	simm.s32 $0xF800;
	v3 =	vperm.xlane v3, v2  }
0x520: {  	[tilespmem:s15], [sflag:$0x1] =	stream.indirect_vreg.gather [hbm4b:s4+s2], $0x80, v4, vm0, $0xb8;
	[tilespmem:$0x18800] =	vst v63  }
0x521: {  	s9 =	simm.s32 $0x10000;
	v3 =	vadd.s32 v1, v3  }
0x522: {  	[tilespmem:s9], [sflag:$0x1] =	stream.indirect_vreg.gather [hbm4b:s5+s2], $0x80, v4, vm0, $0xb8;
	[tilespmem:$0x18800] =	vst v63  }
0x523: {  	s16 =	simm.s32 $0x10800  }
0x524: {  	[tilespmem:s16], [sflag:$0x1] =	stream.indirect_vreg.gather [hbm4b:s6+s2], $0x80, v4, vm0, $0xb8;
	[tilespmem:$0x18800] =	vst v63  }
0x525: {  	s31 =	simm.s32 $0x11000  }
0x526: {  	[tilespmem:s31], [sflag:$0x1] =	stream.indirect_vreg.gather [hbm4b:s4+s2], $0x80, v3, vm0, $0xb8;
	[tilespmem:$0x18800] =	vst v63  }
0x527: {  	s18 =	simm.s32 $0x11800  }
0x528: {  	[tilespmem:s18], [sflag:$0x1] =	stream.indirect_vreg.gather [hbm4b:s5+s2], $0x80, v3, vm0, $0xb8;
	[tilespmem:$0x18800] =	vst v63  }
0x529: {  	s19 =	simm.s32 $0x12000  }
0x52a: {  	[tilespmem:s19], [sflag:$0x1] =	stream.indirect_vreg.gather [hbm4b:s6+s2], $0x80, v3, vm0, $0xb8;
	[tilespmem:$0x18800] =	vst v63  }
0x52b: {  	v3 =	vld [tilespmem:$0x7A0];
	_ =	sdelay $0x4  }
0x52c: {  	v62 =	vshrl.u32 v3, $0x3  }
0x52d: {  	v4 =	vmul.u32 $0x30, v62  }
0x52e: {  	v3 =	vand.u32 $0x7, v3  }
0x52f: {  	v3 =	vor.u32 v3, v4  }
0x530: {  	v4 =	vperm.xlane v3, v0;
	_ =	sdelay $0x1  }
0x531: {  	v4 =	vadd.s32 v1, v4;
	_ =	sdelay $0x3  }
0x532: {  	s20 =	simm.s32 $0x12800;
	v3 =	vperm.xlane v3, v2  }
0x533: {  	[tilespmem:s20], [sflag:$0x1] =	stream.indirect_vreg.gather [hbm4b:s4+s2], $0x80, v4, vm0, $0xb8;
	[tilespmem:$0x18800] =	vst v63  }
0x534: {  	s21 =	simm.s32 $0x13000;
	v3 =	vadd.s32 v1, v3  }
0x535: {  	[tilespmem:s21], [sflag:$0x1] =	stream.indirect_vreg.gather [hbm4b:s5+s2], $0x80, v4, vm0, $0xb8;
	[tilespmem:$0x18800] =	vst v63  }
0x536: {  	s17 =	simm.s32 $0x13800  }
0x537: {  	[tilespmem:s17], [sflag:$0x1] =	stream.indirect_vreg.gather [hbm4b:s6+s2], $0x80, v4, vm0, $0xb8;
	[tilespmem:$0x18800] =	vst v63  }
0x538: {  	s22 =	simm.s32 $0x14000  }
0x539: {  	[tilespmem:s22], [sflag:$0x1] =	stream.indirect_vreg.gather [hbm4b:s4+s2], $0x80, v3, vm0, $0xb8;
	[tilespmem:$0x18800] =	vst v63  }
0x53a: {  	s23 =	simm.s32 $0x14800  }
0x53b: {  	[tilespmem:s23], [sflag:$0x1] =	stream.indirect_vreg.gather [hbm4b:s5+s2], $0x80, v3, vm0, $0xb8;
	[tilespmem:$0x18800] =	vst v63  }
0x53c: {  	s24 =	simm.s32 $0x15000  }
0x53d: {  	[tilespmem:s24], [sflag:$0x1] =	stream.indirect_vreg.gather [hbm4b:s6+s2], $0x80, v3, vm0, $0xb8;
	[tilespmem:$0x18800] =	vst v63  }
0x53e: {  	v3 =	vld [tilespmem:$0x7B0];
	_ =	sdelay $0x4  }
0x53f: {  	v63 =	vshrl.u32 v3, $0x3  }
0x540: {  	v4 =	vmul.u32 $0x30, v63  }
0x541: {  	v3 =	vand.u32 $0x7, v3  }
0x542: {  	v3 =	vor.u32 v3, v4  }
0x543: {  	v4 =	vperm.xlane v3, v0;
	_ =	sdelay $0x1  }
0x544: {  	v4 =	vadd.s32 v1, v4;
	_ =	sdelay $0x3  }
0x545: {  	s25 =	simm.s32 $0x15800;
	v3 =	vperm.xlane v3, v2  }
0x546: {  	[tilespmem:s25], [sflag:$0x1] =	stream.indirect_vreg.gather [hbm4b:s4+s2], $0x80, v4, vm0, $0xb8;
	[tilespmem:$0x18800] =	vst v63  }
0x547: {  	s11 =	simm.s32 $0x16000;
	v3 =	vadd.s32 v1, v3  }
0x548: {  	[tilespmem:s11], [sflag:$0x1] =	stream.indirect_vreg.gather [hbm4b:s5+s2], $0x80, v4, vm0, $0xb8;
	[tilespmem:$0x18800] =	vst v63  }
0x549: {  	s26 =	simm.s32 $0x16800  }
0x54a: {  	[tilespmem:s26], [sflag:$0x1] =	stream.indirect_vreg.gather [hbm4b:s6+s2], $0x80, v4, vm0, $0xb8;
	[tilespmem:$0x18800] =	vst v63  }
0x54b: {  	s28 =	simm.s32 $0x17000  }
0x54c: {  	[tilespmem:s28], [sflag:$0x1] =	stream.indirect_vreg.gather [hbm4b:s4+s2], $0x80, v3, vm0, $0xb8;
	[tilespmem:$0x18800] =	vst v63  }
0x54d: {  	s29 =	simm.s32 $0x17800  }
0x54e: {  	[tilespmem:s29], [sflag:$0x1] =	stream.indirect_vreg.gather [hbm4b:s5+s2], $0x80, v3, vm0, $0xb8;
	[tilespmem:$0x18800] =	vst v63  }
0x54f: {  	_ = 	snop  }
0x550: {  	[tilespmem:s1], [sflag:$0x1] =	stream.indirect_vreg.gather [hbm4b:s6+s2], $0x80, v3, vm0, $0xb8;
	[tilespmem:$0x18800] =	vst v63  }
0x551: {  	s30 =	rddreg [dreg:$0x11]  }
0x552: {  	[hbm4b:s30+s2] =	stream.linear.scatter [tilespmem:s10], [sflag:$0x2], $0xC000, $0x38;
	[tilespmem:$0x18800] =	vst v63  }
0x553: {  	s13 =	rddreg [dreg:$0x14];
	_ =	swait.ge [sflag:s8], $0xC000  }
0x554: {  	[sflag:s8] =	ssyncset.done $0x0  }
0x555: {  	[sflag:s8] =	ssyncadd.s32 $0xFFFF4000  }
0x556: {  	_ =	swait.ge [sflag:s3], $0xC000  }
0x557: {  	p0 =	sne.s32 s13, $0x1;
	[sflag:s3] =	ssyncset.done $0x0  }
.Ltmp0:
0x558: {  	s31 =	rddreg [dreg:$0x12];
	[sflag:s3] =	ssyncadd.s32 $0xFFFF4000;
	(pc) =	sbr.rel @p0 .LBB2_1-.Ltmp0, $4  }
0x559: {  	[hbm4b:s31+s2] =	stream.linear.scatter [tilespmem:s7], [sflag:$0x2], $0xC000, $0x38;
	[tilespmem:$0x18800] =	vst v63  }
0x55a: {  	_ =	swait.ge [sflag:s8], $0xC000  }
0x55b: {  	[sflag:s8] =	ssyncset.done $0x0  }
0x55c: {  	s0 =	sadd.s32 $0xFFFFFFFF, s13;
	[sflag:s8] =	ssyncadd.s32 $0xFFFF4000  }
0x55d: {  	_ =	sfence.sel $0x180000  }
0x55e: {  	[bflag:$0x0] =	sbarrier.arrive $0xFFFF  }
0x55f: {  	_ =	strace $0x9000004A  }
0x560: {  	s0 =	stileid.u32;
	[bflag:$0x2] =	sbarrier.arrive $0xFFFF  }
0x561: {  	p0 =	sne.s32 s0, $0x0;
	s0 =	rddreg [dreg:$0x2]  }
0x562: {  	s0 =	sadd.s32 @!p0 $0x100000, s0  }
0x563: {  	[sflag:s0] =	ssyncadd.tile.s32 @!p0 $0x1;
	_ =	shalt  }
.Lfunc_end2:
_tile_overlayer_lowered:
.L_overlay_start_2:
0x564: {  	(tag) =	ssettag $0x2  }
0x565: {  	s0 =	rddreg [dreg:$0x0];
	s2 =	stileid.u32  }
0x566: {  	s1 =	rddreg [dreg:$0x1];
	p0 =	sne.s32 s2, $0x0  }
0x567: {  	s3 =	rddreg [dreg:$0x2];
	[bflag:$0x3] =	sbarrier.arrive $0xFFFF;
	s2 =	simm.s32 @!p0 $0x1C02  }
0x568: {  	[timem:s3], [sflag:s2] =	dma.local @!p0 [hbm:s0], s1  }
0x569: {  	s0 =	simm.s32 @!p0 $0x2  }
0x56a: {  	_ =	swait.ge @!p0 [sflag:s0], s1  }
0x56b: {  	s1 =	ssub.s32 @!p0 $0x0, s1;
	[sflag:s0] =	ssyncset.done @!p0 $0x0  }
0x56c: {  	[sflag:s0] =	ssyncadd.s32 @!p0 s1  }
0x56d: {  	[bflag:$0x3] =	sbarrier.arrive $0xFFFF  }
0x56e: {  	_ =	shalt  }

// kernel: kernel.8.cloned.1.call-start
scs
__scs_entry_jumppad:
0x0: {  	(pc) =	sbr.rel $0x88, $3  }
0x1: {  	(tag) =	ssettag $0x0;
	lr =	simm.s32 $0x1  }
0x2: {  	[smem:$0x3F9A] =	sst lr;
	_ =	strace $0xD0000000  }
0x3: {  	_ = 	snop  }
0x4: {  	_ = 	snop  }
0x5: {  	_ = 	snop  }
0x6: {  	_ = 	snop  }
0x7: {  	_ = 	snop  }
__scs_overlays_trampoline_lowered:
0x8: {  	[smem:$0x3FA9] =	sst s0  }
0x9: {  	[smem:$0x3FAA] =	sst s1  }
0xa: {  	[smem:$0x3FAB] =	sst s2  }
0xb: {  	[smem:$0x3FAC] =	sst s3  }
0xc: {  	[smem:$0x3FAD] =	sst s4  }
0xd: {  	[smem:$0x3FAE] =	sst s5  }
0xe: {  	[smem:$0x3FAF] =	sst s6  }
0xf: {  	[smem:$0x3FB0] =	sst s7  }
0x10: {  	[smem:$0x3FB1] =	sst s8  }
0x11: {  	[smem:$0x3FB2] =	sst s9;
	s0 =	simm.s32 @!p0 $0x0  }
0x12: {  	s1 =	sld [smem:$0x3F98];
	s0 =	simm.s32 @p0 $0x1  }
0x13: {  	[smem:$0x3FB3] =	sst s0;
	s0 =	simm.s32 @!p1 $0x0  }
0x14: {  	s2 =	sld [smem:$0x3F97];
	s0 =	simm.s32 @p1 $0x1  }
0x15: {  	[smem:$0x3FB4] =	sst s0;
	s0 =	simm.s32 @!p2 $0x0  }
0x16: {  	s3 =	sld [smem:$0x3FDB];
	s0 =	simm.s32 @p2 $0x1  }
0x17: {  	s4 =	simm.s32 $0x1BF5;
	[smem:$0x3FB6] =	sst s0  }
0x18: {  	s0 =	sld [smem:$0x3F99];
	_ =	swait.ge [sflag:s4], $0x0  }
0x19: {  	s7 =	sld [smem:$0x3F9A]  }
0x1a: {  	s8 =	sadd.s32 $0xFFFFE003, lr  }
0x1b: {  	s9 =	sadd.s32 $0xFFFFFEF7, lr;
	s5 =	simm.s32 $0xFFFFFFFF;
	p2 =	slt.u32 s8, $0xFFFFF086  }
0x1c: {  	p1 =	slt.u32 s9, $0xF7A;
	s5 =	simm.s32 @!p2 $0x0  }
0x1d: {  	s5 =	simm.s32 @p1 $0x1;
	p0 =	seq.s32 s7, s2  }
0x1e: {  	s7 =	smul.u32 @!p0 $0xF7A, s2;
	p2 =	seq.s32 @!p0 s5, $0x0  }
0x1f: {  	s9 =	smul.u32 $0xF7A, s1;
	s8 =	simm.s32 @!p0 $0x1BF5;
	p2 =	por !p2, p0  }
0x20: {  	[sflag:s8] =	ssyncset.s32 @!p0 $0xFFFFF086;
	s6 =	sadd.s32 @!p0 s3, s7;
	s7 =	simm.s32 @!p0 $0x108  }
0x21: {  	s3 =	sadd.s32 s3, s9;
	s6 =	sadd.s32 @!p0 $0x88, s6;
	s7 =	simm.s32 @p2 $0x1082  }
0x22: {  	[simem:s7], [sflag:s8] =	dma.local @!p0 [hbm:s6], $0xF7A  }
0x23: {  	s9 =	sor.u32 $0xD0000000, s2;
	s6 =	simm.s32 $0x108;
	_ =	swait.ge @!p0 [sflag:s8], $0x0  }
0x24: {  	s3 =	sadd.s32 $0x88, s3;
	s6 =	simm.s32 @!p1 $0x1082;
	[sflag:s4] =	ssyncset.s32 $0xFFFFF086  }
0x25: {  	[simem:s6], [sflag:s4] =	dma.local [hbm:s3], $0xF7A  }
0x26: {  	[smem:$0x3F9A] =	sst s1;
	(tag) =	ssettag s2;
	_ =	strace s9  }
0x27: {  	s1 =	sld [smem:$0x3FAA]  }
0x28: {  	s2 =	sld [smem:$0x3FAB]  }
0x29: {  	s4 =	sld [smem:$0x3FAD]  }
0x2a: {  	p0 =	seq.s32 s5, $0x0;
	s5 =	sld [smem:$0x3FAE]  }
0x2b: {  	s6 =	sld [smem:$0x3FAF]  }
0x2c: {  	s7 =	sld [smem:$0x3FB0]  }
0x2d: {  	s3 =	simm.s32 $0x108;
	s8 =	sld [smem:$0x3FB1]  }
0x2e: {  	s3 =	simm.s32 @!p0 $0x1082;
	s9 =	sld [smem:$0x3FB2]  }
0x2f: {  	lr =	sadd.s32 s0, s3;
	s0 =	sld [smem:$0x3FA9]  }
0x30: {  	s3 =	sld [smem:$0x3FAC]  }
0x31: {  	[smem:$0x3FB5] =	sst s10  }
0x32: {  	s10 =	sld [smem:$0x3FB3];
	_ =	sdelay $0x3  }
0x33: {  	p0 =	seq.s32 s10, $0x1;
	s10 =	sld [smem:$0x3FB5];
	_ =	sdelay $0x3  }
0x34: {  	[smem:$0x3FB5] =	sst s10  }
0x35: {  	s10 =	sld [smem:$0x3FB4];
	_ =	sdelay $0x3  }
0x36: {  	p1 =	seq.s32 s10, $0x1;
	s10 =	sld [smem:$0x3FB5];
	_ =	sdelay $0x3  }
0x37: {  	[smem:$0x3FB5] =	sst s10  }
0x38: {  	s10 =	sld [smem:$0x3FB6]  }
0x39: {  	_ = 	snop;
	(pc) =	sbr.ind lr, $3  }
0x3a: {  	_ = 	snop  }
0x3b: {  	_ = 	snop  }
0x3c: {  	p2 =	seq.s32 s10, $0x1;
	s10 =	sld [smem:$0x3FB5]  }
0x3d: {  	_ =	shalt  }
0x3e: {  	_ =	shalt  }
0x3f: {  	_ =	shalt  }
0x40: {  	_ =	shalt  }
0x41: {  	_ =	shalt  }
0x42: {  	_ =	shalt  }
0x43: {  	_ =	shalt  }
0x44: {  	_ =	shalt  }
0x45: {  	_ =	shalt  }
0x46: {  	_ =	shalt  }
0x47: {  	_ =	shalt  }
0x48: {  	_ =	shalt  }
0x49: {  	_ =	shalt  }
0x4a: {  	_ =	shalt  }
0x4b: {  	_ =	shalt  }
0x4c: {  	_ =	shalt  }
0x4d: {  	_ =	shalt  }
0x4e: {  	_ =	shalt  }
0x4f: {  	_ =	shalt  }
0x50: {  	_ =	shalt  }
0x51: {  	_ =	shalt  }
0x52: {  	_ =	shalt  }
0x53: {  	_ =	shalt  }
0x54: {  	_ =	shalt  }
0x55: {  	_ =	shalt  }
0x56: {  	_ =	shalt  }
0x57: {  	_ =	shalt  }
0x58: {  	_ =	shalt  }
0x59: {  	_ =	shalt  }
0x5a: {  	_ =	shalt  }
0x5b: {  	_ =	shalt  }
0x5c: {  	_ =	shalt  }
0x5d: {  	_ =	shalt  }
0x5e: {  	_ =	shalt  }
0x5f: {  	_ =	shalt  }
0x60: {  	_ =	shalt  }
0x61: {  	_ =	shalt  }
0x62: {  	_ =	shalt  }
0x63: {  	_ =	shalt  }
0x64: {  	_ =	shalt  }
0x65: {  	_ =	shalt  }
0x66: {  	_ =	shalt  }
0x67: {  	_ =	shalt  }
0x68: {  	_ =	shalt  }
0x69: {  	_ =	shalt  }
0x6a: {  	_ =	shalt  }
0x6b: {  	_ =	shalt  }
0x6c: {  	_ =	shalt  }
0x6d: {  	_ =	shalt  }
0x6e: {  	_ =	shalt  }
0x6f: {  	_ =	shalt  }
0x70: {  	_ =	shalt  }
0x71: {  	_ =	shalt  }
0x72: {  	_ =	shalt  }
0x73: {  	_ =	shalt  }
0x74: {  	_ =	shalt  }
0x75: {  	_ =	shalt  }
0x76: {  	_ =	shalt  }
0x77: {  	_ =	shalt  }
0x78: {  	_ =	shalt  }
0x79: {  	_ =	shalt  }
0x7a: {  	_ =	shalt  }
0x7b: {  	_ =	shalt  }
0x7c: {  	_ =	shalt  }
0x7d: {  	_ =	shalt  }
0x7e: {  	_ =	shalt  }
0x7f: {  	_ =	shalt  }
0x80: {  	_ =	shalt  }
0x81: {  	_ =	shalt  }
0x82: {  	_ =	shalt  }
0x83: {  	_ =	shalt  }
0x84: {  	_ =	shalt  }
0x85: {  	_ =	shalt  }
0x86: {  	_ =	shalt  }
0x87: {  	_ =	shalt  }
.Lfunc_end0:
.L_simem_size_0:
called_computation_lowered:
.L_overlay_start_0:
0x88: {  	s2 =	sld [smem:$0x3FD9]  }
0x89: {  	s3 =	sld [smem:$0x3FFE];
	_ =	sdelay $0x1  }
0x8a: {  	s1 =	srdreg.scid  }
0x8b: {  	s0 =	sand.u32 $0x1, s1  }
0x8c: {  	s17 =	sshll.u32 s0, $0xA;
	s2 =	sadd.s32 s3, s2  }
0x8d: {  	s2 =	sadd.s32 s2, s17  }
0x8e: {  	[smem:$0x3FC1] =	sst s2  }
0x8f: {  	_ = 	snop  }
0x90: {  	s2 =	sld [smem:$0x3FD0];
	(tm) =	ssettm $0x1  }
0x91: {  	s18 =	sld [smem:$0x3FFB];
	_ =	sdelay $0x3  }
0x92: {  	_ =	strace s18  }
0x93: {  	s3 =	sld [smem:$0x3FFC];
	_ =	sdelay $0x3  }
0x94: {  	_ =	strace s3  }
0x95: {  	s3 =	sld [smem:$0x3FFD];
	_ =	sdelay $0x3  }
0x96: {  	_ =	strace s3  }
0x97: {  	_ =	strace $0x8FFFFFFF  }
0x98: {  	s19 =	sld [smem:$0x3FDB];
	_ =	sdelay $0x1  }
0x99: {  	s4 =	simm.s32 $_scs_section_size  }
0x9a: {  	s5 =	simm.s32 $_size__tile_overlayer_lowered;
	s6 =	simm.s32 $_tile_overlayer_lowered  }
0x9b: {  	s22 =	simm.s32 $0x1BFF;
	s21 =	sshll.u32 s6, $0x1;
	s3 =	sadd.s32 s4, s19  }
0x9c: {  	s7 =	simm.s32 $0x0;
	s20 =	sshll.u32 s5, $0x1;
	s5 =	sadd.s32 s21, s3  }
0x9d: {  	[timem:s7], [sflag:s22] =	dma.local [hbm:s5], s20  }
0x9e: {  	_ =	swait.ge [sflag:s22], s20  }
0x9f: {  	s4 =	ssub.s32 $0x0, s20;
	[sflag:s22] =	ssyncset.done $0x0  }
0xa0: {  	[sflag:s22] =	ssyncadd.s32 s4;
	_ =	sdelay $0x1  }
0xa1: {  	s23 =	simm.s32 $0x1B8B  }
0xa2: {  	_ =	swait.ge [sflag:s23], $0x1  }
0xa3: {  	[sflag:s23] =	ssyncset.done $0x0  }
0xa4: {  	s25 =	simm.s32 $0x1B8E;
	s24 =	sld [smem:$0x3FFE];
	[sflag:s23] =	ssyncadd.s32 $0xFFFFFFFF  }
0xa5: {  	s26 =	simm.s32 $execute0_lowered;
	[smem:$0x3FD2] =	sst s25  }
0xa6: {  	s5 =	sshll.u32 s26, $0x1;
	_ =	strace $0x80000046;
	[dreg:$0x1] =	wrdreg $0xFFFFFFFF  }
0xa7: {  	s28 =	simm.s32 $_size_execute0_lowered;
	s3 =	sadd.s32 s3, s5;
	[dreg:$0x0] =	wrdreg $0x0  }
0xa8: {  	s5 =	sshll.u32 s28, $0x1;
	[dreg:$0x2] =	wrdreg s3  }
0xa9: {  	[dreg:$0x3] =	wrdreg s5  }
0xaa: {  	[dreg:$0x4] =	wrdreg $0xC0  }
0xab: {  	_ =	task [dreg:s7], $0x5FFFF  }
0xac: {  	[dreg:$0x1] =	wrdreg $0xFFFFFFFF  }
0xad: {  	[dreg:$0x0] =	wrdreg $0x60  }
0xae: {  	[dreg:$0x2] =	wrdreg s24  }
0xaf: {  	[dreg:$0x3] =	wrdreg s2  }
0xb0: {  	[dreg:$0x4] =	wrdreg $0x9  }
0xb1: {  	_ =	task.clear_ibuf [dreg:s7], $0x5FFFF;
	_ =	strace $0x90000046  }
0xb2: {  	s29 =	simm.s32 $0x9;
	_ =	strace $0x80000048  }
0xb3: {  	_ =	swait.ge [sflag:s29], $0x1  }
0xb4: {  	[sflag:s29] =	ssyncadd.s32 $0xFFFFFFFF  }
0xb5: {  	_ =	strace $0x90000048  }
0xb6: {  	_ =	sfence  }
0xb7: {  	s30 =	sld [smem:$0x0];
	_ =	sdelay $0x2  }
0xb8: {  	s31 =	sshll.u32 s1, $0xD;
	s1 =	sshrl.u32 s1, $0x2  }
0xb9: {  	s3 =	sand.u32 $0x4000, s31;
	s1 =	sadd.s32 s1, s30  }
0xba: {  	s0 =	sor.u32 s3, s0;
	s1 =	sshll.u32 s1, $0x11  }
0xbb: {  	s0 =	sor.u32 s1, s0  }
0xbc: {  	s0 =	sadd.s32 $0x8F2B, s0  }
0xbd: {  	[sflag:s0] =	ssyncadd.remote.s32 $0x1  }
0xbe: {  	_ =	sfence.sel $0xFFFF  }
0xbf: {  	[dreg:$0x0] =	wrdreg $0xFFFFFFFF;
	(pc) =	sbr.abs _section_cstart, $3  }
0xc0: {  	[dreg:$0x1] =	wrdreg $0xFFFFFFFF  }
0xc1: {  	_ =	task.clear_ibuf [dreg:s7], $0x2FFFF;
	_ =	strace $0x9FFFFFFF  }
0xc2: {  	(tm) =	ssettm $0x7FFFFFFF  }
0xc3: {  	_ =	shalt  }
tec
execute0_lowered:
.L_overlay_start_1:
0x0: {  	(tag) =	ssettag $0x1  }
0x1: {  	s0 =	srdreg.scid  }
0x2: {  	s1 =	rddreg [dreg:$0x0];
	s3 =	stileid.u32;
	s0 =	sand.u32 $0x1, s0  }
0x3: {  	s2 =	rddreg [dreg:$0x1];
	s4 =	sshll.u32 s3, $0x8;
	s5 =	sshll.u32 s0, $0x7  }
0x4: {  	s7 =	simm.s32 $0x2;
	s3 =	simm.s32 $0x0;
	s4 =	sor.u32 s5, s4  }
0x5: {  	s6 =	sadd.s32 $0x1600, s1;
	s5 =	smul.u32 $0x180, s4;
	s1 =	sadd.s32 s4, s1  }
0x6: {  	[smem:$0x7FF] =	sst s3;
	s4 =	smul.u32 $0xC00, s4;
	s1 =	sadd.s32 $0x181600, s1  }
0x7: {  	_ =	strace $0x80000047;
	s5 =	sadd.s32 s6, s5;
	[dreg:$0x3] =	wrdreg s1  }
0x8: {  	s4 =	sshrl.u32 s4, $0x3;
	s23 =	sadd.s32 $0x1800, s5;
	[dreg:$0xb] =	wrdreg s5  }
0x9: {  	s24 =	sadd.s32 $0x3000, s5;
	s4 =	sadd.s32 s6, s4;
	[dreg:$0x4] =	wrdreg s23  }
0xa: {  	s16 =	simm.s32 $0x1;
	[dreg:$0x5] =	wrdreg s24;
	s25 =	sadd.s32 $0x4800, s4  }
0xb: {  	s0 =	ssub.s32 $0x2, s0;
	s26 =	sadd.s32 $0x6000, s4;
	[dreg:$0x6] =	wrdreg s25  }
0xc: {  	s29 =	sshrl.u32 s0, $0x1;
	s28 =	sadd.s32 $0x7800, s4;
	[dreg:$0x7] =	wrdreg s26  }
0xd: {  	v2 =	vlaneseq.u32;
	s0 =	ssub.s32 s0, s29;
	s30 =	sadd.s32 $0x9000, s4;
	[dreg:$0x8] =	wrdreg s28  }
0xe: {  	vm0 =	vmmov $0xffff;
	vm1 =	vmmov $0xff;
	v1 =	vshrl.u32 v2, $0x3;
	s1 =	simm.s32 $0xC400;
	s31 =	sadd.s32 $0xA800, s4;
	[dreg:$0x9] =	wrdreg s30  }
0xf: {  	v0 =	vand.u32 $0x7, v2;
	v2 =	vor.u32 $0x8, v2;
	v1 =	vmul.u32 $0x8, v1;
	s5 =	sadd.s32 $0x100, s2;
	s6 =	smax.u32 s0, $0x1;
	[dreg:$0xa] =	wrdreg s31  }
.LBB2_1:
0x10: {  	s25 =	rddreg [dreg:$0x3]  }
0x11: {  	[tilespmem:s3], [sflag:$0x2] =	stream.linear.gather [hbm4b:s25+s3], $0x400, $0x38;
	[tilespmem:$0x18400] =	vst v63  }
0x12: {  	_ =	swait.ge [sflag:s7], $0x400  }
0x13: {  	[sflag:s7] =	ssyncset.done $0x0  }
0x14: {  	s15 =	simm.s32 $0x400;
	s28 =	rddreg [dreg:$0xb];
	[sflag:s7] =	ssyncadd.s32 $0xFFFFFC00  }
0x15: {  	[tilespmem:s15], [sflag:$0x2] =	stream.linear.gather [hbm4b:s28+s3], $0xC000, $0x38;
	[tilespmem:$0x18400] =	vst v63  }
0x16: {  	_ =	swait.ge [sflag:s7], $0xC000  }
0x17: {  	[sflag:s7] =	ssyncset.done $0x0  }
0x18: {  	[sflag:s7] =	ssyncadd.s32 $0xFFFF4000  }
0x19: {  	v3 =	vld [tilespmem:$0x0];
	_ =	sdelay $0x4  }
0x1a: {  	v4 =	vshrl.u32 v3, $0x3  }
0x1b: {  	v4 =	vmul.u32 $0x18, v4  }
0x1c: {  	v3 =	vand.u32 $0x7, v3  }
0x1d: {  	v3 =	vor.u32 v3, v4  }
0x1e: {  	v4 =	vperm.xlane v3, v0;
	_ =	sdelay $0x1  }
0x1f: {  	v4 =	vadd.s32 v1, v4;
	_ =	sdelay $0x1  }
0x20: {  	v3 =	vperm.xlane v3, v2;
	_ =	sdelay $0x1  }
0x21: {  	v3 =	vadd.s32 v1, v3  }
0x22: {  	[hbm4b:s2+s3] =	stream.indirect_vreg.scatter [tilespmem:s15], [sflag:$0x1], $0x80, v4, vm0, $0xb8;
	[tilespmem:$0x18400] =	vst v63  }
0x23: {  	s0 =	simm.s32 $0xC00  }
0x24: {  	[hbm4b:s5+s3] =	stream.indirect_vreg.scatter [tilespmem:s0], [sflag:$0x1], $0x80, v4, vm1, $0xb8;
	[tilespmem:$0x18400] =	vst v63  }
0x25: {  	s29 =	simm.s32 $0x1000  }
0x26: {  	[hbm4b:s2+s3] =	stream.indirect_vreg.scatter [tilespmem:s29], [sflag:$0x1], $0x80, v3, vm0, $0xb8;
	[tilespmem:$0x18400] =	vst v63  }
0x27: {  	s30 =	simm.s32 $0x1800  }
0x28: {  	[hbm4b:s5+s3] =	stream.indirect_vreg.scatter [tilespmem:s30], [sflag:$0x1], $0x80, v3, vm1, $0xb8;
	[tilespmem:$0x18400] =	vst v63  }
0x29: {  	v3 =	vld [tilespmem:$0x10];
	_ =	sdelay $0x4  }
0x2a: {  	v57 =	vshrl.u32 v3, $0x3  }
0x2b: {  	v4 =	vmul.u32 $0x18, v57  }
0x2c: {  	v3 =	vand.u32 $0x7, v3  }
0x2d: {  	v3 =	vor.u32 v3, v4  }
0x2e: {  	v4 =	vperm.xlane v3, v0;
	_ =	sdelay $0x1  }
0x2f: {  	v4 =	vadd.s32 v1, v4;
	_ =	sdelay $0x1  }
0x30: {  	v3 =	vperm.xlane v3, v2;
	_ =	sdelay $0x1  }
0x31: {  	s31 =	simm.s32 $0x1C00;
	v3 =	vadd.s32 v1, v3  }
0x32: {  	[hbm4b:s2+s3] =	stream.indirect_vreg.scatter [tilespmem:s31], [sflag:$0x1], $0x80, v4, vm0, $0xb8;
	[tilespmem:$0x18400] =	vst v63  }
0x33: {  	s4 =	simm.s32 $0x2400  }
0x34: {  	[hbm4b:s5+s3] =	stream.indirect_vreg.scatter [tilespmem:s4], [sflag:$0x1], $0x80, v4, vm1, $0xb8;
	[tilespmem:$0x18400] =	vst v63  }
0x35: {  	s8 =	simm.s32 $0x2800  }
0x36: {  	[hbm4b:s2+s3] =	stream.indirect_vreg.scatter [tilespmem:s8], [sflag:$0x1], $0x80, v3, vm0, $0xb8;
	[tilespmem:$0x18400] =	vst v63  }
0x37: {  	s9 =	simm.s32 $0x3000  }
0x38: {  	[hbm4b:s5+s3] =	stream.indirect_vreg.scatter [tilespmem:s9], [sflag:$0x1], $0x80, v3, vm1, $0xb8;
	[tilespmem:$0x18400] =	vst v63  }
0x39: {  	v3 =	vld [tilespmem:$0x20];
	_ =	sdelay $0x4  }
0x3a: {  	v58 =	vshrl.u32 v3, $0x3  }
0x3b: {  	v4 =	vmul.u32 $0x18, v58  }
0x3c: {  	v3 =	vand.u32 $0x7, v3  }
0x3d: {  	v3 =	vor.u32 v3, v4  }
0x3e: {  	v4 =	vperm.xlane v3, v0;
	_ =	sdelay $0x1  }
0x3f: {  	v4 =	vadd.s32 v1, v4;
	_ =	sdelay $0x1  }
0x40: {  	v3 =	vperm.xlane v3, v2;
	_ =	sdelay $0x1  }
0x41: {  	s10 =	simm.s32 $0x3400;
	v3 =	vadd.s32 v1, v3  }
0x42: {  	[hbm4b:s2+s3] =	stream.indirect_vreg.scatter [tilespmem:s10], [sflag:$0x1], $0x80, v4, vm0, $0xb8;
	[tilespmem:$0x18400] =	vst v63  }
0x43: {  	s11 =	simm.s32 $0x3C00  }
0x44: {  	[hbm4b:s5+s3] =	stream.indirect_vreg.scatter [tilespmem:s11], [sflag:$0x1], $0x80, v4, vm1, $0xb8;
	[tilespmem:$0x18400] =	vst v63  }
0x45: {  	s12 =	simm.s32 $0x4000  }
0x46: {  	[hbm4b:s2+s3] =	stream.indirect_vreg.scatter [tilespmem:s12], [sflag:$0x1], $0x80, v3, vm0, $0xb8;
	[tilespmem:$0x18400] =	vst v63  }
0x47: {  	s13 =	simm.s32 $0x4800  }
0x48: {  	[hbm4b:s5+s3] =	stream.indirect_vreg.scatter [tilespmem:s13], [sflag:$0x1], $0x80, v3, vm1, $0xb8;
	[tilespmem:$0x18400] =	vst v63  }
0x49: {  	v3 =	vld [tilespmem:$0x30];
	_ =	sdelay $0x4  }
0x4a: {  	v59 =	vshrl.u32 v3, $0x3  }
0x4b: {  	v4 =	vmul.u32 $0x18, v59  }
0x4c: {  	v3 =	vand.u32 $0x7, v3  }
0x4d: {  	v3 =	vor.u32 v3, v4  }
0x4e: {  	v4 =	vperm.xlane v3, v0;
	_ =	sdelay $0x1  }
0x4f: {  	v4 =	vadd.s32 v1, v4;
	_ =	sdelay $0x1  }
0x50: {  	v3 =	vperm.xlane v3, v2;
	_ =	sdelay $0x1  }
0x51: {  	s14 =	simm.s32 $0x4C00;
	v3 =	vadd.s32 v1, v3  }
0x52: {  	[hbm4b:s2+s3] =	stream.indirect_vreg.scatter [tilespmem:s14], [sflag:$0x1], $0x80, v4, vm0, $0xb8;
	[tilespmem:$0x18400] =	vst v63  }
0x53: {  	s17 =	simm.s32 $0x5400  }
0x54: {  	[hbm4b:s5+s3] =	stream.indirect_vreg.scatter [tilespmem:s17], [sflag:$0x1], $0x80, v4, vm1, $0xb8;
	[tilespmem:$0x18400] =	vst v63  }
0x55: {  	s18 =	simm.s32 $0x5800  }
0x56: {  	[hbm4b:s2+s3] =	stream.indirect_vreg.scatter [tilespmem:s18], [sflag:$0x1], $0x80, v3, vm0, $0xb8;
	[tilespmem:$0x18400] =	vst v63  }
0x57: {  	s19 =	simm.s32 $0x6000  }
0x58: {  	[hbm4b:s5+s3] =	stream.indirect_vreg.scatter [tilespmem:s19], [sflag:$0x1], $0x80, v3, vm1, $0xb8;
	[tilespmem:$0x18400] =	vst v63  }
0x59: {  	v3 =	vld [tilespmem:$0x40];
	_ =	sdelay $0x4  }
0x5a: {  	v60 =	vshrl.u32 v3, $0x3  }
0x5b: {  	v4 =	vmul.u32 $0x18, v60  }
0x5c: {  	v3 =	vand.u32 $0x7, v3  }
0x5d: {  	v3 =	vor.u32 v3, v4  }
0x5e: {  	v4 =	vperm.xlane v3, v0;
	_ =	sdelay $0x1  }
0x5f: {  	v4 =	vadd.s32 v1, v4;
	_ =	sdelay $0x1  }
0x60: {  	v3 =	vperm.xlane v3, v2;
	_ =	sdelay $0x1  }
0x61: {  	s20 =	simm.s32 $0x6400;
	v3 =	vadd.s32 v1, v3  }
0x62: {  	[hbm4b:s2+s3] =	stream.indirect_vreg.scatter [tilespmem:s20], [sflag:$0x1], $0x80, v4, vm0, $0xb8;
	[tilespmem:$0x18400] =	vst v63  }
0x63: {  	s21 =	simm.s32 $0x6C00  }
0x64: {  	[hbm4b:s5+s3] =	stream.indirect_vreg.scatter [tilespmem:s21], [sflag:$0x1], $0x80, v4, vm1, $0xb8;
	[tilespmem:$0x18400] =	vst v63  }
0x65: {  	s25 =	simm.s32 $0x7000  }
0x66: {  	[hbm4b:s2+s3] =	stream.indirect_vreg.scatter [tilespmem:s25], [sflag:$0x1], $0x80, v3, vm0, $0xb8;
	[tilespmem:$0x18400] =	vst v63  }
0x67: {  	s29 =	simm.s32 $0x7800  }
0x68: {  	[hbm4b:s5+s3] =	stream.indirect_vreg.scatter [tilespmem:s29], [sflag:$0x1], $0x80, v3, vm1, $0xb8;
	[tilespmem:$0x18400] =	vst v63  }
0x69: {  	v3 =	vld [tilespmem:$0x50];
	_ =	sdelay $0x4  }
0x6a: {  	v61 =	vshrl.u32 v3, $0x3  }
0x6b: {  	v4 =	vmul.u32 $0x18, v61  }
0x6c: {  	v3 =	vand.u32 $0x7, v3  }
0x6d: {  	v3 =	vor.u32 v3, v4  }
0x6e: {  	v4 =	vperm.xlane v3, v0;
	_ =	sdelay $0x1  }
0x6f: {  	v4 =	vadd.s32 v1, v4;
	_ =	sdelay $0x1  }
0x70: {  	v3 =	vperm.xlane v3, v2;
	_ =	sdelay $0x1  }
0x71: {  	s30 =	simm.s32 $0x7C00;
	v3 =	vadd.s32 v1, v3  }
0x72: {  	[hbm4b:s2+s3] =	stream.indirect_vreg.scatter [tilespmem:s30], [sflag:$0x1], $0x80, v4, vm0, $0xb8;
	[tilespmem:$0x18400] =	vst v63  }
0x73: {  	s31 =	simm.s32 $0x8400  }
0x74: {  	[hbm4b:s5+s3] =	stream.indirect_vreg.scatter [tilespmem:s31], [sflag:$0x1], $0x80, v4, vm1, $0xb8;
	[tilespmem:$0x18400] =	vst v63  }
0x75: {  	s12 =	simm.s32 $0x8800  }
0x76: {  	[hbm4b:s2+s3] =	stream.indirect_vreg.scatter [tilespmem:s12], [sflag:$0x1], $0x80, v3, vm0, $0xb8;
	[tilespmem:$0x18400] =	vst v63  }
0x77: {  	s14 =	simm.s32 $0x9000  }
0x78: {  	[hbm4b:s5+s3] =	stream.indirect_vreg.scatter [tilespmem:s14], [sflag:$0x1], $0x80, v3, vm1, $0xb8;
	[tilespmem:$0x18400] =	vst v63  }
0x79: {  	v3 =	vld [tilespmem:$0x60];
	_ =	sdelay $0x4  }
0x7a: {  	v62 =	vshrl.u32 v3, $0x3  }
0x7b: {  	v4 =	vmul.u32 $0x18, v62  }
0x7c: {  	v3 =	vand.u32 $0x7, v3  }
0x7d: {  	v3 =	vor.u32 v3, v4  }
0x7e: {  	v4 =	vperm.xlane v3, v0;
	_ =	sdelay $0x1  }
0x7f: {  	v4 =	vadd.s32 v1, v4;
	_ =	sdelay $0x1  }
0x80: {  	v3 =	vperm.xlane v3, v2;
	_ =	sdelay $0x1  }
0x81: {  	s25 =	simm.s32 $0x9400;
	v3 =	vadd.s32 v1, v3  }
0x82: {  	[hbm4b:s2+s3] =	stream.indirect_vreg.scatter [tilespmem:s25], [sflag:$0x1], $0x80, v4, vm0, $0xb8;
	[tilespmem:$0x18400] =	vst v63  }
0x83: {  	s30 =	simm.s32 $0x9C00  }
0x84: {  	[hbm4b:s5+s3] =	stream.indirect_vreg.scatter [tilespmem:s30], [sflag:$0x1], $0x80, v4, vm1, $0xb8;
	[tilespmem:$0x18400] =	vst v63  }
0x85: {  	s31 =	simm.s32 $0xA000  }
0x86: {  	[hbm4b:s2+s3] =	stream.indirect_vreg.scatter [tilespmem:s31], [sflag:$0x1], $0x80, v3, vm0, $0xb8;
	[tilespmem:$0x18400] =	vst v63  }
0x87: {  	s12 =	simm.s32 $0xA800  }
0x88: {  	[hbm4b:s5+s3] =	stream.indirect_vreg.scatter [tilespmem:s12], [sflag:$0x1], $0x80, v3, vm1, $0xb8;
	[tilespmem:$0x18400] =	vst v63  }
0x89: {  	v3 =	vld [tilespmem:$0x70];
	_ =	sdelay $0x4  }
0x8a: {  	v63 =	vshrl.u32 v3, $0x3  }
0x8b: {  	v4 =	vmul.u32 $0x18, v63  }
0x8c: {  	v3 =	vand.u32 $0x7, v3  }
0x8d: {  	v3 =	vor.u32 v3, v4  }
0x8e: {  	v4 =	vperm.xlane v3, v0;
	_ =	sdelay $0x1  }
0x8f: {  	v4 =	vadd.s32 v1, v4;
	_ =	sdelay $0x1  }
0x90: {  	v3 =	vperm.xlane v3, v2;
	_ =	sdelay $0x1  }
0x91: {  	s14 =	simm.s32 $0xAC00;
	v3 =	vadd.s32 v1, v3  }
0x92: {  	[hbm4b:s2+s3] =	stream.indirect_vreg.scatter [tilespmem:s14], [sflag:$0x1], $0x80, v4, vm0, $0xb8;
	[tilespmem:$0x18400] =	vst v63  }
0x93: {  	s25 =	simm.s32 $0xB400  }
0x94: {  	[hbm4b:s5+s3] =	stream.indirect_vreg.scatter [tilespmem:s25], [sflag:$0x1], $0x80, v4, vm1, $0xb8;
	[tilespmem:$0x18400] =	vst v63  }
0x95: {  	s31 =	simm.s32 $0xB800  }
0x96: {  	[hbm4b:s2+s3] =	stream.indirect_vreg.scatter [tilespmem:s31], [sflag:$0x1], $0x80, v3, vm0, $0xb8;
	[tilespmem:$0x18400] =	vst v63  }
0x97: {  	s14 =	simm.s32 $0xC000  }
0x98: {  	[hbm4b:s5+s3] =	stream.indirect_vreg.scatter [tilespmem:s14], [sflag:$0x1], $0x80, v3, vm1, $0xb8;
	[tilespmem:$0x18400] =	vst v63  }
0x99: {  	s12 =	rddreg [dreg:$0x4]  }
0x9a: {  	[tilespmem:s1], [sflag:$0x2] =	stream.linear.gather [hbm4b:s12+s3], $0xC000, $0x38;
	[tilespmem:$0x18400] =	vst v63  }
0x9b: {  	_ =	swait.ge [sflag:s7], $0xC000  }
0x9c: {  	[sflag:s7] =	ssyncset.done $0x0  }
0x9d: {  	[sflag:s7] =	ssyncadd.s32 $0xFFFF4000  }
0x9e: {  	_ =	swait.ge [sflag:s16], $0xC000  }
0x9f: {  	[sflag:s16] =	ssyncset.done $0x0  }
0xa0: {  	[sflag:s16] =	ssyncadd.s32 $0xFFFF4000  }
0xa1: {  	v3 =	vld [tilespmem:$0x80];
	_ =	sdelay $0x4  }
0xa2: {  	v8 =	vshrl.u32 v3, $0x3  }
0xa3: {  	v4 =	vmul.u32 $0x18, v8  }
0xa4: {  	v3 =	vand.u32 $0x7, v3  }
0xa5: {  	v3 =	vor.u32 v3, v4  }
0xa6: {  	v4 =	vperm.xlane v3, v0;
	_ =	sdelay $0x1  }
0xa7: {  	v4 =	vadd.s32 v1, v4;
	_ =	sdelay $0x1  }
0xa8: {  	v3 =	vperm.xlane v3, v2;
	_ =	sdelay $0x1  }
0xa9: {  	v3 =	vadd.s32 v1, v3  }
0xaa: {  	[hbm4b:s2+s3] =	stream.indirect_vreg.scatter [tilespmem:s1], [sflag:$0x1], $0x80, v4, vm0, $0xb8;
	[tilespmem:$0x18400] =	vst v63  }
0xab: {  	s25 =	simm.s32 $0xCC00  }
0xac: {  	[hbm4b:s5+s3] =	stream.indirect_vreg.scatter [tilespmem:s25], [sflag:$0x1], $0x80, v4, vm1, $0xb8;
	[tilespmem:$0x18400] =	vst v63  }
0xad: {  	s12 =	simm.s32 $0xD000  }
0xae: {  	[hbm4b:s2+s3] =	stream.indirect_vreg.scatter [tilespmem:s12], [sflag:$0x1], $0x80, v3, vm0, $0xb8;
	[tilespmem:$0x18400] =	vst v63  }
0xaf: {  	s14 =	simm.s32 $0xD800  }
0xb0: {  	[hbm4b:s5+s3] =	stream.indirect_vreg.scatter [tilespmem:s14], [sflag:$0x1], $0x80, v3, vm1, $0xb8;
	[tilespmem:$0x18400] =	vst v63  }
0xb1: {  	v3 =	vld [tilespmem:$0x90];
	_ =	sdelay $0x4  }
0xb2: {  	v9 =	vshrl.u32 v3, $0x3  }
0xb3: {  	v4 =	vmul.u32 $0x18, v9  }
0xb4: {  	v3 =	vand.u32 $0x7, v3  }
0xb5: {  	v3 =	vor.u32 v3, v4  }
0xb6: {  	v4 =	vperm.xlane v3, v0;
	_ =	sdelay $0x1  }
0xb7: {  	v4 =	vadd.s32 v1, v4;
	_ =	sdelay $0x1  }
0xb8: {  	v3 =	vperm.xlane v3, v2;
	_ =	sdelay $0x1  }
0xb9: {  	s25 =	simm.s32 $0xDC00;
	v3 =	vadd.s32 v1, v3  }
0xba: {  	[hbm4b:s2+s3] =	stream.indirect_vreg.scatter [tilespmem:s25], [sflag:$0x1], $0x80, v4, vm0, $0xb8;
	[tilespmem:$0x18400] =	vst v63  }
0xbb: {  	s12 =	simm.s32 $0xE400  }
0xbc: {  	[hbm4b:s5+s3] =	stream.indirect_vreg.scatter [tilespmem:s12], [sflag:$0x1], $0x80, v4, vm1, $0xb8;
	[tilespmem:$0x18400] =	vst v63  }
0xbd: {  	s25 =	simm.s32 $0xE800  }
0xbe: {  	[hbm4b:s2+s3] =	stream.indirect_vreg.scatter [tilespmem:s25], [sflag:$0x1], $0x80, v3, vm0, $0xb8;
	[tilespmem:$0x18400] =	vst v63  }
0xbf: {  	s12 =	simm.s32 $0xF000  }
0xc0: {  	[hbm4b:s5+s3] =	stream.indirect_vreg.scatter [tilespmem:s12], [sflag:$0x1], $0x80, v3, vm1, $0xb8;
	[tilespmem:$0x18400] =	vst v63  }
0xc1: {  	v3 =	vld [tilespmem:$0xA0];
	_ =	sdelay $0x4  }
0xc2: {  	v10 =	vshrl.u32 v3, $0x3  }
0xc3: {  	v4 =	vmul.u32 $0x18, v10  }
0xc4: {  	v3 =	vand.u32 $0x7, v3  }
0xc5: {  	v3 =	vor.u32 v3, v4  }
0xc6: {  	v4 =	vperm.xlane v3, v0;
	_ =	sdelay $0x1  }
0xc7: {  	v4 =	vadd.s32 v1, v4;
	_ =	sdelay $0x1  }
0xc8: {  	v3 =	vperm.xlane v3, v2;
	_ =	sdelay $0x1  }
0xc9: {  	s25 =	simm.s32 $0xF400;
	v3 =	vadd.s32 v1, v3  }
0xca: {  	[hbm4b:s2+s3] =	stream.indirect_vreg.scatter [tilespmem:s25], [sflag:$0x1], $0x80, v4, vm0, $0xb8;
	[tilespmem:$0x18400] =	vst v63  }
0xcb: {  	s12 =	simm.s32 $0xFC00  }
0xcc: {  	[hbm4b:s5+s3] =	stream.indirect_vreg.scatter [tilespmem:s12], [sflag:$0x1], $0x80, v4, vm1, $0xb8;
	[tilespmem:$0x18400] =	vst v63  }
0xcd: {  	s25 =	simm.s32 $0x10000  }
0xce: {  	[hbm4b:s2+s3] =	stream.indirect_vreg.scatter [tilespmem:s25], [sflag:$0x1], $0x80, v3, vm0, $0xb8;
	[tilespmem:$0x18400] =	vst v63  }
0xcf: {  	s12 =	simm.s32 $0x10800  }
0xd0: {  	[hbm4b:s5+s3] =	stream.indirect_vreg.scatter [tilespmem:s12], [sflag:$0x1], $0x80, v3, vm1, $0xb8;
	[tilespmem:$0x18400] =	vst v63  }
0xd1: {  	v3 =	vld [tilespmem:$0xB0];
	_ =	sdelay $0x4  }
0xd2: {  	v11 =	vshrl.u32 v3, $0x3  }
0xd3: {  	v4 =	vmul.u32 $0x18, v11  }
0xd4: {  	v3 =	vand.u32 $0x7, v3  }
0xd5: {  	v3 =	vor.u32 v3, v4  }
0xd6: {  	v4 =	vperm.xlane v3, v0;
	_ =	sdelay $0x1  }
0xd7: {  	v4 =	vadd.s32 v1, v4;
	_ =	sdelay $0x1  }
0xd8: {  	v3 =	vperm.xlane v3, v2;
	_ =	sdelay $0x1  }
0xd9: {  	s25 =	simm.s32 $0x10C00;
	v3 =	vadd.s32 v1, v3  }
0xda: {  	[hbm4b:s2+s3] =	stream.indirect_vreg.scatter [tilespmem:s25], [sflag:$0x1], $0x80, v4, vm0, $0xb8;
	[tilespmem:$0x18400] =	vst v63  }
0xdb: {  	s12 =	simm.s32 $0x11400  }
0xdc: {  	[hbm4b:s5+s3] =	stream.indirect_vreg.scatter [tilespmem:s12], [sflag:$0x1], $0x80, v4, vm1, $0xb8;
	[tilespmem:$0x18400] =	vst v63  }
0xdd: {  	s25 =	simm.s32 $0x11800  }
0xde: {  	[hbm4b:s2+s3] =	stream.indirect_vreg.scatter [tilespmem:s25], [sflag:$0x1], $0x80, v3, vm0, $0xb8;
	[tilespmem:$0x18400] =	vst v63  }
0xdf: {  	s12 =	simm.s32 $0x12000  }
0xe0: {  	[hbm4b:s5+s3] =	stream.indirect_vreg.scatter [tilespmem:s12], [sflag:$0x1], $0x80, v3, vm1, $0xb8;
	[tilespmem:$0x18400] =	vst v63  }
0xe1: {  	v3 =	vld [tilespmem:$0xC0];
	_ =	sdelay $0x4  }
0xe2: {  	v12 =	vshrl.u32 v3, $0x3  }
0xe3: {  	v4 =	vmul.u32 $0x18, v12  }
0xe4: {  	v3 =	vand.u32 $0x7, v3  }
0xe5: {  	v3 =	vor.u32 v3, v4  }
0xe6: {  	v4 =	vperm.xlane v3, v0;
	_ =	sdelay $0x1  }
0xe7: {  	v4 =	vadd.s32 v1, v4;
	_ =	sdelay $0x1  }
0xe8: {  	v3 =	vperm.xlane v3, v2;
	_ =	sdelay $0x1  }
0xe9: {  	s25 =	simm.s32 $0x12400;
	v3 =	vadd.s32 v1, v3  }
0xea: {  	[hbm4b:s2+s3] =	stream.indirect_vreg.scatter [tilespmem:s25], [sflag:$0x1], $0x80, v4, vm0, $0xb8;
	[tilespmem:$0x18400] =	vst v63  }
0xeb: {  	s12 =	simm.s32 $0x12C00  }
0xec: {  	[hbm4b:s5+s3] =	stream.indirect_vreg.scatter [tilespmem:s12], [sflag:$0x1], $0x80, v4, vm1, $0xb8;
	[tilespmem:$0x18400] =	vst v63  }
0xed: {  	s25 =	simm.s32 $0x13000  }
0xee: {  	[hbm4b:s2+s3] =	stream.indirect_vreg.scatter [tilespmem:s25], [sflag:$0x1], $0x80, v3, vm0, $0xb8;
	[tilespmem:$0x18400] =	vst v63  }
0xef: {  	s12 =	simm.s32 $0x13800  }
0xf0: {  	[hbm4b:s5+s3] =	stream.indirect_vreg.scatter [tilespmem:s12], [sflag:$0x1], $0x80, v3, vm1, $0xb8;
	[tilespmem:$0x18400] =	vst v63  }
0xf1: {  	v3 =	vld [tilespmem:$0xD0];
	_ =	sdelay $0x4  }
0xf2: {  	v13 =	vshrl.u32 v3, $0x3  }
0xf3: {  	v4 =	vmul.u32 $0x18, v13  }
0xf4: {  	v3 =	vand.u32 $0x7, v3  }
0xf5: {  	v3 =	vor.u32 v3, v4  }
0xf6: {  	v4 =	vperm.xlane v3, v0;
	_ =	sdelay $0x1  }
0xf7: {  	v4 =	vadd.s32 v1, v4;
	_ =	sdelay $0x1  }
0xf8: {  	v3 =	vperm.xlane v3, v2;
	_ =	sdelay $0x1  }
0xf9: {  	s25 =	simm.s32 $0x13C00;
	v3 =	vadd.s32 v1, v3  }
0xfa: {  	[hbm4b:s2+s3] =	stream.indirect_vreg.scatter [tilespmem:s25], [sflag:$0x1], $0x80, v4, vm0, $0xb8;
	[tilespmem:$0x18400] =	vst v63  }
0xfb: {  	s12 =	simm.s32 $0x14400  }
0xfc: {  	[hbm4b:s5+s3] =	stream.indirect_vreg.scatter [tilespmem:s12], [sflag:$0x1], $0x80, v4, vm1, $0xb8;
	[tilespmem:$0x18400] =	vst v63  }
0xfd: {  	s25 =	simm.s32 $0x14800  }
0xfe: {  	[hbm4b:s2+s3] =	stream.indirect_vreg.scatter [tilespmem:s25], [sflag:$0x1], $0x80, v3, vm0, $0xb8;
	[tilespmem:$0x18400] =	vst v63  }
0xff: {  	s12 =	simm.s32 $0x15000  }
0x100: {  	[hbm4b:s5+s3] =	stream.indirect_vreg.scatter [tilespmem:s12], [sflag:$0x1], $0x80, v3, vm1, $0xb8;
	[tilespmem:$0x18400] =	vst v63  }
0x101: {  	v3 =	vld [tilespmem:$0xE0];
	_ =	sdelay $0x4  }
0x102: {  	v14 =	vshrl.u32 v3, $0x3  }
0x103: {  	v4 =	vmul.u32 $0x18, v14  }
0x104: {  	v3 =	vand.u32 $0x7, v3  }
0x105: {  	v3 =	vor.u32 v3, v4  }
0x106: {  	v4 =	vperm.xlane v3, v0;
	_ =	sdelay $0x1  }
0x107: {  	v4 =	vadd.s32 v1, v4;
	_ =	sdelay $0x1  }
0x108: {  	v3 =	vperm.xlane v3, v2;
	_ =	sdelay $0x1  }
0x109: {  	s25 =	simm.s32 $0x15400;
	v3 =	vadd.s32 v1, v3  }
0x10a: {  	[hbm4b:s2+s3] =	stream.indirect_vreg.scatter [tilespmem:s25], [sflag:$0x1], $0x80, v4, vm0, $0xb8;
	[tilespmem:$0x18400] =	vst v63  }
0x10b: {  	s12 =	simm.s32 $0x15C00  }
0x10c: {  	[hbm4b:s5+s3] =	stream.indirect_vreg.scatter [tilespmem:s12], [sflag:$0x1], $0x80, v4, vm1, $0xb8;
	[tilespmem:$0x18400] =	vst v63  }
0x10d: {  	s25 =	simm.s32 $0x16000  }
0x10e: {  	[hbm4b:s2+s3] =	stream.indirect_vreg.scatter [tilespmem:s25], [sflag:$0x1], $0x80, v3, vm0, $0xb8;
	[tilespmem:$0x18400] =	vst v63  }
0x10f: {  	s12 =	simm.s32 $0x16800  }
0x110: {  	[hbm4b:s5+s3] =	stream.indirect_vreg.scatter [tilespmem:s12], [sflag:$0x1], $0x80, v3, vm1, $0xb8;
	[tilespmem:$0x18400] =	vst v63  }
0x111: {  	v3 =	vld [tilespmem:$0xF0];
	_ =	sdelay $0x4  }
0x112: {  	v15 =	vshrl.u32 v3, $0x3  }
0x113: {  	v4 =	vmul.u32 $0x18, v15  }
0x114: {  	v3 =	vand.u32 $0x7, v3  }
0x115: {  	v3 =	vor.u32 v3, v4  }
0x116: {  	v4 =	vperm.xlane v3, v0;
	_ =	sdelay $0x1  }
0x117: {  	v4 =	vadd.s32 v1, v4;
	_ =	sdelay $0x1  }
0x118: {  	v3 =	vperm.xlane v3, v2;
	_ =	sdelay $0x1  }
0x119: {  	s25 =	simm.s32 $0x16C00;
	v3 =	vadd.s32 v1, v3  }
0x11a: {  	[hbm4b:s2+s3] =	stream.indirect_vreg.scatter [tilespmem:s25], [sflag:$0x1], $0x80, v4, vm0, $0xb8;
	[tilespmem:$0x18400] =	vst v63  }
0x11b: {  	s12 =	simm.s32 $0x17400  }
0x11c: {  	[hbm4b:s5+s3] =	stream.indirect_vreg.scatter [tilespmem:s12], [sflag:$0x1], $0x80, v4, vm1, $0xb8;
	[tilespmem:$0x18400] =	vst v63  }
0x11d: {  	s25 =	simm.s32 $0x17800  }
0x11e: {  	[hbm4b:s2+s3] =	stream.indirect_vreg.scatter [tilespmem:s25], [sflag:$0x1], $0x80, v3, vm0, $0xb8;
	[tilespmem:$0x18400] =	vst v63  }
0x11f: {  	s12 =	simm.s32 $0x18000  }
0x120: {  	[hbm4b:s5+s3] =	stream.indirect_vreg.scatter [tilespmem:s12], [sflag:$0x1], $0x80, v3, vm1, $0xb8;
	[tilespmem:$0x18400] =	vst v63  }
0x121: {  	s25 =	rddreg [dreg:$0x5]  }
0x122: {  	[tilespmem:s15], [sflag:$0x2] =	stream.linear.gather [hbm4b:s25+s3], $0xC000, $0x38;
	[tilespmem:$0x18400] =	vst v63  }
0x123: {  	_ =	swait.ge [sflag:s7], $0xC000  }
0x124: {  	[sflag:s7] =	ssyncset.done $0x0  }
0x125: {  	[sflag:s7] =	ssyncadd.s32 $0xFFFF4000  }
0x126: {  	_ =	swait.ge [sflag:s16], $0xC000  }
0x127: {  	[sflag:s16] =	ssyncset.done $0x0  }
0x128: {  	[sflag:s16] =	ssyncadd.s32 $0xFFFF4000  }
0x129: {  	v3 =	vld [tilespmem:$0x100];
	_ =	sdelay $0x4  }
0x12a: {  	v16 =	vshrl.u32 v3, $0x3  }
0x12b: {  	v4 =	vmul.u32 $0x18, v16  }
0x12c: {  	v3 =	vand.u32 $0x7, v3  }
0x12d: {  	v3 =	vor.u32 v3, v4  }
0x12e: {  	v4 =	vperm.xlane v3, v0;
	_ =	sdelay $0x1  }
0x12f: {  	v4 =	vadd.s32 v1, v4;
	_ =	sdelay $0x1  }
0x130: {  	v3 =	vperm.xlane v3, v2;
	_ =	sdelay $0x1  }
0x131: {  	v3 =	vadd.s32 v1, v3  }
0x132: {  	[hbm4b:s2+s3] =	stream.indirect_vreg.scatter [tilespmem:s15], [sflag:$0x1], $0x80, v4, vm0, $0xb8;
	[tilespmem:$0x18400] =	vst v63  }
0x133: {  	s22 =	simm.s32 $0xC00  }
0x134: {  	[hbm4b:s5+s3] =	stream.indirect_vreg.scatter [tilespmem:s22], [sflag:$0x1], $0x80, v4, vm1, $0xb8;
	[tilespmem:$0x18400] =	vst v63  }
0x135: {  	s23 =	simm.s32 $0x1000  }
0x136: {  	[hbm4b:s2+s3] =	stream.indirect_vreg.scatter [tilespmem:s23], [sflag:$0x1], $0x80, v3, vm0, $0xb8;
	[tilespmem:$0x18400] =	vst v63  }
0x137: {  	s12 =	simm.s32 $0x1800  }
0x138: {  	[hbm4b:s5+s3] =	stream.indirect_vreg.scatter [tilespmem:s12], [sflag:$0x1], $0x80, v3, vm1, $0xb8;
	[tilespmem:$0x18400] =	vst v63  }
0x139: {  	v3 =	vld [tilespmem:$0x110];
	_ =	sdelay $0x4  }
0x13a: {  	v17 =	vshrl.u32 v3, $0x3  }
0x13b: {  	v4 =	vmul.u32 $0x18, v17  }
0x13c: {  	v3 =	vand.u32 $0x7, v3  }
0x13d: {  	v3 =	vor.u32 v3, v4  }
0x13e: {  	v4 =	vperm.xlane v3, v0;
	_ =	sdelay $0x1  }
0x13f: {  	v4 =	vadd.s32 v1, v4;
	_ =	sdelay $0x1  }
0x140: {  	v3 =	vperm.xlane v3, v2;
	_ =	sdelay $0x1  }
0x141: {  	s24 =	simm.s32 $0x1C00;
	v3 =	vadd.s32 v1, v3  }
0x142: {  	[hbm4b:s2+s3] =	stream.indirect_vreg.scatter [tilespmem:s24], [sflag:$0x1], $0x80, v4, vm0, $0xb8;
	[tilespmem:$0x18400] =	vst v63  }
0x143: {  	s26 =	simm.s32 $0x2400  }
0x144: {  	[hbm4b:s5+s3] =	stream.indirect_vreg.scatter [tilespmem:s26], [sflag:$0x1], $0x80, v4, vm1, $0xb8;
	[tilespmem:$0x18400] =	vst v63  }
0x145: {  	s4 =	simm.s32 $0x2800  }
0x146: {  	[hbm4b:s2+s3] =	stream.indirect_vreg.scatter [tilespmem:s4], [sflag:$0x1], $0x80, v3, vm0, $0xb8;
	[tilespmem:$0x18400] =	vst v63  }
0x147: {  	s28 =	simm.s32 $0x3000  }
0x148: {  	[hbm4b:s5+s3] =	stream.indirect_vreg.scatter [tilespmem:s28], [sflag:$0x1], $0x80, v3, vm1, $0xb8;
	[tilespmem:$0x18400] =	vst v63  }
0x149: {  	v3 =	vld [tilespmem:$0x120];
	_ =	sdelay $0x4  }
0x14a: {  	v18 =	vshrl.u32 v3, $0x3  }
0x14b: {  	v4 =	vmul.u32 $0x18, v18  }
0x14c: {  	v3 =	vand.u32 $0x7, v3  }
0x14d: {  	v3 =	vor.u32 v3, v4  }
0x14e: {  	v4 =	vperm.xlane v3, v0;
	_ =	sdelay $0x1  }
0x14f: {  	v4 =	vadd.s32 v1, v4;
	_ =	sdelay $0x1  }
0x150: {  	v3 =	vperm.xlane v3, v2;
	_ =	sdelay $0x1  }
0x151: {  	s8 =	simm.s32 $0x3400;
	v3 =	vadd.s32 v1, v3  }
0x152: {  	[hbm4b:s2+s3] =	stream.indirect_vreg.scatter [tilespmem:s8], [sflag:$0x1], $0x80, v4, vm0, $0xb8;
	[tilespmem:$0x18400] =	vst v63  }
0x153: {  	s9 =	simm.s32 $0x3C00  }
0x154: {  	[hbm4b:s5+s3] =	stream.indirect_vreg.scatter [tilespmem:s9], [sflag:$0x1], $0x80, v4, vm1, $0xb8;
	[tilespmem:$0x18400] =	vst v63  }
0x155: {  	s10 =	simm.s32 $0x4000  }
0x156: {  	[hbm4b:s2+s3] =	stream.indirect_vreg.scatter [tilespmem:s10], [sflag:$0x1], $0x80, v3, vm0, $0xb8;
	[tilespmem:$0x18400] =	vst v63  }
0x157: {  	s0 =	simm.s32 $0x4800  }
0x158: {  	[hbm4b:s5+s3] =	stream.indirect_vreg.scatter [tilespmem:s0], [sflag:$0x1], $0x80, v3, vm1, $0xb8;
	[tilespmem:$0x18400] =	vst v63  }
0x159: {  	v3 =	vld [tilespmem:$0x130];
	_ =	sdelay $0x4  }
0x15a: {  	v19 =	vshrl.u32 v3, $0x3  }
0x15b: {  	v4 =	vmul.u32 $0x18, v19  }
0x15c: {  	v3 =	vand.u32 $0x7, v3  }
0x15d: {  	v3 =	vor.u32 v3, v4  }
0x15e: {  	v4 =	vperm.xlane v3, v0;
	_ =	sdelay $0x1  }
0x15f: {  	v4 =	vadd.s32 v1, v4;
	_ =	sdelay $0x1  }
0x160: {  	v3 =	vperm.xlane v3, v2;
	_ =	sdelay $0x1  }
0x161: {  	s11 =	simm.s32 $0x4C00;
	v3 =	vadd.s32 v1, v3  }
0x162: {  	[hbm4b:s2+s3] =	stream.indirect_vreg.scatter [tilespmem:s11], [sflag:$0x1], $0x80, v4, vm0, $0xb8;
	[tilespmem:$0x18400] =	vst v63  }
0x163: {  	s11 =	simm.s32 $0x5400  }
0x164: {  	[hbm4b:s5+s3] =	stream.indirect_vreg.scatter [tilespmem:s11], [sflag:$0x1], $0x80, v4, vm1, $0xb8;
	[tilespmem:$0x18400] =	vst v63  }
0x165: {  	s13 =	simm.s32 $0x5800  }
0x166: {  	[hbm4b:s2+s3] =	stream.indirect_vreg.scatter [tilespmem:s13], [sflag:$0x1], $0x80, v3, vm0, $0xb8;
	[tilespmem:$0x18400] =	vst v63  }
0x167: {  	s8 =	simm.s32 $0x6000  }
0x168: {  	[hbm4b:s5+s3] =	stream.indirect_vreg.scatter [tilespmem:s8], [sflag:$0x1], $0x80, v3, vm1, $0xb8;
	[tilespmem:$0x18400] =	vst v63  }
0x169: {  	v3 =	vld [tilespmem:$0x140];
	_ =	sdelay $0x4  }
0x16a: {  	v20 =	vshrl.u32 v3, $0x3  }
0x16b: {  	v4 =	vmul.u32 $0x18, v20  }
0x16c: {  	v3 =	vand.u32 $0x7, v3  }
0x16d: {  	v3 =	vor.u32 v3, v4  }
0x16e: {  	v4 =	vperm.xlane v3, v0;
	_ =	sdelay $0x1  }
0x16f: {  	v4 =	vadd.s32 v1, v4;
	_ =	sdelay $0x1  }
0x170: {  	v3 =	vperm.xlane v3, v2;
	_ =	sdelay $0x1  }
0x171: {  	s13 =	simm.s32 $0x6400;
	v3 =	vadd.s32 v1, v3  }
0x172: {  	[hbm4b:s2+s3] =	stream.indirect_vreg.scatter [tilespmem:s13], [sflag:$0x1], $0x80, v4, vm0, $0xb8;
	[tilespmem:$0x18400] =	vst v63  }
0x173: {  	s17 =	simm.s32 $0x6C00  }
0x174: {  	[hbm4b:s5+s3] =	stream.indirect_vreg.scatter [tilespmem:s17], [sflag:$0x1], $0x80, v4, vm1, $0xb8;
	[tilespmem:$0x18400] =	vst v63  }
0x175: {  	s18 =	simm.s32 $0x7000  }
0x176: {  	[hbm4b:s2+s3] =	stream.indirect_vreg.scatter [tilespmem:s18], [sflag:$0x1], $0x80, v3, vm0, $0xb8;
	[tilespmem:$0x18400] =	vst v63  }
0x177: {  	s11 =	simm.s32 $0x7800  }
0x178: {  	[hbm4b:s5+s3] =	stream.indirect_vreg.scatter [tilespmem:s11], [sflag:$0x1], $0x80, v3, vm1, $0xb8;
	[tilespmem:$0x18400] =	vst v63  }
0x179: {  	v3 =	vld [tilespmem:$0x150];
	_ =	sdelay $0x4  }
0x17a: {  	v21 =	vshrl.u32 v3, $0x3  }
0x17b: {  	v4 =	vmul.u32 $0x18, v21  }
0x17c: {  	v3 =	vand.u32 $0x7, v3  }
0x17d: {  	v3 =	vor.u32 v3, v4  }
0x17e: {  	v4 =	vperm.xlane v3, v0;
	_ =	sdelay $0x1  }
0x17f: {  	v4 =	vadd.s32 v1, v4;
	_ =	sdelay $0x1  }
0x180: {  	v3 =	vperm.xlane v3, v2;
	_ =	sdelay $0x1  }
0x181: {  	s19 =	simm.s32 $0x7C00;
	v3 =	vadd.s32 v1, v3  }
0x182: {  	[hbm4b:s2+s3] =	stream.indirect_vreg.scatter [tilespmem:s19], [sflag:$0x1], $0x80, v4, vm0, $0xb8;
	[tilespmem:$0x18400] =	vst v63  }
0x183: {  	s20 =	simm.s32 $0x8400  }
0x184: {  	[hbm4b:s5+s3] =	stream.indirect_vreg.scatter [tilespmem:s20], [sflag:$0x1], $0x80, v4, vm1, $0xb8;
	[tilespmem:$0x18400] =	vst v63  }
0x185: {  	s21 =	simm.s32 $0x8800  }
0x186: {  	[hbm4b:s2+s3] =	stream.indirect_vreg.scatter [tilespmem:s21], [sflag:$0x1], $0x80, v3, vm0, $0xb8;
	[tilespmem:$0x18400] =	vst v63  }
0x187: {  	s29 =	simm.s32 $0x9000  }
0x188: {  	[hbm4b:s5+s3] =	stream.indirect_vreg.scatter [tilespmem:s29], [sflag:$0x1], $0x80, v3, vm1, $0xb8;
	[tilespmem:$0x18400] =	vst v63  }
0x189: {  	v3 =	vld [tilespmem:$0x160];
	_ =	sdelay $0x4  }
0x18a: {  	v22 =	vshrl.u32 v3, $0x3  }
0x18b: {  	v4 =	vmul.u32 $0x18, v22  }
0x18c: {  	v3 =	vand.u32 $0x7, v3  }
0x18d: {  	v3 =	vor.u32 v3, v4  }
0x18e: {  	v4 =	vperm.xlane v3, v0;
	_ =	sdelay $0x1  }
0x18f: {  	v4 =	vadd.s32 v1, v4;
	_ =	sdelay $0x1  }
0x190: {  	v3 =	vperm.xlane v3, v2;
	_ =	sdelay $0x1  }
0x191: {  	s19 =	simm.s32 $0x9400;
	v3 =	vadd.s32 v1, v3  }
0x192: {  	[hbm4b:s2+s3] =	stream.indirect_vreg.scatter [tilespmem:s19], [sflag:$0x1], $0x80, v4, vm0, $0xb8;
	[tilespmem:$0x18400] =	vst v63  }
0x193: {  	s20 =	simm.s32 $0x9C00  }
0x194: {  	[hbm4b:s5+s3] =	stream.indirect_vreg.scatter [tilespmem:s20], [sflag:$0x1], $0x80, v4, vm1, $0xb8;
	[tilespmem:$0x18400] =	vst v63  }
0x195: {  	s21 =	simm.s32 $0xA000  }
0x196: {  	[hbm4b:s2+s3] =	stream.indirect_vreg.scatter [tilespmem:s21], [sflag:$0x1], $0x80, v3, vm0, $0xb8;
	[tilespmem:$0x18400] =	vst v63  }
0x197: {  	s30 =	simm.s32 $0xA800  }
0x198: {  	[hbm4b:s5+s3] =	stream.indirect_vreg.scatter [tilespmem:s30], [sflag:$0x1], $0x80, v3, vm1, $0xb8;
	[tilespmem:$0x18400] =	vst v63  }
0x199: {  	v3 =	vld [tilespmem:$0x170];
	_ =	sdelay $0x4  }
0x19a: {  	v23 =	vshrl.u32 v3, $0x3  }
0x19b: {  	v4 =	vmul.u32 $0x18, v23  }
0x19c: {  	v3 =	vand.u32 $0x7, v3  }
0x19d: {  	v3 =	vor.u32 v3, v4  }
0x19e: {  	v4 =	vperm.xlane v3, v0;
	_ =	sdelay $0x1  }
0x19f: {  	v4 =	vadd.s32 v1, v4;
	_ =	sdelay $0x1  }
0x1a0: {  	v3 =	vperm.xlane v3, v2;
	_ =	sdelay $0x1  }
0x1a1: {  	s22 =	simm.s32 $0xAC00;
	v3 =	vadd.s32 v1, v3  }
0x1a2: {  	[hbm4b:s2+s3] =	stream.indirect_vreg.scatter [tilespmem:s22], [sflag:$0x1], $0x80, v4, vm0, $0xb8;
	[tilespmem:$0x18400] =	vst v63  }
0x1a3: {  	s9 =	simm.s32 $0xB400  }
0x1a4: {  	[hbm4b:s5+s3] =	stream.indirect_vreg.scatter [tilespmem:s9], [sflag:$0x1], $0x80, v4, vm1, $0xb8;
	[tilespmem:$0x18400] =	vst v63  }
0x1a5: {  	s31 =	simm.s32 $0xB800  }
0x1a6: {  	[hbm4b:s2+s3] =	stream.indirect_vreg.scatter [tilespmem:s31], [sflag:$0x1], $0x80, v3, vm0, $0xb8;
	[tilespmem:$0x18400] =	vst v63  }
0x1a7: {  	s24 =	simm.s32 $0xC000  }
0x1a8: {  	[hbm4b:s5+s3] =	stream.indirect_vreg.scatter [tilespmem:s24], [sflag:$0x1], $0x80, v3, vm1, $0xb8;
	[tilespmem:$0x18400] =	vst v63  }
0x1a9: {  	s23 =	rddreg [dreg:$0x6]  }
0x1aa: {  	[tilespmem:s1], [sflag:$0x2] =	stream.linear.gather [hbm4b:s23+s3], $0xC000, $0x38;
	[tilespmem:$0x18400] =	vst v63  }
0x1ab: {  	_ =	swait.ge [sflag:s7], $0xC000  }
0x1ac: {  	[sflag:s7] =	ssyncset.done $0x0  }
0x1ad: {  	[sflag:s7] =	ssyncadd.s32 $0xFFFF4000  }
0x1ae: {  	_ =	swait.ge [sflag:s16], $0xC000  }
0x1af: {  	[sflag:s16] =	ssyncset.done $0x0  }
0x1b0: {  	[sflag:s16] =	ssyncadd.s32 $0xFFFF4000  }
0x1b1: {  	v3 =	vld [tilespmem:$0x180];
	_ =	sdelay $0x4  }
0x1b2: {  	v24 =	vshrl.u32 v3, $0x3  }
0x1b3: {  	v4 =	vmul.u32 $0x18, v24  }
0x1b4: {  	v3 =	vand.u32 $0x7, v3  }
0x1b5: {  	v3 =	vor.u32 v3, v4  }
0x1b6: {  	v4 =	vperm.xlane v3, v0;
	_ =	sdelay $0x1  }
0x1b7: {  	v4 =	vadd.s32 v1, v4;
	_ =	sdelay $0x1  }
0x1b8: {  	v3 =	vperm.xlane v3, v2;
	_ =	sdelay $0x1  }
0x1b9: {  	v3 =	vadd.s32 v1, v3  }
0x1ba: {  	[hbm4b:s2+s3] =	stream.indirect_vreg.scatter [tilespmem:s1], [sflag:$0x1], $0x80, v4, vm0, $0xb8;
	[tilespmem:$0x18400] =	vst v63  }
0x1bb: {  	s10 =	simm.s32 $0xCC00  }
0x1bc: {  	[hbm4b:s5+s3] =	stream.indirect_vreg.scatter [tilespmem:s10], [sflag:$0x1], $0x80, v4, vm1, $0xb8;
	[tilespmem:$0x18400] =	vst v63  }
0x1bd: {  	s26 =	simm.s32 $0xD000  }
0x1be: {  	[hbm4b:s2+s3] =	stream.indirect_vreg.scatter [tilespmem:s26], [sflag:$0x1], $0x80, v3, vm0, $0xb8;
	[tilespmem:$0x18400] =	vst v63  }
0x1bf: {  	s14 =	simm.s32 $0xD800  }
0x1c0: {  	[hbm4b:s5+s3] =	stream.indirect_vreg.scatter [tilespmem:s14], [sflag:$0x1], $0x80, v3, vm1, $0xb8;
	[tilespmem:$0x18400] =	vst v63  }
0x1c1: {  	v3 =	vld [tilespmem:$0x190];
	_ =	sdelay $0x4  }
0x1c2: {  	v25 =	vshrl.u32 v3, $0x3  }
0x1c3: {  	v4 =	vmul.u32 $0x18, v25  }
0x1c4: {  	v3 =	vand.u32 $0x7, v3  }
0x1c5: {  	v3 =	vor.u32 v3, v4  }
0x1c6: {  	v4 =	vperm.xlane v3, v0;
	_ =	sdelay $0x1  }
0x1c7: {  	v4 =	vadd.s32 v1, v4;
	_ =	sdelay $0x1  }
0x1c8: {  	v3 =	vperm.xlane v3, v2;
	_ =	sdelay $0x1  }
0x1c9: {  	s28 =	simm.s32 $0xDC00;
	v3 =	vadd.s32 v1, v3  }
0x1ca: {  	[hbm4b:s2+s3] =	stream.indirect_vreg.scatter [tilespmem:s28], [sflag:$0x1], $0x80, v4, vm0, $0xb8;
	[tilespmem:$0x18400] =	vst v63  }
0x1cb: {  	s13 =	simm.s32 $0xE400  }
0x1cc: {  	[hbm4b:s5+s3] =	stream.indirect_vreg.scatter [tilespmem:s13], [sflag:$0x1], $0x80, v4, vm1, $0xb8;
	[tilespmem:$0x18400] =	vst v63  }
0x1cd: {  	s14 =	simm.s32 $0xE800  }
0x1ce: {  	[hbm4b:s2+s3] =	stream.indirect_vreg.scatter [tilespmem:s14], [sflag:$0x1], $0x80, v3, vm0, $0xb8;
	[tilespmem:$0x18400] =	vst v63  }
0x1cf: {  	s29 =	simm.s32 $0xF000  }
0x1d0: {  	[hbm4b:s5+s3] =	stream.indirect_vreg.scatter [tilespmem:s29], [sflag:$0x1], $0x80, v3, vm1, $0xb8;
	[tilespmem:$0x18400] =	vst v63  }
0x1d1: {  	v3 =	vld [tilespmem:$0x1A0];
	_ =	sdelay $0x4  }
0x1d2: {  	v26 =	vshrl.u32 v3, $0x3  }
0x1d3: {  	v4 =	vmul.u32 $0x18, v26  }
0x1d4: {  	v3 =	vand.u32 $0x7, v3  }
0x1d5: {  	v3 =	vor.u32 v3, v4  }
0x1d6: {  	v4 =	vperm.xlane v3, v0;
	_ =	sdelay $0x1  }
0x1d7: {  	v4 =	vadd.s32 v1, v4;
	_ =	sdelay $0x1  }
0x1d8: {  	v3 =	vperm.xlane v3, v2;
	_ =	sdelay $0x1  }
0x1d9: {  	s18 =	simm.s32 $0xF400;
	v3 =	vadd.s32 v1, v3  }
0x1da: {  	[hbm4b:s2+s3] =	stream.indirect_vreg.scatter [tilespmem:s18], [sflag:$0x1], $0x80, v4, vm0, $0xb8;
	[tilespmem:$0x18400] =	vst v63  }
0x1db: {  	s19 =	simm.s32 $0xFC00  }
0x1dc: {  	[hbm4b:s5+s3] =	stream.indirect_vreg.scatter [tilespmem:s19], [sflag:$0x1], $0x80, v4, vm1, $0xb8;
	[tilespmem:$0x18400] =	vst v63  }
0x1dd: {  	s20 =	simm.s32 $0x10000  }
0x1de: {  	[hbm4b:s2+s3] =	stream.indirect_vreg.scatter [tilespmem:s20], [sflag:$0x1], $0x80, v3, vm0, $0xb8;
	[tilespmem:$0x18400] =	vst v63  }
0x1df: {  	s30 =	simm.s32 $0x10800  }
0x1e0: {  	[hbm4b:s5+s3] =	stream.indirect_vreg.scatter [tilespmem:s30], [sflag:$0x1], $0x80, v3, vm1, $0xb8;
	[tilespmem:$0x18400] =	vst v63  }
0x1e1: {  	v3 =	vld [tilespmem:$0x1B0];
	_ =	sdelay $0x4  }
0x1e2: {  	v27 =	vshrl.u32 v3, $0x3  }
0x1e3: {  	v4 =	vmul.u32 $0x18, v27  }
0x1e4: {  	v3 =	vand.u32 $0x7, v3  }
0x1e5: {  	v3 =	vor.u32 v3, v4  }
0x1e6: {  	v4 =	vperm.xlane v3, v0;
	_ =	sdelay $0x1  }
0x1e7: {  	v4 =	vadd.s32 v1, v4;
	_ =	sdelay $0x1  }
0x1e8: {  	v3 =	vperm.xlane v3, v2;
	_ =	sdelay $0x1  }
0x1e9: {  	s21 =	simm.s32 $0x10C00;
	v3 =	vadd.s32 v1, v3  }
0x1ea: {  	[hbm4b:s2+s3] =	stream.indirect_vreg.scatter [tilespmem:s21], [sflag:$0x1], $0x80, v4, vm0, $0xb8;
	[tilespmem:$0x18400] =	vst v63  }
0x1eb: {  	s22 =	simm.s32 $0x11400  }
0x1ec: {  	[hbm4b:s5+s3] =	stream.indirect_vreg.scatter [tilespmem:s22], [sflag:$0x1], $0x80, v4, vm1, $0xb8;
	[tilespmem:$0x18400] =	vst v63  }
0x1ed: {  	s23 =	simm.s32 $0x11800  }
0x1ee: {  	[hbm4b:s2+s3] =	stream.indirect_vreg.scatter [tilespmem:s23], [sflag:$0x1], $0x80, v3, vm0, $0xb8;
	[tilespmem:$0x18400] =	vst v63  }
0x1ef: {  	s31 =	simm.s32 $0x12000  }
0x1f0: {  	[hbm4b:s5+s3] =	stream.indirect_vreg.scatter [tilespmem:s31], [sflag:$0x1], $0x80, v3, vm1, $0xb8;
	[tilespmem:$0x18400] =	vst v63  }
0x1f1: {  	v3 =	vld [tilespmem:$0x1C0];
	_ =	sdelay $0x4  }
0x1f2: {  	v28 =	vshrl.u32 v3, $0x3  }
0x1f3: {  	v4 =	vmul.u32 $0x18, v28  }
0x1f4: {  	v3 =	vand.u32 $0x7, v3  }
0x1f5: {  	v3 =	vor.u32 v3, v4  }
0x1f6: {  	v4 =	vperm.xlane v3, v0;
	_ =	sdelay $0x1  }
0x1f7: {  	v4 =	vadd.s32 v1, v4;
	_ =	sdelay $0x1  }
0x1f8: {  	v3 =	vperm.xlane v3, v2;
	_ =	sdelay $0x1  }
0x1f9: {  	s24 =	simm.s32 $0x12400;
	v3 =	vadd.s32 v1, v3  }
0x1fa: {  	[hbm4b:s2+s3] =	stream.indirect_vreg.scatter [tilespmem:s24], [sflag:$0x1], $0x80, v4, vm0, $0xb8;
	[tilespmem:$0x18400] =	vst v63  }
0x1fb: {  	s26 =	simm.s32 $0x12C00  }
0x1fc: {  	[hbm4b:s5+s3] =	stream.indirect_vreg.scatter [tilespmem:s26], [sflag:$0x1], $0x80, v4, vm1, $0xb8;
	[tilespmem:$0x18400] =	vst v63  }
0x1fd: {  	s28 =	simm.s32 $0x13000  }
0x1fe: {  	[hbm4b:s2+s3] =	stream.indirect_vreg.scatter [tilespmem:s28], [sflag:$0x1], $0x80, v3, vm0, $0xb8;
	[tilespmem:$0x18400] =	vst v63  }
0x1ff: {  	s4 =	simm.s32 $0x13800  }
0x200: {  	[hbm4b:s5+s3] =	stream.indirect_vreg.scatter [tilespmem:s4], [sflag:$0x1], $0x80, v3, vm1, $0xb8;
	[tilespmem:$0x18400] =	vst v63  }
0x201: {  	v3 =	vld [tilespmem:$0x1D0];
	_ =	sdelay $0x4  }
0x202: {  	v29 =	vshrl.u32 v3, $0x3  }
0x203: {  	v4 =	vmul.u32 $0x18, v29  }
0x204: {  	v3 =	vand.u32 $0x7, v3  }
0x205: {  	v3 =	vor.u32 v3, v4  }
0x206: {  	v4 =	vperm.xlane v3, v0;
	_ =	sdelay $0x1  }
0x207: {  	v4 =	vadd.s32 v1, v4;
	_ =	sdelay $0x1  }
0x208: {  	v3 =	vperm.xlane v3, v2;
	_ =	sdelay $0x1  }
0x209: {  	s29 =	simm.s32 $0x13C00;
	v3 =	vadd.s32 v1, v3  }
0x20a: {  	[hbm4b:s2+s3] =	stream.indirect_vreg.scatter [tilespmem:s29], [sflag:$0x1], $0x80, v4, vm0, $0xb8;
	[tilespmem:$0x18400] =	vst v63  }
0x20b: {  	s30 =	simm.s32 $0x14400  }
0x20c: {  	[hbm4b:s5+s3] =	stream.indirect_vreg.scatter [tilespmem:s30], [sflag:$0x1], $0x80, v4, vm1, $0xb8;
	[tilespmem:$0x18400] =	vst v63  }
0x20d: {  	s31 =	simm.s32 $0x14800  }
0x20e: {  	[hbm4b:s2+s3] =	stream.indirect_vreg.scatter [tilespmem:s31], [sflag:$0x1], $0x80, v3, vm0, $0xb8;
	[tilespmem:$0x18400] =	vst v63  }
0x20f: {  	s25 =	simm.s32 $0x15000  }
0x210: {  	[hbm4b:s5+s3] =	stream.indirect_vreg.scatter [tilespmem:s25], [sflag:$0x1], $0x80, v3, vm1, $0xb8;
	[tilespmem:$0x18400] =	vst v63  }
0x211: {  	v3 =	vld [tilespmem:$0x1E0];
	_ =	sdelay $0x4  }
0x212: {  	v30 =	vshrl.u32 v3, $0x3  }
0x213: {  	v4 =	vmul.u32 $0x18, v30  }
0x214: {  	v3 =	vand.u32 $0x7, v3  }
0x215: {  	v3 =	vor.u32 v3, v4  }
0x216: {  	v4 =	vperm.xlane v3, v0;
	_ =	sdelay $0x1  }
0x217: {  	v4 =	vadd.s32 v1, v4;
	_ =	sdelay $0x1  }
0x218: {  	v3 =	vperm.xlane v3, v2;
	_ =	sdelay $0x1  }
0x219: {  	s17 =	simm.s32 $0x15400;
	v3 =	vadd.s32 v1, v3  }
0x21a: {  	[hbm4b:s2+s3] =	stream.indirect_vreg.scatter [tilespmem:s17], [sflag:$0x1], $0x80, v4, vm0, $0xb8;
	[tilespmem:$0x18400] =	vst v63  }
0x21b: {  	s4 =	simm.s32 $0x15C00  }
0x21c: {  	[hbm4b:s5+s3] =	stream.indirect_vreg.scatter [tilespmem:s4], [sflag:$0x1], $0x80, v4, vm1, $0xb8;
	[tilespmem:$0x18400] =	vst v63  }
0x21d: {  	s4 =	simm.s32 $0x16000  }
0x21e: {  	[hbm4b:s2+s3] =	stream.indirect_vreg.scatter [tilespmem:s4], [sflag:$0x1], $0x80, v3, vm0, $0xb8;
	[tilespmem:$0x18400] =	vst v63  }
0x21f: {  	s4 =	simm.s32 $0x16800  }
0x220: {  	[hbm4b:s5+s3] =	stream.indirect_vreg.scatter [tilespmem:s4], [sflag:$0x1], $0x80, v3, vm1, $0xb8;
	[tilespmem:$0x18400] =	vst v63  }
0x221: {  	v3 =	vld [tilespmem:$0x1F0];
	_ =	sdelay $0x4  }
0x222: {  	v31 =	vshrl.u32 v3, $0x3  }
0x223: {  	v4 =	vmul.u32 $0x18, v31  }
0x224: {  	v3 =	vand.u32 $0x7, v3  }
0x225: {  	v3 =	vor.u32 v3, v4  }
0x226: {  	v4 =	vperm.xlane v3, v0;
	_ =	sdelay $0x1  }
0x227: {  	v4 =	vadd.s32 v1, v4;
	_ =	sdelay $0x1  }
0x228: {  	v3 =	vperm.xlane v3, v2;
	_ =	sdelay $0x1  }
0x229: {  	s4 =	simm.s32 $0x16C00;
	v3 =	vadd.s32 v1, v3  }
0x22a: {  	[hbm4b:s2+s3] =	stream.indirect_vreg.scatter [tilespmem:s4], [sflag:$0x1], $0x80, v4, vm0, $0xb8;
	[tilespmem:$0x18400] =	vst v63  }
0x22b: {  	s4 =	simm.s32 $0x17400  }
0x22c: {  	[hbm4b:s5+s3] =	stream.indirect_vreg.scatter [tilespmem:s4], [sflag:$0x1], $0x80, v4, vm1, $0xb8;
	[tilespmem:$0x18400] =	vst v63  }
0x22d: {  	s4 =	simm.s32 $0x17800  }
0x22e: {  	[hbm4b:s2+s3] =	stream.indirect_vreg.scatter [tilespmem:s4], [sflag:$0x1], $0x80, v3, vm0, $0xb8;
	[tilespmem:$0x18400] =	vst v63  }
0x22f: {  	s4 =	simm.s32 $0x18000  }
0x230: {  	[hbm4b:s5+s3] =	stream.indirect_vreg.scatter [tilespmem:s4], [sflag:$0x1], $0x80, v3, vm1, $0xb8;
	[tilespmem:$0x18400] =	vst v63  }
0x231: {  	s25 =	rddreg [dreg:$0x7]  }
0x232: {  	[tilespmem:s15], [sflag:$0x2] =	stream.linear.gather [hbm4b:s25+s3], $0xC000, $0x38;
	[tilespmem:$0x18400] =	vst v63  }
0x233: {  	_ =	swait.ge [sflag:s7], $0xC000  }
0x234: {  	[sflag:s7] =	ssyncset.done $0x0  }
0x235: {  	[sflag:s7] =	ssyncadd.s32 $0xFFFF4000  }
0x236: {  	_ =	swait.ge [sflag:s16], $0xC000  }
0x237: {  	[sflag:s16] =	ssyncset.done $0x0  }
0x238: {  	[sflag:s16] =	ssyncadd.s32 $0xFFFF4000  }
0x239: {  	v3 =	vld [tilespmem:$0x200];
	_ =	sdelay $0x4  }
0x23a: {  	v32 =	vshrl.u32 v3, $0x3  }
0x23b: {  	v4 =	vmul.u32 $0x18, v32  }
0x23c: {  	v3 =	vand.u32 $0x7, v3  }
0x23d: {  	v3 =	vor.u32 v3, v4  }
0x23e: {  	v4 =	vperm.xlane v3, v0;
	_ =	sdelay $0x1  }
0x23f: {  	v4 =	vadd.s32 v1, v4;
	_ =	sdelay $0x1  }
0x240: {  	v3 =	vperm.xlane v3, v2;
	_ =	sdelay $0x1  }
0x241: {  	v3 =	vadd.s32 v1, v3  }
0x242: {  	[hbm4b:s2+s3] =	stream.indirect_vreg.scatter [tilespmem:s15], [sflag:$0x1], $0x80, v4, vm0, $0xb8;
	[tilespmem:$0x18400] =	vst v63  }
0x243: {  	s25 =	simm.s32 $0xC00  }
0x244: {  	[hbm4b:s5+s3] =	stream.indirect_vreg.scatter [tilespmem:s25], [sflag:$0x1], $0x80, v4, vm1, $0xb8;
	[tilespmem:$0x18400] =	vst v63  }
0x245: {  	s25 =	simm.s32 $0x1000  }
0x246: {  	[hbm4b:s2+s3] =	stream.indirect_vreg.scatter [tilespmem:s25], [sflag:$0x1], $0x80, v3, vm0, $0xb8;
	[tilespmem:$0x18400] =	vst v63  }
0x247: {  	_ = 	snop  }
0x248: {  	[hbm4b:s5+s3] =	stream.indirect_vreg.scatter [tilespmem:s12], [sflag:$0x1], $0x80, v3, vm1, $0xb8;
	[tilespmem:$0x18400] =	vst v63  }
0x249: {  	v3 =	vld [tilespmem:$0x210];
	_ =	sdelay $0x4  }
0x24a: {  	v33 =	vshrl.u32 v3, $0x3  }
0x24b: {  	v4 =	vmul.u32 $0x18, v33  }
0x24c: {  	v3 =	vand.u32 $0x7, v3  }
0x24d: {  	v3 =	vor.u32 v3, v4  }
0x24e: {  	v4 =	vperm.xlane v3, v0;
	_ =	sdelay $0x1  }
0x24f: {  	v4 =	vadd.s32 v1, v4;
	_ =	sdelay $0x1  }
0x250: {  	v3 =	vperm.xlane v3, v2;
	_ =	sdelay $0x1  }
0x251: {  	s25 =	simm.s32 $0x1C00;
	v3 =	vadd.s32 v1, v3  }
0x252: {  	[hbm4b:s2+s3] =	stream.indirect_vreg.scatter [tilespmem:s25], [sflag:$0x1], $0x80, v4, vm0, $0xb8;
	[tilespmem:$0x18400] =	vst v63  }
0x253: {  	s12 =	simm.s32 $0x2400  }
0x254: {  	[hbm4b:s5+s3] =	stream.indirect_vreg.scatter [tilespmem:s12], [sflag:$0x1], $0x80, v4, vm1, $0xb8;
	[tilespmem:$0x18400] =	vst v63  }
0x255: {  	s25 =	simm.s32 $0x2800  }
0x256: {  	[hbm4b:s2+s3] =	stream.indirect_vreg.scatter [tilespmem:s25], [sflag:$0x1], $0x80, v3, vm0, $0xb8;
	[tilespmem:$0x18400] =	vst v63  }
0x257: {  	s12 =	simm.s32 $0x3000  }
0x258: {  	[hbm4b:s5+s3] =	stream.indirect_vreg.scatter [tilespmem:s12], [sflag:$0x1], $0x80, v3, vm1, $0xb8;
	[tilespmem:$0x18400] =	vst v63  }
0x259: {  	v3 =	vld [tilespmem:$0x220];
	_ =	sdelay $0x4  }
0x25a: {  	v34 =	vshrl.u32 v3, $0x3  }
0x25b: {  	v4 =	vmul.u32 $0x18, v34  }
0x25c: {  	v3 =	vand.u32 $0x7, v3  }
0x25d: {  	v3 =	vor.u32 v3, v4  }
0x25e: {  	v4 =	vperm.xlane v3, v0;
	_ =	sdelay $0x1  }
0x25f: {  	v4 =	vadd.s32 v1, v4;
	_ =	sdelay $0x1  }
0x260: {  	v3 =	vperm.xlane v3, v2;
	_ =	sdelay $0x1  }
0x261: {  	s25 =	simm.s32 $0x3400;
	v3 =	vadd.s32 v1, v3  }
0x262: {  	[hbm4b:s2+s3] =	stream.indirect_vreg.scatter [tilespmem:s25], [sflag:$0x1], $0x80, v4, vm0, $0xb8;
	[tilespmem:$0x18400] =	vst v63  }
0x263: {  	s12 =	simm.s32 $0x3C00  }
0x264: {  	[hbm4b:s5+s3] =	stream.indirect_vreg.scatter [tilespmem:s12], [sflag:$0x1], $0x80, v4, vm1, $0xb8;
	[tilespmem:$0x18400] =	vst v63  }
0x265: {  	s25 =	simm.s32 $0x4000  }
0x266: {  	[hbm4b:s2+s3] =	stream.indirect_vreg.scatter [tilespmem:s25], [sflag:$0x1], $0x80, v3, vm0, $0xb8;
	[tilespmem:$0x18400] =	vst v63  }
0x267: {  	_ = 	snop  }
0x268: {  	[hbm4b:s5+s3] =	stream.indirect_vreg.scatter [tilespmem:s0], [sflag:$0x1], $0x80, v3, vm1, $0xb8;
	[tilespmem:$0x18400] =	vst v63  }
0x269: {  	v3 =	vld [tilespmem:$0x230];
	_ =	sdelay $0x4  }
0x26a: {  	v35 =	vshrl.u32 v3, $0x3  }
0x26b: {  	v4 =	vmul.u32 $0x18, v35  }
0x26c: {  	v3 =	vand.u32 $0x7, v3  }
0x26d: {  	v3 =	vor.u32 v3, v4  }
0x26e: {  	v4 =	vperm.xlane v3, v0;
	_ =	sdelay $0x1  }
0x26f: {  	v4 =	vadd.s32 v1, v4;
	_ =	sdelay $0x1  }
0x270: {  	v3 =	vperm.xlane v3, v2;
	_ =	sdelay $0x1  }
0x271: {  	s12 =	simm.s32 $0x4C00;
	v3 =	vadd.s32 v1, v3  }
0x272: {  	[hbm4b:s2+s3] =	stream.indirect_vreg.scatter [tilespmem:s12], [sflag:$0x1], $0x80, v4, vm0, $0xb8;
	[tilespmem:$0x18400] =	vst v63  }
0x273: {  	s25 =	simm.s32 $0x5400  }
0x274: {  	[hbm4b:s5+s3] =	stream.indirect_vreg.scatter [tilespmem:s25], [sflag:$0x1], $0x80, v4, vm1, $0xb8;
	[tilespmem:$0x18400] =	vst v63  }
0x275: {  	s4 =	simm.s32 $0x5800  }
0x276: {  	[hbm4b:s2+s3] =	stream.indirect_vreg.scatter [tilespmem:s4], [sflag:$0x1], $0x80, v3, vm0, $0xb8;
	[tilespmem:$0x18400] =	vst v63  }
0x277: {  	_ = 	snop  }
0x278: {  	[hbm4b:s5+s3] =	stream.indirect_vreg.scatter [tilespmem:s8], [sflag:$0x1], $0x80, v3, vm1, $0xb8;
	[tilespmem:$0x18400] =	vst v63  }
0x279: {  	v3 =	vld [tilespmem:$0x240];
	_ =	sdelay $0x4  }
0x27a: {  	v36 =	vshrl.u32 v3, $0x3  }
0x27b: {  	v4 =	vmul.u32 $0x18, v36  }
0x27c: {  	v3 =	vand.u32 $0x7, v3  }
0x27d: {  	v3 =	vor.u32 v3, v4  }
0x27e: {  	v4 =	vperm.xlane v3, v0;
	_ =	sdelay $0x1  }
0x27f: {  	v4 =	vadd.s32 v1, v4;
	_ =	sdelay $0x1  }
0x280: {  	v3 =	vperm.xlane v3, v2;
	_ =	sdelay $0x1  }
0x281: {  	s8 =	simm.s32 $0x6400;
	v3 =	vadd.s32 v1, v3  }
0x282: {  	[hbm4b:s2+s3] =	stream.indirect_vreg.scatter [tilespmem:s8], [sflag:$0x1], $0x80, v4, vm0, $0xb8;
	[tilespmem:$0x18400] =	vst v63  }
0x283: {  	s12 =	simm.s32 $0x6C00  }
0x284: {  	[hbm4b:s5+s3] =	stream.indirect_vreg.scatter [tilespmem:s12], [sflag:$0x1], $0x80, v4, vm1, $0xb8;
	[tilespmem:$0x18400] =	vst v63  }
0x285: {  	s25 =	simm.s32 $0x7000  }
0x286: {  	[hbm4b:s2+s3] =	stream.indirect_vreg.scatter [tilespmem:s25], [sflag:$0x1], $0x80, v3, vm0, $0xb8;
	[tilespmem:$0x18400] =	vst v63  }
0x287: {  	_ = 	snop  }
0x288: {  	[hbm4b:s5+s3] =	stream.indirect_vreg.scatter [tilespmem:s11], [sflag:$0x1], $0x80, v3, vm1, $0xb8;
	[tilespmem:$0x18400] =	vst v63  }
0x289: {  	v3 =	vld [tilespmem:$0x250];
	_ =	sdelay $0x4  }
0x28a: {  	v37 =	vshrl.u32 v3, $0x3  }
0x28b: {  	v4 =	vmul.u32 $0x18, v37  }
0x28c: {  	v3 =	vand.u32 $0x7, v3  }
0x28d: {  	v3 =	vor.u32 v3, v4  }
0x28e: {  	v4 =	vperm.xlane v3, v0;
	_ =	sdelay $0x1  }
0x28f: {  	v4 =	vadd.s32 v1, v4;
	_ =	sdelay $0x1  }
0x290: {  	v3 =	vperm.xlane v3, v2;
	_ =	sdelay $0x1  }
0x291: {  	s4 =	simm.s32 $0x7C00;
	v3 =	vadd.s32 v1, v3  }
0x292: {  	[hbm4b:s2+s3] =	stream.indirect_vreg.scatter [tilespmem:s4], [sflag:$0x1], $0x80, v4, vm0, $0xb8;
	[tilespmem:$0x18400] =	vst v63  }
0x293: {  	s8 =	simm.s32 $0x8400  }
0x294: {  	[hbm4b:s5+s3] =	stream.indirect_vreg.scatter [tilespmem:s8], [sflag:$0x1], $0x80, v4, vm1, $0xb8;
	[tilespmem:$0x18400] =	vst v63  }
0x295: {  	s11 =	simm.s32 $0x8800  }
0x296: {  	[hbm4b:s2+s3] =	stream.indirect_vreg.scatter [tilespmem:s11], [sflag:$0x1], $0x80, v3, vm0, $0xb8;
	[tilespmem:$0x18400] =	vst v63  }
0x297: {  	s12 =	simm.s32 $0x9000  }
0x298: {  	[hbm4b:s5+s3] =	stream.indirect_vreg.scatter [tilespmem:s12], [sflag:$0x1], $0x80, v3, vm1, $0xb8;
	[tilespmem:$0x18400] =	vst v63  }
0x299: {  	v3 =	vld [tilespmem:$0x260];
	_ =	sdelay $0x4  }
0x29a: {  	v38 =	vshrl.u32 v3, $0x3  }
0x29b: {  	v4 =	vmul.u32 $0x18, v38  }
0x29c: {  	v3 =	vand.u32 $0x7, v3  }
0x29d: {  	v3 =	vor.u32 v3, v4  }
0x29e: {  	v4 =	vperm.xlane v3, v0;
	_ =	sdelay $0x1  }
0x29f: {  	v4 =	vadd.s32 v1, v4;
	_ =	sdelay $0x1  }
0x2a0: {  	v3 =	vperm.xlane v3, v2;
	_ =	sdelay $0x1  }
0x2a1: {  	s25 =	simm.s32 $0x9400;
	v3 =	vadd.s32 v1, v3  }
0x2a2: {  	[hbm4b:s2+s3] =	stream.indirect_vreg.scatter [tilespmem:s25], [sflag:$0x1], $0x80, v4, vm0, $0xb8;
	[tilespmem:$0x18400] =	vst v63  }
0x2a3: {  	s4 =	simm.s32 $0x9C00  }
0x2a4: {  	[hbm4b:s5+s3] =	stream.indirect_vreg.scatter [tilespmem:s4], [sflag:$0x1], $0x80, v4, vm1, $0xb8;
	[tilespmem:$0x18400] =	vst v63  }
0x2a5: {  	s8 =	simm.s32 $0xA000  }
0x2a6: {  	[hbm4b:s2+s3] =	stream.indirect_vreg.scatter [tilespmem:s8], [sflag:$0x1], $0x80, v3, vm0, $0xb8;
	[tilespmem:$0x18400] =	vst v63  }
0x2a7: {  	s11 =	simm.s32 $0xA800  }
0x2a8: {  	[hbm4b:s5+s3] =	stream.indirect_vreg.scatter [tilespmem:s11], [sflag:$0x1], $0x80, v3, vm1, $0xb8;
	[tilespmem:$0x18400] =	vst v63  }
0x2a9: {  	v3 =	vld [tilespmem:$0x270];
	_ =	sdelay $0x4  }
0x2aa: {  	v39 =	vshrl.u32 v3, $0x3  }
0x2ab: {  	v4 =	vmul.u32 $0x18, v39  }
0x2ac: {  	v3 =	vand.u32 $0x7, v3  }
0x2ad: {  	v3 =	vor.u32 v3, v4  }
0x2ae: {  	v4 =	vperm.xlane v3, v0;
	_ =	sdelay $0x1  }
0x2af: {  	v4 =	vadd.s32 v1, v4;
	_ =	sdelay $0x1  }
0x2b0: {  	v3 =	vperm.xlane v3, v2;
	_ =	sdelay $0x1  }
0x2b1: {  	s12 =	simm.s32 $0xAC00;
	v3 =	vadd.s32 v1, v3  }
0x2b2: {  	[hbm4b:s2+s3] =	stream.indirect_vreg.scatter [tilespmem:s12], [sflag:$0x1], $0x80, v4, vm0, $0xb8;
	[tilespmem:$0x18400] =	vst v63  }
0x2b3: {  	_ = 	snop  }
0x2b4: {  	[hbm4b:s5+s3] =	stream.indirect_vreg.scatter [tilespmem:s9], [sflag:$0x1], $0x80, v4, vm1, $0xb8;
	[tilespmem:$0x18400] =	vst v63  }
0x2b5: {  	s25 =	simm.s32 $0xB800  }
0x2b6: {  	[hbm4b:s2+s3] =	stream.indirect_vreg.scatter [tilespmem:s25], [sflag:$0x1], $0x80, v3, vm0, $0xb8;
	[tilespmem:$0x18400] =	vst v63  }
0x2b7: {  	s11 =	simm.s32 $0xC000  }
0x2b8: {  	[hbm4b:s5+s3] =	stream.indirect_vreg.scatter [tilespmem:s11], [sflag:$0x1], $0x80, v3, vm1, $0xb8;
	[tilespmem:$0x18400] =	vst v63  }
0x2b9: {  	s4 =	rddreg [dreg:$0x8]  }
0x2ba: {  	[tilespmem:s1], [sflag:$0x2] =	stream.linear.gather [hbm4b:s4+s3], $0xC000, $0x38;
	[tilespmem:$0x18400] =	vst v63  }
0x2bb: {  	_ =	swait.ge [sflag:s7], $0xC000  }
0x2bc: {  	[sflag:s7] =	ssyncset.done $0x0  }
0x2bd: {  	[sflag:s7] =	ssyncadd.s32 $0xFFFF4000  }
0x2be: {  	_ =	swait.ge [sflag:s16], $0xC000  }
0x2bf: {  	[sflag:s16] =	ssyncset.done $0x0  }
0x2c0: {  	[sflag:s16] =	ssyncadd.s32 $0xFFFF4000  }
0x2c1: {  	v3 =	vld [tilespmem:$0x280];
	_ =	sdelay $0x4  }
0x2c2: {  	v40 =	vshrl.u32 v3, $0x3  }
0x2c3: {  	v4 =	vmul.u32 $0x18, v40  }
0x2c4: {  	v3 =	vand.u32 $0x7, v3  }
0x2c5: {  	v3 =	vor.u32 v3, v4  }
0x2c6: {  	v4 =	vperm.xlane v3, v0;
	_ =	sdelay $0x1  }
0x2c7: {  	v4 =	vadd.s32 v1, v4;
	_ =	sdelay $0x1  }
0x2c8: {  	v3 =	vperm.xlane v3, v2;
	_ =	sdelay $0x1  }
0x2c9: {  	v3 =	vadd.s32 v1, v3  }
0x2ca: {  	[hbm4b:s2+s3] =	stream.indirect_vreg.scatter [tilespmem:s1], [sflag:$0x1], $0x80, v4, vm0, $0xb8;
	[tilespmem:$0x18400] =	vst v63  }
0x2cb: {  	_ = 	snop  }
0x2cc: {  	[hbm4b:s5+s3] =	stream.indirect_vreg.scatter [tilespmem:s10], [sflag:$0x1], $0x80, v4, vm1, $0xb8;
	[tilespmem:$0x18400] =	vst v63  }
0x2cd: {  	s12 =	simm.s32 $0xD000  }
0x2ce: {  	[hbm4b:s2+s3] =	stream.indirect_vreg.scatter [tilespmem:s12], [sflag:$0x1], $0x80, v3, vm0, $0xb8;
	[tilespmem:$0x18400] =	vst v63  }
0x2cf: {  	s0 =	simm.s32 $0xD800  }
0x2d0: {  	[hbm4b:s5+s3] =	stream.indirect_vreg.scatter [tilespmem:s0], [sflag:$0x1], $0x80, v3, vm1, $0xb8;
	[tilespmem:$0x18400] =	vst v63  }
0x2d1: {  	v3 =	vld [tilespmem:$0x290];
	_ =	sdelay $0x4  }
0x2d2: {  	v41 =	vshrl.u32 v3, $0x3  }
0x2d3: {  	v4 =	vmul.u32 $0x18, v41  }
0x2d4: {  	v3 =	vand.u32 $0x7, v3  }
0x2d5: {  	v3 =	vor.u32 v3, v4  }
0x2d6: {  	v4 =	vperm.xlane v3, v0;
	_ =	sdelay $0x1  }
0x2d7: {  	v4 =	vadd.s32 v1, v4;
	_ =	sdelay $0x1  }
0x2d8: {  	v3 =	vperm.xlane v3, v2;
	_ =	sdelay $0x1  }
0x2d9: {  	s25 =	simm.s32 $0xDC00;
	v3 =	vadd.s32 v1, v3  }
0x2da: {  	[hbm4b:s2+s3] =	stream.indirect_vreg.scatter [tilespmem:s25], [sflag:$0x1], $0x80, v4, vm0, $0xb8;
	[tilespmem:$0x18400] =	vst v63  }
0x2db: {  	_ = 	snop  }
0x2dc: {  	[hbm4b:s5+s3] =	stream.indirect_vreg.scatter [tilespmem:s13], [sflag:$0x1], $0x80, v4, vm1, $0xb8;
	[tilespmem:$0x18400] =	vst v63  }
0x2dd: {  	_ = 	snop  }
0x2de: {  	[hbm4b:s2+s3] =	stream.indirect_vreg.scatter [tilespmem:s14], [sflag:$0x1], $0x80, v3, vm0, $0xb8;
	[tilespmem:$0x18400] =	vst v63  }
0x2df: {  	s4 =	simm.s32 $0xF000  }
0x2e0: {  	[hbm4b:s5+s3] =	stream.indirect_vreg.scatter [tilespmem:s4], [sflag:$0x1], $0x80, v3, vm1, $0xb8;
	[tilespmem:$0x18400] =	vst v63  }
0x2e1: {  	v3 =	vld [tilespmem:$0x2A0];
	_ =	sdelay $0x4  }
0x2e2: {  	v42 =	vshrl.u32 v3, $0x3  }
0x2e3: {  	v4 =	vmul.u32 $0x18, v42  }
0x2e4: {  	v3 =	vand.u32 $0x7, v3  }
0x2e5: {  	v3 =	vor.u32 v3, v4  }
0x2e6: {  	v4 =	vperm.xlane v3, v0;
	_ =	sdelay $0x1  }
0x2e7: {  	v4 =	vadd.s32 v1, v4;
	_ =	sdelay $0x1  }
0x2e8: {  	v3 =	vperm.xlane v3, v2;
	_ =	sdelay $0x1  }
0x2e9: {  	v3 =	vadd.s32 v1, v3  }
0x2ea: {  	[hbm4b:s2+s3] =	stream.indirect_vreg.scatter [tilespmem:s18], [sflag:$0x1], $0x80, v4, vm0, $0xb8;
	[tilespmem:$0x18400] =	vst v63  }
0x2eb: {  	_ = 	snop  }
0x2ec: {  	[hbm4b:s5+s3] =	stream.indirect_vreg.scatter [tilespmem:s19], [sflag:$0x1], $0x80, v4, vm1, $0xb8;
	[tilespmem:$0x18400] =	vst v63  }
0x2ed: {  	_ = 	snop  }
0x2ee: {  	[hbm4b:s2+s3] =	stream.indirect_vreg.scatter [tilespmem:s20], [sflag:$0x1], $0x80, v3, vm0, $0xb8;
	[tilespmem:$0x18400] =	vst v63  }
0x2ef: {  	s4 =	simm.s32 $0x10800  }
0x2f0: {  	[hbm4b:s5+s3] =	stream.indirect_vreg.scatter [tilespmem:s4], [sflag:$0x1], $0x80, v3, vm1, $0xb8;
	[tilespmem:$0x18400] =	vst v63  }
0x2f1: {  	v3 =	vld [tilespmem:$0x2B0];
	_ =	sdelay $0x4  }
0x2f2: {  	v43 =	vshrl.u32 v3, $0x3  }
0x2f3: {  	v4 =	vmul.u32 $0x18, v43  }
0x2f4: {  	v3 =	vand.u32 $0x7, v3  }
0x2f5: {  	v3 =	vor.u32 v3, v4  }
0x2f6: {  	v4 =	vperm.xlane v3, v0;
	_ =	sdelay $0x1  }
0x2f7: {  	v4 =	vadd.s32 v1, v4;
	_ =	sdelay $0x1  }
0x2f8: {  	v3 =	vperm.xlane v3, v2;
	_ =	sdelay $0x1  }
0x2f9: {  	v3 =	vadd.s32 v1, v3  }
0x2fa: {  	[hbm4b:s2+s3] =	stream.indirect_vreg.scatter [tilespmem:s21], [sflag:$0x1], $0x80, v4, vm0, $0xb8;
	[tilespmem:$0x18400] =	vst v63  }
0x2fb: {  	_ = 	snop  }
0x2fc: {  	[hbm4b:s5+s3] =	stream.indirect_vreg.scatter [tilespmem:s22], [sflag:$0x1], $0x80, v4, vm1, $0xb8;
	[tilespmem:$0x18400] =	vst v63  }
0x2fd: {  	_ = 	snop  }
0x2fe: {  	[hbm4b:s2+s3] =	stream.indirect_vreg.scatter [tilespmem:s23], [sflag:$0x1], $0x80, v3, vm0, $0xb8;
	[tilespmem:$0x18400] =	vst v63  }
0x2ff: {  	s4 =	simm.s32 $0x12000  }
0x300: {  	[hbm4b:s5+s3] =	stream.indirect_vreg.scatter [tilespmem:s4], [sflag:$0x1], $0x80, v3, vm1, $0xb8;
	[tilespmem:$0x18400] =	vst v63  }
0x301: {  	v3 =	vld [tilespmem:$0x2C0];
	_ =	sdelay $0x4  }
0x302: {  	v44 =	vshrl.u32 v3, $0x3  }
0x303: {  	v4 =	vmul.u32 $0x18, v44  }
0x304: {  	v3 =	vand.u32 $0x7, v3  }
0x305: {  	v3 =	vor.u32 v3, v4  }
0x306: {  	v4 =	vperm.xlane v3, v0;
	_ =	sdelay $0x1  }
0x307: {  	v4 =	vadd.s32 v1, v4;
	_ =	sdelay $0x1  }
0x308: {  	v3 =	vperm.xlane v3, v2;
	_ =	sdelay $0x1  }
0x309: {  	v3 =	vadd.s32 v1, v3  }
0x30a: {  	[hbm4b:s2+s3] =	stream.indirect_vreg.scatter [tilespmem:s24], [sflag:$0x1], $0x80, v4, vm0, $0xb8;
	[tilespmem:$0x18400] =	vst v63  }
0x30b: {  	_ = 	snop  }
0x30c: {  	[hbm4b:s5+s3] =	stream.indirect_vreg.scatter [tilespmem:s26], [sflag:$0x1], $0x80, v4, vm1, $0xb8;
	[tilespmem:$0x18400] =	vst v63  }
0x30d: {  	_ = 	snop  }
0x30e: {  	[hbm4b:s2+s3] =	stream.indirect_vreg.scatter [tilespmem:s28], [sflag:$0x1], $0x80, v3, vm0, $0xb8;
	[tilespmem:$0x18400] =	vst v63  }
0x30f: {  	s4 =	simm.s32 $0x13800  }
0x310: {  	[hbm4b:s5+s3] =	stream.indirect_vreg.scatter [tilespmem:s4], [sflag:$0x1], $0x80, v3, vm1, $0xb8;
	[tilespmem:$0x18400] =	vst v63  }
0x311: {  	v3 =	vld [tilespmem:$0x2D0];
	_ =	sdelay $0x4  }
0x312: {  	v45 =	vshrl.u32 v3, $0x3  }
0x313: {  	v4 =	vmul.u32 $0x18, v45  }
0x314: {  	v3 =	vand.u32 $0x7, v3  }
0x315: {  	v3 =	vor.u32 v3, v4  }
0x316: {  	v4 =	vperm.xlane v3, v0;
	_ =	sdelay $0x1  }
0x317: {  	v4 =	vadd.s32 v1, v4;
	_ =	sdelay $0x1  }
0x318: {  	v3 =	vperm.xlane v3, v2;
	_ =	sdelay $0x1  }
0x319: {  	v3 =	vadd.s32 v1, v3  }
0x31a: {  	[hbm4b:s2+s3] =	stream.indirect_vreg.scatter [tilespmem:s29], [sflag:$0x1], $0x80, v4, vm0, $0xb8;
	[tilespmem:$0x18400] =	vst v63  }
0x31b: {  	_ = 	snop  }
0x31c: {  	[hbm4b:s5+s3] =	stream.indirect_vreg.scatter [tilespmem:s30], [sflag:$0x1], $0x80, v4, vm1, $0xb8;
	[tilespmem:$0x18400] =	vst v63  }
0x31d: {  	_ = 	snop  }
0x31e: {  	[hbm4b:s2+s3] =	stream.indirect_vreg.scatter [tilespmem:s31], [sflag:$0x1], $0x80, v3, vm0, $0xb8;
	[tilespmem:$0x18400] =	vst v63  }
0x31f: {  	s4 =	simm.s32 $0x15000  }
0x320: {  	[hbm4b:s5+s3] =	stream.indirect_vreg.scatter [tilespmem:s4], [sflag:$0x1], $0x80, v3, vm1, $0xb8;
	[tilespmem:$0x18400] =	vst v63  }
0x321: {  	v3 =	vld [tilespmem:$0x2E0];
	_ =	sdelay $0x4  }
0x322: {  	v46 =	vshrl.u32 v3, $0x3  }
0x323: {  	v4 =	vmul.u32 $0x18, v46  }
0x324: {  	v3 =	vand.u32 $0x7, v3  }
0x325: {  	v3 =	vor.u32 v3, v4  }
0x326: {  	v4 =	vperm.xlane v3, v0;
	_ =	sdelay $0x1  }
0x327: {  	v4 =	vadd.s32 v1, v4;
	_ =	sdelay $0x1  }
0x328: {  	v3 =	vperm.xlane v3, v2;
	_ =	sdelay $0x1  }
0x329: {  	v3 =	vadd.s32 v1, v3  }
0x32a: {  	[hbm4b:s2+s3] =	stream.indirect_vreg.scatter [tilespmem:s17], [sflag:$0x1], $0x80, v4, vm0, $0xb8;
	[tilespmem:$0x18400] =	vst v63  }
0x32b: {  	s4 =	simm.s32 $0x15C00  }
0x32c: {  	[hbm4b:s5+s3] =	stream.indirect_vreg.scatter [tilespmem:s4], [sflag:$0x1], $0x80, v4, vm1, $0xb8;
	[tilespmem:$0x18400] =	vst v63  }
0x32d: {  	s4 =	simm.s32 $0x16000  }
0x32e: {  	[hbm4b:s2+s3] =	stream.indirect_vreg.scatter [tilespmem:s4], [sflag:$0x1], $0x80, v3, vm0, $0xb8;
	[tilespmem:$0x18400] =	vst v63  }
0x32f: {  	s4 =	simm.s32 $0x16800  }
0x330: {  	[hbm4b:s5+s3] =	stream.indirect_vreg.scatter [tilespmem:s4], [sflag:$0x1], $0x80, v3, vm1, $0xb8;
	[tilespmem:$0x18400] =	vst v63  }
0x331: {  	v3 =	vld [tilespmem:$0x2F0];
	_ =	sdelay $0x4  }
0x332: {  	v47 =	vshrl.u32 v3, $0x3  }
0x333: {  	v4 =	vmul.u32 $0x18, v47  }
0x334: {  	v3 =	vand.u32 $0x7, v3  }
0x335: {  	v3 =	vor.u32 v3, v4  }
0x336: {  	v4 =	vperm.xlane v3, v0;
	_ =	sdelay $0x1  }
0x337: {  	v4 =	vadd.s32 v1, v4;
	_ =	sdelay $0x1  }
0x338: {  	v3 =	vperm.xlane v3, v2;
	_ =	sdelay $0x1  }
0x339: {  	s4 =	simm.s32 $0x16C00;
	v3 =	vadd.s32 v1, v3  }
0x33a: {  	[hbm4b:s2+s3] =	stream.indirect_vreg.scatter [tilespmem:s4], [sflag:$0x1], $0x80, v4, vm0, $0xb8;
	[tilespmem:$0x18400] =	vst v63  }
0x33b: {  	s4 =	simm.s32 $0x17400  }
0x33c: {  	[hbm4b:s5+s3] =	stream.indirect_vreg.scatter [tilespmem:s4], [sflag:$0x1], $0x80, v4, vm1, $0xb8;
	[tilespmem:$0x18400] =	vst v63  }
0x33d: {  	s4 =	simm.s32 $0x17800  }
0x33e: {  	[hbm4b:s2+s3] =	stream.indirect_vreg.scatter [tilespmem:s4], [sflag:$0x1], $0x80, v3, vm0, $0xb8;
	[tilespmem:$0x18400] =	vst v63  }
0x33f: {  	s4 =	simm.s32 $0x18000  }
0x340: {  	[hbm4b:s5+s3] =	stream.indirect_vreg.scatter [tilespmem:s4], [sflag:$0x1], $0x80, v3, vm1, $0xb8;
	[tilespmem:$0x18400] =	vst v63  }
0x341: {  	s25 =	rddreg [dreg:$0x9]  }
0x342: {  	[tilespmem:s15], [sflag:$0x2] =	stream.linear.gather [hbm4b:s25+s3], $0xC000, $0x38;
	[tilespmem:$0x18400] =	vst v63  }
0x343: {  	_ =	swait.ge [sflag:s7], $0xC000  }
0x344: {  	[sflag:s7] =	ssyncset.done $0x0  }
0x345: {  	[sflag:s7] =	ssyncadd.s32 $0xFFFF4000  }
0x346: {  	_ =	swait.ge [sflag:s16], $0xC000  }
0x347: {  	[sflag:s16] =	ssyncset.done $0x0  }
0x348: {  	[sflag:s16] =	ssyncadd.s32 $0xFFFF4000  }
0x349: {  	v3 =	vld [tilespmem:$0x300];
	_ =	sdelay $0x4  }
0x34a: {  	v48 =	vshrl.u32 v3, $0x3  }
0x34b: {  	v4 =	vmul.u32 $0x18, v48  }
0x34c: {  	v3 =	vand.u32 $0x7, v3  }
0x34d: {  	v3 =	vor.u32 v3, v4  }
0x34e: {  	v4 =	vperm.xlane v3, v0;
	_ =	sdelay $0x1  }
0x34f: {  	v4 =	vadd.s32 v1, v4;
	_ =	sdelay $0x1  }
0x350: {  	v3 =	vperm.xlane v3, v2;
	_ =	sdelay $0x1  }
0x351: {  	v3 =	vadd.s32 v1, v3  }
0x352: {  	[hbm4b:s2+s3] =	stream.indirect_vreg.scatter [tilespmem:s15], [sflag:$0x1], $0x80, v4, vm0, $0xb8;
	[tilespmem:$0x18400] =	vst v63  }
0x353: {  	s25 =	simm.s32 $0xC00  }
0x354: {  	[hbm4b:s5+s3] =	stream.indirect_vreg.scatter [tilespmem:s25], [sflag:$0x1], $0x80, v4, vm1, $0xb8;
	[tilespmem:$0x18400] =	vst v63  }
0x355: {  	s25 =	simm.s32 $0x1000  }
0x356: {  	[hbm4b:s2+s3] =	stream.indirect_vreg.scatter [tilespmem:s25], [sflag:$0x1], $0x80, v3, vm0, $0xb8;
	[tilespmem:$0x18400] =	vst v63  }
0x357: {  	s25 =	simm.s32 $0x1800  }
0x358: {  	[hbm4b:s5+s3] =	stream.indirect_vreg.scatter [tilespmem:s25], [sflag:$0x1], $0x80, v3, vm1, $0xb8;
	[tilespmem:$0x18400] =	vst v63  }
0x359: {  	v3 =	vld [tilespmem:$0x310];
	_ =	sdelay $0x4  }
0x35a: {  	v49 =	vshrl.u32 v3, $0x3  }
0x35b: {  	v4 =	vmul.u32 $0x18, v49  }
0x35c: {  	v3 =	vand.u32 $0x7, v3  }
0x35d: {  	v3 =	vor.u32 v3, v4  }
0x35e: {  	v4 =	vperm.xlane v3, v0;
	_ =	sdelay $0x1  }
0x35f: {  	v4 =	vadd.s32 v1, v4;
	_ =	sdelay $0x1  }
0x360: {  	v3 =	vperm.xlane v3, v2;
	_ =	sdelay $0x1  }
0x361: {  	s25 =	simm.s32 $0x1C00;
	v3 =	vadd.s32 v1, v3  }
0x362: {  	[hbm4b:s2+s3] =	stream.indirect_vreg.scatter [tilespmem:s25], [sflag:$0x1], $0x80, v4, vm0, $0xb8;
	[tilespmem:$0x18400] =	vst v63  }
0x363: {  	s25 =	simm.s32 $0x2400  }
0x364: {  	[hbm4b:s5+s3] =	stream.indirect_vreg.scatter [tilespmem:s25], [sflag:$0x1], $0x80, v4, vm1, $0xb8;
	[tilespmem:$0x18400] =	vst v63  }
0x365: {  	s25 =	simm.s32 $0x2800  }
0x366: {  	[hbm4b:s2+s3] =	stream.indirect_vreg.scatter [tilespmem:s25], [sflag:$0x1], $0x80, v3, vm0, $0xb8;
	[tilespmem:$0x18400] =	vst v63  }
0x367: {  	s25 =	simm.s32 $0x3000  }
0x368: {  	[hbm4b:s5+s3] =	stream.indirect_vreg.scatter [tilespmem:s25], [sflag:$0x1], $0x80, v3, vm1, $0xb8;
	[tilespmem:$0x18400] =	vst v63  }
0x369: {  	v3 =	vld [tilespmem:$0x320];
	_ =	sdelay $0x4  }
0x36a: {  	v50 =	vshrl.u32 v3, $0x3  }
0x36b: {  	v4 =	vmul.u32 $0x18, v50  }
0x36c: {  	v3 =	vand.u32 $0x7, v3  }
0x36d: {  	v3 =	vor.u32 v3, v4  }
0x36e: {  	v4 =	vperm.xlane v3, v0;
	_ =	sdelay $0x1  }
0x36f: {  	v4 =	vadd.s32 v1, v4;
	_ =	sdelay $0x1  }
0x370: {  	v3 =	vperm.xlane v3, v2;
	_ =	sdelay $0x1  }
0x371: {  	s25 =	simm.s32 $0x3400;
	v3 =	vadd.s32 v1, v3  }
0x372: {  	[hbm4b:s2+s3] =	stream.indirect_vreg.scatter [tilespmem:s25], [sflag:$0x1], $0x80, v4, vm0, $0xb8;
	[tilespmem:$0x18400] =	vst v63  }
0x373: {  	s25 =	simm.s32 $0x3C00  }
0x374: {  	[hbm4b:s5+s3] =	stream.indirect_vreg.scatter [tilespmem:s25], [sflag:$0x1], $0x80, v4, vm1, $0xb8;
	[tilespmem:$0x18400] =	vst v63  }
0x375: {  	s25 =	simm.s32 $0x4000  }
0x376: {  	[hbm4b:s2+s3] =	stream.indirect_vreg.scatter [tilespmem:s25], [sflag:$0x1], $0x80, v3, vm0, $0xb8;
	[tilespmem:$0x18400] =	vst v63  }
0x377: {  	s25 =	simm.s32 $0x4800  }
0x378: {  	[hbm4b:s5+s3] =	stream.indirect_vreg.scatter [tilespmem:s25], [sflag:$0x1], $0x80, v3, vm1, $0xb8;
	[tilespmem:$0x18400] =	vst v63  }
0x379: {  	v3 =	vld [tilespmem:$0x330];
	_ =	sdelay $0x4  }
0x37a: {  	v51 =	vshrl.u32 v3, $0x3  }
0x37b: {  	v4 =	vmul.u32 $0x18, v51  }
0x37c: {  	v3 =	vand.u32 $0x7, v3  }
0x37d: {  	v3 =	vor.u32 v3, v4  }
0x37e: {  	v4 =	vperm.xlane v3, v0;
	_ =	sdelay $0x1  }
0x37f: {  	v4 =	vadd.s32 v1, v4;
	_ =	sdelay $0x1  }
0x380: {  	v3 =	vperm.xlane v3, v2;
	_ =	sdelay $0x1  }
0x381: {  	s25 =	simm.s32 $0x4C00;
	v3 =	vadd.s32 v1, v3  }
0x382: {  	[hbm4b:s2+s3] =	stream.indirect_vreg.scatter [tilespmem:s25], [sflag:$0x1], $0x80, v4, vm0, $0xb8;
	[tilespmem:$0x18400] =	vst v63  }
0x383: {  	s25 =	simm.s32 $0x5400  }
0x384: {  	[hbm4b:s5+s3] =	stream.indirect_vreg.scatter [tilespmem:s25], [sflag:$0x1], $0x80, v4, vm1, $0xb8;
	[tilespmem:$0x18400] =	vst v63  }
0x385: {  	s25 =	simm.s32 $0x5800  }
0x386: {  	[hbm4b:s2+s3] =	stream.indirect_vreg.scatter [tilespmem:s25], [sflag:$0x1], $0x80, v3, vm0, $0xb8;
	[tilespmem:$0x18400] =	vst v63  }
0x387: {  	s25 =	simm.s32 $0x6000  }
0x388: {  	[hbm4b:s5+s3] =	stream.indirect_vreg.scatter [tilespmem:s25], [sflag:$0x1], $0x80, v3, vm1, $0xb8;
	[tilespmem:$0x18400] =	vst v63  }
0x389: {  	v3 =	vld [tilespmem:$0x340];
	_ =	sdelay $0x4  }
0x38a: {  	v52 =	vshrl.u32 v3, $0x3  }
0x38b: {  	v4 =	vmul.u32 $0x18, v52  }
0x38c: {  	v3 =	vand.u32 $0x7, v3  }
0x38d: {  	v3 =	vor.u32 v3, v4  }
0x38e: {  	v4 =	vperm.xlane v3, v0;
	_ =	sdelay $0x1  }
0x38f: {  	v4 =	vadd.s32 v1, v4;
	_ =	sdelay $0x1  }
0x390: {  	v3 =	vperm.xlane v3, v2;
	_ =	sdelay $0x1  }
0x391: {  	s25 =	simm.s32 $0x6400;
	v3 =	vadd.s32 v1, v3  }
0x392: {  	[hbm4b:s2+s3] =	stream.indirect_vreg.scatter [tilespmem:s25], [sflag:$0x1], $0x80, v4, vm0, $0xb8;
	[tilespmem:$0x18400] =	vst v63  }
0x393: {  	s25 =	simm.s32 $0x6C00  }
0x394: {  	[hbm4b:s5+s3] =	stream.indirect_vreg.scatter [tilespmem:s25], [sflag:$0x1], $0x80, v4, vm1, $0xb8;
	[tilespmem:$0x18400] =	vst v63  }
0x395: {  	s25 =	simm.s32 $0x7000  }
0x396: {  	[hbm4b:s2+s3] =	stream.indirect_vreg.scatter [tilespmem:s25], [sflag:$0x1], $0x80, v3, vm0, $0xb8;
	[tilespmem:$0x18400] =	vst v63  }
0x397: {  	s25 =	simm.s32 $0x7800  }
0x398: {  	[hbm4b:s5+s3] =	stream.indirect_vreg.scatter [tilespmem:s25], [sflag:$0x1], $0x80, v3, vm1, $0xb8;
	[tilespmem:$0x18400] =	vst v63  }
0x399: {  	v3 =	vld [tilespmem:$0x350];
	_ =	sdelay $0x4  }
0x39a: {  	v53 =	vshrl.u32 v3, $0x3  }
0x39b: {  	v4 =	vmul.u32 $0x18, v53  }
0x39c: {  	v3 =	vand.u32 $0x7, v3  }
0x39d: {  	v3 =	vor.u32 v3, v4  }
0x39e: {  	v4 =	vperm.xlane v3, v0;
	_ =	sdelay $0x1  }
0x39f: {  	v4 =	vadd.s32 v1, v4;
	_ =	sdelay $0x1  }
0x3a0: {  	v3 =	vperm.xlane v3, v2;
	_ =	sdelay $0x1  }
0x3a1: {  	s25 =	simm.s32 $0x7C00;
	v3 =	vadd.s32 v1, v3  }
0x3a2: {  	[hbm4b:s2+s3] =	stream.indirect_vreg.scatter [tilespmem:s25], [sflag:$0x1], $0x80, v4, vm0, $0xb8;
	[tilespmem:$0x18400] =	vst v63  }
0x3a3: {  	s25 =	simm.s32 $0x8400  }
0x3a4: {  	[hbm4b:s5+s3] =	stream.indirect_vreg.scatter [tilespmem:s25], [sflag:$0x1], $0x80, v4, vm1, $0xb8;
	[tilespmem:$0x18400] =	vst v63  }
0x3a5: {  	s25 =	simm.s32 $0x8800  }
0x3a6: {  	[hbm4b:s2+s3] =	stream.indirect_vreg.scatter [tilespmem:s25], [sflag:$0x1], $0x80, v3, vm0, $0xb8;
	[tilespmem:$0x18400] =	vst v63  }
0x3a7: {  	s25 =	simm.s32 $0x9000  }
0x3a8: {  	[hbm4b:s5+s3] =	stream.indirect_vreg.scatter [tilespmem:s25], [sflag:$0x1], $0x80, v3, vm1, $0xb8;
	[tilespmem:$0x18400] =	vst v63  }
0x3a9: {  	v3 =	vld [tilespmem:$0x360];
	_ =	sdelay $0x4  }
0x3aa: {  	v54 =	vshrl.u32 v3, $0x3  }
0x3ab: {  	v4 =	vmul.u32 $0x18, v54  }
0x3ac: {  	v3 =	vand.u32 $0x7, v3  }
0x3ad: {  	v3 =	vor.u32 v3, v4  }
0x3ae: {  	v4 =	vperm.xlane v3, v0;
	_ =	sdelay $0x1  }
0x3af: {  	v4 =	vadd.s32 v1, v4;
	_ =	sdelay $0x1  }
0x3b0: {  	v3 =	vperm.xlane v3, v2;
	_ =	sdelay $0x1  }
0x3b1: {  	s25 =	simm.s32 $0x9400;
	v3 =	vadd.s32 v1, v3  }
0x3b2: {  	[hbm4b:s2+s3] =	stream.indirect_vreg.scatter [tilespmem:s25], [sflag:$0x1], $0x80, v4, vm0, $0xb8;
	[tilespmem:$0x18400] =	vst v63  }
0x3b3: {  	s25 =	simm.s32 $0x9C00  }
0x3b4: {  	[hbm4b:s5+s3] =	stream.indirect_vreg.scatter [tilespmem:s25], [sflag:$0x1], $0x80, v4, vm1, $0xb8;
	[tilespmem:$0x18400] =	vst v63  }
0x3b5: {  	s25 =	simm.s32 $0xA000  }
0x3b6: {  	[hbm4b:s2+s3] =	stream.indirect_vreg.scatter [tilespmem:s25], [sflag:$0x1], $0x80, v3, vm0, $0xb8;
	[tilespmem:$0x18400] =	vst v63  }
0x3b7: {  	s25 =	simm.s32 $0xA800  }
0x3b8: {  	[hbm4b:s5+s3] =	stream.indirect_vreg.scatter [tilespmem:s25], [sflag:$0x1], $0x80, v3, vm1, $0xb8;
	[tilespmem:$0x18400] =	vst v63  }
0x3b9: {  	v3 =	vld [tilespmem:$0x370];
	_ =	sdelay $0x4  }
0x3ba: {  	v55 =	vshrl.u32 v3, $0x3  }
0x3bb: {  	v4 =	vmul.u32 $0x18, v55  }
0x3bc: {  	v3 =	vand.u32 $0x7, v3  }
0x3bd: {  	v3 =	vor.u32 v3, v4  }
0x3be: {  	v4 =	vperm.xlane v3, v0;
	_ =	sdelay $0x1  }
0x3bf: {  	v4 =	vadd.s32 v1, v4;
	_ =	sdelay $0x1  }
0x3c0: {  	v3 =	vperm.xlane v3, v2;
	_ =	sdelay $0x1  }
0x3c1: {  	s8 =	simm.s32 $0xAC00;
	v3 =	vadd.s32 v1, v3  }
0x3c2: {  	[hbm4b:s2+s3] =	stream.indirect_vreg.scatter [tilespmem:s8], [sflag:$0x1], $0x80, v4, vm0, $0xb8;
	[tilespmem:$0x18400] =	vst v63  }
0x3c3: {  	s9 =	simm.s32 $0xB400  }
0x3c4: {  	[hbm4b:s5+s3] =	stream.indirect_vreg.scatter [tilespmem:s9], [sflag:$0x1], $0x80, v4, vm1, $0xb8;
	[tilespmem:$0x18400] =	vst v63  }
0x3c5: {  	s9 =	simm.s32 $0xB800  }
0x3c6: {  	[hbm4b:s2+s3] =	stream.indirect_vreg.scatter [tilespmem:s9], [sflag:$0x1], $0x80, v3, vm0, $0xb8;
	[tilespmem:$0x18400] =	vst v63  }
0x3c7: {  	s9 =	simm.s32 $0xC000  }
0x3c8: {  	[hbm4b:s5+s3] =	stream.indirect_vreg.scatter [tilespmem:s9], [sflag:$0x1], $0x80, v3, vm1, $0xb8;
	[tilespmem:$0x18400] =	vst v63  }
0x3c9: {  	s15 =	rddreg [dreg:$0xa]  }
0x3ca: {  	[tilespmem:s1], [sflag:$0x2] =	stream.linear.gather [hbm4b:s15+s3], $0xC000, $0x38;
	[tilespmem:$0x18400] =	vst v63  }
0x3cb: {  	_ =	swait.ge [sflag:s7], $0xC000  }
0x3cc: {  	[sflag:s7] =	ssyncset.done $0x0  }
0x3cd: {  	[sflag:s7] =	ssyncadd.s32 $0xFFFF4000  }
0x3ce: {  	_ =	swait.ge [sflag:s16], $0xC000  }
0x3cf: {  	[sflag:s16] =	ssyncset.done $0x0  }
0x3d0: {  	[sflag:s16] =	ssyncadd.s32 $0xFFFF4000  }
0x3d1: {  	v3 =	vld [tilespmem:$0x380];
	_ =	sdelay $0x4  }
0x3d2: {  	v56 =	vshrl.u32 v3, $0x3  }
0x3d3: {  	v4 =	vmul.u32 $0x18, v56  }
0x3d4: {  	v3 =	vand.u32 $0x7, v3  }
0x3d5: {  	v3 =	vor.u32 v3, v4  }
0x3d6: {  	v4 =	vperm.xlane v3, v0;
	_ =	sdelay $0x1  }
0x3d7: {  	v4 =	vadd.s32 v1, v4;
	_ =	sdelay $0x1  }
0x3d8: {  	v3 =	vperm.xlane v3, v2;
	_ =	sdelay $0x1  }
0x3d9: {  	v3 =	vadd.s32 v1, v3  }
0x3da: {  	[hbm4b:s2+s3] =	stream.indirect_vreg.scatter [tilespmem:s1], [sflag:$0x1], $0x80, v4, vm0, $0xb8;
	[tilespmem:$0x18400] =	vst v63  }
0x3db: {  	s10 =	simm.s32 $0xCC00  }
0x3dc: {  	[hbm4b:s5+s3] =	stream.indirect_vreg.scatter [tilespmem:s10], [sflag:$0x1], $0x80, v4, vm1, $0xb8;
	[tilespmem:$0x18400] =	vst v63  }
0x3dd: {  	s11 =	simm.s32 $0xD000  }
0x3de: {  	[hbm4b:s2+s3] =	stream.indirect_vreg.scatter [tilespmem:s11], [sflag:$0x1], $0x80, v3, vm0, $0xb8;
	[tilespmem:$0x18400] =	vst v63  }
0x3df: {  	_ = 	snop  }
0x3e0: {  	[hbm4b:s5+s3] =	stream.indirect_vreg.scatter [tilespmem:s0], [sflag:$0x1], $0x80, v3, vm1, $0xb8;
	[tilespmem:$0x18400] =	vst v63  }
0x3e1: {  	v3 =	vld [tilespmem:$0x390];
	_ =	sdelay $0x4  }
0x3e2: {  	v57 =	vshrl.u32 v3, $0x3  }
0x3e3: {  	v4 =	vmul.u32 $0x18, v57  }
0x3e4: {  	v3 =	vand.u32 $0x7, v3  }
0x3e5: {  	v3 =	vor.u32 v3, v4  }
0x3e6: {  	v4 =	vperm.xlane v3, v0;
	_ =	sdelay $0x1  }
0x3e7: {  	v4 =	vadd.s32 v1, v4;
	_ =	sdelay $0x1  }
0x3e8: {  	v3 =	vperm.xlane v3, v2;
	_ =	sdelay $0x1  }
0x3e9: {  	s12 =	simm.s32 $0xDC00;
	v3 =	vadd.s32 v1, v3  }
0x3ea: {  	[hbm4b:s2+s3] =	stream.indirect_vreg.scatter [tilespmem:s12], [sflag:$0x1], $0x80, v4, vm0, $0xb8;
	[tilespmem:$0x18400] =	vst v63  }
0x3eb: {  	s13 =	simm.s32 $0xE400  }
0x3ec: {  	[hbm4b:s5+s3] =	stream.indirect_vreg.scatter [tilespmem:s13], [sflag:$0x1], $0x80, v4, vm1, $0xb8;
	[tilespmem:$0x18400] =	vst v63  }
0x3ed: {  	s14 =	simm.s32 $0xE800  }
0x3ee: {  	[hbm4b:s2+s3] =	stream.indirect_vreg.scatter [tilespmem:s14], [sflag:$0x1], $0x80, v3, vm0, $0xb8;
	[tilespmem:$0x18400] =	vst v63  }
0x3ef: {  	s15 =	simm.s32 $0xF000  }
0x3f0: {  	[hbm4b:s5+s3] =	stream.indirect_vreg.scatter [tilespmem:s15], [sflag:$0x1], $0x80, v3, vm1, $0xb8;
	[tilespmem:$0x18400] =	vst v63  }
0x3f1: {  	v3 =	vld [tilespmem:$0x3A0];
	_ =	sdelay $0x4  }
0x3f2: {  	v58 =	vshrl.u32 v3, $0x3  }
0x3f3: {  	v4 =	vmul.u32 $0x18, v58  }
0x3f4: {  	v3 =	vand.u32 $0x7, v3  }
0x3f5: {  	v3 =	vor.u32 v3, v4  }
0x3f6: {  	v4 =	vperm.xlane v3, v0;
	_ =	sdelay $0x1  }
0x3f7: {  	v4 =	vadd.s32 v1, v4;
	_ =	sdelay $0x1  }
0x3f8: {  	v3 =	vperm.xlane v3, v2;
	_ =	sdelay $0x1  }
0x3f9: {  	s18 =	simm.s32 $0xF400;
	v3 =	vadd.s32 v1, v3  }
0x3fa: {  	[hbm4b:s2+s3] =	stream.indirect_vreg.scatter [tilespmem:s18], [sflag:$0x1], $0x80, v4, vm0, $0xb8;
	[tilespmem:$0x18400] =	vst v63  }
0x3fb: {  	s19 =	simm.s32 $0xFC00  }
0x3fc: {  	[hbm4b:s5+s3] =	stream.indirect_vreg.scatter [tilespmem:s19], [sflag:$0x1], $0x80, v4, vm1, $0xb8;
	[tilespmem:$0x18400] =	vst v63  }
0x3fd: {  	s20 =	simm.s32 $0x10000  }
0x3fe: {  	[hbm4b:s2+s3] =	stream.indirect_vreg.scatter [tilespmem:s20], [sflag:$0x1], $0x80, v3, vm0, $0xb8;
	[tilespmem:$0x18400] =	vst v63  }
0x3ff: {  	s20 =	simm.s32 $0x10800  }
0x400: {  	[hbm4b:s5+s3] =	stream.indirect_vreg.scatter [tilespmem:s20], [sflag:$0x1], $0x80, v3, vm1, $0xb8;
	[tilespmem:$0x18400] =	vst v63  }
0x401: {  	v3 =	vld [tilespmem:$0x3B0];
	_ =	sdelay $0x4  }
0x402: {  	v59 =	vshrl.u32 v3, $0x3  }
0x403: {  	v4 =	vmul.u32 $0x18, v59  }
0x404: {  	v3 =	vand.u32 $0x7, v3  }
0x405: {  	v3 =	vor.u32 v3, v4  }
0x406: {  	v4 =	vperm.xlane v3, v0;
	_ =	sdelay $0x1  }
0x407: {  	v4 =	vadd.s32 v1, v4;
	_ =	sdelay $0x1  }
0x408: {  	v3 =	vperm.xlane v3, v2;
	_ =	sdelay $0x1  }
0x409: {  	s21 =	simm.s32 $0x10C00;
	v3 =	vadd.s32 v1, v3  }
0x40a: {  	[hbm4b:s2+s3] =	stream.indirect_vreg.scatter [tilespmem:s21], [sflag:$0x1], $0x80, v4, vm0, $0xb8;
	[tilespmem:$0x18400] =	vst v63  }
0x40b: {  	s22 =	simm.s32 $0x11400  }
0x40c: {  	[hbm4b:s5+s3] =	stream.indirect_vreg.scatter [tilespmem:s22], [sflag:$0x1], $0x80, v4, vm1, $0xb8;
	[tilespmem:$0x18400] =	vst v63  }
0x40d: {  	s23 =	simm.s32 $0x11800  }
0x40e: {  	[hbm4b:s2+s3] =	stream.indirect_vreg.scatter [tilespmem:s23], [sflag:$0x1], $0x80, v3, vm0, $0xb8;
	[tilespmem:$0x18400] =	vst v63  }
0x40f: {  	s22 =	simm.s32 $0x12000  }
0x410: {  	[hbm4b:s5+s3] =	stream.indirect_vreg.scatter [tilespmem:s22], [sflag:$0x1], $0x80, v3, vm1, $0xb8;
	[tilespmem:$0x18400] =	vst v63  }
0x411: {  	v3 =	vld [tilespmem:$0x3C0];
	_ =	sdelay $0x4  }
0x412: {  	v60 =	vshrl.u32 v3, $0x3  }
0x413: {  	v4 =	vmul.u32 $0x18, v60  }
0x414: {  	v3 =	vand.u32 $0x7, v3  }
0x415: {  	v3 =	vor.u32 v3, v4  }
0x416: {  	v4 =	vperm.xlane v3, v0;
	_ =	sdelay $0x1  }
0x417: {  	v4 =	vadd.s32 v1, v4;
	_ =	sdelay $0x1  }
0x418: {  	v3 =	vperm.xlane v3, v2;
	_ =	sdelay $0x1  }
0x419: {  	s24 =	simm.s32 $0x12400;
	v3 =	vadd.s32 v1, v3  }
0x41a: {  	[hbm4b:s2+s3] =	stream.indirect_vreg.scatter [tilespmem:s24], [sflag:$0x1], $0x80, v4, vm0, $0xb8;
	[tilespmem:$0x18400] =	vst v63  }
0x41b: {  	s26 =	simm.s32 $0x12C00  }
0x41c: {  	[hbm4b:s5+s3] =	stream.indirect_vreg.scatter [tilespmem:s26], [sflag:$0x1], $0x80, v4, vm1, $0xb8;
	[tilespmem:$0x18400] =	vst v63  }
0x41d: {  	s28 =	simm.s32 $0x13000  }
0x41e: {  	[hbm4b:s2+s3] =	stream.indirect_vreg.scatter [tilespmem:s28], [sflag:$0x1], $0x80, v3, vm0, $0xb8;
	[tilespmem:$0x18400] =	vst v63  }
0x41f: {  	s23 =	simm.s32 $0x13800  }
0x420: {  	[hbm4b:s5+s3] =	stream.indirect_vreg.scatter [tilespmem:s23], [sflag:$0x1], $0x80, v3, vm1, $0xb8;
	[tilespmem:$0x18400] =	vst v63  }
0x421: {  	v3 =	vld [tilespmem:$0x3D0];
	_ =	sdelay $0x4  }
0x422: {  	v61 =	vshrl.u32 v3, $0x3  }
0x423: {  	v4 =	vmul.u32 $0x18, v61  }
0x424: {  	v3 =	vand.u32 $0x7, v3  }
0x425: {  	v3 =	vor.u32 v3, v4  }
0x426: {  	v4 =	vperm.xlane v3, v0;
	_ =	sdelay $0x1  }
0x427: {  	v4 =	vadd.s32 v1, v4;
	_ =	sdelay $0x1  }
0x428: {  	v3 =	vperm.xlane v3, v2;
	_ =	sdelay $0x1  }
0x429: {  	s29 =	simm.s32 $0x13C00;
	v3 =	vadd.s32 v1, v3  }
0x42a: {  	[hbm4b:s2+s3] =	stream.indirect_vreg.scatter [tilespmem:s29], [sflag:$0x1], $0x80, v4, vm0, $0xb8;
	[tilespmem:$0x18400] =	vst v63  }
0x42b: {  	s30 =	simm.s32 $0x14400  }
0x42c: {  	[hbm4b:s5+s3] =	stream.indirect_vreg.scatter [tilespmem:s30], [sflag:$0x1], $0x80, v4, vm1, $0xb8;
	[tilespmem:$0x18400] =	vst v63  }
0x42d: {  	s31 =	simm.s32 $0x14800  }
0x42e: {  	[hbm4b:s2+s3] =	stream.indirect_vreg.scatter [tilespmem:s31], [sflag:$0x1], $0x80, v3, vm0, $0xb8;
	[tilespmem:$0x18400] =	vst v63  }
0x42f: {  	s24 =	simm.s32 $0x15000  }
0x430: {  	[hbm4b:s5+s3] =	stream.indirect_vreg.scatter [tilespmem:s24], [sflag:$0x1], $0x80, v3, vm1, $0xb8;
	[tilespmem:$0x18400] =	vst v63  }
0x431: {  	v3 =	vld [tilespmem:$0x3E0];
	_ =	sdelay $0x4  }
0x432: {  	v62 =	vshrl.u32 v3, $0x3  }
0x433: {  	v4 =	vmul.u32 $0x18, v62  }
0x434: {  	v3 =	vand.u32 $0x7, v3  }
0x435: {  	v3 =	vor.u32 v3, v4  }
0x436: {  	v4 =	vperm.xlane v3, v0;
	_ =	sdelay $0x1  }
0x437: {  	v4 =	vadd.s32 v1, v4;
	_ =	sdelay $0x1  }
0x438: {  	v3 =	vperm.xlane v3, v2;
	_ =	sdelay $0x1  }
0x439: {  	s17 =	simm.s32 $0x15400;
	v3 =	vadd.s32 v1, v3  }
0x43a: {  	[hbm4b:s2+s3] =	stream.indirect_vreg.scatter [tilespmem:s17], [sflag:$0x1], $0x80, v4, vm0, $0xb8;
	[tilespmem:$0x18400] =	vst v63  }
0x43b: {  	s25 =	simm.s32 $0x15C00  }
0x43c: {  	[hbm4b:s5+s3] =	stream.indirect_vreg.scatter [tilespmem:s25], [sflag:$0x1], $0x80, v4, vm1, $0xb8;
	[tilespmem:$0x18400] =	vst v63  }
0x43d: {  	s26 =	simm.s32 $0x16000  }
0x43e: {  	[hbm4b:s2+s3] =	stream.indirect_vreg.scatter [tilespmem:s26], [sflag:$0x1], $0x80, v3, vm0, $0xb8;
	[tilespmem:$0x18400] =	vst v63  }
0x43f: {  	s28 =	simm.s32 $0x16800  }
0x440: {  	[hbm4b:s5+s3] =	stream.indirect_vreg.scatter [tilespmem:s28], [sflag:$0x1], $0x80, v3, vm1, $0xb8;
	[tilespmem:$0x18400] =	vst v63  }
0x441: {  	v3 =	vld [tilespmem:$0x3F0];
	_ =	sdelay $0x4  }
0x442: {  	v63 =	vshrl.u32 v3, $0x3  }
0x443: {  	v4 =	vmul.u32 $0x18, v63  }
0x444: {  	v3 =	vand.u32 $0x7, v3  }
0x445: {  	v3 =	vor.u32 v3, v4  }
0x446: {  	v4 =	vperm.xlane v3, v0;
	_ =	sdelay $0x1  }
0x447: {  	v4 =	vadd.s32 v1, v4;
	_ =	sdelay $0x1  }
0x448: {  	v3 =	vperm.xlane v3, v2;
	_ =	sdelay $0x1  }
0x449: {  	s29 =	simm.s32 $0x16C00;
	v3 =	vadd.s32 v1, v3  }
0x44a: {  	[hbm4b:s2+s3] =	stream.indirect_vreg.scatter [tilespmem:s29], [sflag:$0x1], $0x80, v4, vm0, $0xb8;
	[tilespmem:$0x18400] =	vst v63  }
0x44b: {  	s30 =	simm.s32 $0x17400  }
0x44c: {  	[hbm4b:s5+s3] =	stream.indirect_vreg.scatter [tilespmem:s30], [sflag:$0x1], $0x80, v4, vm1, $0xb8;
	[tilespmem:$0x18400] =	vst v63  }
0x44d: {  	p0 =	sne.s32 s6, $0x1;
	s31 =	simm.s32 $0x17800  }
0x44e: {  	[hbm4b:s2+s3] =	stream.indirect_vreg.scatter [tilespmem:s31], [sflag:$0x1], $0x80, v3, vm0, $0xb8;
	[tilespmem:$0x18400] =	vst v63  }
.Ltmp0:
0x44f: {  	s4 =	simm.s32 $0x18000;
	(pc) =	sbr.rel @p0 .LBB2_1-.Ltmp0, $4  }
0x450: {  	[hbm4b:s5+s3] =	stream.indirect_vreg.scatter [tilespmem:s4], [sflag:$0x1], $0x80, v3, vm1, $0xb8;
	[tilespmem:$0x18400] =	vst v63  }
0x451: {  	_ =	swait.ge [sflag:s16], $0xC000  }
0x452: {  	[sflag:s16] =	ssyncset.done $0x0  }
0x453: {  	s6 =	sadd.s32 $0xFFFFFFFF, s6;
	[sflag:s16] =	ssyncadd.s32 $0xFFFF4000  }
0x454: {  	_ =	sfence.sel $0x180000  }
0x455: {  	[bflag:$0x0] =	sbarrier.arrive $0xFFFF  }
0x456: {  	_ =	strace $0x90000047  }
0x457: {  	s0 =	stileid.u32;
	[bflag:$0x2] =	sbarrier.arrive $0xFFFF  }
0x458: {  	p0 =	sne.s32 s0, $0x0;
	s0 =	rddreg [dreg:$0x2]  }
0x459: {  	s0 =	sadd.s32 @!p0 $0x100000, s0  }
0x45a: {  	[sflag:s0] =	ssyncadd.tile.s32 @!p0 $0x1;
	_ =	shalt  }
.Lfunc_end2:
_tile_overlayer_lowered:
.L_overlay_start_2:
0x45b: {  	(tag) =	ssettag $0x2  }
0x45c: {  	s0 =	rddreg [dreg:$0x0];
	s2 =	stileid.u32  }
0x45d: {  	s1 =	rddreg [dreg:$0x1];
	p0 =	sne.s32 s2, $0x0  }
0x45e: {  	s3 =	rddreg [dreg:$0x2];
	[bflag:$0x3] =	sbarrier.arrive $0xFFFF;
	s2 =	simm.s32 @!p0 $0x1C02  }
0x45f: {  	[timem:s3], [sflag:s2] =	dma.local @!p0 [hbm:s0], s1  }
0x460: {  	s0 =	simm.s32 @!p0 $0x2  }
0x461: {  	_ =	swait.ge @!p0 [sflag:s0], s1  }
0x462: {  	s1 =	ssub.s32 @!p0 $0x0, s1;
	[sflag:s0] =	ssyncset.done @!p0 $0x0  }
0x463: {  	[sflag:s0] =	ssyncadd.s32 @!p0 s1  }
0x464: {  	[bflag:$0x3] =	sbarrier.arrive $0xFFFF  }
0x465: {  	_ =	shalt  }

</sc_bundles>
